<compile_context>
chip_gen: v7x
topology: tpu7x:2x2x1
jax: 0.10.2.dev20260603
libtpu: 0.0.44.dev20260713+nightly
codegen_flags: <defaults>
</compile_context>

<pallas_src>
import functools
import jax
import jax.numpy as jnp
from jax import lax
from jax.experimental import pallas as pl
from jax.experimental.pallas import tpu as pltpu, tpu_sc as plsc

N = 10000
NP = 10240
E = 320000
EP = 322560
D = 128
G = 128
C = 10

NC = 2
NS = 16
NW = NC * NS
EPW = EP // NW
CH = 96
NCHUNK = EPW // CH
RPT = NP // NS

_mesh = plsc.VectorSubcoreMesh(
    core_axis_name="c", subcore_axis_name="s", num_cores=NC, num_subcores=NS)


AB = 3


def _make_agg(width):

    @functools.partial(
        pl.kernel,
        out_type=jax.ShapeDtypeStruct((NC * NP, width), jnp.float32),
        mesh=_mesh,
        scratch_types=[
            pltpu.VMEM((EPW,), jnp.int32),
            pltpu.VMEM((AB, CH), jnp.int32),
            pltpu.VMEM((AB * CH, width), jnp.float32),
            pltpu.VMEM_SHARED((NP, width), jnp.float32),
        ] + [pltpu.SemaphoreType.DMA] * AB,
    )
    def agg(hs_hbm, src_hbm, dst_hbm, out_hbm, srcall, dstall, rows, acc, *gsem):
        c = lax.axis_index("c")
        s = lax.axis_index("s")
        w = c * NS + s
        ebase = w * EPW

        zeros = jnp.zeros((16,), jnp.float32)

        def zb(j, carry):
            rows[j // 8, pl.ds((j % 8) * 16, 16)] = zeros
            return carry
        lax.fori_loop(0, CH * 8, zb, 0)

        def zc(k, carry):
            pltpu.sync_copy(rows.at[pl.ds(0, CH)],
                            acc.at[pl.ds(s * RPT + k * CH, CH)])
            return carry
        lax.fori_loop(0, RPT // CH, zc, 0)
        if RPT % CH:
            pltpu.sync_copy(rows.at[pl.ds(0, RPT % CH)],
                            acc.at[pl.ds(s * RPT + (RPT // CH) * CH, RPT % CH)])
        pltpu.sync_copy(src_hbm.at[pl.ds(ebase, EPW)], srcall)

        def fire(g, b):
            pltpu.async_copy(dst_hbm.at[pl.ds(ebase + g * CH, CH)],
                             dstall.at[b], gsem[b])
            pltpu.async_copy(hs_hbm.at[srcall.at[pl.ds(g * CH, CH)]],
                             rows.at[pl.ds(b * CH, CH)], gsem[b])

        def wait(b):
            pltpu.make_async_copy(dst_hbm.at[pl.ds(ebase, CH)],
                                  dstall.at[b], gsem[b]).wait()
            pltpu.make_async_copy(hs_hbm.at[pl.ds(0, CH)],
                                  rows.at[pl.ds(b * CH, CH)], gsem[b]).wait()

        def scat(b):
            pltpu.sync_copy(rows.at[pl.ds(b * CH, CH)],
                            acc.at[dstall.at[b]], add=True)

        for b in range(AB):
            fire(b, b)
        plsc.subcore_barrier()

        def step(j, carry):
            for b in range(AB):
                wait(b)
                scat(b)
                fire(j * AB + b + AB, b)
            return carry

        lax.fori_loop(0, NCHUNK // AB - 1, step, 0)
        for b in range(AB):
            wait(b)
            scat(b)
        plsc.subcore_barrier()
        pltpu.sync_copy(acc.at[pl.ds(s * RPT, RPT)],
                        out_hbm.at[pl.ds(c * NP + s * RPT, RPT)])

    return agg


_agg = _make_agg(D)


@functools.partial(
    pl.kernel,
    out_type=jax.ShapeDtypeStruct((NC * NP, D), jnp.float32),
    mesh=_mesh,
    scratch_types=[
        pltpu.VMEM((NCHUNK, CH), jnp.int32),
        pltpu.VMEM((CH, D), jnp.float32),
        pltpu.VMEM_SHARED((NP, D), jnp.float32),
        pltpu.SemaphoreType.DMA,
    ],
)
def _deg(dst3_hbm, out_hbm, dstall, onesv, acc, ssem):
    c = lax.axis_index("c")
    s = lax.axis_index("s")
    w = c * NS + s
    zeros = jnp.zeros((16,), jnp.float32)
    ones = jnp.ones((16,), jnp.float32)

    def zb(j, carry):
        onesv[j // 8, pl.ds((j % 8) * 16, 16)] = zeros
        return carry
    lax.fori_loop(0, CH * 8, zb, 0)

    def zc(k, carry):
        pltpu.sync_copy(onesv, acc.at[pl.ds(s * RPT + k * CH, CH)])
        return carry
    lax.fori_loop(0, RPT // CH, zc, 0)
    if RPT % CH:
        pltpu.sync_copy(onesv.at[pl.ds(0, RPT % CH)],
                        acc.at[pl.ds(s * RPT + (RPT // CH) * CH, RPT % CH)])

    def ob(j, carry):
        onesv[j // 8, pl.ds((j % 8) * 16, 16)] = ones
        return carry
    lax.fori_loop(0, CH * 8, ob, 0)

    pltpu.sync_copy(dst3_hbm.at[w], dstall)
    plsc.subcore_barrier()

    def body(g, carry):
        pltpu.async_copy(onesv, acc.at[dstall.at[g]], ssem, add=True)
        return carry
    lax.fori_loop(0, NCHUNK, body, 0)

    def drain(g, carry):
        pltpu.make_async_copy(onesv, acc.at[dstall.at[0]], ssem).wait()
        return carry
    lax.fori_loop(0, NCHUNK, drain, 0)
    plsc.subcore_barrier()
    pltpu.sync_copy(acc.at[pl.ds(s * RPT, RPT)],
                    out_hbm.at[pl.ds(c * NP + s * RPT, RPT)])


BN = 1024
NG = NP // BN
_PREC = lax.Precision.HIGHEST


def _tch_body(x_ref, w_ref, o_ref):
    o_ref[...] = jnp.dot(x_ref[...], w_ref[...], precision=_PREC,
                         preferred_element_type=jnp.float32)


_tch = pl.pallas_call(
    _tch_body,
    grid=(NG,),
    in_specs=[
        pl.BlockSpec((BN, D), lambda i: (i, 0)),
        pl.BlockSpec((D, D), lambda i: (0, 0)),
    ],
    out_specs=pl.BlockSpec((BN, D), lambda i: (i, 0)),
    out_shape=jax.ShapeDtypeStruct((NP, D), jnp.float32),
)


def _tcs_body(h_ref, d0_ref, d1_ref, o_ref):
    dinv = lax.rsqrt(d0_ref[...] + d1_ref[...] + 1.0)
    o_ref[...] = h_ref[...] * dinv


_tcs = pl.pallas_call(
    _tcs_body,
    grid=(NG,),
    in_specs=[
        pl.BlockSpec((BN, D), lambda i: (i, 0)),
        pl.BlockSpec((BN, 1), lambda i: (i, 0)),
        pl.BlockSpec((BN, 1), lambda i: (i + NG, 0)),
    ],
    out_specs=pl.BlockSpec((BN, D), lambda i: (i, 0)),
    out_shape=jax.ShapeDtypeStruct((NP, D), jnp.float32),
)


def _tcmid_body(p0_ref, p1_ref, hs_ref, d0_ref, d1_ref, b_ref, w_ref, o_ref):
    dinv = lax.rsqrt(d0_ref[...] + d1_ref[...] + 1.0)
    agg = (p0_ref[...] + p1_ref[...] + hs_ref[...]) * dinv + b_ref[...]
    a = jnp.maximum(agg, 0.0)
    o_ref[...] = jnp.dot(a, w_ref[...], precision=_PREC,
                         preferred_element_type=jnp.float32) * dinv


_tcmid = pl.pallas_call(
    _tcmid_body,
    grid=(NG,),
    in_specs=[
        pl.BlockSpec((BN, D), lambda i: (i, 0)),
        pl.BlockSpec((BN, D), lambda i: (i + NG, 0)),
        pl.BlockSpec((BN, D), lambda i: (i, 0)),
        pl.BlockSpec((BN, 1), lambda i: (i, 0)),
        pl.BlockSpec((BN, 1), lambda i: (i + NG, 0)),
        pl.BlockSpec((1, D), lambda i: (0, 0)),
        pl.BlockSpec((D, D), lambda i: (0, 0)),
    ],
    out_specs=pl.BlockSpec((BN, D), lambda i: (i, 0)),
    out_shape=jax.ShapeDtypeStruct((NP, D), jnp.float32),
)


def _tcf_body(p0_ref, p1_ref, hs_ref, d0_ref, d1_ref, b_ref, batch_ref,
              wl_ref, bl_ref, o_ref, sums, counts):
    i = pl.program_id(0)

    @pl.when(i == 0)
    def _():
        sums[...] = jnp.zeros_like(sums)
        counts[...] = jnp.zeros_like(counts)

    dinv = lax.rsqrt(d0_ref[...] + d1_ref[...] + 1.0)
    h = (p0_ref[...] + p1_ref[...] + hs_ref[...]) * dinv + b_ref[...]
    m = (batch_ref[...] == lax.broadcasted_iota(jnp.int32, (BN, G), 1)
         ).astype(jnp.float32)
    sums[...] += lax.dot_general(m, h, (((0,), (0,)), ((), ())),
                                 precision=_PREC,
                                 preferred_element_type=jnp.float32)
    counts[...] += lax.dot_general(m, jnp.ones((BN, 1), jnp.float32),
                                   (((0,), (0,)), ((), ())),
                                   precision=_PREC,
                                   preferred_element_type=jnp.float32)

    @pl.when(i == NG - 1)
    def _():
        pooled = sums[...] / jnp.maximum(counts[...], 1.0)
        o_ref[...] = jnp.dot(pooled, wl_ref[...], precision=_PREC,
                             preferred_element_type=jnp.float32) + bl_ref[...]


_tcf = pl.pallas_call(
    _tcf_body,
    grid=(NG,),
    in_specs=[
        pl.BlockSpec((BN, D), lambda i: (i, 0)),
        pl.BlockSpec((BN, D), lambda i: (i + NG, 0)),
        pl.BlockSpec((BN, D), lambda i: (i, 0)),
        pl.BlockSpec((BN, 1), lambda i: (i, 0)),
        pl.BlockSpec((BN, 1), lambda i: (i + NG, 0)),
        pl.BlockSpec((1, D), lambda i: (0, 0)),
        pl.BlockSpec((BN, 1), lambda i: (i, 0)),
        pl.BlockSpec((D, C), lambda i: (0, 0)),
        pl.BlockSpec((1, C), lambda i: (0, 0)),
    ],
    out_specs=pl.BlockSpec((G, C), lambda i: (0, 0)),
    out_shape=jax.ShapeDtypeStruct((G, C), jnp.float32),
    scratch_shapes=[
        pltpu.VMEM((G, G), jnp.float32),
        pltpu.VMEM((G, 1), jnp.float32),
    ],
)


def kernel(x, edge_index, batch, W1, b1, W2, b2, W3, b3, Wlin, blin):
    eppt = (EP - E) // NW
    padrow = N + (jnp.arange(NW * eppt, dtype=jnp.int32).reshape(NW, eppt)
                  % (NP - N))
    src = jnp.concatenate(
        [edge_index[0].astype(jnp.int32).reshape(NW, E // NW), padrow],
        axis=1).reshape(EP)
    dst = jnp.concatenate(
        [edge_index[1].astype(jnp.int32).reshape(NW, E // NW), padrow],
        axis=1).reshape(EP)
    xp = jnp.pad(x, ((0, NP - N), (0, 0)))
    batchp = jnp.pad(batch.astype(jnp.int32), (0, NP - N), constant_values=G)

    degp = _deg(dst.reshape(NW, NCHUNK, CH))
    batch2d = batchp.reshape(NP, 1)
    b1r = b1.reshape(1, D)
    b2r = b2.reshape(1, D)
    b3r = b3.reshape(1, D)
    blr = blin.reshape(1, C)

    dcol = degp[:, :1]
    h1 = _tch(xp, W1)
    hs1 = _tcs(h1, dcol, dcol)
    p1 = _agg(hs1, src, dst)
    hs2 = _tcmid(p1, p1, hs1, dcol, dcol, b1r, W2)
    p2 = _agg(hs2, src, dst)
    hs3 = _tcmid(p2, p2, hs2, dcol, dcol, b2r, W3)
    p3 = _agg(hs3, src, dst)
    out = _tcf(p3, p3, hs3, dcol, dcol, b3r, batch2d, Wlin, blr)
    return out

# --- scband reference (transcript-rebuilt; emitter-appended) ---
"""Pipeline reference for scband-gcn-14370960573165 (READ-ONLY COPY).

The authoritative reference and input builder live on the scoring server;
editing this copy changes nothing except your own understanding.
"""

import jax, jax.numpy as jnp
import numpy as np

N_NODES = 10000
N_EDGES = 320000
D_IN = 128
D_HID = 128
N_CLASSES = 10
N_GRAPHS = 128


def setup_inputs(seed: int = 0) -> dict:
    key = jax.random.key(seed)
    ks = jax.random.split(key, 12)
    x = jax.random.normal(ks[0], (N_NODES, D_IN), dtype=jnp.float32)
    edge_index = jax.random.randint(ks[1], (2, N_EDGES), 0, N_NODES, dtype=jnp.int64 if jax.config.read('jax_enable_x64') else jnp.int32)
    batch = jnp.sort(jax.random.randint(ks[2], (N_NODES,), 0, N_GRAPHS, dtype=jnp.int32))
    def glorot(k, fan_in, fan_out):
        s = jnp.sqrt(6.0 / (fan_in + fan_out))
        return jax.random.uniform(k, (fan_in, fan_out), dtype=jnp.float32, minval=-s, maxval=s)
    W1 = glorot(ks[3], D_IN, D_HID)
    b1 = jnp.zeros((D_HID,), dtype=jnp.float32)
    W2 = glorot(ks[4], D_HID, D_HID)
    b2 = jnp.zeros((D_HID,), dtype=jnp.float32)
    W3 = glorot(ks[5], D_HID, D_HID)
    b3 = jnp.zeros((D_HID,), dtype=jnp.float32)
    Wlin = glorot(ks[6], D_HID, N_CLASSES)
    blin = jnp.zeros((N_CLASSES,), dtype=jnp.float32)
    return {"x": x, "edge_index": edge_index, "batch": batch,
            "W1": W1, "b1": b1, "W2": W2, "b2": b2, "W3": W3, "b3": b3,
            "Wlin": Wlin, "blin": blin}


def _gcn_conv(x, src, dst, norm, W, b):
    h = x @ W
    msg = h[src] * norm[:, None]
    out = jnp.zeros((x.shape[0], W.shape[1]), dtype=x.dtype).at[dst].add(msg)
    return out + b


def reference(x, edge_index, batch, W1, b1, W2, b2, W3, b3, Wlin, blin):
    num_nodes = x.shape[0]
    loop = jnp.arange(num_nodes, dtype=edge_index.dtype)
    src = jnp.concatenate([edge_index[0], loop])
    dst = jnp.concatenate([edge_index[1], loop])
    # symmetric normalization (GCN): D^{-1/2} A_hat D^{-1/2}
    deg = jnp.zeros((num_nodes,), dtype=jnp.float32).at[dst].add(1.0)
    dinv = jnp.where(deg > 0, 1.0 / jnp.sqrt(deg), 0.0)
    norm = dinv[src] * dinv[dst]

    h = _gcn_conv(x, src, dst, norm, W1, b1)
    h = jax.nn.relu(h)
    h = _gcn_conv(h, src, dst, norm, W2, b2)
    h = jax.nn.relu(h)
    h = _gcn_conv(h, src, dst, norm, W3, b3)

    # global mean pool over graphs
    sums = jax.ops.segment_sum(h, batch, num_segments=N_GRAPHS)
    counts = jax.ops.segment_sum(jnp.ones((num_nodes,), dtype=jnp.float32), batch, num_segments=N_GRAPHS)
    pooled = sums / jnp.clip(counts, 1.0)[:, None]

    # dropout is identity in eval mode
    out = pooled @ Wlin + blin
    return out

if __name__ == "__main__":
    import jax
    _d = setup_inputs()
    print(jax.jit(kernel)(*tuple(_d.values())))

</pallas_src>

<mosaic_0001>
#map = affine_map<(d0, d1) -> (0, 0, 0)>
#map1 = affine_map<(d0, d1) -> (0, 0)>
module attributes {stable_mosaic.version = 14 : i64} {
  func.func @_deg(%arg0: i32, %arg1: i32, %arg2: memref<32x105x96xi32, #tpu.memory_space<hbm>>, %arg3: memref<20480x128xf32, #tpu.memory_space<hbm>>, %arg4: memref<105x96xi32, #tpu.memory_space<vmem>>, %arg5: memref<96x128xf32, #tpu.memory_space<vmem>>, %arg6: memref<10240x128xf32, #tpu.memory_space<vmem_shared>>, %arg7: memref<!tpu.dma_semaphore, #tpu.memory_space<semaphore_mem>>) attributes {dimension_semantics = [#tpu.dimension_semantics<core_parallel>, #tpu.dimension_semantics<subcore_parallel>], iteration_bounds = array<i64: 2, 16>, scalar_prefetch = 0 : i64, scratch_operands = 4 : i64, tpu.core_type = #tpu.core_type<sc_vector_subcore>, window_params = [{transform_indices = #map}, {transform_indices = #map1}]} {
    %mul3A = arith.constant 16 : i32
    %mul3A_0 = arith.muli %arg0, %mul3A : i32
    %add3A = arith.addi %mul3A_0, %arg1 : i32
    %broadcast_in_dim3A = arith.constant 0.000000e+00 : f32
    %broadcast_in_dim3A_1 = vector.broadcast %broadcast_in_dim3A : f32 to vector<16xf32>
    %broadcast_in_dim3A_2 = arith.constant 1.000000e+00 : f32
    %broadcast_in_dim3A_3 = vector.broadcast %broadcast_in_dim3A_2 : f32 to vector<16xf32>
    %scan3A = arith.constant 0 : i32
    %scan3A_4 = arith.constant 0 : i32
    %scan3A_5 = arith.constant 768 : i32
    %scan3A_6 = arith.addi %scan3A_4, %scan3A_5 : i32
    %scan3A_7 = arith.constant 1 : i32
    scf.for %scan3A_45 = %scan3A_4 to %scan3A_6 step %scan3A_7  : i32 {
      %jit3A = arith.constant 8 : i32
      %div3A = arith.divsi %scan3A_45, %jit3A : i32
      %sign3A = arith.constant 0 : i32
      %sign3A_46 = arith.cmpi sgt, %scan3A_45, %sign3A : i32
      %sign3A_47 = arith.extui %sign3A_46 : i1 to i32
      %sign3A_48 = arith.constant 0 : i32
      %sign3A_49 = arith.cmpi slt, %scan3A_45, %sign3A_48 : i32
      %sign3A_50 = arith.extui %sign3A_49 : i1 to i32
      %sign3A_51 = arith.subi %sign3A_47, %sign3A_50 : i32
      %sign3A_52 = arith.constant 0 : i32
      %sign3A_53 = arith.cmpi sgt, %jit3A, %sign3A_52 : i32
      %sign3A_54 = arith.extui %sign3A_53 : i1 to i32
      %sign3A_55 = arith.constant 0 : i32
      %sign3A_56 = arith.cmpi slt, %jit3A, %sign3A_55 : i32
      %sign3A_57 = arith.extui %sign3A_56 : i1 to i32
      %sign3A_58 = arith.subi %sign3A_54, %sign3A_57 : i32
      %ne3A = arith.cmpi ne, %sign3A_51, %sign3A_58 : i32
      %rem3A = arith.remsi %scan3A_45, %jit3A : i32
      %ne3A_59 = arith.constant 0 : i32
      %ne3A_60 = arith.cmpi ne, %rem3A, %ne3A_59 : i32
      %and3A = arith.andi %ne3A, %ne3A_60 : i1
      %sub3A = arith.constant 1 : i32
      %sub3A_61 = arith.subi %div3A, %sub3A : i32
      %select_n3A = arith.select %and3A, %sub3A_61, %div3A : i32
      %jit3A_62 = arith.constant 8 : i32
      %eq3A = arith.constant 0 : i32
      %eq3A_63 = arith.cmpi eq, %jit3A_62, %eq3A : i32
      %jit3A_64 = arith.constant 1 : i32
      %select_n3A_65 = arith.select %eq3A_63, %jit3A_64, %jit3A_62 : i32
      %rem3A_66 = arith.remsi %scan3A_45, %select_n3A_65 : i32
      %ne3A_67 = arith.constant 0 : i32
      %ne3A_68 = arith.cmpi ne, %rem3A_66, %ne3A_67 : i32
      %lt3A = arith.constant 0 : i32
      %lt3A_69 = arith.cmpi slt, %rem3A_66, %lt3A : i32
      %lt3A_70 = arith.constant 0 : i32
      %lt3A_71 = arith.cmpi slt, %select_n3A_65, %lt3A_70 : i32
      %ne3A_72 = arith.xori %lt3A_69, %lt3A_71 : i1
      %and3A_73 = arith.andi %ne3A_72, %ne3A_68 : i1
      %add3A_74 = arith.addi %rem3A_66, %select_n3A_65 : i32
      %select_n3A_75 = arith.select %and3A_73, %add3A_74, %rem3A_66 : i32
      %mul3A_76 = arith.constant 16 : i32
      %mul3A_77 = arith.muli %select_n3A_75, %mul3A_76 : i32
      %swap3A = arith.index_cast %select_n3A : i32 to index
      %swap3A_78 = arith.index_cast %mul3A_77 : i32 to index
      %swap3A_79 = tpu.vector_load %arg5[%swap3A, %swap3A_78] {strides = array<i32>} : memref<96x128xf32, #tpu.memory_space<vmem>>, vector<1x16xf32>,
      %swap3A_80 = vector.shape_cast %swap3A_79 : vector<1x16xf32> to vector<16xf32>
      %swap3A_81 = vector.shape_cast %broadcast_in_dim3A_1 : vector<16xf32> to vector<1x16xf32>
      tpu.vector_store %arg5[%swap3A, %swap3A_78], %swap3A_81 {strides = array<i32>} : memref<96x128xf32, #tpu.memory_space<vmem>>, vector<1x16xf32>,
    }
    %scan3A_8 = arith.constant 768 : i32
    %scan3A_9 = arith.constant 0 : i32
    %scan3A_10 = arith.constant 0 : i32
    %scan3A_11 = arith.constant 6 : i32
    %scan3A_12 = arith.addi %scan3A_10, %scan3A_11 : i32
    %scan3A_13 = arith.constant 1 : i32
    scf.for %scan3A_45 = %scan3A_10 to %scan3A_12 step %scan3A_13  : i32 {
      %mul3A_46 = arith.constant 640 : i32
      %mul3A_47 = arith.muli %arg1, %mul3A_46 : i32
      %mul3A_48 = arith.constant 96 : i32
      %mul3A_49 = arith.muli %scan3A_45, %mul3A_48 : i32
      %add3A_50 = arith.addi %mul3A_47, %mul3A_49 : i32
      "tpu.region"() ({
        %run_scoped3A = tpu.sem_alloc : memref<!tpu.dma_semaphore, #tpu.memory_space<semaphore_mem>>
        %dma_start3A = arith.constant 0 : i32
        %dma_start3A_51 = tpu.memref_slice %arg6[%add3A_50, %dma_start3A] : memref<10240x128xf32, #tpu.memory_space<vmem_shared>> -> memref<96x128xf32, #tpu.memory_space<vmem_shared>>
        %dma_start3A_52 = arith.constant 0 : i32
        %dma_start3A_53 = tpu.memref_slice %arg6[%add3A_50, %dma_start3A_52] : memref<10240x128xf32, #tpu.memory_space<vmem_shared>> -> memref<96x128xf32, #tpu.memory_space<vmem_shared>>
        tpu.enqueue_dma source(%arg5 : memref<96x128xf32, #tpu.memory_space<vmem>>) target(%dma_start3A_53 : memref<96x128xf32, #tpu.memory_space<vmem_shared>>) target_semaphore(%run_scoped3A : memref<!tpu.dma_semaphore, #tpu.memory_space<semaphore_mem>>)
        %dma_wait3A = arith.constant 0 : i32
        %dma_wait3A_54 = tpu.memref_slice %arg6[%add3A_50, %dma_wait3A] : memref<10240x128xf32, #tpu.memory_space<vmem_shared>> -> memref<96x128xf32, #tpu.memory_space<vmem_shared>>
        %dma_wait3A_55 = arith.constant 0 : i32
        %dma_wait3A_56 = tpu.memref_slice %arg6[%add3A_50, %dma_wait3A_55] : memref<10240x128xf32, #tpu.memory_space<vmem_shared>> -> memref<96x128xf32, #tpu.memory_space<vmem_shared>>
        tpu.wait_dma2 semaphore(%run_scoped3A : memref<!tpu.dma_semaphore, #tpu.memory_space<semaphore_mem>>) src(%arg5 : memref<96x128xf32, #tpu.memory_space<vmem>>) dst(%dma_wait3A_56 : memref<96x128xf32, #tpu.memory_space<vmem_shared>>)
        tpu.yield
      }) : () -> ()
    }
    %scan3A_14 = arith.constant 6 : i32
    %mul3A_15 = arith.constant 640 : i32
    %mul3A_16 = arith.muli %arg1, %mul3A_15 : i32
    %add3A_17 = arith.constant 576 : i32
    %add3A_18 = arith.addi %mul3A_16, %add3A_17 : i32
    "tpu.region"() ({
      %run_scoped3A = tpu.sem_alloc : memref<!tpu.dma_semaphore, #tpu.memory_space<semaphore_mem>>
      %dma_start3A = arith.constant 0 : i32
      %dma_start3A_45 = arith.constant 0 : i32
      %dma_start3A_46 = tpu.memref_slice %arg5[%dma_start3A, %dma_start3A_45] : memref<96x128xf32, #tpu.memory_space<vmem>> -> memref<64x128xf32, #tpu.memory_space<vmem>>
      %dma_start3A_47 = arith.constant 0 : i32
      %dma_start3A_48 = tpu.memref_slice %arg6[%add3A_18, %dma_start3A_47] : memref<10240x128xf32, #tpu.memory_space<vmem_shared>> -> memref<64x128xf32, #tpu.memory_space<vmem_shared>>
      %dma_start3A_49 = arith.constant 0 : i32
      %dma_start3A_50 = tpu.memref_slice %arg6[%add3A_18, %dma_start3A_49] : memref<10240x128xf32, #tpu.memory_space<vmem_shared>> -> memref<64x128xf32, #tpu.memory_space<vmem_shared>>
      %dma_start3A_51 = arith.constant 0 : i32
      %dma_start3A_52 = arith.constant 0 : i32
      %dma_start3A_53 = tpu.memref_slice %arg5[%dma_start3A_51, %dma_start3A_52] : memref<96x128xf32, #tpu.memory_space<vmem>> -> memref<64x128xf32, #tpu.memory_space<vmem>>
      tpu.enqueue_dma source(%dma_start3A_53 : memref<64x128xf32, #tpu.memory_space<vmem>>) target(%dma_start3A_50 : memref<64x128xf32, #tpu.memory_space<vmem_shared>>) target_semaphore(%run_scoped3A : memref<!tpu.dma_semaphore, #tpu.memory_space<semaphore_mem>>)
      %dma_wait3A = arith.constant 0 : i32
      %dma_wait3A_54 = arith.constant 0 : i32
      %dma_wait3A_55 = tpu.memref_slice %arg5[%dma_wait3A, %dma_wait3A_54] : memref<96x128xf32, #tpu.memory_space<vmem>> -> memref<64x128xf32, #tpu.memory_space<vmem>>
      %dma_wait3A_56 = arith.constant 0 : i32
      %dma_wait3A_57 = tpu.memref_slice %arg6[%add3A_18, %dma_wait3A_56] : memref<10240x128xf32, #tpu.memory_space<vmem_shared>> -> memref<64x128xf32, #tpu.memory_space<vmem_shared>>
      %dma_wait3A_58 = arith.constant 0 : i32
      %dma_wait3A_59 = tpu.memref_slice %arg6[%add3A_18, %dma_wait3A_58] : memref<10240x128xf32, #tpu.memory_space<vmem_shared>> -> memref<64x128xf32, #tpu.memory_space<vmem_shared>>
      %dma_wait3A_60 = arith.constant 0 : i32
      %dma_wait3A_61 = arith.constant 0 : i32
      %dma_wait3A_62 = tpu.memref_slice %arg5[%dma_wait3A_60, %dma_wait3A_61] : memref<96x128xf32, #tpu.memory_space<vmem>> -> memref<64x128xf32, #tpu.memory_space<vmem>>
      tpu.wait_dma2 semaphore(%run_scoped3A : memref<!tpu.dma_semaphore, #tpu.memory_space<semaphore_mem>>) src(%dma_wait3A_62 : memref<64x128xf32, #tpu.memory_space<vmem>>) dst(%dma_wait3A_59 : memref<64x128xf32, #tpu.memory_space<vmem_shared>>)
      tpu.yield
    }) : () -> ()
    %scan3A_19 = arith.constant 0 : i32
    %scan3A_20 = arith.constant 0 : i32
    %scan3A_21 = arith.constant 768 : i32
    %scan3A_22 = arith.addi %scan3A_20, %scan3A_21 : i32
    %scan3A_23 = arith.constant 1 : i32
    scf.for %scan3A_45 = %scan3A_20 to %scan3A_22 step %scan3A_23  : i32 {
      %jit3A = arith.constant 8 : i32
      %div3A = arith.divsi %scan3A_45, %jit3A : i32
      %sign3A = arith.constant 0 : i32
      %sign3A_46 = arith.cmpi sgt, %scan3A_45, %sign3A : i32
      %sign3A_47 = arith.extui %sign3A_46 : i1 to i32
      %sign3A_48 = arith.constant 0 : i32
      %sign3A_49 = arith.cmpi slt, %scan3A_45, %sign3A_48 : i32
      %sign3A_50 = arith.extui %sign3A_49 : i1 to i32
      %sign3A_51 = arith.subi %sign3A_47, %sign3A_50 : i32
      %sign3A_52 = arith.constant 0 : i32
      %sign3A_53 = arith.cmpi sgt, %jit3A, %sign3A_52 : i32
      %sign3A_54 = arith.extui %sign3A_53 : i1 to i32
      %sign3A_55 = arith.constant 0 : i32
      %sign3A_56 = arith.cmpi slt, %jit3A, %sign3A_55 : i32
      %sign3A_57 = arith.extui %sign3A_56 : i1 to i32
      %sign3A_58 = arith.subi %sign3A_54, %sign3A_57 : i32
      %ne3A = arith.cmpi ne, %sign3A_51, %sign3A_58 : i32
      %rem3A = arith.remsi %scan3A_45, %jit3A : i32
      %ne3A_59 = arith.constant 0 : i32
      %ne3A_60 = arith.cmpi ne, %rem3A, %ne3A_59 : i32
      %and3A = arith.andi %ne3A, %ne3A_60 : i1
      %sub3A = arith.constant 1 : i32
      %sub3A_61 = arith.subi %div3A, %sub3A : i32
      %select_n3A = arith.select %and3A, %sub3A_61, %div3A : i32
      %jit3A_62 = arith.constant 8 : i32
      %eq3A = arith.constant 0 : i32
      %eq3A_63 = arith.cmpi eq, %jit3A_62, %eq3A : i32
      %jit3A_64 = arith.constant 1 : i32
      %select_n3A_65 = arith.select %eq3A_63, %jit3A_64, %jit3A_62 : i32
      %rem3A_66 = arith.remsi %scan3A_45, %select_n3A_65 : i32
      %ne3A_67 = arith.constant 0 : i32
      %ne3A_68 = arith.cmpi ne, %rem3A_66, %ne3A_67 : i32
      %lt3A = arith.constant 0 : i32
      %lt3A_69 = arith.cmpi slt, %rem3A_66, %lt3A : i32
      %lt3A_70 = arith.constant 0 : i32
      %lt3A_71 = arith.cmpi slt, %select_n3A_65, %lt3A_70 : i32
      %ne3A_72 = arith.xori %lt3A_69, %lt3A_71 : i1
      %and3A_73 = arith.andi %ne3A_72, %ne3A_68 : i1
      %add3A_74 = arith.addi %rem3A_66, %select_n3A_65 : i32
      %select_n3A_75 = arith.select %and3A_73, %add3A_74, %rem3A_66 : i32
      %mul3A_76 = arith.constant 16 : i32
      %mul3A_77 = arith.muli %select_n3A_75, %mul3A_76 : i32
      %swap3A = arith.index_cast %select_n3A : i32 to index
      %swap3A_78 = arith.index_cast %mul3A_77 : i32 to index
      %swap3A_79 = tpu.vector_load %arg5[%swap3A, %swap3A_78] {strides = array<i32>} : memref<96x128xf32, #tpu.memory_space<vmem>>, vector<1x16xf32>,
      %swap3A_80 = vector.shape_cast %swap3A_79 : vector<1x16xf32> to vector<16xf32>
      %swap3A_81 = vector.shape_cast %broadcast_in_dim3A_3 : vector<16xf32> to vector<1x16xf32>
      tpu.vector_store %arg5[%swap3A, %swap3A_78], %swap3A_81 {strides = array<i32>} : memref<96x128xf32, #tpu.memory_space<vmem>>, vector<1x16xf32>,
    }
    %scan3A_24 = arith.constant 768 : i32
    "tpu.region"() ({
      %run_scoped3A = tpu.sem_alloc : memref<!tpu.dma_semaphore, #tpu.memory_space<semaphore_mem>>
      %dma_start3A = arith.constant 0 : i32
      %dma_start3A_45 = arith.constant 0 : i32
      %dma_start3A_46 = tpu.memref_slice %arg2[%add3A, %dma_start3A, %dma_start3A_45] : memref<32x105x96xi32, #tpu.memory_space<hbm>> -> memref<1x105x96xi32, #tpu.memory_space<hbm>>
      %dma_start3A_47 = tpu.memref_squeeze %dma_start3A_46 : memref<1x105x96xi32, #tpu.memory_space<hbm>> -> memref<105x96xi32, #tpu.memory_space<hbm>>
      %dma_start3A_48 = arith.constant 0 : i32
      %dma_start3A_49 = arith.constant 0 : i32
      %dma_start3A_50 = tpu.memref_slice %arg2[%add3A, %dma_start3A_48, %dma_start3A_49] : memref<32x105x96xi32, #tpu.memory_space<hbm>> -> memref<1x105x96xi32, #tpu.memory_space<hbm>>
      %dma_start3A_51 = tpu.memref_squeeze %dma_start3A_50 : memref<1x105x96xi32, #tpu.memory_space<hbm>> -> memref<105x96xi32, #tpu.memory_space<hbm>>
      tpu.enqueue_dma source(%dma_start3A_51 : memref<105x96xi32, #tpu.memory_space<hbm>>) target(%arg4 : memref<105x96xi32, #tpu.memory_space<vmem>>) target_semaphore(%run_scoped3A : memref<!tpu.dma_semaphore, #tpu.memory_space<semaphore_mem>>)
      %dma_wait3A = arith.constant 0 : i32
      %dma_wait3A_52 = arith.constant 0 : i32
      %dma_wait3A_53 = tpu.memref_slice %arg2[%add3A, %dma_wait3A, %dma_wait3A_52] : memref<32x105x96xi32, #tpu.memory_space<hbm>> -> memref<1x105x96xi32, #tpu.memory_space<hbm>>
      %dma_wait3A_54 = tpu.memref_squeeze %dma_wait3A_53 : memref<1x105x96xi32, #tpu.memory_space<hbm>> -> memref<105x96xi32, #tpu.memory_space<hbm>>
      %dma_wait3A_55 = arith.constant 0 : i32
      %dma_wait3A_56 = arith.constant 0 : i32
      %dma_wait3A_57 = tpu.memref_slice %arg2[%add3A, %dma_wait3A_55, %dma_wait3A_56] : memref<32x105x96xi32, #tpu.memory_space<hbm>> -> memref<1x105x96xi32, #tpu.memory_space<hbm>>
      %dma_wait3A_58 = tpu.memref_squeeze %dma_wait3A_57 : memref<1x105x96xi32, #tpu.memory_space<hbm>> -> memref<105x96xi32, #tpu.memory_space<hbm>>
      tpu.wait_dma2 semaphore(%run_scoped3A : memref<!tpu.dma_semaphore, #tpu.memory_space<semaphore_mem>>) src(%dma_wait3A_58 : memref<105x96xi32, #tpu.memory_space<hbm>>) dst(%arg4 : memref<105x96xi32, #tpu.memory_space<vmem>>)
      tpu.yield
    }) : () -> ()
    %barrier3A = arith.constant 0 : index
    tpu.barrier barrier_id(%barrier3A)
    %scan3A_25 = arith.constant 0 : i32
    %scan3A_26 = arith.constant 0 : i32
    %scan3A_27 = arith.constant 105 : i32
    %scan3A_28 = arith.addi %scan3A_26, %scan3A_27 : i32
    %scan3A_29 = arith.constant 1 : i32
    scf.for %scan3A_45 = %scan3A_26 to %scan3A_28 step %scan3A_29  : i32 {
      %dma_start3A = arith.constant 0 : i32
      %dma_start3A_46 = tpu.memref_slice %arg4[%scan3A_45, %dma_start3A] : memref<105x96xi32, #tpu.memory_space<vmem>> -> memref<1x96xi32, #tpu.memory_space<vmem>>
      %dma_start3A_47 = tpu.memref_squeeze %dma_start3A_46 : memref<1x96xi32, #tpu.memory_space<vmem>> -> memref<96xi32, #tpu.memory_space<vmem>>
      %dma_start3A_48 = arith.constant 0 : i32
      %dma_start3A_49 = arith.constant 0 : i32
      %dma_start3A_50 = tpu.memref_slice %arg6[%dma_start3A_48, %dma_start3A_49] : memref<10240x128xf32, #tpu.memory_space<vmem_shared>> -> memref<10240x128xf32, #tpu.memory_space<vmem_shared>>
      tpu.enqueue_indirect_dma source(%arg5 : memref<96x128xf32, #tpu.memory_space<vmem>>) target(%dma_start3A_50 : memref<10240x128xf32, #tpu.memory_space<vmem_shared>>) offsets(%dma_start3A_47 : memref<96xi32, #tpu.memory_space<vmem>>) semaphore(%arg7 : memref<!tpu.dma_semaphore, #tpu.memory_space<semaphore_mem>>) {add = true}
    }
    %scan3A_30 = arith.constant 105 : i32
    %scan3A_31 = arith.constant 0 : i32
    %scan3A_32 = arith.constant 0 : i32
    %scan3A_33 = arith.constant 105 : i32
    %scan3A_34 = arith.addi %scan3A_32, %scan3A_33 : i32
    %scan3A_35 = arith.constant 1 : i32
    scf.for %scan3A_45 = %scan3A_32 to %scan3A_34 step %scan3A_35  : i32 {
      %dma_wait3A = arith.constant 0 : i32
      %dma_wait3A_46 = arith.constant 0 : i32
      %dma_wait3A_47 = tpu.memref_slice %arg4[%dma_wait3A, %dma_wait3A_46] : memref<105x96xi32, #tpu.memory_space<vmem>> -> memref<1x96xi32, #tpu.memory_space<vmem>>
      %dma_wait3A_48 = tpu.memref_squeeze %dma_wait3A_47 : memref<1x96xi32, #tpu.memory_space<vmem>> -> memref<96xi32, #tpu.memory_space<vmem>>
      %dma_wait3A_49 = arith.constant 0 : i32
      %dma_wait3A_50 = arith.constant 0 : i32
      %dma_wait3A_51 = tpu.memref_slice %arg6[%dma_wait3A_49, %dma_wait3A_50] : memref<10240x128xf32, #tpu.memory_space<vmem_shared>> -> memref<10240x128xf32, #tpu.memory_space<vmem_shared>>
      tpu.wait_indirect_dma semaphore(%arg7 : memref<!tpu.dma_semaphore, #tpu.memory_space<semaphore_mem>>) src(%arg5 : memref<96x128xf32, #tpu.memory_space<vmem>>) dst(%dma_wait3A_51 : memref<10240x128xf32, #tpu.memory_space<vmem_shared>>)
    }
    %scan3A_36 = arith.constant 105 : i32
    %barrier3A_37 = arith.constant 0 : index
    tpu.barrier barrier_id(%barrier3A_37)
    %mul3A_38 = arith.constant 640 : i32
    %mul3A_39 = arith.muli %arg1, %mul3A_38 : i32
    %mul3A_40 = arith.constant 10240 : i32
    %mul3A_41 = arith.muli %arg0, %mul3A_40 : i32
    %mul3A_42 = arith.constant 640 : i32
    %mul3A_43 = arith.muli %arg1, %mul3A_42 : i32
    %add3A_44 = arith.addi %mul3A_41, %mul3A_43 : i32
    "tpu.region"() ({
      %run_scoped3A = tpu.sem_alloc : memref<!tpu.dma_semaphore, #tpu.memory_space<semaphore_mem>>
      %dma_start3A = arith.constant 0 : i32
      %dma_start3A_45 = tpu.memref_slice %arg3[%add3A_44, %dma_start3A] : memref<20480x128xf32, #tpu.memory_space<hbm>> -> memref<640x128xf32, #tpu.memory_space<hbm>>
      %dma_start3A_46 = arith.constant 0 : i32
      %dma_start3A_47 = tpu.memref_slice %arg6[%mul3A_39, %dma_start3A_46] : memref<10240x128xf32, #tpu.memory_space<vmem_shared>> -> memref<640x128xf32, #tpu.memory_space<vmem_shared>>
      tpu.enqueue_dma source(%dma_start3A_47 : memref<640x128xf32, #tpu.memory_space<vmem_shared>>) target(%dma_start3A_45 : memref<640x128xf32, #tpu.memory_space<hbm>>) target_semaphore(%run_scoped3A : memref<!tpu.dma_semaphore, #tpu.memory_space<semaphore_mem>>)
      %dma_wait3A = arith.constant 0 : i32
      %dma_wait3A_48 = tpu.memref_slice %arg3[%add3A_44, %dma_wait3A] : memref<20480x128xf32, #tpu.memory_space<hbm>> -> memref<640x128xf32, #tpu.memory_space<hbm>>
      %dma_wait3A_49 = arith.constant 0 : i32
      %dma_wait3A_50 = tpu.memref_slice %arg6[%mul3A_39, %dma_wait3A_49] : memref<10240x128xf32, #tpu.memory_space<vmem_shared>> -> memref<640x128xf32, #tpu.memory_space<vmem_shared>>
      tpu.wait_dma2 semaphore(%run_scoped3A : memref<!tpu.dma_semaphore, #tpu.memory_space<semaphore_mem>>) src(%dma_wait3A_50 : memref<640x128xf32, #tpu.memory_space<vmem_shared>>) dst(%dma_wait3A_48 : memref<640x128xf32, #tpu.memory_space<hbm>>)
      tpu.yield
    }) : () -> ()
    return
  }
}

#map = affine_map<(d0, d1) -> (0, 0)>
#map1 = affine_map<(d0, d1) -> (0)>
module attributes {stable_mosaic.version = 14 : i64} {
  func.func @agg(%arg0: i32, %arg1: i32, %arg2: memref<10240x128xf32, #tpu.memory_space<hbm>>, %arg3: memref<322560xi32, #tpu.memory_space<hbm>>, %arg4: memref<322560xi32, #tpu.memory_space<hbm>>, %arg5: memref<20480x128xf32, #tpu.memory_space<hbm>>, %arg6: memref<10080xi32, #tpu.memory_space<vmem>>, %arg7: memref<3x96xi32, #tpu.memory_space<vmem>>, %arg8: memref<288x128xf32, #tpu.memory_space<vmem>>, %arg9: memref<10240x128xf32, #tpu.memory_space<vmem_shared>>, %arg10: memref<!tpu.dma_semaphore, #tpu.memory_space<semaphore_mem>>, %arg11: memref<!tpu.dma_semaphore, #tpu.memory_space<semaphore_mem>>, %arg12: memref<!tpu.dma_semaphore, #tpu.memory_space<semaphore_mem>>) attributes {dimension_semantics = [#tpu.dimension_semantics<core_parallel>, #tpu.dimension_semantics<subcore_parallel>], iteration_bounds = array<i64: 2, 16>, scalar_prefetch = 0 : i64, scratch_operands = 7 : i64, tpu.core_type = #tpu.core_type<sc_vector_subcore>, window_params = [{transform_indices = #map}, {transform_indices = #map1}, {transform_indices = #map1}, {transform_indices = #map}]} {
    %mul3A = arith.constant 16 : i32
    %mul3A_0 = arith.muli %arg0, %mul3A : i32
    %add3A = arith.addi %mul3A_0, %arg1 : i32
    %mul3A_1 = arith.constant 10080 : i32
    %mul3A_2 = arith.muli %add3A, %mul3A_1 : i32
    %broadcast_in_dim3A = arith.constant 0.000000e+00 : f32
    %broadcast_in_dim3A_3 = vector.broadcast %broadcast_in_dim3A : f32 to vector<16xf32>
    %scan3A = arith.constant 0 : i32
    %scan3A_4 = arith.constant 0 : i32
    %scan3A_5 = arith.constant 768 : i32
    %scan3A_6 = arith.addi %scan3A_4, %scan3A_5 : i32
    %scan3A_7 = arith.constant 1 : i32
    scf.for %scan3A_153 = %scan3A_4 to %scan3A_6 step %scan3A_7  : i32 {
      %jit3A = arith.constant 8 : i32
      %div3A = arith.divsi %scan3A_153, %jit3A : i32
      %sign3A = arith.constant 0 : i32
      %sign3A_154 = arith.cmpi sgt, %scan3A_153, %sign3A : i32
      %sign3A_155 = arith.extui %sign3A_154 : i1 to i32
      %sign3A_156 = arith.constant 0 : i32
      %sign3A_157 = arith.cmpi slt, %scan3A_153, %sign3A_156 : i32
      %sign3A_158 = arith.extui %sign3A_157 : i1 to i32
      %sign3A_159 = arith.subi %sign3A_155, %sign3A_158 : i32
      %sign3A_160 = arith.constant 0 : i32
      %sign3A_161 = arith.cmpi sgt, %jit3A, %sign3A_160 : i32
      %sign3A_162 = arith.extui %sign3A_161 : i1 to i32
      %sign3A_163 = arith.constant 0 : i32
      %sign3A_164 = arith.cmpi slt, %jit3A, %sign3A_163 : i32
      %sign3A_165 = arith.extui %sign3A_164 : i1 to i32
      %sign3A_166 = arith.subi %sign3A_162, %sign3A_165 : i32
      %ne3A = arith.cmpi ne, %sign3A_159, %sign3A_166 : i32
      %rem3A = arith.remsi %scan3A_153, %jit3A : i32
      %ne3A_167 = arith.constant 0 : i32
      %ne3A_168 = arith.cmpi ne, %rem3A, %ne3A_167 : i32
      %and3A = arith.andi %ne3A, %ne3A_168 : i1
      %sub3A = arith.constant 1 : i32
      %sub3A_169 = arith.subi %div3A, %sub3A : i32
      %select_n3A = arith.select %and3A, %sub3A_169, %div3A : i32
      %jit3A_170 = arith.constant 8 : i32
      %eq3A = arith.constant 0 : i32
      %eq3A_171 = arith.cmpi eq, %jit3A_170, %eq3A : i32
      %jit3A_172 = arith.constant 1 : i32
      %select_n3A_173 = arith.select %eq3A_171, %jit3A_172, %jit3A_170 : i32
      %rem3A_174 = arith.remsi %scan3A_153, %select_n3A_173 : i32
      %ne3A_175 = arith.constant 0 : i32
      %ne3A_176 = arith.cmpi ne, %rem3A_174, %ne3A_175 : i32
      %lt3A = arith.constant 0 : i32
      %lt3A_177 = arith.cmpi slt, %rem3A_174, %lt3A : i32
      %lt3A_178 = arith.constant 0 : i32
      %lt3A_179 = arith.cmpi slt, %select_n3A_173, %lt3A_178 : i32
      %ne3A_180 = arith.xori %lt3A_177, %lt3A_179 : i1
      %and3A_181 = arith.andi %ne3A_180, %ne3A_176 : i1
      %add3A_182 = arith.addi %rem3A_174, %select_n3A_173 : i32
      %select_n3A_183 = arith.select %and3A_181, %add3A_182, %rem3A_174 : i32
      %mul3A_184 = arith.constant 16 : i32
      %mul3A_185 = arith.muli %select_n3A_183, %mul3A_184 : i32
      %swap3A = arith.index_cast %select_n3A : i32 to index
      %swap3A_186 = arith.index_cast %mul3A_185 : i32 to index
      %swap3A_187 = tpu.vector_load %arg8[%swap3A, %swap3A_186] {strides = array<i32>} : memref<288x128xf32, #tpu.memory_space<vmem>>, vector<1x16xf32>,
      %swap3A_188 = vector.shape_cast %swap3A_187 : vector<1x16xf32> to vector<16xf32>
      %swap3A_189 = vector.shape_cast %broadcast_in_dim3A_3 : vector<16xf32> to vector<1x16xf32>
      tpu.vector_store %arg8[%swap3A, %swap3A_186], %swap3A_189 {strides = array<i32>} : memref<288x128xf32, #tpu.memory_space<vmem>>, vector<1x16xf32>,
    }
    %scan3A_8 = arith.constant 768 : i32
    %scan3A_9 = arith.constant 0 : i32
    %scan3A_10 = arith.constant 0 : i32
    %scan3A_11 = arith.constant 6 : i32
    %scan3A_12 = arith.addi %scan3A_10, %scan3A_11 : i32
    %scan3A_13 = arith.constant 1 : i32
    scf.for %scan3A_153 = %scan3A_10 to %scan3A_12 step %scan3A_13  : i32 {
      %mul3A_154 = arith.constant 640 : i32
      %mul3A_155 = arith.muli %arg1, %mul3A_154 : i32
      %mul3A_156 = arith.constant 96 : i32
      %mul3A_157 = arith.muli %scan3A_153, %mul3A_156 : i32
      %add3A_158 = arith.addi %mul3A_155, %mul3A_157 : i32
      "tpu.region"() ({
        %run_scoped3A_159 = tpu.sem_alloc : memref<!tpu.dma_semaphore, #tpu.memory_space<semaphore_mem>>
        %dma_start3A_160 = arith.constant 0 : i32
        %dma_start3A_161 = arith.constant 0 : i32
        %dma_start3A_162 = tpu.memref_slice %arg8[%dma_start3A_160, %dma_start3A_161] : memref<288x128xf32, #tpu.memory_space<vmem>> -> memref<96x128xf32, #tpu.memory_space<vmem>>
        %dma_start3A_163 = arith.constant 0 : i32
        %dma_start3A_164 = tpu.memref_slice %arg9[%add3A_158, %dma_start3A_163] : memref<10240x128xf32, #tpu.memory_space<vmem_shared>> -> memref<96x128xf32, #tpu.memory_space<vmem_shared>>
        %dma_start3A_165 = arith.constant 0 : i32
        %dma_start3A_166 = tpu.memref_slice %arg9[%add3A_158, %dma_start3A_165] : memref<10240x128xf32, #tpu.memory_space<vmem_shared>> -> memref<96x128xf32, #tpu.memory_space<vmem_shared>>
        %dma_start3A_167 = arith.constant 0 : i32
        %dma_start3A_168 = arith.constant 0 : i32
        %dma_start3A_169 = tpu.memref_slice %arg8[%dma_start3A_167, %dma_start3A_168] : memref<288x128xf32, #tpu.memory_space<vmem>> -> memref<96x128xf32, #tpu.memory_space<vmem>>
        tpu.enqueue_dma source(%dma_start3A_169 : memref<96x128xf32, #tpu.memory_space<vmem>>) target(%dma_start3A_166 : memref<96x128xf32, #tpu.memory_space<vmem_shared>>) target_semaphore(%run_scoped3A_159 : memref<!tpu.dma_semaphore, #tpu.memory_space<semaphore_mem>>)
        %dma_wait3A_170 = arith.constant 0 : i32
        %dma_wait3A_171 = arith.constant 0 : i32
        %dma_wait3A_172 = tpu.memref_slice %arg8[%dma_wait3A_170, %dma_wait3A_171] : memref<288x128xf32, #tpu.memory_space<vmem>> -> memref<96x128xf32, #tpu.memory_space<vmem>>
        %dma_wait3A_173 = arith.constant 0 : i32
        %dma_wait3A_174 = tpu.memref_slice %arg9[%add3A_158, %dma_wait3A_173] : memref<10240x128xf32, #tpu.memory_space<vmem_shared>> -> memref<96x128xf32, #tpu.memory_space<vmem_shared>>
        %dma_wait3A_175 = arith.constant 0 : i32
        %dma_wait3A_176 = tpu.memref_slice %arg9[%add3A_158, %dma_wait3A_175] : memref<10240x128xf32, #tpu.memory_space<vmem_shared>> -> memref<96x128xf32, #tpu.memory_space<vmem_shared>>
        %dma_wait3A_177 = arith.constant 0 : i32
        %dma_wait3A_178 = arith.constant 0 : i32
        %dma_wait3A_179 = tpu.memref_slice %arg8[%dma_wait3A_177, %dma_wait3A_178] : memref<288x128xf32, #tpu.memory_space<vmem>> -> memref<96x128xf32, #tpu.memory_space<vmem>>
        tpu.wait_dma2 semaphore(%run_scoped3A_159 : memref<!tpu.dma_semaphore, #tpu.memory_space<semaphore_mem>>) src(%dma_wait3A_179 : memref<96x128xf32, #tpu.memory_space<vmem>>) dst(%dma_wait3A_176 : memref<96x128xf32, #tpu.memory_space<vmem_shared>>)
        tpu.yield
      }) : () -> ()
    }
    %scan3A_14 = arith.constant 6 : i32
    %mul3A_15 = arith.constant 640 : i32
    %mul3A_16 = arith.muli %arg1, %mul3A_15 : i32
    %add3A_17 = arith.constant 576 : i32
    %add3A_18 = arith.addi %mul3A_16, %add3A_17 : i32
    "tpu.region"() ({
      %run_scoped3A_153 = tpu.sem_alloc : memref<!tpu.dma_semaphore, #tpu.memory_space<semaphore_mem>>
      %dma_start3A_154 = arith.constant 0 : i32
      %dma_start3A_155 = arith.constant 0 : i32
      %dma_start3A_156 = tpu.memref_slice %arg8[%dma_start3A_154, %dma_start3A_155] : memref<288x128xf32, #tpu.memory_space<vmem>> -> memref<64x128xf32, #tpu.memory_space<vmem>>
      %dma_start3A_157 = arith.constant 0 : i32
      %dma_start3A_158 = tpu.memref_slice %arg9[%add3A_18, %dma_start3A_157] : memref<10240x128xf32, #tpu.memory_space<vmem_shared>> -> memref<64x128xf32, #tpu.memory_space<vmem_shared>>
      %dma_start3A_159 = arith.constant 0 : i32
      %dma_start3A_160 = tpu.memref_slice %arg9[%add3A_18, %dma_start3A_159] : memref<10240x128xf32, #tpu.memory_space<vmem_shared>> -> memref<64x128xf32, #tpu.memory_space<vmem_shared>>
      %dma_start3A_161 = arith.constant 0 : i32
      %dma_start3A_162 = arith.constant 0 : i32
      %dma_start3A_163 = tpu.memref_slice %arg8[%dma_start3A_161, %dma_start3A_162] : memref<288x128xf32, #tpu.memory_space<vmem>> -> memref<64x128xf32, #tpu.memory_space<vmem>>
      tpu.enqueue_dma source(%dma_start3A_163 : memref<64x128xf32, #tpu.memory_space<vmem>>) target(%dma_start3A_160 : memref<64x128xf32, #tpu.memory_space<vmem_shared>>) target_semaphore(%run_scoped3A_153 : memref<!tpu.dma_semaphore, #tpu.memory_space<semaphore_mem>>)
      %dma_wait3A_164 = arith.constant 0 : i32
      %dma_wait3A_165 = arith.constant 0 : i32
      %dma_wait3A_166 = tpu.memref_slice %arg8[%dma_wait3A_164, %dma_wait3A_165] : memref<288x128xf32, #tpu.memory_space<vmem>> -> memref<64x128xf32, #tpu.memory_space<vmem>>
      %dma_wait3A_167 = arith.constant 0 : i32
      %dma_wait3A_168 = tpu.memref_slice %arg9[%add3A_18, %dma_wait3A_167] : memref<10240x128xf32, #tpu.memory_space<vmem_shared>> -> memref<64x128xf32, #tpu.memory_space<vmem_shared>>
      %dma_wait3A_169 = arith.constant 0 : i32
      %dma_wait3A_170 = tpu.memref_slice %arg9[%add3A_18, %dma_wait3A_169] : memref<10240x128xf32, #tpu.memory_space<vmem_shared>> -> memref<64x128xf32, #tpu.memory_space<vmem_shared>>
      %dma_wait3A_171 = arith.constant 0 : i32
      %dma_wait3A_172 = arith.constant 0 : i32
      %dma_wait3A_173 = tpu.memref_slice %arg8[%dma_wait3A_171, %dma_wait3A_172] : memref<288x128xf32, #tpu.memory_space<vmem>> -> memref<64x128xf32, #tpu.memory_space<vmem>>
      tpu.wait_dma2 semaphore(%run_scoped3A_153 : memref<!tpu.dma_semaphore, #tpu.memory_space<semaphore_mem>>) src(%dma_wait3A_173 : memref<64x128xf32, #tpu.memory_space<vmem>>) dst(%dma_wait3A_170 : memref<64x128xf32, #tpu.memory_space<vmem_shared>>)
      tpu.yield
    }) : () -> ()
    "tpu.region"() ({
      %run_scoped3A_153 = tpu.sem_alloc : memref<!tpu.dma_semaphore, #tpu.memory_space<semaphore_mem>>
      %dma_start3A_154 = tpu.memref_slice %arg3[%mul3A_2] : memref<322560xi32, #tpu.memory_space<hbm>> -> memref<10080xi32, #tpu.memory_space<hbm>>
      %dma_start3A_155 = tpu.memref_slice %arg3[%mul3A_2] : memref<322560xi32, #tpu.memory_space<hbm>> -> memref<10080xi32, #tpu.memory_space<hbm>>
      tpu.enqueue_dma source(%dma_start3A_155 : memref<10080xi32, #tpu.memory_space<hbm>>) target(%arg6 : memref<10080xi32, #tpu.memory_space<vmem>>) target_semaphore(%run_scoped3A_153 : memref<!tpu.dma_semaphore, #tpu.memory_space<semaphore_mem>>)
      %dma_wait3A_156 = tpu.memref_slice %arg3[%mul3A_2] : memref<322560xi32, #tpu.memory_space<hbm>> -> memref<10080xi32, #tpu.memory_space<hbm>>
      %dma_wait3A_157 = tpu.memref_slice %arg3[%mul3A_2] : memref<322560xi32, #tpu.memory_space<hbm>> -> memref<10080xi32, #tpu.memory_space<hbm>>
      tpu.wait_dma2 semaphore(%run_scoped3A_153 : memref<!tpu.dma_semaphore, #tpu.memory_space<semaphore_mem>>) src(%dma_wait3A_157 : memref<10080xi32, #tpu.memory_space<hbm>>) dst(%arg6 : memref<10080xi32, #tpu.memory_space<vmem>>)
      tpu.yield
    }) : () -> ()
    %add3A_19 = arith.constant 0 : i32
    %add3A_20 = arith.addi %mul3A_2, %add3A_19 : i32
    %dma_start3A = arith.constant 0 : i32
    %dma_start3A_21 = arith.constant 0 : i32
    %dma_start3A_22 = tpu.memref_slice %arg7[%dma_start3A, %dma_start3A_21] : memref<3x96xi32, #tpu.memory_space<vmem>> -> memref<1x96xi32, #tpu.memory_space<vmem>>
    %dma_start3A_23 = tpu.memref_squeeze %dma_start3A_22 : memref<1x96xi32, #tpu.memory_space<vmem>> -> memref<96xi32, #tpu.memory_space<vmem>>
    %dma_start3A_24 = tpu.memref_slice %arg4[%add3A_20] : memref<322560xi32, #tpu.memory_space<hbm>> -> memref<96xi32, #tpu.memory_space<hbm>>
    %dma_start3A_25 = arith.constant 0 : i32
    %dma_start3A_26 = tpu.memref_slice %arg7[%dma_start3A, %dma_start3A_25] : memref<3x96xi32, #tpu.memory_space<vmem>> -> memref<1x96xi32, #tpu.memory_space<vmem>>
    %dma_start3A_27 = tpu.memref_squeeze %dma_start3A_26 : memref<1x96xi32, #tpu.memory_space<vmem>> -> memref<96xi32, #tpu.memory_space<vmem>>
    %dma_start3A_28 = tpu.memref_slice %arg4[%add3A_20] : memref<322560xi32, #tpu.memory_space<hbm>> -> memref<96xi32, #tpu.memory_space<hbm>>
    tpu.enqueue_dma source(%dma_start3A_28 : memref<96xi32, #tpu.memory_space<hbm>>) target(%dma_start3A_27 : memref<96xi32, #tpu.memory_space<vmem>>) target_semaphore(%arg10 : memref<!tpu.dma_semaphore, #tpu.memory_space<semaphore_mem>>)
    %dma_start3A_29 = arith.constant 0 : i32
    %dma_start3A_30 = arith.constant 0 : i32
    %dma_start3A_31 = tpu.memref_slice %arg8[%dma_start3A_29, %dma_start3A_30] : memref<288x128xf32, #tpu.memory_space<vmem>> -> memref<96x128xf32, #tpu.memory_space<vmem>>
    %dma_start3A_32 = arith.constant 0 : i32
    %dma_start3A_33 = tpu.memref_slice %arg6[%dma_start3A_32] : memref<10080xi32, #tpu.memory_space<vmem>> -> memref<96xi32, #tpu.memory_space<vmem>>
    %dma_start3A_34 = arith.constant 0 : i32
    %dma_start3A_35 = arith.constant 0 : i32
    %dma_start3A_36 = tpu.memref_slice %arg2[%dma_start3A_34, %dma_start3A_35] : memref<10240x128xf32, #tpu.memory_space<hbm>> -> memref<10240x128xf32, #tpu.memory_space<hbm>>
    tpu.enqueue_indirect_dma source(%dma_start3A_36 : memref<10240x128xf32, #tpu.memory_space<hbm>>) target(%dma_start3A_31 : memref<96x128xf32, #tpu.memory_space<vmem>>) offsets(%dma_start3A_33 : memref<96xi32, #tpu.memory_space<vmem>>) semaphore(%arg10 : memref<!tpu.dma_semaphore, #tpu.memory_space<semaphore_mem>>)
    %add3A_37 = arith.constant 96 : i32
    %add3A_38 = arith.addi %mul3A_2, %add3A_37 : i32
    %dma_start3A_39 = arith.constant 1 : i32
    %dma_start3A_40 = arith.constant 0 : i32
    %dma_start3A_41 = tpu.memref_slice %arg7[%dma_start3A_39, %dma_start3A_40] : memref<3x96xi32, #tpu.memory_space<vmem>> -> memref<1x96xi32, #tpu.memory_space<vmem>>
    %dma_start3A_42 = tpu.memref_squeeze %dma_start3A_41 : memref<1x96xi32, #tpu.memory_space<vmem>> -> memref<96xi32, #tpu.memory_space<vmem>>
    %dma_start3A_43 = tpu.memref_slice %arg4[%add3A_38] : memref<322560xi32, #tpu.memory_space<hbm>> -> memref<96xi32, #tpu.memory_space<hbm>>
    %dma_start3A_44 = arith.constant 0 : i32
    %dma_start3A_45 = tpu.memref_slice %arg7[%dma_start3A_39, %dma_start3A_44] : memref<3x96xi32, #tpu.memory_space<vmem>> -> memref<1x96xi32, #tpu.memory_space<vmem>>
    %dma_start3A_46 = tpu.memref_squeeze %dma_start3A_45 : memref<1x96xi32, #tpu.memory_space<vmem>> -> memref<96xi32, #tpu.memory_space<vmem>>
    %dma_start3A_47 = tpu.memref_slice %arg4[%add3A_38] : memref<322560xi32, #tpu.memory_space<hbm>> -> memref<96xi32, #tpu.memory_space<hbm>>
    tpu.enqueue_dma source(%dma_start3A_47 : memref<96xi32, #tpu.memory_space<hbm>>) target(%dma_start3A_46 : memref<96xi32, #tpu.memory_space<vmem>>) target_semaphore(%arg11 : memref<!tpu.dma_semaphore, #tpu.memory_space<semaphore_mem>>)
    %dma_start3A_48 = arith.constant 96 : i32
    %dma_start3A_49 = arith.constant 0 : i32
    %dma_start3A_50 = tpu.memref_slice %arg8[%dma_start3A_48, %dma_start3A_49] : memref<288x128xf32, #tpu.memory_space<vmem>> -> memref<96x128xf32, #tpu.memory_space<vmem>>
    %dma_start3A_51 = arith.constant 96 : i32
    %dma_start3A_52 = tpu.memref_slice %arg6[%dma_start3A_51] : memref<10080xi32, #tpu.memory_space<vmem>> -> memref<96xi32, #tpu.memory_space<vmem>>
    %dma_start3A_53 = arith.constant 0 : i32
    %dma_start3A_54 = arith.constant 0 : i32
    %dma_start3A_55 = tpu.memref_slice %arg2[%dma_start3A_53, %dma_start3A_54] : memref<10240x128xf32, #tpu.memory_space<hbm>> -> memref<10240x128xf32, #tpu.memory_space<hbm>>
    tpu.enqueue_indirect_dma source(%dma_start3A_55 : memref<10240x128xf32, #tpu.memory_space<hbm>>) target(%dma_start3A_50 : memref<96x128xf32, #tpu.memory_space<vmem>>) offsets(%dma_start3A_52 : memref<96xi32, #tpu.memory_space<vmem>>) semaphore(%arg11 : memref<!tpu.dma_semaphore, #tpu.memory_space<semaphore_mem>>)
    %add3A_56 = arith.constant 192 : i32
    %add3A_57 = arith.addi %mul3A_2, %add3A_56 : i32
    %dma_start3A_58 = arith.constant 2 : i32
    %dma_start3A_59 = arith.constant 0 : i32
    %dma_start3A_60 = tpu.memref_slice %arg7[%dma_start3A_58, %dma_start3A_59] : memref<3x96xi32, #tpu.memory_space<vmem>> -> memref<1x96xi32, #tpu.memory_space<vmem>>
    %dma_start3A_61 = tpu.memref_squeeze %dma_start3A_60 : memref<1x96xi32, #tpu.memory_space<vmem>> -> memref<96xi32, #tpu.memory_space<vmem>>
    %dma_start3A_62 = tpu.memref_slice %arg4[%add3A_57] : memref<322560xi32, #tpu.memory_space<hbm>> -> memref<96xi32, #tpu.memory_space<hbm>>
    %dma_start3A_63 = arith.constant 0 : i32
    %dma_start3A_64 = tpu.memref_slice %arg7[%dma_start3A_58, %dma_start3A_63] : memref<3x96xi32, #tpu.memory_space<vmem>> -> memref<1x96xi32, #tpu.memory_space<vmem>>
    %dma_start3A_65 = tpu.memref_squeeze %dma_start3A_64 : memref<1x96xi32, #tpu.memory_space<vmem>> -> memref<96xi32, #tpu.memory_space<vmem>>
    %dma_start3A_66 = tpu.memref_slice %arg4[%add3A_57] : memref<322560xi32, #tpu.memory_space<hbm>> -> memref<96xi32, #tpu.memory_space<hbm>>
    tpu.enqueue_dma source(%dma_start3A_66 : memref<96xi32, #tpu.memory_space<hbm>>) target(%dma_start3A_65 : memref<96xi32, #tpu.memory_space<vmem>>) target_semaphore(%arg12 : memref<!tpu.dma_semaphore, #tpu.memory_space<semaphore_mem>>)
    %dma_start3A_67 = arith.constant 192 : i32
    %dma_start3A_68 = arith.constant 0 : i32
    %dma_start3A_69 = tpu.memref_slice %arg8[%dma_start3A_67, %dma_start3A_68] : memref<288x128xf32, #tpu.memory_space<vmem>> -> memref<96x128xf32, #tpu.memory_space<vmem>>
    %dma_start3A_70 = arith.constant 192 : i32
    %dma_start3A_71 = tpu.memref_slice %arg6[%dma_start3A_70] : memref<10080xi32, #tpu.memory_space<vmem>> -> memref<96xi32, #tpu.memory_space<vmem>>
    %dma_start3A_72 = arith.constant 0 : i32
    %dma_start3A_73 = arith.constant 0 : i32
    %dma_start3A_74 = tpu.memref_slice %arg2[%dma_start3A_72, %dma_start3A_73] : memref<10240x128xf32, #tpu.memory_space<hbm>> -> memref<10240x128xf32, #tpu.memory_space<hbm>>
    tpu.enqueue_indirect_dma source(%dma_start3A_74 : memref<10240x128xf32, #tpu.memory_space<hbm>>) target(%dma_start3A_69 : memref<96x128xf32, #tpu.memory_space<vmem>>) offsets(%dma_start3A_71 : memref<96xi32, #tpu.memory_space<vmem>>) semaphore(%arg12 : memref<!tpu.dma_semaphore, #tpu.memory_space<semaphore_mem>>)
    %barrier3A = arith.constant 0 : index
    tpu.barrier barrier_id(%barrier3A)
    %scan3A_75 = arith.constant 0 : i32
    %scan3A_76 = arith.constant 0 : i32
    %scan3A_77 = arith.constant 34 : i32
    %scan3A_78 = arith.addi %scan3A_76, %scan3A_77 : i32
    %scan3A_79 = arith.constant 1 : i32
    scf.for %scan3A_153 = %scan3A_76 to %scan3A_78 step %scan3A_79  : i32 {
      %dma_wait3A_154 = arith.constant 0 : i32
      %dma_wait3A_155 = arith.constant 0 : i32
      %dma_wait3A_156 = tpu.memref_slice %arg7[%dma_wait3A_154, %dma_wait3A_155] : memref<3x96xi32, #tpu.memory_space<vmem>> -> memref<1x96xi32, #tpu.memory_space<vmem>>
      %dma_wait3A_157 = tpu.memref_squeeze %dma_wait3A_156 : memref<1x96xi32, #tpu.memory_space<vmem>> -> memref<96xi32, #tpu.memory_space<vmem>>
      %dma_wait3A_158 = tpu.memref_slice %arg4[%mul3A_2] : memref<322560xi32, #tpu.memory_space<hbm>> -> memref<96xi32, #tpu.memory_space<hbm>>
      %dma_wait3A_159 = arith.constant 0 : i32
      %dma_wait3A_160 = tpu.memref_slice %arg7[%dma_wait3A_154, %dma_wait3A_159] : memref<3x96xi32, #tpu.memory_space<vmem>> -> memref<1x96xi32, #tpu.memory_space<vmem>>
      %dma_wait3A_161 = tpu.memref_squeeze %dma_wait3A_160 : memref<1x96xi32, #tpu.memory_space<vmem>> -> memref<96xi32, #tpu.memory_space<vmem>>
      %dma_wait3A_162 = tpu.memref_slice %arg4[%mul3A_2] : memref<322560xi32, #tpu.memory_space<hbm>> -> memref<96xi32, #tpu.memory_space<hbm>>
      tpu.wait_dma2 semaphore(%arg10 : memref<!tpu.dma_semaphore, #tpu.memory_space<semaphore_mem>>) src(%dma_wait3A_162 : memref<96xi32, #tpu.memory_space<hbm>>) dst(%dma_wait3A_161 : memref<96xi32, #tpu.memory_space<vmem>>)
      %dma_wait3A_163 = arith.constant 0 : i32
      %dma_wait3A_164 = arith.constant 0 : i32
      %dma_wait3A_165 = tpu.memref_slice %arg8[%dma_wait3A_163, %dma_wait3A_164] : memref<288x128xf32, #tpu.memory_space<vmem>> -> memref<96x128xf32, #tpu.memory_space<vmem>>
      %dma_wait3A_166 = arith.constant 0 : i32
      %dma_wait3A_167 = arith.constant 0 : i32
      %dma_wait3A_168 = tpu.memref_slice %arg2[%dma_wait3A_166, %dma_wait3A_167] : memref<10240x128xf32, #tpu.memory_space<hbm>> -> memref<96x128xf32, #tpu.memory_space<hbm>>
      %dma_wait3A_169 = arith.constant 0 : i32
      %dma_wait3A_170 = arith.constant 0 : i32
      %dma_wait3A_171 = tpu.memref_slice %arg8[%dma_wait3A_169, %dma_wait3A_170] : memref<288x128xf32, #tpu.memory_space<vmem>> -> memref<96x128xf32, #tpu.memory_space<vmem>>
      %dma_wait3A_172 = arith.constant 0 : i32
      %dma_wait3A_173 = arith.constant 0 : i32
      %dma_wait3A_174 = tpu.memref_slice %arg2[%dma_wait3A_172, %dma_wait3A_173] : memref<10240x128xf32, #tpu.memory_space<hbm>> -> memref<96x128xf32, #tpu.memory_space<hbm>>
      tpu.wait_dma2 semaphore(%arg10 : memref<!tpu.dma_semaphore, #tpu.memory_space<semaphore_mem>>) src(%dma_wait3A_174 : memref<96x128xf32, #tpu.memory_space<hbm>>) dst(%dma_wait3A_171 : memref<96x128xf32, #tpu.memory_space<vmem>>)
      %run_scoped3A_175 = arith.constant 0 : i32
      "tpu.region"() ({
        %run_scoped3A_301 = tpu.sem_alloc : memref<!tpu.dma_semaphore, #tpu.memory_space<semaphore_mem>>
        %dma_start3A_302 = arith.constant 0 : i32
        %dma_start3A_303 = arith.constant 0 : i32
        %dma_start3A_304 = tpu.memref_slice %arg8[%dma_start3A_302, %dma_start3A_303] : memref<288x128xf32, #tpu.memory_space<vmem>> -> memref<96x128xf32, #tpu.memory_space<vmem>>
        %dma_start3A_305 = arith.constant 0 : i32
        %dma_start3A_306 = tpu.memref_slice %arg7[%run_scoped3A_175, %dma_start3A_305] : memref<3x96xi32, #tpu.memory_space<vmem>> -> memref<1x96xi32, #tpu.memory_space<vmem>>
        %dma_start3A_307 = tpu.memref_squeeze %dma_start3A_306 : memref<1x96xi32, #tpu.memory_space<vmem>> -> memref<96xi32, #tpu.memory_space<vmem>>
        %dma_start3A_308 = arith.constant 0 : i32
        %dma_start3A_309 = arith.constant 0 : i32
        %dma_start3A_310 = tpu.memref_slice %arg9[%dma_start3A_308, %dma_start3A_309] : memref<10240x128xf32, #tpu.memory_space<vmem_shared>> -> memref<10240x128xf32, #tpu.memory_space<vmem_shared>>
        tpu.enqueue_indirect_dma source(%dma_start3A_304 : memref<96x128xf32, #tpu.memory_space<vmem>>) target(%dma_start3A_310 : memref<10240x128xf32, #tpu.memory_space<vmem_shared>>) offsets(%dma_start3A_307 : memref<96xi32, #tpu.memory_space<vmem>>) semaphore(%run_scoped3A_301 : memref<!tpu.dma_semaphore, #tpu.memory_space<semaphore_mem>>) {add = true}
        %dma_wait3A_311 = arith.constant 0 : i32
        %dma_wait3A_312 = arith.constant 0 : i32
        %dma_wait3A_313 = tpu.memref_slice %arg8[%dma_wait3A_311, %dma_wait3A_312] : memref<288x128xf32, #tpu.memory_space<vmem>> -> memref<96x128xf32, #tpu.memory_space<vmem>>
        %dma_wait3A_314 = arith.constant 0 : i32
        %dma_wait3A_315 = tpu.memref_slice %arg7[%run_scoped3A_175, %dma_wait3A_314] : memref<3x96xi32, #tpu.memory_space<vmem>> -> memref<1x96xi32, #tpu.memory_space<vmem>>
        %dma_wait3A_316 = tpu.memref_squeeze %dma_wait3A_315 : memref<1x96xi32, #tpu.memory_space<vmem>> -> memref<96xi32, #tpu.memory_space<vmem>>
        %dma_wait3A_317 = arith.constant 0 : i32
        %dma_wait3A_318 = arith.constant 0 : i32
        %dma_wait3A_319 = tpu.memref_slice %arg9[%dma_wait3A_317, %dma_wait3A_318] : memref<10240x128xf32, #tpu.memory_space<vmem_shared>> -> memref<10240x128xf32, #tpu.memory_space<vmem_shared>>
        tpu.wait_indirect_dma semaphore(%run_scoped3A_301 : memref<!tpu.dma_semaphore, #tpu.memory_space<semaphore_mem>>) src(%dma_wait3A_313 : memref<96x128xf32, #tpu.memory_space<vmem>>) dst(%dma_wait3A_319 : memref<10240x128xf32, #tpu.memory_space<vmem_shared>>)
        tpu.yield
      }) : () -> ()
      %mul3A_176 = arith.constant 3 : i32
      %mul3A_177 = arith.muli %scan3A_153, %mul3A_176 : i32
      %add3A_178 = arith.constant 0 : i32
      %add3A_179 = arith.addi %mul3A_177, %add3A_178 : i32
      %add3A_180 = arith.constant 3 : i32
      %add3A_181 = arith.addi %add3A_179, %add3A_180 : i32
      %mul3A_182 = arith.constant 96 : i32
      %mul3A_183 = arith.muli %add3A_181, %mul3A_182 : i32
      %add3A_184 = arith.addi %mul3A_2, %mul3A_183 : i32
      %dma_start3A_185 = arith.constant 0 : i32
      %dma_start3A_186 = arith.constant 0 : i32
      %dma_start3A_187 = tpu.memref_slice %arg7[%dma_start3A_185, %dma_start3A_186] : memref<3x96xi32, #tpu.memory_space<vmem>> -> memref<1x96xi32, #tpu.memory_space<vmem>>
      %dma_start3A_188 = tpu.memref_squeeze %dma_start3A_187 : memref<1x96xi32, #tpu.memory_space<vmem>> -> memref<96xi32, #tpu.memory_space<vmem>>
      %dma_start3A_189 = tpu.memref_slice %arg4[%add3A_184] : memref<322560xi32, #tpu.memory_space<hbm>> -> memref<96xi32, #tpu.memory_space<hbm>>
      %dma_start3A_190 = arith.constant 0 : i32
      %dma_start3A_191 = tpu.memref_slice %arg7[%dma_start3A_185, %dma_start3A_190] : memref<3x96xi32, #tpu.memory_space<vmem>> -> memref<1x96xi32, #tpu.memory_space<vmem>>
      %dma_start3A_192 = tpu.memref_squeeze %dma_start3A_191 : memref<1x96xi32, #tpu.memory_space<vmem>> -> memref<96xi32, #tpu.memory_space<vmem>>
      %dma_start3A_193 = tpu.memref_slice %arg4[%add3A_184] : memref<322560xi32, #tpu.memory_space<hbm>> -> memref<96xi32, #tpu.memory_space<hbm>>
      tpu.enqueue_dma source(%dma_start3A_193 : memref<96xi32, #tpu.memory_space<hbm>>) target(%dma_start3A_192 : memref<96xi32, #tpu.memory_space<vmem>>) target_semaphore(%arg10 : memref<!tpu.dma_semaphore, #tpu.memory_space<semaphore_mem>>)
      %mul3A_194 = arith.constant 96 : i32
      %mul3A_195 = arith.muli %add3A_181, %mul3A_194 : i32
      %dma_start3A_196 = arith.constant 0 : i32
      %dma_start3A_197 = arith.constant 0 : i32
      %dma_start3A_198 = tpu.memref_slice %arg8[%dma_start3A_196, %dma_start3A_197] : memref<288x128xf32, #tpu.memory_space<vmem>> -> memref<96x128xf32, #tpu.memory_space<vmem>>
      %dma_start3A_199 = tpu.memref_slice %arg6[%mul3A_195] : memref<10080xi32, #tpu.memory_space<vmem>> -> memref<96xi32, #tpu.memory_space<vmem>>
      %dma_start3A_200 = arith.constant 0 : i32
      %dma_start3A_201 = arith.constant 0 : i32
      %dma_start3A_202 = tpu.memref_slice %arg2[%dma_start3A_200, %dma_start3A_201] : memref<10240x128xf32, #tpu.memory_space<hbm>> -> memref<10240x128xf32, #tpu.memory_space<hbm>>
      tpu.enqueue_indirect_dma source(%dma_start3A_202 : memref<10240x128xf32, #tpu.memory_space<hbm>>) target(%dma_start3A_198 : memref<96x128xf32, #tpu.memory_space<vmem>>) offsets(%dma_start3A_199 : memref<96xi32, #tpu.memory_space<vmem>>) semaphore(%arg10 : memref<!tpu.dma_semaphore, #tpu.memory_space<semaphore_mem>>)
      %dma_wait3A_203 = arith.constant 1 : i32
      %dma_wait3A_204 = arith.constant 0 : i32
      %dma_wait3A_205 = tpu.memref_slice %arg7[%dma_wait3A_203, %dma_wait3A_204] : memref<3x96xi32, #tpu.memory_space<vmem>> -> memref<1x96xi32, #tpu.memory_space<vmem>>
      %dma_wait3A_206 = tpu.memref_squeeze %dma_wait3A_205 : memref<1x96xi32, #tpu.memory_space<vmem>> -> memref<96xi32, #tpu.memory_space<vmem>>
      %dma_wait3A_207 = tpu.memref_slice %arg4[%mul3A_2] : memref<322560xi32, #tpu.memory_space<hbm>> -> memref<96xi32, #tpu.memory_space<hbm>>
      %dma_wait3A_208 = arith.constant 0 : i32
      %dma_wait3A_209 = tpu.memref_slice %arg7[%dma_wait3A_203, %dma_wait3A_208] : memref<3x96xi32, #tpu.memory_space<vmem>> -> memref<1x96xi32, #tpu.memory_space<vmem>>
      %dma_wait3A_210 = tpu.memref_squeeze %dma_wait3A_209 : memref<1x96xi32, #tpu.memory_space<vmem>> -> memref<96xi32, #tpu.memory_space<vmem>>
      %dma_wait3A_211 = tpu.memref_slice %arg4[%mul3A_2] : memref<322560xi32, #tpu.memory_space<hbm>> -> memref<96xi32, #tpu.memory_space<hbm>>
      tpu.wait_dma2 semaphore(%arg11 : memref<!tpu.dma_semaphore, #tpu.memory_space<semaphore_mem>>) src(%dma_wait3A_211 : memref<96xi32, #tpu.memory_space<hbm>>) dst(%dma_wait3A_210 : memref<96xi32, #tpu.memory_space<vmem>>)
      %dma_wait3A_212 = arith.constant 96 : i32
      %dma_wait3A_213 = arith.constant 0 : i32
      %dma_wait3A_214 = tpu.memref_slice %arg8[%dma_wait3A_212, %dma_wait3A_213] : memref<288x128xf32, #tpu.memory_space<vmem>> -> memref<96x128xf32, #tpu.memory_space<vmem>>
      %dma_wait3A_215 = arith.constant 0 : i32
      %dma_wait3A_216 = arith.constant 0 : i32
      %dma_wait3A_217 = tpu.memref_slice %arg2[%dma_wait3A_215, %dma_wait3A_216] : memref<10240x128xf32, #tpu.memory_space<hbm>> -> memref<96x128xf32, #tpu.memory_space<hbm>>
      %dma_wait3A_218 = arith.constant 96 : i32
      %dma_wait3A_219 = arith.constant 0 : i32
      %dma_wait3A_220 = tpu.memref_slice %arg8[%dma_wait3A_218, %dma_wait3A_219] : memref<288x128xf32, #tpu.memory_space<vmem>> -> memref<96x128xf32, #tpu.memory_space<vmem>>
      %dma_wait3A_221 = arith.constant 0 : i32
      %dma_wait3A_222 = arith.constant 0 : i32
      %dma_wait3A_223 = tpu.memref_slice %arg2[%dma_wait3A_221, %dma_wait3A_222] : memref<10240x128xf32, #tpu.memory_space<hbm>> -> memref<96x128xf32, #tpu.memory_space<hbm>>
      tpu.wait_dma2 semaphore(%arg11 : memref<!tpu.dma_semaphore, #tpu.memory_space<semaphore_mem>>) src(%dma_wait3A_223 : memref<96x128xf32, #tpu.memory_space<hbm>>) dst(%dma_wait3A_220 : memref<96x128xf32, #tpu.memory_space<vmem>>)
      %run_scoped3A_224 = arith.constant 1 : i32
      "tpu.region"() ({
        %run_scoped3A_301 = tpu.sem_alloc : memref<!tpu.dma_semaphore, #tpu.memory_space<semaphore_mem>>
        %dma_start3A_302 = arith.constant 96 : i32
        %dma_start3A_303 = arith.constant 0 : i32
        %dma_start3A_304 = tpu.memref_slice %arg8[%dma_start3A_302, %dma_start3A_303] : memref<288x128xf32, #tpu.memory_space<vmem>> -> memref<96x128xf32, #tpu.memory_space<vmem>>
        %dma_start3A_305 = arith.constant 0 : i32
        %dma_start3A_306 = tpu.memref_slice %arg7[%run_scoped3A_224, %dma_start3A_305] : memref<3x96xi32, #tpu.memory_space<vmem>> -> memref<1x96xi32, #tpu.memory_space<vmem>>
        %dma_start3A_307 = tpu.memref_squeeze %dma_start3A_306 : memref<1x96xi32, #tpu.memory_space<vmem>> -> memref<96xi32, #tpu.memory_space<vmem>>
        %dma_start3A_308 = arith.constant 0 : i32
        %dma_start3A_309 = arith.constant 0 : i32
        %dma_start3A_310 = tpu.memref_slice %arg9[%dma_start3A_308, %dma_start3A_309] : memref<10240x128xf32, #tpu.memory_space<vmem_shared>> -> memref<10240x128xf32, #tpu.memory_space<vmem_shared>>
        tpu.enqueue_indirect_dma source(%dma_start3A_304 : memref<96x128xf32, #tpu.memory_space<vmem>>) target(%dma_start3A_310 : memref<10240x128xf32, #tpu.memory_space<vmem_shared>>) offsets(%dma_start3A_307 : memref<96xi32, #tpu.memory_space<vmem>>) semaphore(%run_scoped3A_301 : memref<!tpu.dma_semaphore, #tpu.memory_space<semaphore_mem>>) {add = true}
        %dma_wait3A_311 = arith.constant 96 : i32
        %dma_wait3A_312 = arith.constant 0 : i32
        %dma_wait3A_313 = tpu.memref_slice %arg8[%dma_wait3A_311, %dma_wait3A_312] : memref<288x128xf32, #tpu.memory_space<vmem>> -> memref<96x128xf32, #tpu.memory_space<vmem>>
        %dma_wait3A_314 = arith.constant 0 : i32
        %dma_wait3A_315 = tpu.memref_slice %arg7[%run_scoped3A_224, %dma_wait3A_314] : memref<3x96xi32, #tpu.memory_space<vmem>> -> memref<1x96xi32, #tpu.memory_space<vmem>>
        %dma_wait3A_316 = tpu.memref_squeeze %dma_wait3A_315 : memref<1x96xi32, #tpu.memory_space<vmem>> -> memref<96xi32, #tpu.memory_space<vmem>>
        %dma_wait3A_317 = arith.constant 0 : i32
        %dma_wait3A_318 = arith.constant 0 : i32
        %dma_wait3A_319 = tpu.memref_slice %arg9[%dma_wait3A_317, %dma_wait3A_318] : memref<10240x128xf32, #tpu.memory_space<vmem_shared>> -> memref<10240x128xf32, #tpu.memory_space<vmem_shared>>
        tpu.wait_indirect_dma semaphore(%run_scoped3A_301 : memref<!tpu.dma_semaphore, #tpu.memory_space<semaphore_mem>>) src(%dma_wait3A_313 : memref<96x128xf32, #tpu.memory_space<vmem>>) dst(%dma_wait3A_319 : memref<10240x128xf32, #tpu.memory_space<vmem_shared>>)
        tpu.yield
      }) : () -> ()
      %mul3A_225 = arith.constant 3 : i32
      %mul3A_226 = arith.muli %scan3A_153, %mul3A_225 : i32
      %add3A_227 = arith.constant 1 : i32
      %add3A_228 = arith.addi %mul3A_226, %add3A_227 : i32
      %add3A_229 = arith.constant 3 : i32
      %add3A_230 = arith.addi %add3A_228, %add3A_229 : i32
      %mul3A_231 = arith.constant 96 : i32
      %mul3A_232 = arith.muli %add3A_230, %mul3A_231 : i32
      %add3A_233 = arith.addi %mul3A_2, %mul3A_232 : i32
      %dma_start3A_234 = arith.constant 1 : i32
      %dma_start3A_235 = arith.constant 0 : i32
      %dma_start3A_236 = tpu.memref_slice %arg7[%dma_start3A_234, %dma_start3A_235] : memref<3x96xi32, #tpu.memory_space<vmem>> -> memref<1x96xi32, #tpu.memory_space<vmem>>
      %dma_start3A_237 = tpu.memref_squeeze %dma_start3A_236 : memref<1x96xi32, #tpu.memory_space<vmem>> -> memref<96xi32, #tpu.memory_space<vmem>>
      %dma_start3A_238 = tpu.memref_slice %arg4[%add3A_233] : memref<322560xi32, #tpu.memory_space<hbm>> -> memref<96xi32, #tpu.memory_space<hbm>>
      %dma_start3A_239 = arith.constant 0 : i32
      %dma_start3A_240 = tpu.memref_slice %arg7[%dma_start3A_234, %dma_start3A_239] : memref<3x96xi32, #tpu.memory_space<vmem>> -> memref<1x96xi32, #tpu.memory_space<vmem>>
      %dma_start3A_241 = tpu.memref_squeeze %dma_start3A_240 : memref<1x96xi32, #tpu.memory_space<vmem>> -> memref<96xi32, #tpu.memory_space<vmem>>
      %dma_start3A_242 = tpu.memref_slice %arg4[%add3A_233] : memref<322560xi32, #tpu.memory_space<hbm>> -> memref<96xi32, #tpu.memory_space<hbm>>
      tpu.enqueue_dma source(%dma_start3A_242 : memref<96xi32, #tpu.memory_space<hbm>>) target(%dma_start3A_241 : memref<96xi32, #tpu.memory_space<vmem>>) target_semaphore(%arg11 : memref<!tpu.dma_semaphore, #tpu.memory_space<semaphore_mem>>)
      %mul3A_243 = arith.constant 96 : i32
      %mul3A_244 = arith.muli %add3A_230, %mul3A_243 : i32
      %dma_start3A_245 = arith.constant 96 : i32
      %dma_start3A_246 = arith.constant 0 : i32
      %dma_start3A_247 = tpu.memref_slice %arg8[%dma_start3A_245, %dma_start3A_246] : memref<288x128xf32, #tpu.memory_space<vmem>> -> memref<96x128xf32, #tpu.memory_space<vmem>>
      %dma_start3A_248 = tpu.memref_slice %arg6[%mul3A_244] : memref<10080xi32, #tpu.memory_space<vmem>> -> memref<96xi32, #tpu.memory_space<vmem>>
      %dma_start3A_249 = arith.constant 0 : i32
      %dma_start3A_250 = arith.constant 0 : i32
      %dma_start3A_251 = tpu.memref_slice %arg2[%dma_start3A_249, %dma_start3A_250] : memref<10240x128xf32, #tpu.memory_space<hbm>> -> memref<10240x128xf32, #tpu.memory_space<hbm>>
      tpu.enqueue_indirect_dma source(%dma_start3A_251 : memref<10240x128xf32, #tpu.memory_space<hbm>>) target(%dma_start3A_247 : memref<96x128xf32, #tpu.memory_space<vmem>>) offsets(%dma_start3A_248 : memref<96xi32, #tpu.memory_space<vmem>>) semaphore(%arg11 : memref<!tpu.dma_semaphore, #tpu.memory_space<semaphore_mem>>)
      %dma_wait3A_252 = arith.constant 2 : i32
      %dma_wait3A_253 = arith.constant 0 : i32
      %dma_wait3A_254 = tpu.memref_slice %arg7[%dma_wait3A_252, %dma_wait3A_253] : memref<3x96xi32, #tpu.memory_space<vmem>> -> memref<1x96xi32, #tpu.memory_space<vmem>>
      %dma_wait3A_255 = tpu.memref_squeeze %dma_wait3A_254 : memref<1x96xi32, #tpu.memory_space<vmem>> -> memref<96xi32, #tpu.memory_space<vmem>>
      %dma_wait3A_256 = tpu.memref_slice %arg4[%mul3A_2] : memref<322560xi32, #tpu.memory_space<hbm>> -> memref<96xi32, #tpu.memory_space<hbm>>
      %dma_wait3A_257 = arith.constant 0 : i32
      %dma_wait3A_258 = tpu.memref_slice %arg7[%dma_wait3A_252, %dma_wait3A_257] : memref<3x96xi32, #tpu.memory_space<vmem>> -> memref<1x96xi32, #tpu.memory_space<vmem>>
      %dma_wait3A_259 = tpu.memref_squeeze %dma_wait3A_258 : memref<1x96xi32, #tpu.memory_space<vmem>> -> memref<96xi32, #tpu.memory_space<vmem>>
      %dma_wait3A_260 = tpu.memref_slice %arg4[%mul3A_2] : memref<322560xi32, #tpu.memory_space<hbm>> -> memref<96xi32, #tpu.memory_space<hbm>>
      tpu.wait_dma2 semaphore(%arg12 : memref<!tpu.dma_semaphore, #tpu.memory_space<semaphore_mem>>) src(%dma_wait3A_260 : memref<96xi32, #tpu.memory_space<hbm>>) dst(%dma_wait3A_259 : memref<96xi32, #tpu.memory_space<vmem>>)
      %dma_wait3A_261 = arith.constant 192 : i32
      %dma_wait3A_262 = arith.constant 0 : i32
      %dma_wait3A_263 = tpu.memref_slice %arg8[%dma_wait3A_261, %dma_wait3A_262] : memref<288x128xf32, #tpu.memory_space<vmem>> -> memref<96x128xf32, #tpu.memory_space<vmem>>
      %dma_wait3A_264 = arith.constant 0 : i32
      %dma_wait3A_265 = arith.constant 0 : i32
      %dma_wait3A_266 = tpu.memref_slice %arg2[%dma_wait3A_264, %dma_wait3A_265] : memref<10240x128xf32, #tpu.memory_space<hbm>> -> memref<96x128xf32, #tpu.memory_space<hbm>>
      %dma_wait3A_267 = arith.constant 192 : i32
      %dma_wait3A_268 = arith.constant 0 : i32
      %dma_wait3A_269 = tpu.memref_slice %arg8[%dma_wait3A_267, %dma_wait3A_268] : memref<288x128xf32, #tpu.memory_space<vmem>> -> memref<96x128xf32, #tpu.memory_space<vmem>>
      %dma_wait3A_270 = arith.constant 0 : i32
      %dma_wait3A_271 = arith.constant 0 : i32
      %dma_wait3A_272 = tpu.memref_slice %arg2[%dma_wait3A_270, %dma_wait3A_271] : memref<10240x128xf32, #tpu.memory_space<hbm>> -> memref<96x128xf32, #tpu.memory_space<hbm>>
      tpu.wait_dma2 semaphore(%arg12 : memref<!tpu.dma_semaphore, #tpu.memory_space<semaphore_mem>>) src(%dma_wait3A_272 : memref<96x128xf32, #tpu.memory_space<hbm>>) dst(%dma_wait3A_269 : memref<96x128xf32, #tpu.memory_space<vmem>>)
      %run_scoped3A_273 = arith.constant 2 : i32
      "tpu.region"() ({
        %run_scoped3A_301 = tpu.sem_alloc : memref<!tpu.dma_semaphore, #tpu.memory_space<semaphore_mem>>
        %dma_start3A_302 = arith.constant 192 : i32
        %dma_start3A_303 = arith.constant 0 : i32
        %dma_start3A_304 = tpu.memref_slice %arg8[%dma_start3A_302, %dma_start3A_303] : memref<288x128xf32, #tpu.memory_space<vmem>> -> memref<96x128xf32, #tpu.memory_space<vmem>>
        %dma_start3A_305 = arith.constant 0 : i32
        %dma_start3A_306 = tpu.memref_slice %arg7[%run_scoped3A_273, %dma_start3A_305] : memref<3x96xi32, #tpu.memory_space<vmem>> -> memref<1x96xi32, #tpu.memory_space<vmem>>
        %dma_start3A_307 = tpu.memref_squeeze %dma_start3A_306 : memref<1x96xi32, #tpu.memory_space<vmem>> -> memref<96xi32, #tpu.memory_space<vmem>>
        %dma_start3A_308 = arith.constant 0 : i32
        %dma_start3A_309 = arith.constant 0 : i32
        %dma_start3A_310 = tpu.memref_slice %arg9[%dma_start3A_308, %dma_start3A_309] : memref<10240x128xf32, #tpu.memory_space<vmem_shared>> -> memref<10240x128xf32, #tpu.memory_space<vmem_shared>>
        tpu.enqueue_indirect_dma source(%dma_start3A_304 : memref<96x128xf32, #tpu.memory_space<vmem>>) target(%dma_start3A_310 : memref<10240x128xf32, #tpu.memory_space<vmem_shared>>) offsets(%dma_start3A_307 : memref<96xi32, #tpu.memory_space<vmem>>) semaphore(%run_scoped3A_301 : memref<!tpu.dma_semaphore, #tpu.memory_space<semaphore_mem>>) {add = true}
        %dma_wait3A_311 = arith.constant 192 : i32
        %dma_wait3A_312 = arith.constant 0 : i32
        %dma_wait3A_313 = tpu.memref_slice %arg8[%dma_wait3A_311, %dma_wait3A_312] : memref<288x128xf32, #tpu.memory_space<vmem>> -> memref<96x128xf32, #tpu.memory_space<vmem>>
        %dma_wait3A_314 = arith.constant 0 : i32
        %dma_wait3A_315 = tpu.memref_slice %arg7[%run_scoped3A_273, %dma_wait3A_314] : memref<3x96xi32, #tpu.memory_space<vmem>> -> memref<1x96xi32, #tpu.memory_space<vmem>>
        %dma_wait3A_316 = tpu.memref_squeeze %dma_wait3A_315 : memref<1x96xi32, #tpu.memory_space<vmem>> -> memref<96xi32, #tpu.memory_space<vmem>>
        %dma_wait3A_317 = arith.constant 0 : i32
        %dma_wait3A_318 = arith.constant 0 : i32
        %dma_wait3A_319 = tpu.memref_slice %arg9[%dma_wait3A_317, %dma_wait3A_318] : memref<10240x128xf32, #tpu.memory_space<vmem_shared>> -> memref<10240x128xf32, #tpu.memory_space<vmem_shared>>
        tpu.wait_indirect_dma semaphore(%run_scoped3A_301 : memref<!tpu.dma_semaphore, #tpu.memory_space<semaphore_mem>>) src(%dma_wait3A_313 : memref<96x128xf32, #tpu.memory_space<vmem>>) dst(%dma_wait3A_319 : memref<10240x128xf32, #tpu.memory_space<vmem_shared>>)
        tpu.yield
      }) : () -> ()
      %mul3A_274 = arith.constant 3 : i32
      %mul3A_275 = arith.muli %scan3A_153, %mul3A_274 : i32
      %add3A_276 = arith.constant 2 : i32
      %add3A_277 = arith.addi %mul3A_275, %add3A_276 : i32
      %add3A_278 = arith.constant 3 : i32
      %add3A_279 = arith.addi %add3A_277, %add3A_278 : i32
      %mul3A_280 = arith.constant 96 : i32
      %mul3A_281 = arith.muli %add3A_279, %mul3A_280 : i32
      %add3A_282 = arith.addi %mul3A_2, %mul3A_281 : i32
      %dma_start3A_283 = arith.constant 2 : i32
      %dma_start3A_284 = arith.constant 0 : i32
      %dma_start3A_285 = tpu.memref_slice %arg7[%dma_start3A_283, %dma_start3A_284] : memref<3x96xi32, #tpu.memory_space<vmem>> -> memref<1x96xi32, #tpu.memory_space<vmem>>
      %dma_start3A_286 = tpu.memref_squeeze %dma_start3A_285 : memref<1x96xi32, #tpu.memory_space<vmem>> -> memref<96xi32, #tpu.memory_space<vmem>>
      %dma_start3A_287 = tpu.memref_slice %arg4[%add3A_282] : memref<322560xi32, #tpu.memory_space<hbm>> -> memref<96xi32, #tpu.memory_space<hbm>>
      %dma_start3A_288 = arith.constant 0 : i32
      %dma_start3A_289 = tpu.memref_slice %arg7[%dma_start3A_283, %dma_start3A_288] : memref<3x96xi32, #tpu.memory_space<vmem>> -> memref<1x96xi32, #tpu.memory_space<vmem>>
      %dma_start3A_290 = tpu.memref_squeeze %dma_start3A_289 : memref<1x96xi32, #tpu.memory_space<vmem>> -> memref<96xi32, #tpu.memory_space<vmem>>
      %dma_start3A_291 = tpu.memref_slice %arg4[%add3A_282] : memref<322560xi32, #tpu.memory_space<hbm>> -> memref<96xi32, #tpu.memory_space<hbm>>
      tpu.enqueue_dma source(%dma_start3A_291 : memref<96xi32, #tpu.memory_space<hbm>>) target(%dma_start3A_290 : memref<96xi32, #tpu.memory_space<vmem>>) target_semaphore(%arg12 : memref<!tpu.dma_semaphore, #tpu.memory_space<semaphore_mem>>)
      %mul3A_292 = arith.constant 96 : i32
      %mul3A_293 = arith.muli %add3A_279, %mul3A_292 : i32
      %dma_start3A_294 = arith.constant 192 : i32
      %dma_start3A_295 = arith.constant 0 : i32
      %dma_start3A_296 = tpu.memref_slice %arg8[%dma_start3A_294, %dma_start3A_295] : memref<288x128xf32, #tpu.memory_space<vmem>> -> memref<96x128xf32, #tpu.memory_space<vmem>>
      %dma_start3A_297 = tpu.memref_slice %arg6[%mul3A_293] : memref<10080xi32, #tpu.memory_space<vmem>> -> memref<96xi32, #tpu.memory_space<vmem>>
      %dma_start3A_298 = arith.constant 0 : i32
      %dma_start3A_299 = arith.constant 0 : i32
      %dma_start3A_300 = tpu.memref_slice %arg2[%dma_start3A_298, %dma_start3A_299] : memref<10240x128xf32, #tpu.memory_space<hbm>> -> memref<10240x128xf32, #tpu.memory_space<hbm>>
      tpu.enqueue_indirect_dma source(%dma_start3A_300 : memref<10240x128xf32, #tpu.memory_space<hbm>>) target(%dma_start3A_296 : memref<96x128xf32, #tpu.memory_space<vmem>>) offsets(%dma_start3A_297 : memref<96xi32, #tpu.memory_space<vmem>>) semaphore(%arg12 : memref<!tpu.dma_semaphore, #tpu.memory_space<semaphore_mem>>)
    }
    %scan3A_80 = arith.constant 34 : i32
    %dma_wait3A = arith.constant 0 : i32
    %dma_wait3A_81 = arith.constant 0 : i32
    %dma_wait3A_82 = tpu.memref_slice %arg7[%dma_wait3A, %dma_wait3A_81] : memref<3x96xi32, #tpu.memory_space<vmem>> -> memref<1x96xi32, #tpu.memory_space<vmem>>
    %dma_wait3A_83 = tpu.memref_squeeze %dma_wait3A_82 : memref<1x96xi32, #tpu.memory_space<vmem>> -> memref<96xi32, #tpu.memory_space<vmem>>
    %dma_wait3A_84 = tpu.memref_slice %arg4[%mul3A_2] : memref<322560xi32, #tpu.memory_space<hbm>> -> memref<96xi32, #tpu.memory_space<hbm>>
    %dma_wait3A_85 = arith.constant 0 : i32
    %dma_wait3A_86 = tpu.memref_slice %arg7[%dma_wait3A, %dma_wait3A_85] : memref<3x96xi32, #tpu.memory_space<vmem>> -> memref<1x96xi32, #tpu.memory_space<vmem>>
    %dma_wait3A_87 = tpu.memref_squeeze %dma_wait3A_86 : memref<1x96xi32, #tpu.memory_space<vmem>> -> memref<96xi32, #tpu.memory_space<vmem>>
    %dma_wait3A_88 = tpu.memref_slice %arg4[%mul3A_2] : memref<322560xi32, #tpu.memory_space<hbm>> -> memref<96xi32, #tpu.memory_space<hbm>>
    tpu.wait_dma2 semaphore(%arg10 : memref<!tpu.dma_semaphore, #tpu.memory_space<semaphore_mem>>) src(%dma_wait3A_88 : memref<96xi32, #tpu.memory_space<hbm>>) dst(%dma_wait3A_87 : memref<96xi32, #tpu.memory_space<vmem>>)
    %dma_wait3A_89 = arith.constant 0 : i32
    %dma_wait3A_90 = arith.constant 0 : i32
    %dma_wait3A_91 = tpu.memref_slice %arg8[%dma_wait3A_89, %dma_wait3A_90] : memref<288x128xf32, #tpu.memory_space<vmem>> -> memref<96x128xf32, #tpu.memory_space<vmem>>
    %dma_wait3A_92 = arith.constant 0 : i32
    %dma_wait3A_93 = arith.constant 0 : i32
    %dma_wait3A_94 = tpu.memref_slice %arg2[%dma_wait3A_92, %dma_wait3A_93] : memref<10240x128xf32, #tpu.memory_space<hbm>> -> memref<96x128xf32, #tpu.memory_space<hbm>>
    %dma_wait3A_95 = arith.constant 0 : i32
    %dma_wait3A_96 = arith.constant 0 : i32
    %dma_wait3A_97 = tpu.memref_slice %arg8[%dma_wait3A_95, %dma_wait3A_96] : memref<288x128xf32, #tpu.memory_space<vmem>> -> memref<96x128xf32, #tpu.memory_space<vmem>>
    %dma_wait3A_98 = arith.constant 0 : i32
    %dma_wait3A_99 = arith.constant 0 : i32
    %dma_wait3A_100 = tpu.memref_slice %arg2[%dma_wait3A_98, %dma_wait3A_99] : memref<10240x128xf32, #tpu.memory_space<hbm>> -> memref<96x128xf32, #tpu.memory_space<hbm>>
    tpu.wait_dma2 semaphore(%arg10 : memref<!tpu.dma_semaphore, #tpu.memory_space<semaphore_mem>>) src(%dma_wait3A_100 : memref<96x128xf32, #tpu.memory_space<hbm>>) dst(%dma_wait3A_97 : memref<96x128xf32, #tpu.memory_space<vmem>>)
    %run_scoped3A = arith.constant 0 : i32
    "tpu.region"() ({
      %run_scoped3A_153 = tpu.sem_alloc : memref<!tpu.dma_semaphore, #tpu.memory_space<semaphore_mem>>
      %dma_start3A_154 = arith.constant 0 : i32
      %dma_start3A_155 = arith.constant 0 : i32
      %dma_start3A_156 = tpu.memref_slice %arg8[%dma_start3A_154, %dma_start3A_155] : memref<288x128xf32, #tpu.memory_space<vmem>> -> memref<96x128xf32, #tpu.memory_space<vmem>>
      %dma_start3A_157 = arith.constant 0 : i32
      %dma_start3A_158 = tpu.memref_slice %arg7[%run_scoped3A, %dma_start3A_157] : memref<3x96xi32, #tpu.memory_space<vmem>> -> memref<1x96xi32, #tpu.memory_space<vmem>>
      %dma_start3A_159 = tpu.memref_squeeze %dma_start3A_158 : memref<1x96xi32, #tpu.memory_space<vmem>> -> memref<96xi32, #tpu.memory_space<vmem>>
      %dma_start3A_160 = arith.constant 0 : i32
      %dma_start3A_161 = arith.constant 0 : i32
      %dma_start3A_162 = tpu.memref_slice %arg9[%dma_start3A_160, %dma_start3A_161] : memref<10240x128xf32, #tpu.memory_space<vmem_shared>> -> memref<10240x128xf32, #tpu.memory_space<vmem_shared>>
      tpu.enqueue_indirect_dma source(%dma_start3A_156 : memref<96x128xf32, #tpu.memory_space<vmem>>) target(%dma_start3A_162 : memref<10240x128xf32, #tpu.memory_space<vmem_shared>>) offsets(%dma_start3A_159 : memref<96xi32, #tpu.memory_space<vmem>>) semaphore(%run_scoped3A_153 : memref<!tpu.dma_semaphore, #tpu.memory_space<semaphore_mem>>) {add = true}
      %dma_wait3A_163 = arith.constant 0 : i32
      %dma_wait3A_164 = arith.constant 0 : i32
      %dma_wait3A_165 = tpu.memref_slice %arg8[%dma_wait3A_163, %dma_wait3A_164] : memref<288x128xf32, #tpu.memory_space<vmem>> -> memref<96x128xf32, #tpu.memory_space<vmem>>
      %dma_wait3A_166 = arith.constant 0 : i32
      %dma_wait3A_167 = tpu.memref_slice %arg7[%run_scoped3A, %dma_wait3A_166] : memref<3x96xi32, #tpu.memory_space<vmem>> -> memref<1x96xi32, #tpu.memory_space<vmem>>
      %dma_wait3A_168 = tpu.memref_squeeze %dma_wait3A_167 : memref<1x96xi32, #tpu.memory_space<vmem>> -> memref<96xi32, #tpu.memory_space<vmem>>
      %dma_wait3A_169 = arith.constant 0 : i32
      %dma_wait3A_170 = arith.constant 0 : i32
      %dma_wait3A_171 = tpu.memref_slice %arg9[%dma_wait3A_169, %dma_wait3A_170] : memref<10240x128xf32, #tpu.memory_space<vmem_shared>> -> memref<10240x128xf32, #tpu.memory_space<vmem_shared>>
      tpu.wait_indirect_dma semaphore(%run_scoped3A_153 : memref<!tpu.dma_semaphore, #tpu.memory_space<semaphore_mem>>) src(%dma_wait3A_165 : memref<96x128xf32, #tpu.memory_space<vmem>>) dst(%dma_wait3A_171 : memref<10240x128xf32, #tpu.memory_space<vmem_shared>>)
      tpu.yield
    }) : () -> ()
    %dma_wait3A_101 = arith.constant 1 : i32
    %dma_wait3A_102 = arith.constant 0 : i32
    %dma_wait3A_103 = tpu.memref_slice %arg7[%dma_wait3A_101, %dma_wait3A_102] : memref<3x96xi32, #tpu.memory_space<vmem>> -> memref<1x96xi32, #tpu.memory_space<vmem>>
    %dma_wait3A_104 = tpu.memref_squeeze %dma_wait3A_103 : memref<1x96xi32, #tpu.memory_space<vmem>> -> memref<96xi32, #tpu.memory_space<vmem>>
    %dma_wait3A_105 = tpu.memref_slice %arg4[%mul3A_2] : memref<322560xi32, #tpu.memory_space<hbm>> -> memref<96xi32, #tpu.memory_space<hbm>>
    %dma_wait3A_106 = arith.constant 0 : i32
    %dma_wait3A_107 = tpu.memref_slice %arg7[%dma_wait3A_101, %dma_wait3A_106] : memref<3x96xi32, #tpu.memory_space<vmem>> -> memref<1x96xi32, #tpu.memory_space<vmem>>
    %dma_wait3A_108 = tpu.memref_squeeze %dma_wait3A_107 : memref<1x96xi32, #tpu.memory_space<vmem>> -> memref<96xi32, #tpu.memory_space<vmem>>
    %dma_wait3A_109 = tpu.memref_slice %arg4[%mul3A_2] : memref<322560xi32, #tpu.memory_space<hbm>> -> memref<96xi32, #tpu.memory_space<hbm>>
    tpu.wait_dma2 semaphore(%arg11 : memref<!tpu.dma_semaphore, #tpu.memory_space<semaphore_mem>>) src(%dma_wait3A_109 : memref<96xi32, #tpu.memory_space<hbm>>) dst(%dma_wait3A_108 : memref<96xi32, #tpu.memory_space<vmem>>)
    %dma_wait3A_110 = arith.constant 96 : i32
    %dma_wait3A_111 = arith.constant 0 : i32
    %dma_wait3A_112 = tpu.memref_slice %arg8[%dma_wait3A_110, %dma_wait3A_111] : memref<288x128xf32, #tpu.memory_space<vmem>> -> memref<96x128xf32, #tpu.memory_space<vmem>>
    %dma_wait3A_113 = arith.constant 0 : i32
    %dma_wait3A_114 = arith.constant 0 : i32
    %dma_wait3A_115 = tpu.memref_slice %arg2[%dma_wait3A_113, %dma_wait3A_114] : memref<10240x128xf32, #tpu.memory_space<hbm>> -> memref<96x128xf32, #tpu.memory_space<hbm>>
    %dma_wait3A_116 = arith.constant 96 : i32
    %dma_wait3A_117 = arith.constant 0 : i32
    %dma_wait3A_118 = tpu.memref_slice %arg8[%dma_wait3A_116, %dma_wait3A_117] : memref<288x128xf32, #tpu.memory_space<vmem>> -> memref<96x128xf32, #tpu.memory_space<vmem>>
    %dma_wait3A_119 = arith.constant 0 : i32
    %dma_wait3A_120 = arith.constant 0 : i32
    %dma_wait3A_121 = tpu.memref_slice %arg2[%dma_wait3A_119, %dma_wait3A_120] : memref<10240x128xf32, #tpu.memory_space<hbm>> -> memref<96x128xf32, #tpu.memory_space<hbm>>
    tpu.wait_dma2 semaphore(%arg11 : memref<!tpu.dma_semaphore, #tpu.memory_space<semaphore_mem>>) src(%dma_wait3A_121 : memref<96x128xf32, #tpu.memory_space<hbm>>) dst(%dma_wait3A_118 : memref<96x128xf32, #tpu.memory_space<vmem>>)
    %run_scoped3A_122 = arith.constant 1 : i32
    "tpu.region"() ({
      %run_scoped3A_153 = tpu.sem_alloc : memref<!tpu.dma_semaphore, #tpu.memory_space<semaphore_mem>>
      %dma_start3A_154 = arith.constant 96 : i32
      %dma_start3A_155 = arith.constant 0 : i32
      %dma_start3A_156 = tpu.memref_slice %arg8[%dma_start3A_154, %dma_start3A_155] : memref<288x128xf32, #tpu.memory_space<vmem>> -> memref<96x128xf32, #tpu.memory_space<vmem>>
      %dma_start3A_157 = arith.constant 0 : i32
      %dma_start3A_158 = tpu.memref_slice %arg7[%run_scoped3A_122, %dma_start3A_157] : memref<3x96xi32, #tpu.memory_space<vmem>> -> memref<1x96xi32, #tpu.memory_space<vmem>>
      %dma_start3A_159 = tpu.memref_squeeze %dma_start3A_158 : memref<1x96xi32, #tpu.memory_space<vmem>> -> memref<96xi32, #tpu.memory_space<vmem>>
      %dma_start3A_160 = arith.constant 0 : i32
      %dma_start3A_161 = arith.constant 0 : i32
      %dma_start3A_162 = tpu.memref_slice %arg9[%dma_start3A_160, %dma_start3A_161] : memref<10240x128xf32, #tpu.memory_space<vmem_shared>> -> memref<10240x128xf32, #tpu.memory_space<vmem_shared>>
      tpu.enqueue_indirect_dma source(%dma_start3A_156 : memref<96x128xf32, #tpu.memory_space<vmem>>) target(%dma_start3A_162 : memref<10240x128xf32, #tpu.memory_space<vmem_shared>>) offsets(%dma_start3A_159 : memref<96xi32, #tpu.memory_space<vmem>>) semaphore(%run_scoped3A_153 : memref<!tpu.dma_semaphore, #tpu.memory_space<semaphore_mem>>) {add = true}
      %dma_wait3A_163 = arith.constant 96 : i32
      %dma_wait3A_164 = arith.constant 0 : i32
      %dma_wait3A_165 = tpu.memref_slice %arg8[%dma_wait3A_163, %dma_wait3A_164] : memref<288x128xf32, #tpu.memory_space<vmem>> -> memref<96x128xf32, #tpu.memory_space<vmem>>
      %dma_wait3A_166 = arith.constant 0 : i32
      %dma_wait3A_167 = tpu.memref_slice %arg7[%run_scoped3A_122, %dma_wait3A_166] : memref<3x96xi32, #tpu.memory_space<vmem>> -> memref<1x96xi32, #tpu.memory_space<vmem>>
      %dma_wait3A_168 = tpu.memref_squeeze %dma_wait3A_167 : memref<1x96xi32, #tpu.memory_space<vmem>> -> memref<96xi32, #tpu.memory_space<vmem>>
      %dma_wait3A_169 = arith.constant 0 : i32
      %dma_wait3A_170 = arith.constant 0 : i32
      %dma_wait3A_171 = tpu.memref_slice %arg9[%dma_wait3A_169, %dma_wait3A_170] : memref<10240x128xf32, #tpu.memory_space<vmem_shared>> -> memref<10240x128xf32, #tpu.memory_space<vmem_shared>>
      tpu.wait_indirect_dma semaphore(%run_scoped3A_153 : memref<!tpu.dma_semaphore, #tpu.memory_space<semaphore_mem>>) src(%dma_wait3A_165 : memref<96x128xf32, #tpu.memory_space<vmem>>) dst(%dma_wait3A_171 : memref<10240x128xf32, #tpu.memory_space<vmem_shared>>)
      tpu.yield
    }) : () -> ()
    %dma_wait3A_123 = arith.constant 2 : i32
    %dma_wait3A_124 = arith.constant 0 : i32
    %dma_wait3A_125 = tpu.memref_slice %arg7[%dma_wait3A_123, %dma_wait3A_124] : memref<3x96xi32, #tpu.memory_space<vmem>> -> memref<1x96xi32, #tpu.memory_space<vmem>>
    %dma_wait3A_126 = tpu.memref_squeeze %dma_wait3A_125 : memref<1x96xi32, #tpu.memory_space<vmem>> -> memref<96xi32, #tpu.memory_space<vmem>>
    %dma_wait3A_127 = tpu.memref_slice %arg4[%mul3A_2] : memref<322560xi32, #tpu.memory_space<hbm>> -> memref<96xi32, #tpu.memory_space<hbm>>
    %dma_wait3A_128 = arith.constant 0 : i32
    %dma_wait3A_129 = tpu.memref_slice %arg7[%dma_wait3A_123, %dma_wait3A_128] : memref<3x96xi32, #tpu.memory_space<vmem>> -> memref<1x96xi32, #tpu.memory_space<vmem>>
    %dma_wait3A_130 = tpu.memref_squeeze %dma_wait3A_129 : memref<1x96xi32, #tpu.memory_space<vmem>> -> memref<96xi32, #tpu.memory_space<vmem>>
    %dma_wait3A_131 = tpu.memref_slice %arg4[%mul3A_2] : memref<322560xi32, #tpu.memory_space<hbm>> -> memref<96xi32, #tpu.memory_space<hbm>>
    tpu.wait_dma2 semaphore(%arg12 : memref<!tpu.dma_semaphore, #tpu.memory_space<semaphore_mem>>) src(%dma_wait3A_131 : memref<96xi32, #tpu.memory_space<hbm>>) dst(%dma_wait3A_130 : memref<96xi32, #tpu.memory_space<vmem>>)
    %dma_wait3A_132 = arith.constant 192 : i32
    %dma_wait3A_133 = arith.constant 0 : i32
    %dma_wait3A_134 = tpu.memref_slice %arg8[%dma_wait3A_132, %dma_wait3A_133] : memref<288x128xf32, #tpu.memory_space<vmem>> -> memref<96x128xf32, #tpu.memory_space<vmem>>
    %dma_wait3A_135 = arith.constant 0 : i32
    %dma_wait3A_136 = arith.constant 0 : i32
    %dma_wait3A_137 = tpu.memref_slice %arg2[%dma_wait3A_135, %dma_wait3A_136] : memref<10240x128xf32, #tpu.memory_space<hbm>> -> memref<96x128xf32, #tpu.memory_space<hbm>>
    %dma_wait3A_138 = arith.constant 192 : i32
    %dma_wait3A_139 = arith.constant 0 : i32
    %dma_wait3A_140 = tpu.memref_slice %arg8[%dma_wait3A_138, %dma_wait3A_139] : memref<288x128xf32, #tpu.memory_space<vmem>> -> memref<96x128xf32, #tpu.memory_space<vmem>>
    %dma_wait3A_141 = arith.constant 0 : i32
    %dma_wait3A_142 = arith.constant 0 : i32
    %dma_wait3A_143 = tpu.memref_slice %arg2[%dma_wait3A_141, %dma_wait3A_142] : memref<10240x128xf32, #tpu.memory_space<hbm>> -> memref<96x128xf32, #tpu.memory_space<hbm>>
    tpu.wait_dma2 semaphore(%arg12 : memref<!tpu.dma_semaphore, #tpu.memory_space<semaphore_mem>>) src(%dma_wait3A_143 : memref<96x128xf32, #tpu.memory_space<hbm>>) dst(%dma_wait3A_140 : memref<96x128xf32, #tpu.memory_space<vmem>>)
    %run_scoped3A_144 = arith.constant 2 : i32
    "tpu.region"() ({
      %run_scoped3A_153 = tpu.sem_alloc : memref<!tpu.dma_semaphore, #tpu.memory_space<semaphore_mem>>
      %dma_start3A_154 = arith.constant 192 : i32
      %dma_start3A_155 = arith.constant 0 : i32
      %dma_start3A_156 = tpu.memref_slice %arg8[%dma_start3A_154, %dma_start3A_155] : memref<288x128xf32, #tpu.memory_space<vmem>> -> memref<96x128xf32, #tpu.memory_space<vmem>>
      %dma_start3A_157 = arith.constant 0 : i32
      %dma_start3A_158 = tpu.memref_slice %arg7[%run_scoped3A_144, %dma_start3A_157] : memref<3x96xi32, #tpu.memory_space<vmem>> -> memref<1x96xi32, #tpu.memory_space<vmem>>
      %dma_start3A_159 = tpu.memref_squeeze %dma_start3A_158 : memref<1x96xi32, #tpu.memory_space<vmem>> -> memref<96xi32, #tpu.memory_space<vmem>>
      %dma_start3A_160 = arith.constant 0 : i32
      %dma_start3A_161 = arith.constant 0 : i32
      %dma_start3A_162 = tpu.memref_slice %arg9[%dma_start3A_160, %dma_start3A_161] : memref<10240x128xf32, #tpu.memory_space<vmem_shared>> -> memref<10240x128xf32, #tpu.memory_space<vmem_shared>>
      tpu.enqueue_indirect_dma source(%dma_start3A_156 : memref<96x128xf32, #tpu.memory_space<vmem>>) target(%dma_start3A_162 : memref<10240x128xf32, #tpu.memory_space<vmem_shared>>) offsets(%dma_start3A_159 : memref<96xi32, #tpu.memory_space<vmem>>) semaphore(%run_scoped3A_153 : memref<!tpu.dma_semaphore, #tpu.memory_space<semaphore_mem>>) {add = true}
      %dma_wait3A_163 = arith.constant 192 : i32
      %dma_wait3A_164 = arith.constant 0 : i32
      %dma_wait3A_165 = tpu.memref_slice %arg8[%dma_wait3A_163, %dma_wait3A_164] : memref<288x128xf32, #tpu.memory_space<vmem>> -> memref<96x128xf32, #tpu.memory_space<vmem>>
      %dma_wait3A_166 = arith.constant 0 : i32
      %dma_wait3A_167 = tpu.memref_slice %arg7[%run_scoped3A_144, %dma_wait3A_166] : memref<3x96xi32, #tpu.memory_space<vmem>> -> memref<1x96xi32, #tpu.memory_space<vmem>>
      %dma_wait3A_168 = tpu.memref_squeeze %dma_wait3A_167 : memref<1x96xi32, #tpu.memory_space<vmem>> -> memref<96xi32, #tpu.memory_space<vmem>>
      %dma_wait3A_169 = arith.constant 0 : i32
      %dma_wait3A_170 = arith.constant 0 : i32
      %dma_wait3A_171 = tpu.memref_slice %arg9[%dma_wait3A_169, %dma_wait3A_170] : memref<10240x128xf32, #tpu.memory_space<vmem_shared>> -> memref<10240x128xf32, #tpu.memory_space<vmem_shared>>
      tpu.wait_indirect_dma semaphore(%run_scoped3A_153 : memref<!tpu.dma_semaphore, #tpu.memory_space<semaphore_mem>>) src(%dma_wait3A_165 : memref<96x128xf32, #tpu.memory_space<vmem>>) dst(%dma_wait3A_171 : memref<10240x128xf32, #tpu.memory_space<vmem_shared>>)
      tpu.yield
    }) : () -> ()
    %barrier3A_145 = arith.constant 0 : index
    tpu.barrier barrier_id(%barrier3A_145)
    %mul3A_146 = arith.constant 640 : i32
    %mul3A_147 = arith.muli %arg1, %mul3A_146 : i32
    %mul3A_148 = arith.constant 10240 : i32
    %mul3A_149 = arith.muli %arg0, %mul3A_148 : i32
    %mul3A_150 = arith.constant 640 : i32
    %mul3A_151 = arith.muli %arg1, %mul3A_150 : i32
    %add3A_152 = arith.addi %mul3A_149, %mul3A_151 : i32
    "tpu.region"() ({
      %run_scoped3A_153 = tpu.sem_alloc : memref<!tpu.dma_semaphore, #tpu.memory_space<semaphore_mem>>
      %dma_start3A_154 = arith.constant 0 : i32
      %dma_start3A_155 = tpu.memref_slice %arg5[%add3A_152, %dma_start3A_154] : memref<20480x128xf32, #tpu.memory_space<hbm>> -> memref<640x128xf32, #tpu.memory_space<hbm>>
      %dma_start3A_156 = arith.constant 0 : i32
      %dma_start3A_157 = tpu.memref_slice %arg9[%mul3A_147, %dma_start3A_156] : memref<10240x128xf32, #tpu.memory_space<vmem_shared>> -> memref<640x128xf32, #tpu.memory_space<vmem_shared>>
      tpu.enqueue_dma source(%dma_start3A_157 : memref<640x128xf32, #tpu.memory_space<vmem_shared>>) target(%dma_start3A_155 : memref<640x128xf32, #tpu.memory_space<hbm>>) target_semaphore(%run_scoped3A_153 : memref<!tpu.dma_semaphore, #tpu.memory_space<semaphore_mem>>)
      %dma_wait3A_158 = arith.constant 0 : i32
      %dma_wait3A_159 = tpu.memref_slice %arg5[%add3A_152, %dma_wait3A_158] : memref<20480x128xf32, #tpu.memory_space<hbm>> -> memref<640x128xf32, #tpu.memory_space<hbm>>
      %dma_wait3A_160 = arith.constant 0 : i32
      %dma_wait3A_161 = tpu.memref_slice %arg9[%mul3A_147, %dma_wait3A_160] : memref<10240x128xf32, #tpu.memory_space<vmem_shared>> -> memref<640x128xf32, #tpu.memory_space<vmem_shared>>
      tpu.wait_dma2 semaphore(%run_scoped3A_153 : memref<!tpu.dma_semaphore, #tpu.memory_space<semaphore_mem>>) src(%dma_wait3A_161 : memref<640x128xf32, #tpu.memory_space<vmem_shared>>) dst(%dma_wait3A_159 : memref<640x128xf32, #tpu.memory_space<hbm>>)
      tpu.yield
    }) : () -> ()
    return
  }
}

#map = affine_map<(d0, d1) -> (0, 0)>
#map1 = affine_map<(d0, d1) -> (0)>
module attributes {stable_mosaic.version = 14 : i64} {
  func.func @agg(%arg0: i32, %arg1: i32, %arg2: memref<10240x128xf32, #tpu.memory_space<hbm>>, %arg3: memref<322560xi32, #tpu.memory_space<hbm>>, %arg4: memref<322560xi32, #tpu.memory_space<hbm>>, %arg5: memref<20480x128xf32, #tpu.memory_space<hbm>>, %arg6: memref<10080xi32, #tpu.memory_space<vmem>>, %arg7: memref<3x96xi32, #tpu.memory_space<vmem>>, %arg8: memref<288x128xf32, #tpu.memory_space<vmem>>, %arg9: memref<10240x128xf32, #tpu.memory_space<vmem_shared>>, %arg10: memref<!tpu.dma_semaphore, #tpu.memory_space<semaphore_mem>>, %arg11: memref<!tpu.dma_semaphore, #tpu.memory_space<semaphore_mem>>, %arg12: memref<!tpu.dma_semaphore, #tpu.memory_space<semaphore_mem>>) attributes {dimension_semantics = [#tpu.dimension_semantics<core_parallel>, #tpu.dimension_semantics<subcore_parallel>], iteration_bounds = array<i64: 2, 16>, scalar_prefetch = 0 : i64, scratch_operands = 7 : i64, tpu.core_type = #tpu.core_type<sc_vector_subcore>, window_params = [{transform_indices = #map}, {transform_indices = #map1}, {transform_indices = #map1}, {transform_indices = #map}]} {
    %mul3A = arith.constant 16 : i32
    %mul3A_0 = arith.muli %arg0, %mul3A : i32
    %add3A = arith.addi %mul3A_0, %arg1 : i32
    %mul3A_1 = arith.constant 10080 : i32
    %mul3A_2 = arith.muli %add3A, %mul3A_1 : i32
    %broadcast_in_dim3A = arith.constant 0.000000e+00 : f32
    %broadcast_in_dim3A_3 = vector.broadcast %broadcast_in_dim3A : f32 to vector<16xf32>
    %scan3A = arith.constant 0 : i32
    %scan3A_4 = arith.constant 0 : i32
    %scan3A_5 = arith.constant 768 : i32
    %scan3A_6 = arith.addi %scan3A_4, %scan3A_5 : i32
    %scan3A_7 = arith.constant 1 : i32
    scf.for %scan3A_153 = %scan3A_4 to %scan3A_6 step %scan3A_7  : i32 {
      %jit3A = arith.constant 8 : i32
      %div3A = arith.divsi %scan3A_153, %jit3A : i32
      %sign3A = arith.constant 0 : i32
      %sign3A_154 = arith.cmpi sgt, %scan3A_153, %sign3A : i32
      %sign3A_155 = arith.extui %sign3A_154 : i1 to i32
      %sign3A_156 = arith.constant 0 : i32
      %sign3A_157 = arith.cmpi slt, %scan3A_153, %sign3A_156 : i32
      %sign3A_158 = arith.extui %sign3A_157 : i1 to i32
      %sign3A_159 = arith.subi %sign3A_155, %sign3A_158 : i32
      %sign3A_160 = arith.constant 0 : i32
      %sign3A_161 = arith.cmpi sgt, %jit3A, %sign3A_160 : i32
      %sign3A_162 = arith.extui %sign3A_161 : i1 to i32
      %sign3A_163 = arith.constant 0 : i32
      %sign3A_164 = arith.cmpi slt, %jit3A, %sign3A_163 : i32
      %sign3A_165 = arith.extui %sign3A_164 : i1 to i32
      %sign3A_166 = arith.subi %sign3A_162, %sign3A_165 : i32
      %ne3A = arith.cmpi ne, %sign3A_159, %sign3A_166 : i32
      %rem3A = arith.remsi %scan3A_153, %jit3A : i32
      %ne3A_167 = arith.constant 0 : i32
      %ne3A_168 = arith.cmpi ne, %rem3A, %ne3A_167 : i32
      %and3A = arith.andi %ne3A, %ne3A_168 : i1
      %sub3A = arith.constant 1 : i32
      %sub3A_169 = arith.subi %div3A, %sub3A : i32
      %select_n3A = arith.select %and3A, %sub3A_169, %div3A : i32
      %jit3A_170 = arith.constant 8 : i32
      %eq3A = arith.constant 0 : i32
      %eq3A_171 = arith.cmpi eq, %jit3A_170, %eq3A : i32
      %jit3A_172 = arith.constant 1 : i32
      %select_n3A_173 = arith.select %eq3A_171, %jit3A_172, %jit3A_170 : i32
      %rem3A_174 = arith.remsi %scan3A_153, %select_n3A_173 : i32
      %ne3A_175 = arith.constant 0 : i32
      %ne3A_176 = arith.cmpi ne, %rem3A_174, %ne3A_175 : i32
      %lt3A = arith.constant 0 : i32
      %lt3A_177 = arith.cmpi slt, %rem3A_174, %lt3A : i32
      %lt3A_178 = arith.constant 0 : i32
      %lt3A_179 = arith.cmpi slt, %select_n3A_173, %lt3A_178 : i32
      %ne3A_180 = arith.xori %lt3A_177, %lt3A_179 : i1
      %and3A_181 = arith.andi %ne3A_180, %ne3A_176 : i1
      %add3A_182 = arith.addi %rem3A_174, %select_n3A_173 : i32
      %select_n3A_183 = arith.select %and3A_181, %add3A_182, %rem3A_174 : i32
      %mul3A_184 = arith.constant 16 : i32
      %mul3A_185 = arith.muli %select_n3A_183, %mul3A_184 : i32
      %swap3A = arith.index_cast %select_n3A : i32 to index
      %swap3A_186 = arith.index_cast %mul3A_185 : i32 to index
      %swap3A_187 = tpu.vector_load %arg8[%swap3A, %swap3A_186] {strides = array<i32>} : memref<288x128xf32, #tpu.memory_space<vmem>>, vector<1x16xf32>,
      %swap3A_188 = vector.shape_cast %swap3A_187 : vector<1x16xf32> to vector<16xf32>
      %swap3A_189 = vector.shape_cast %broadcast_in_dim3A_3 : vector<16xf32> to vector<1x16xf32>
      tpu.vector_store %arg8[%swap3A, %swap3A_186], %swap3A_189 {strides = array<i32>} : memref<288x128xf32, #tpu.memory_space<vmem>>, vector<1x16xf32>,
    }
    %scan3A_8 = arith.constant 768 : i32
    %scan3A_9 = arith.constant 0 : i32
    %scan3A_10 = arith.constant 0 : i32
    %scan3A_11 = arith.constant 6 : i32
    %scan3A_12 = arith.addi %scan3A_10, %scan3A_11 : i32
    %scan3A_13 = arith.constant 1 : i32
    scf.for %scan3A_153 = %scan3A_10 to %scan3A_12 step %scan3A_13  : i32 {
      %mul3A_154 = arith.constant 640 : i32
      %mul3A_155 = arith.muli %arg1, %mul3A_154 : i32
      %mul3A_156 = arith.constant 96 : i32
      %mul3A_157 = arith.muli %scan3A_153, %mul3A_156 : i32
      %add3A_158 = arith.addi %mul3A_155, %mul3A_157 : i32
      "tpu.region"() ({
        %run_scoped3A_159 = tpu.sem_alloc : memref<!tpu.dma_semaphore, #tpu.memory_space<semaphore_mem>>
        %dma_start3A_160 = arith.constant 0 : i32
        %dma_start3A_161 = arith.constant 0 : i32
        %dma_start3A_162 = tpu.memref_slice %arg8[%dma_start3A_160, %dma_start3A_161] : memref<288x128xf32, #tpu.memory_space<vmem>> -> memref<96x128xf32, #tpu.memory_space<vmem>>
        %dma_start3A_163 = arith.constant 0 : i32
        %dma_start3A_164 = tpu.memref_slice %arg9[%add3A_158, %dma_start3A_163] : memref<10240x128xf32, #tpu.memory_space<vmem_shared>> -> memref<96x128xf32, #tpu.memory_space<vmem_shared>>
        %dma_start3A_165 = arith.constant 0 : i32
        %dma_start3A_166 = tpu.memref_slice %arg9[%add3A_158, %dma_start3A_165] : memref<10240x128xf32, #tpu.memory_space<vmem_shared>> -> memref<96x128xf32, #tpu.memory_space<vmem_shared>>
        %dma_start3A_167 = arith.constant 0 : i32
        %dma_start3A_168 = arith.constant 0 : i32
        %dma_start3A_169 = tpu.memref_slice %arg8[%dma_start3A_167, %dma_start3A_168] : memref<288x128xf32, #tpu.memory_space<vmem>> -> memref<96x128xf32, #tpu.memory_space<vmem>>
        tpu.enqueue_dma source(%dma_start3A_169 : memref<96x128xf32, #tpu.memory_space<vmem>>) target(%dma_start3A_166 : memref<96x128xf32, #tpu.memory_space<vmem_shared>>) target_semaphore(%run_scoped3A_159 : memref<!tpu.dma_semaphore, #tpu.memory_space<semaphore_mem>>)
        %dma_wait3A_170 = arith.constant 0 : i32
        %dma_wait3A_171 = arith.constant 0 : i32
        %dma_wait3A_172 = tpu.memref_slice %arg8[%dma_wait3A_170, %dma_wait3A_171] : memref<288x128xf32, #tpu.memory_space<vmem>> -> memref<96x128xf32, #tpu.memory_space<vmem>>
        %dma_wait3A_173 = arith.constant 0 : i32
        %dma_wait3A_174 = tpu.memref_slice %arg9[%add3A_158, %dma_wait3A_173] : memref<10240x128xf32, #tpu.memory_space<vmem_shared>> -> memref<96x128xf32, #tpu.memory_space<vmem_shared>>
        %dma_wait3A_175 = arith.constant 0 : i32
        %dma_wait3A_176 = tpu.memref_slice %arg9[%add3A_158, %dma_wait3A_175] : memref<10240x128xf32, #tpu.memory_space<vmem_shared>> -> memref<96x128xf32, #tpu.memory_space<vmem_shared>>
        %dma_wait3A_177 = arith.constant 0 : i32
        %dma_wait3A_178 = arith.constant 0 : i32
        %dma_wait3A_179 = tpu.memref_slice %arg8[%dma_wait3A_177, %dma_wait3A_178] : memref<288x128xf32, #tpu.memory_space<vmem>> -> memref<96x128xf32, #tpu.memory_space<vmem>>
        tpu.wait_dma2 semaphore(%run_scoped3A_159 : memref<!tpu.dma_semaphore, #tpu.memory_space<semaphore_mem>>) src(%dma_wait3A_179 : memref<96x128xf32, #tpu.memory_space<vmem>>) dst(%dma_wait3A_176 : memref<96x128xf32, #tpu.memory_space<vmem_shared>>)
        tpu.yield
      }) : () -> ()
    }
    %scan3A_14 = arith.constant 6 : i32
    %mul3A_15 = arith.constant 640 : i32
    %mul3A_16 = arith.muli %arg1, %mul3A_15 : i32
    %add3A_17 = arith.constant 576 : i32
    %add3A_18 = arith.addi %mul3A_16, %add3A_17 : i32
    "tpu.region"() ({
      %run_scoped3A_153 = tpu.sem_alloc : memref<!tpu.dma_semaphore, #tpu.memory_space<semaphore_mem>>
      %dma_start3A_154 = arith.constant 0 : i32
      %dma_start3A_155 = arith.constant 0 : i32
      %dma_start3A_156 = tpu.memref_slice %arg8[%dma_start3A_154, %dma_start3A_155] : memref<288x128xf32, #tpu.memory_space<vmem>> -> memref<64x128xf32, #tpu.memory_space<vmem>>
      %dma_start3A_157 = arith.constant 0 : i32
      %dma_start3A_158 = tpu.memref_slice %arg9[%add3A_18, %dma_start3A_157] : memref<10240x128xf32, #tpu.memory_space<vmem_shared>> -> memref<64x128xf32, #tpu.memory_space<vmem_shared>>
      %dma_start3A_159 = arith.constant 0 : i32
      %dma_start3A_160 = tpu.memref_slice %arg9[%add3A_18, %dma_start3A_159] : memref<10240x128xf32, #tpu.memory_space<vmem_shared>> -> memref<64x128xf32, #tpu.memory_space<vmem_shared>>
      %dma_start3A_161 = arith.constant 0 : i32
      %dma_start3A_162 = arith.constant 0 : i32
      %dma_start3A_163 = tpu.memref_slice %arg8[%dma_start3A_161, %dma_start3A_162] : memref<288x128xf32, #tpu.memory_space<vmem>> -> memref<64x128xf32, #tpu.memory_space<vmem>>
      tpu.enqueue_dma source(%dma_start3A_163 : memref<64x128xf32, #tpu.memory_space<vmem>>) target(%dma_start3A_160 : memref<64x128xf32, #tpu.memory_space<vmem_shared>>) target_semaphore(%run_scoped3A_153 : memref<!tpu.dma_semaphore, #tpu.memory_space<semaphore_mem>>)
      %dma_wait3A_164 = arith.constant 0 : i32
      %dma_wait3A_165 = arith.constant 0 : i32
      %dma_wait3A_166 = tpu.memref_slice %arg8[%dma_wait3A_164, %dma_wait3A_165] : memref<288x128xf32, #tpu.memory_space<vmem>> -> memref<64x128xf32, #tpu.memory_space<vmem>>
      %dma_wait3A_167 = arith.constant 0 : i32
      %dma_wait3A_168 = tpu.memref_slice %arg9[%add3A_18, %dma_wait3A_167] : memref<10240x128xf32, #tpu.memory_space<vmem_shared>> -> memref<64x128xf32, #tpu.memory_space<vmem_shared>>
      %dma_wait3A_169 = arith.constant 0 : i32
      %dma_wait3A_170 = tpu.memref_slice %arg9[%add3A_18, %dma_wait3A_169] : memref<10240x128xf32, #tpu.memory_space<vmem_shared>> -> memref<64x128xf32, #tpu.memory_space<vmem_shared>>
      %dma_wait3A_171 = arith.constant 0 : i32
      %dma_wait3A_172 = arith.constant 0 : i32
      %dma_wait3A_173 = tpu.memref_slice %arg8[%dma_wait3A_171, %dma_wait3A_172] : memref<288x128xf32, #tpu.memory_space<vmem>> -> memref<64x128xf32, #tpu.memory_space<vmem>>
      tpu.wait_dma2 semaphore(%run_scoped3A_153 : memref<!tpu.dma_semaphore, #tpu.memory_space<semaphore_mem>>) src(%dma_wait3A_173 : memref<64x128xf32, #tpu.memory_space<vmem>>) dst(%dma_wait3A_170 : memref<64x128xf32, #tpu.memory_space<vmem_shared>>)
      tpu.yield
    }) : () -> ()
    "tpu.region"() ({
      %run_scoped3A_153 = tpu.sem_alloc : memref<!tpu.dma_semaphore, #tpu.memory_space<semaphore_mem>>
      %dma_start3A_154 = tpu.memref_slice %arg3[%mul3A_2] : memref<322560xi32, #tpu.memory_space<hbm>> -> memref<10080xi32, #tpu.memory_space<hbm>>
      %dma_start3A_155 = tpu.memref_slice %arg3[%mul3A_2] : memref<322560xi32, #tpu.memory_space<hbm>> -> memref<10080xi32, #tpu.memory_space<hbm>>
      tpu.enqueue_dma source(%dma_start3A_155 : memref<10080xi32, #tpu.memory_space<hbm>>) target(%arg6 : memref<10080xi32, #tpu.memory_space<vmem>>) target_semaphore(%run_scoped3A_153 : memref<!tpu.dma_semaphore, #tpu.memory_space<semaphore_mem>>)
      %dma_wait3A_156 = tpu.memref_slice %arg3[%mul3A_2] : memref<322560xi32, #tpu.memory_space<hbm>> -> memref<10080xi32, #tpu.memory_space<hbm>>
      %dma_wait3A_157 = tpu.memref_slice %arg3[%mul3A_2] : memref<322560xi32, #tpu.memory_space<hbm>> -> memref<10080xi32, #tpu.memory_space<hbm>>
      tpu.wait_dma2 semaphore(%run_scoped3A_153 : memref<!tpu.dma_semaphore, #tpu.memory_space<semaphore_mem>>) src(%dma_wait3A_157 : memref<10080xi32, #tpu.memory_space<hbm>>) dst(%arg6 : memref<10080xi32, #tpu.memory_space<vmem>>)
      tpu.yield
    }) : () -> ()
    %add3A_19 = arith.constant 0 : i32
    %add3A_20 = arith.addi %mul3A_2, %add3A_19 : i32
    %dma_start3A = arith.constant 0 : i32
    %dma_start3A_21 = arith.constant 0 : i32
    %dma_start3A_22 = tpu.memref_slice %arg7[%dma_start3A, %dma_start3A_21] : memref<3x96xi32, #tpu.memory_space<vmem>> -> memref<1x96xi32, #tpu.memory_space<vmem>>
    %dma_start3A_23 = tpu.memref_squeeze %dma_start3A_22 : memref<1x96xi32, #tpu.memory_space<vmem>> -> memref<96xi32, #tpu.memory_space<vmem>>
    %dma_start3A_24 = tpu.memref_slice %arg4[%add3A_20] : memref<322560xi32, #tpu.memory_space<hbm>> -> memref<96xi32, #tpu.memory_space<hbm>>
    %dma_start3A_25 = arith.constant 0 : i32
    %dma_start3A_26 = tpu.memref_slice %arg7[%dma_start3A, %dma_start3A_25] : memref<3x96xi32, #tpu.memory_space<vmem>> -> memref<1x96xi32, #tpu.memory_space<vmem>>
    %dma_start3A_27 = tpu.memref_squeeze %dma_start3A_26 : memref<1x96xi32, #tpu.memory_space<vmem>> -> memref<96xi32, #tpu.memory_space<vmem>>
    %dma_start3A_28 = tpu.memref_slice %arg4[%add3A_20] : memref<322560xi32, #tpu.memory_space<hbm>> -> memref<96xi32, #tpu.memory_space<hbm>>
    tpu.enqueue_dma source(%dma_start3A_28 : memref<96xi32, #tpu.memory_space<hbm>>) target(%dma_start3A_27 : memref<96xi32, #tpu.memory_space<vmem>>) target_semaphore(%arg10 : memref<!tpu.dma_semaphore, #tpu.memory_space<semaphore_mem>>)
    %dma_start3A_29 = arith.constant 0 : i32
    %dma_start3A_30 = arith.constant 0 : i32
    %dma_start3A_31 = tpu.memref_slice %arg8[%dma_start3A_29, %dma_start3A_30] : memref<288x128xf32, #tpu.memory_space<vmem>> -> memref<96x128xf32, #tpu.memory_space<vmem>>
    %dma_start3A_32 = arith.constant 0 : i32
    %dma_start3A_33 = tpu.memref_slice %arg6[%dma_start3A_32] : memref<10080xi32, #tpu.memory_space<vmem>> -> memref<96xi32, #tpu.memory_space<vmem>>
    %dma_start3A_34 = arith.constant 0 : i32
    %dma_start3A_35 = arith.constant 0 : i32
    %dma_start3A_36 = tpu.memref_slice %arg2[%dma_start3A_34, %dma_start3A_35] : memref<10240x128xf32, #tpu.memory_space<hbm>> -> memref<10240x128xf32, #tpu.memory_space<hbm>>
    tpu.enqueue_indirect_dma source(%dma_start3A_36 : memref<10240x128xf32, #tpu.memory_space<hbm>>) target(%dma_start3A_31 : memref<96x128xf32, #tpu.memory_space<vmem>>) offsets(%dma_start3A_33 : memref<96xi32, #tpu.memory_space<vmem>>) semaphore(%arg10 : memref<!tpu.dma_semaphore, #tpu.memory_space<semaphore_mem>>)
    %add3A_37 = arith.constant 96 : i32
    %add3A_38 = arith.addi %mul3A_2, %add3A_37 : i32
    %dma_start3A_39 = arith.constant 1 : i32
    %dma_start3A_40 = arith.constant 0 : i32
    %dma_start3A_41 = tpu.memref_slice %arg7[%dma_start3A_39, %dma_start3A_40] : memref<3x96xi32, #tpu.memory_space<vmem>> -> memref<1x96xi32, #tpu.memory_space<vmem>>
    %dma_start3A_42 = tpu.memref_squeeze %dma_start3A_41 : memref<1x96xi32, #tpu.memory_space<vmem>> -> memref<96xi32, #tpu.memory_space<vmem>>
    %dma_start3A_43 = tpu.memref_slice %arg4[%add3A_38] : memref<322560xi32, #tpu.memory_space<hbm>> -> memref<96xi32, #tpu.memory_space<hbm>>
    %dma_start3A_44 = arith.constant 0 : i32
    %dma_start3A_45 = tpu.memref_slice %arg7[%dma_start3A_39, %dma_start3A_44] : memref<3x96xi32, #tpu.memory_space<vmem>> -> memref<1x96xi32, #tpu.memory_space<vmem>>
    %dma_start3A_46 = tpu.memref_squeeze %dma_start3A_45 : memref<1x96xi32, #tpu.memory_space<vmem>> -> memref<96xi32, #tpu.memory_space<vmem>>
    %dma_start3A_47 = tpu.memref_slice %arg4[%add3A_38] : memref<322560xi32, #tpu.memory_space<hbm>> -> memref<96xi32, #tpu.memory_space<hbm>>
    tpu.enqueue_dma source(%dma_start3A_47 : memref<96xi32, #tpu.memory_space<hbm>>) target(%dma_start3A_46 : memref<96xi32, #tpu.memory_space<vmem>>) target_semaphore(%arg11 : memref<!tpu.dma_semaphore, #tpu.memory_space<semaphore_mem>>)
    %dma_start3A_48 = arith.constant 96 : i32
    %dma_start3A_49 = arith.constant 0 : i32
    %dma_start3A_50 = tpu.memref_slice %arg8[%dma_start3A_48, %dma_start3A_49] : memref<288x128xf32, #tpu.memory_space<vmem>> -> memref<96x128xf32, #tpu.memory_space<vmem>>
    %dma_start3A_51 = arith.constant 96 : i32
    %dma_start3A_52 = tpu.memref_slice %arg6[%dma_start3A_51] : memref<10080xi32, #tpu.memory_space<vmem>> -> memref<96xi32, #tpu.memory_space<vmem>>
    %dma_start3A_53 = arith.constant 0 : i32
    %dma_start3A_54 = arith.constant 0 : i32
    %dma_start3A_55 = tpu.memref_slice %arg2[%dma_start3A_53, %dma_start3A_54] : memref<10240x128xf32, #tpu.memory_space<hbm>> -> memref<10240x128xf32, #tpu.memory_space<hbm>>
    tpu.enqueue_indirect_dma source(%dma_start3A_55 : memref<10240x128xf32, #tpu.memory_space<hbm>>) target(%dma_start3A_50 : memref<96x128xf32, #tpu.memory_space<vmem>>) offsets(%dma_start3A_52 : memref<96xi32, #tpu.memory_space<vmem>>) semaphore(%arg11 : memref<!tpu.dma_semaphore, #tpu.memory_space<semaphore_mem>>)
    %add3A_56 = arith.constant 192 : i32
    %add3A_57 = arith.addi %mul3A_2, %add3A_56 : i32
    %dma_start3A_58 = arith.constant 2 : i32
    %dma_start3A_59 = arith.constant 0 : i32
    %dma_start3A_60 = tpu.memref_slice %arg7[%dma_start3A_58, %dma_start3A_59] : memref<3x96xi32, #tpu.memory_space<vmem>> -> memref<1x96xi32, #tpu.memory_space<vmem>>
    %dma_start3A_61 = tpu.memref_squeeze %dma_start3A_60 : memref<1x96xi32, #tpu.memory_space<vmem>> -> memref<96xi32, #tpu.memory_space<vmem>>
    %dma_start3A_62 = tpu.memref_slice %arg4[%add3A_57] : memref<322560xi32, #tpu.memory_space<hbm>> -> memref<96xi32, #tpu.memory_space<hbm>>
    %dma_start3A_63 = arith.constant 0 : i32
    %dma_start3A_64 = tpu.memref_slice %arg7[%dma_start3A_58, %dma_start3A_63] : memref<3x96xi32, #tpu.memory_space<vmem>> -> memref<1x96xi32, #tpu.memory_space<vmem>>
    %dma_start3A_65 = tpu.memref_squeeze %dma_start3A_64 : memref<1x96xi32, #tpu.memory_space<vmem>> -> memref<96xi32, #tpu.memory_space<vmem>>
    %dma_start3A_66 = tpu.memref_slice %arg4[%add3A_57] : memref<322560xi32, #tpu.memory_space<hbm>> -> memref<96xi32, #tpu.memory_space<hbm>>
    tpu.enqueue_dma source(%dma_start3A_66 : memref<96xi32, #tpu.memory_space<hbm>>) target(%dma_start3A_65 : memref<96xi32, #tpu.memory_space<vmem>>) target_semaphore(%arg12 : memref<!tpu.dma_semaphore, #tpu.memory_space<semaphore_mem>>)
    %dma_start3A_67 = arith.constant 192 : i32
    %dma_start3A_68 = arith.constant 0 : i32
    %dma_start3A_69 = tpu.memref_slice %arg8[%dma_start3A_67, %dma_start3A_68] : memref<288x128xf32, #tpu.memory_space<vmem>> -> memref<96x128xf32, #tpu.memory_space<vmem>>
    %dma_start3A_70 = arith.constant 192 : i32
    %dma_start3A_71 = tpu.memref_slice %arg6[%dma_start3A_70] : memref<10080xi32, #tpu.memory_space<vmem>> -> memref<96xi32, #tpu.memory_space<vmem>>
    %dma_start3A_72 = arith.constant 0 : i32
    %dma_start3A_73 = arith.constant 0 : i32
    %dma_start3A_74 = tpu.memref_slice %arg2[%dma_start3A_72, %dma_start3A_73] : memref<10240x128xf32, #tpu.memory_space<hbm>> -> memref<10240x128xf32, #tpu.memory_space<hbm>>
    tpu.enqueue_indirect_dma source(%dma_start3A_74 : memref<10240x128xf32, #tpu.memory_space<hbm>>) target(%dma_start3A_69 : memref<96x128xf32, #tpu.memory_space<vmem>>) offsets(%dma_start3A_71 : memref<96xi32, #tpu.memory_space<vmem>>) semaphore(%arg12 : memref<!tpu.dma_semaphore, #tpu.memory_space<semaphore_mem>>)
    %barrier3A = arith.constant 0 : index
    tpu.barrier barrier_id(%barrier3A)
    %scan3A_75 = arith.constant 0 : i32
    %scan3A_76 = arith.constant 0 : i32
    %scan3A_77 = arith.constant 34 : i32
    %scan3A_78 = arith.addi %scan3A_76, %scan3A_77 : i32
    %scan3A_79 = arith.constant 1 : i32
    scf.for %scan3A_153 = %scan3A_76 to %scan3A_78 step %scan3A_79  : i32 {
      %dma_wait3A_154 = arith.constant 0 : i32
      %dma_wait3A_155 = arith.constant 0 : i32
      %dma_wait3A_156 = tpu.memref_slice %arg7[%dma_wait3A_154, %dma_wait3A_155] : memref<3x96xi32, #tpu.memory_space<vmem>> -> memref<1x96xi32, #tpu.memory_space<vmem>>
      %dma_wait3A_157 = tpu.memref_squeeze %dma_wait3A_156 : memref<1x96xi32, #tpu.memory_space<vmem>> -> memref<96xi32, #tpu.memory_space<vmem>>
      %dma_wait3A_158 = tpu.memref_slice %arg4[%mul3A_2] : memref<322560xi32, #tpu.memory_space<hbm>> -> memref<96xi32, #tpu.memory_space<hbm>>
      %dma_wait3A_159 = arith.constant 0 : i32
      %dma_wait3A_160 = tpu.memref_slice %arg7[%dma_wait3A_154, %dma_wait3A_159] : memref<3x96xi32, #tpu.memory_space<vmem>> -> memref<1x96xi32, #tpu.memory_space<vmem>>
      %dma_wait3A_161 = tpu.memref_squeeze %dma_wait3A_160 : memref<1x96xi32, #tpu.memory_space<vmem>> -> memref<96xi32, #tpu.memory_space<vmem>>
      %dma_wait3A_162 = tpu.memref_slice %arg4[%mul3A_2] : memref<322560xi32, #tpu.memory_space<hbm>> -> memref<96xi32, #tpu.memory_space<hbm>>
      tpu.wait_dma2 semaphore(%arg10 : memref<!tpu.dma_semaphore, #tpu.memory_space<semaphore_mem>>) src(%dma_wait3A_162 : memref<96xi32, #tpu.memory_space<hbm>>) dst(%dma_wait3A_161 : memref<96xi32, #tpu.memory_space<vmem>>)
      %dma_wait3A_163 = arith.constant 0 : i32
      %dma_wait3A_164 = arith.constant 0 : i32
      %dma_wait3A_165 = tpu.memref_slice %arg8[%dma_wait3A_163, %dma_wait3A_164] : memref<288x128xf32, #tpu.memory_space<vmem>> -> memref<96x128xf32, #tpu.memory_space<vmem>>
      %dma_wait3A_166 = arith.constant 0 : i32
      %dma_wait3A_167 = arith.constant 0 : i32
      %dma_wait3A_168 = tpu.memref_slice %arg2[%dma_wait3A_166, %dma_wait3A_167] : memref<10240x128xf32, #tpu.memory_space<hbm>> -> memref<96x128xf32, #tpu.memory_space<hbm>>
      %dma_wait3A_169 = arith.constant 0 : i32
      %dma_wait3A_170 = arith.constant 0 : i32
      %dma_wait3A_171 = tpu.memref_slice %arg8[%dma_wait3A_169, %dma_wait3A_170] : memref<288x128xf32, #tpu.memory_space<vmem>> -> memref<96x128xf32, #tpu.memory_space<vmem>>
      %dma_wait3A_172 = arith.constant 0 : i32
      %dma_wait3A_173 = arith.constant 0 : i32
      %dma_wait3A_174 = tpu.memref_slice %arg2[%dma_wait3A_172, %dma_wait3A_173] : memref<10240x128xf32, #tpu.memory_space<hbm>> -> memref<96x128xf32, #tpu.memory_space<hbm>>
      tpu.wait_dma2 semaphore(%arg10 : memref<!tpu.dma_semaphore, #tpu.memory_space<semaphore_mem>>) src(%dma_wait3A_174 : memref<96x128xf32, #tpu.memory_space<hbm>>) dst(%dma_wait3A_171 : memref<96x128xf32, #tpu.memory_space<vmem>>)
      %run_scoped3A_175 = arith.constant 0 : i32
      "tpu.region"() ({
        %run_scoped3A_301 = tpu.sem_alloc : memref<!tpu.dma_semaphore, #tpu.memory_space<semaphore_mem>>
        %dma_start3A_302 = arith.constant 0 : i32
        %dma_start3A_303 = arith.constant 0 : i32
        %dma_start3A_304 = tpu.memref_slice %arg8[%dma_start3A_302, %dma_start3A_303] : memref<288x128xf32, #tpu.memory_space<vmem>> -> memref<96x128xf32, #tpu.memory_space<vmem>>
        %dma_start3A_305 = arith.constant 0 : i32
        %dma_start3A_306 = tpu.memref_slice %arg7[%run_scoped3A_175, %dma_start3A_305] : memref<3x96xi32, #tpu.memory_space<vmem>> -> memref<1x96xi32, #tpu.memory_space<vmem>>
        %dma_start3A_307 = tpu.memref_squeeze %dma_start3A_306 : memref<1x96xi32, #tpu.memory_space<vmem>> -> memref<96xi32, #tpu.memory_space<vmem>>
        %dma_start3A_308 = arith.constant 0 : i32
        %dma_start3A_309 = arith.constant 0 : i32
        %dma_start3A_310 = tpu.memref_slice %arg9[%dma_start3A_308, %dma_start3A_309] : memref<10240x128xf32, #tpu.memory_space<vmem_shared>> -> memref<10240x128xf32, #tpu.memory_space<vmem_shared>>
        tpu.enqueue_indirect_dma source(%dma_start3A_304 : memref<96x128xf32, #tpu.memory_space<vmem>>) target(%dma_start3A_310 : memref<10240x128xf32, #tpu.memory_space<vmem_shared>>) offsets(%dma_start3A_307 : memref<96xi32, #tpu.memory_space<vmem>>) semaphore(%run_scoped3A_301 : memref<!tpu.dma_semaphore, #tpu.memory_space<semaphore_mem>>) {add = true}
        %dma_wait3A_311 = arith.constant 0 : i32
        %dma_wait3A_312 = arith.constant 0 : i32
        %dma_wait3A_313 = tpu.memref_slice %arg8[%dma_wait3A_311, %dma_wait3A_312] : memref<288x128xf32, #tpu.memory_space<vmem>> -> memref<96x128xf32, #tpu.memory_space<vmem>>
        %dma_wait3A_314 = arith.constant 0 : i32
        %dma_wait3A_315 = tpu.memref_slice %arg7[%run_scoped3A_175, %dma_wait3A_314] : memref<3x96xi32, #tpu.memory_space<vmem>> -> memref<1x96xi32, #tpu.memory_space<vmem>>
        %dma_wait3A_316 = tpu.memref_squeeze %dma_wait3A_315 : memref<1x96xi32, #tpu.memory_space<vmem>> -> memref<96xi32, #tpu.memory_space<vmem>>
        %dma_wait3A_317 = arith.constant 0 : i32
        %dma_wait3A_318 = arith.constant 0 : i32
        %dma_wait3A_319 = tpu.memref_slice %arg9[%dma_wait3A_317, %dma_wait3A_318] : memref<10240x128xf32, #tpu.memory_space<vmem_shared>> -> memref<10240x128xf32, #tpu.memory_space<vmem_shared>>
        tpu.wait_indirect_dma semaphore(%run_scoped3A_301 : memref<!tpu.dma_semaphore, #tpu.memory_space<semaphore_mem>>) src(%dma_wait3A_313 : memref<96x128xf32, #tpu.memory_space<vmem>>) dst(%dma_wait3A_319 : memref<10240x128xf32, #tpu.memory_space<vmem_shared>>)
        tpu.yield
      }) : () -> ()
      %mul3A_176 = arith.constant 3 : i32
      %mul3A_177 = arith.muli %scan3A_153, %mul3A_176 : i32
      %add3A_178 = arith.constant 0 : i32
      %add3A_179 = arith.addi %mul3A_177, %add3A_178 : i32
      %add3A_180 = arith.constant 3 : i32
      %add3A_181 = arith.addi %add3A_179, %add3A_180 : i32
      %mul3A_182 = arith.constant 96 : i32
      %mul3A_183 = arith.muli %add3A_181, %mul3A_182 : i32
      %add3A_184 = arith.addi %mul3A_2, %mul3A_183 : i32
      %dma_start3A_185 = arith.constant 0 : i32
      %dma_start3A_186 = arith.constant 0 : i32
      %dma_start3A_187 = tpu.memref_slice %arg7[%dma_start3A_185, %dma_start3A_186] : memref<3x96xi32, #tpu.memory_space<vmem>> -> memref<1x96xi32, #tpu.memory_space<vmem>>
      %dma_start3A_188 = tpu.memref_squeeze %dma_start3A_187 : memref<1x96xi32, #tpu.memory_space<vmem>> -> memref<96xi32, #tpu.memory_space<vmem>>
      %dma_start3A_189 = tpu.memref_slice %arg4[%add3A_184] : memref<322560xi32, #tpu.memory_space<hbm>> -> memref<96xi32, #tpu.memory_space<hbm>>
      %dma_start3A_190 = arith.constant 0 : i32
      %dma_start3A_191 = tpu.memref_slice %arg7[%dma_start3A_185, %dma_start3A_190] : memref<3x96xi32, #tpu.memory_space<vmem>> -> memref<1x96xi32, #tpu.memory_space<vmem>>
      %dma_start3A_192 = tpu.memref_squeeze %dma_start3A_191 : memref<1x96xi32, #tpu.memory_space<vmem>> -> memref<96xi32, #tpu.memory_space<vmem>>
      %dma_start3A_193 = tpu.memref_slice %arg4[%add3A_184] : memref<322560xi32, #tpu.memory_space<hbm>> -> memref<96xi32, #tpu.memory_space<hbm>>
      tpu.enqueue_dma source(%dma_start3A_193 : memref<96xi32, #tpu.memory_space<hbm>>) target(%dma_start3A_192 : memref<96xi32, #tpu.memory_space<vmem>>) target_semaphore(%arg10 : memref<!tpu.dma_semaphore, #tpu.memory_space<semaphore_mem>>)
      %mul3A_194 = arith.constant 96 : i32
      %mul3A_195 = arith.muli %add3A_181, %mul3A_194 : i32
      %dma_start3A_196 = arith.constant 0 : i32
      %dma_start3A_197 = arith.constant 0 : i32
      %dma_start3A_198 = tpu.memref_slice %arg8[%dma_start3A_196, %dma_start3A_197] : memref<288x128xf32, #tpu.memory_space<vmem>> -> memref<96x128xf32, #tpu.memory_space<vmem>>
      %dma_start3A_199 = tpu.memref_slice %arg6[%mul3A_195] : memref<10080xi32, #tpu.memory_space<vmem>> -> memref<96xi32, #tpu.memory_space<vmem>>
      %dma_start3A_200 = arith.constant 0 : i32
      %dma_start3A_201 = arith.constant 0 : i32
      %dma_start3A_202 = tpu.memref_slice %arg2[%dma_start3A_200, %dma_start3A_201] : memref<10240x128xf32, #tpu.memory_space<hbm>> -> memref<10240x128xf32, #tpu.memory_space<hbm>>
      tpu.enqueue_indirect_dma source(%dma_start3A_202 : memref<10240x128xf32, #tpu.memory_space<hbm>>) target(%dma_start3A_198 : memref<96x128xf32, #tpu.memory_space<vmem>>) offsets(%dma_start3A_199 : memref<96xi32, #tpu.memory_space<vmem>>) semaphore(%arg10 : memref<!tpu.dma_semaphore, #tpu.memory_space<semaphore_mem>>)
      %dma_wait3A_203 = arith.constant 1 : i32
      %dma_wait3A_204 = arith.constant 0 : i32
      %dma_wait3A_205 = tpu.memref_slice %arg7[%dma_wait3A_203, %dma_wait3A_204] : memref<3x96xi32, #tpu.memory_space<vmem>> -> memref<1x96xi32, #tpu.memory_space<vmem>>
      %dma_wait3A_206 = tpu.memref_squeeze %dma_wait3A_205 : memref<1x96xi32, #tpu.memory_space<vmem>> -> memref<96xi32, #tpu.memory_space<vmem>>
      %dma_wait3A_207 = tpu.memref_slice %arg4[%mul3A_2] : memref<322560xi32, #tpu.memory_space<hbm>> -> memref<96xi32, #tpu.memory_space<hbm>>
      %dma_wait3A_208 = arith.constant 0 : i32
      %dma_wait3A_209 = tpu.memref_slice %arg7[%dma_wait3A_203, %dma_wait3A_208] : memref<3x96xi32, #tpu.memory_space<vmem>> -> memref<1x96xi32, #tpu.memory_space<vmem>>
      %dma_wait3A_210 = tpu.memref_squeeze %dma_wait3A_209 : memref<1x96xi32, #tpu.memory_space<vmem>> -> memref<96xi32, #tpu.memory_space<vmem>>
      %dma_wait3A_211 = tpu.memref_slice %arg4[%mul3A_2] : memref<322560xi32, #tpu.memory_space<hbm>> -> memref<96xi32, #tpu.memory_space<hbm>>
      tpu.wait_dma2 semaphore(%arg11 : memref<!tpu.dma_semaphore, #tpu.memory_space<semaphore_mem>>) src(%dma_wait3A_211 : memref<96xi32, #tpu.memory_space<hbm>>) dst(%dma_wait3A_210 : memref<96xi32, #tpu.memory_space<vmem>>)
      %dma_wait3A_212 = arith.constant 96 : i32
      %dma_wait3A_213 = arith.constant 0 : i32
      %dma_wait3A_214 = tpu.memref_slice %arg8[%dma_wait3A_212, %dma_wait3A_213] : memref<288x128xf32, #tpu.memory_space<vmem>> -> memref<96x128xf32, #tpu.memory_space<vmem>>
      %dma_wait3A_215 = arith.constant 0 : i32
      %dma_wait3A_216 = arith.constant 0 : i32
      %dma_wait3A_217 = tpu.memref_slice %arg2[%dma_wait3A_215, %dma_wait3A_216] : memref<10240x128xf32, #tpu.memory_space<hbm>> -> memref<96x128xf32, #tpu.memory_space<hbm>>
      %dma_wait3A_218 = arith.constant 96 : i32
      %dma_wait3A_219 = arith.constant 0 : i32
      %dma_wait3A_220 = tpu.memref_slice %arg8[%dma_wait3A_218, %dma_wait3A_219] : memref<288x128xf32, #tpu.memory_space<vmem>> -> memref<96x128xf32, #tpu.memory_space<vmem>>
      %dma_wait3A_221 = arith.constant 0 : i32
      %dma_wait3A_222 = arith.constant 0 : i32
      %dma_wait3A_223 = tpu.memref_slice %arg2[%dma_wait3A_221, %dma_wait3A_222] : memref<10240x128xf32, #tpu.memory_space<hbm>> -> memref<96x128xf32, #tpu.memory_space<hbm>>
      tpu.wait_dma2 semaphore(%arg11 : memref<!tpu.dma_semaphore, #tpu.memory_space<semaphore_mem>>) src(%dma_wait3A_223 : memref<96x128xf32, #tpu.memory_space<hbm>>) dst(%dma_wait3A_220 : memref<96x128xf32, #tpu.memory_space<vmem>>)
      %run_scoped3A_224 = arith.constant 1 : i32
      "tpu.region"() ({
        %run_scoped3A_301 = tpu.sem_alloc : memref<!tpu.dma_semaphore, #tpu.memory_space<semaphore_mem>>
        %dma_start3A_302 = arith.constant 96 : i32
        %dma_start3A_303 = arith.constant 0 : i32
        %dma_start3A_304 = tpu.memref_slice %arg8[%dma_start3A_302, %dma_start3A_303] : memref<288x128xf32, #tpu.memory_space<vmem>> -> memref<96x128xf32, #tpu.memory_space<vmem>>
        %dma_start3A_305 = arith.constant 0 : i32
        %dma_start3A_306 = tpu.memref_slice %arg7[%run_scoped3A_224, %dma_start3A_305] : memref<3x96xi32, #tpu.memory_space<vmem>> -> memref<1x96xi32, #tpu.memory_space<vmem>>
        %dma_start3A_307 = tpu.memref_squeeze %dma_start3A_306 : memref<1x96xi32, #tpu.memory_space<vmem>> -> memref<96xi32, #tpu.memory_space<vmem>>
        %dma_start3A_308 = arith.constant 0 : i32
        %dma_start3A_309 = arith.constant 0 : i32
        %dma_start3A_310 = tpu.memref_slice %arg9[%dma_start3A_308, %dma_start3A_309] : memref<10240x128xf32, #tpu.memory_space<vmem_shared>> -> memref<10240x128xf32, #tpu.memory_space<vmem_shared>>
        tpu.enqueue_indirect_dma source(%dma_start3A_304 : memref<96x128xf32, #tpu.memory_space<vmem>>) target(%dma_start3A_310 : memref<10240x128xf32, #tpu.memory_space<vmem_shared>>) offsets(%dma_start3A_307 : memref<96xi32, #tpu.memory_space<vmem>>) semaphore(%run_scoped3A_301 : memref<!tpu.dma_semaphore, #tpu.memory_space<semaphore_mem>>) {add = true}
        %dma_wait3A_311 = arith.constant 96 : i32
        %dma_wait3A_312 = arith.constant 0 : i32
        %dma_wait3A_313 = tpu.memref_slice %arg8[%dma_wait3A_311, %dma_wait3A_312] : memref<288x128xf32, #tpu.memory_space<vmem>> -> memref<96x128xf32, #tpu.memory_space<vmem>>
        %dma_wait3A_314 = arith.constant 0 : i32
        %dma_wait3A_315 = tpu.memref_slice %arg7[%run_scoped3A_224, %dma_wait3A_314] : memref<3x96xi32, #tpu.memory_space<vmem>> -> memref<1x96xi32, #tpu.memory_space<vmem>>
        %dma_wait3A_316 = tpu.memref_squeeze %dma_wait3A_315 : memref<1x96xi32, #tpu.memory_space<vmem>> -> memref<96xi32, #tpu.memory_space<vmem>>
        %dma_wait3A_317 = arith.constant 0 : i32
        %dma_wait3A_318 = arith.constant 0 : i32
        %dma_wait3A_319 = tpu.memref_slice %arg9[%dma_wait3A_317, %dma_wait3A_318] : memref<10240x128xf32, #tpu.memory_space<vmem_shared>> -> memref<10240x128xf32, #tpu.memory_space<vmem_shared>>
        tpu.wait_indirect_dma semaphore(%run_scoped3A_301 : memref<!tpu.dma_semaphore, #tpu.memory_space<semaphore_mem>>) src(%dma_wait3A_313 : memref<96x128xf32, #tpu.memory_space<vmem>>) dst(%dma_wait3A_319 : memref<10240x128xf32, #tpu.memory_space<vmem_shared>>)
        tpu.yield
      }) : () -> ()
      %mul3A_225 = arith.constant 3 : i32
      %mul3A_226 = arith.muli %scan3A_153, %mul3A_225 : i32
      %add3A_227 = arith.constant 1 : i32
      %add3A_228 = arith.addi %mul3A_226, %add3A_227 : i32
      %add3A_229 = arith.constant 3 : i32
      %add3A_230 = arith.addi %add3A_228, %add3A_229 : i32
      %mul3A_231 = arith.constant 96 : i32
      %mul3A_232 = arith.muli %add3A_230, %mul3A_231 : i32
      %add3A_233 = arith.addi %mul3A_2, %mul3A_232 : i32
      %dma_start3A_234 = arith.constant 1 : i32
      %dma_start3A_235 = arith.constant 0 : i32
      %dma_start3A_236 = tpu.memref_slice %arg7[%dma_start3A_234, %dma_start3A_235] : memref<3x96xi32, #tpu.memory_space<vmem>> -> memref<1x96xi32, #tpu.memory_space<vmem>>
      %dma_start3A_237 = tpu.memref_squeeze %dma_start3A_236 : memref<1x96xi32, #tpu.memory_space<vmem>> -> memref<96xi32, #tpu.memory_space<vmem>>
      %dma_start3A_238 = tpu.memref_slice %arg4[%add3A_233] : memref<322560xi32, #tpu.memory_space<hbm>> -> memref<96xi32, #tpu.memory_space<hbm>>
      %dma_start3A_239 = arith.constant 0 : i32
      %dma_start3A_240 = tpu.memref_slice %arg7[%dma_start3A_234, %dma_start3A_239] : memref<3x96xi32, #tpu.memory_space<vmem>> -> memref<1x96xi32, #tpu.memory_space<vmem>>
      %dma_start3A_241 = tpu.memref_squeeze %dma_start3A_240 : memref<1x96xi32, #tpu.memory_space<vmem>> -> memref<96xi32, #tpu.memory_space<vmem>>
      %dma_start3A_242 = tpu.memref_slice %arg4[%add3A_233] : memref<322560xi32, #tpu.memory_space<hbm>> -> memref<96xi32, #tpu.memory_space<hbm>>
      tpu.enqueue_dma source(%dma_start3A_242 : memref<96xi32, #tpu.memory_space<hbm>>) target(%dma_start3A_241 : memref<96xi32, #tpu.memory_space<vmem>>) target_semaphore(%arg11 : memref<!tpu.dma_semaphore, #tpu.memory_space<semaphore_mem>>)
      %mul3A_243 = arith.constant 96 : i32
      %mul3A_244 = arith.muli %add3A_230, %mul3A_243 : i32
      %dma_start3A_245 = arith.constant 96 : i32
      %dma_start3A_246 = arith.constant 0 : i32
      %dma_start3A_247 = tpu.memref_slice %arg8[%dma_start3A_245, %dma_start3A_246] : memref<288x128xf32, #tpu.memory_space<vmem>> -> memref<96x128xf32, #tpu.memory_space<vmem>>
      %dma_start3A_248 = tpu.memref_slice %arg6[%mul3A_244] : memref<10080xi32, #tpu.memory_space<vmem>> -> memref<96xi32, #tpu.memory_space<vmem>>
      %dma_start3A_249 = arith.constant 0 : i32
      %dma_start3A_250 = arith.constant 0 : i32
      %dma_start3A_251 = tpu.memref_slice %arg2[%dma_start3A_249, %dma_start3A_250] : memref<10240x128xf32, #tpu.memory_space<hbm>> -> memref<10240x128xf32, #tpu.memory_space<hbm>>
      tpu.enqueue_indirect_dma source(%dma_start3A_251 : memref<10240x128xf32, #tpu.memory_space<hbm>>) target(%dma_start3A_247 : memref<96x128xf32, #tpu.memory_space<vmem>>) offsets(%dma_start3A_248 : memref<96xi32, #tpu.memory_space<vmem>>) semaphore(%arg11 : memref<!tpu.dma_semaphore, #tpu.memory_space<semaphore_mem>>)
      %dma_wait3A_252 = arith.constant 2 : i32
      %dma_wait3A_253 = arith.constant 0 : i32
      %dma_wait3A_254 = tpu.memref_slice %arg7[%dma_wait3A_252, %dma_wait3A_253] : memref<3x96xi32, #tpu.memory_space<vmem>> -> memref<1x96xi32, #tpu.memory_space<vmem>>
      %dma_wait3A_255 = tpu.memref_squeeze %dma_wait3A_254 : memref<1x96xi32, #tpu.memory_space<vmem>> -> memref<96xi32, #tpu.memory_space<vmem>>
      %dma_wait3A_256 = tpu.memref_slice %arg4[%mul3A_2] : memref<322560xi32, #tpu.memory_space<hbm>> -> memref<96xi32, #tpu.memory_space<hbm>>
      %dma_wait3A_257 = arith.constant 0 : i32
      %dma_wait3A_258 = tpu.memref_slice %arg7[%dma_wait3A_252, %dma_wait3A_257] : memref<3x96xi32, #tpu.memory_space<vmem>> -> memref<1x96xi32, #tpu.memory_space<vmem>>
      %dma_wait3A_259 = tpu.memref_squeeze %dma_wait3A_258 : memref<1x96xi32, #tpu.memory_space<vmem>> -> memref<96xi32, #tpu.memory_space<vmem>>
      %dma_wait3A_260 = tpu.memref_slice %arg4[%mul3A_2] : memref<322560xi32, #tpu.memory_space<hbm>> -> memref<96xi32, #tpu.memory_space<hbm>>
      tpu.wait_dma2 semaphore(%arg12 : memref<!tpu.dma_semaphore, #tpu.memory_space<semaphore_mem>>) src(%dma_wait3A_260 : memref<96xi32, #tpu.memory_space<hbm>>) dst(%dma_wait3A_259 : memref<96xi32, #tpu.memory_space<vmem>>)
      %dma_wait3A_261 = arith.constant 192 : i32
      %dma_wait3A_262 = arith.constant 0 : i32
      %dma_wait3A_263 = tpu.memref_slice %arg8[%dma_wait3A_261, %dma_wait3A_262] : memref<288x128xf32, #tpu.memory_space<vmem>> -> memref<96x128xf32, #tpu.memory_space<vmem>>
      %dma_wait3A_264 = arith.constant 0 : i32
      %dma_wait3A_265 = arith.constant 0 : i32
      %dma_wait3A_266 = tpu.memref_slice %arg2[%dma_wait3A_264, %dma_wait3A_265] : memref<10240x128xf32, #tpu.memory_space<hbm>> -> memref<96x128xf32, #tpu.memory_space<hbm>>
      %dma_wait3A_267 = arith.constant 192 : i32
      %dma_wait3A_268 = arith.constant 0 : i32
      %dma_wait3A_269 = tpu.memref_slice %arg8[%dma_wait3A_267, %dma_wait3A_268] : memref<288x128xf32, #tpu.memory_space<vmem>> -> memref<96x128xf32, #tpu.memory_space<vmem>>
      %dma_wait3A_270 = arith.constant 0 : i32
      %dma_wait3A_271 = arith.constant 0 : i32
      %dma_wait3A_272 = tpu.memref_slice %arg2[%dma_wait3A_270, %dma_wait3A_271] : memref<10240x128xf32, #tpu.memory_space<hbm>> -> memref<96x128xf32, #tpu.memory_space<hbm>>
      tpu.wait_dma2 semaphore(%arg12 : memref<!tpu.dma_semaphore, #tpu.memory_space<semaphore_mem>>) src(%dma_wait3A_272 : memref<96x128xf32, #tpu.memory_space<hbm>>) dst(%dma_wait3A_269 : memref<96x128xf32, #tpu.memory_space<vmem>>)
      %run_scoped3A_273 = arith.constant 2 : i32
      "tpu.region"() ({
        %run_scoped3A_301 = tpu.sem_alloc : memref<!tpu.dma_semaphore, #tpu.memory_space<semaphore_mem>>
        %dma_start3A_302 = arith.constant 192 : i32
        %dma_start3A_303 = arith.constant 0 : i32
        %dma_start3A_304 = tpu.memref_slice %arg8[%dma_start3A_302, %dma_start3A_303] : memref<288x128xf32, #tpu.memory_space<vmem>> -> memref<96x128xf32, #tpu.memory_space<vmem>>
        %dma_start3A_305 = arith.constant 0 : i32
        %dma_start3A_306 = tpu.memref_slice %arg7[%run_scoped3A_273, %dma_start3A_305] : memref<3x96xi32, #tpu.memory_space<vmem>> -> memref<1x96xi32, #tpu.memory_space<vmem>>
        %dma_start3A_307 = tpu.memref_squeeze %dma_start3A_306 : memref<1x96xi32, #tpu.memory_space<vmem>> -> memref<96xi32, #tpu.memory_space<vmem>>
        %dma_start3A_308 = arith.constant 0 : i32
        %dma_start3A_309 = arith.constant 0 : i32
        %dma_start3A_310 = tpu.memref_slice %arg9[%dma_start3A_308, %dma_start3A_309] : memref<10240x128xf32, #tpu.memory_space<vmem_shared>> -> memref<10240x128xf32, #tpu.memory_space<vmem_shared>>
        tpu.enqueue_indirect_dma source(%dma_start3A_304 : memref<96x128xf32, #tpu.memory_space<vmem>>) target(%dma_start3A_310 : memref<10240x128xf32, #tpu.memory_space<vmem_shared>>) offsets(%dma_start3A_307 : memref<96xi32, #tpu.memory_space<vmem>>) semaphore(%run_scoped3A_301 : memref<!tpu.dma_semaphore, #tpu.memory_space<semaphore_mem>>) {add = true}
        %dma_wait3A_311 = arith.constant 192 : i32
        %dma_wait3A_312 = arith.constant 0 : i32
        %dma_wait3A_313 = tpu.memref_slice %arg8[%dma_wait3A_311, %dma_wait3A_312] : memref<288x128xf32, #tpu.memory_space<vmem>> -> memref<96x128xf32, #tpu.memory_space<vmem>>
        %dma_wait3A_314 = arith.constant 0 : i32
        %dma_wait3A_315 = tpu.memref_slice %arg7[%run_scoped3A_273, %dma_wait3A_314] : memref<3x96xi32, #tpu.memory_space<vmem>> -> memref<1x96xi32, #tpu.memory_space<vmem>>
        %dma_wait3A_316 = tpu.memref_squeeze %dma_wait3A_315 : memref<1x96xi32, #tpu.memory_space<vmem>> -> memref<96xi32, #tpu.memory_space<vmem>>
        %dma_wait3A_317 = arith.constant 0 : i32
        %dma_wait3A_318 = arith.constant 0 : i32
        %dma_wait3A_319 = tpu.memref_slice %arg9[%dma_wait3A_317, %dma_wait3A_318] : memref<10240x128xf32, #tpu.memory_space<vmem_shared>> -> memref<10240x128xf32, #tpu.memory_space<vmem_shared>>
        tpu.wait_indirect_dma semaphore(%run_scoped3A_301 : memref<!tpu.dma_semaphore, #tpu.memory_space<semaphore_mem>>) src(%dma_wait3A_313 : memref<96x128xf32, #tpu.memory_space<vmem>>) dst(%dma_wait3A_319 : memref<10240x128xf32, #tpu.memory_space<vmem_shared>>)
        tpu.yield
      }) : () -> ()
      %mul3A_274 = arith.constant 3 : i32
      %mul3A_275 = arith.muli %scan3A_153, %mul3A_274 : i32
      %add3A_276 = arith.constant 2 : i32
      %add3A_277 = arith.addi %mul3A_275, %add3A_276 : i32
      %add3A_278 = arith.constant 3 : i32
      %add3A_279 = arith.addi %add3A_277, %add3A_278 : i32
      %mul3A_280 = arith.constant 96 : i32
      %mul3A_281 = arith.muli %add3A_279, %mul3A_280 : i32
      %add3A_282 = arith.addi %mul3A_2, %mul3A_281 : i32
      %dma_start3A_283 = arith.constant 2 : i32
      %dma_start3A_284 = arith.constant 0 : i32
      %dma_start3A_285 = tpu.memref_slice %arg7[%dma_start3A_283, %dma_start3A_284] : memref<3x96xi32, #tpu.memory_space<vmem>> -> memref<1x96xi32, #tpu.memory_space<vmem>>
      %dma_start3A_286 = tpu.memref_squeeze %dma_start3A_285 : memref<1x96xi32, #tpu.memory_space<vmem>> -> memref<96xi32, #tpu.memory_space<vmem>>
      %dma_start3A_287 = tpu.memref_slice %arg4[%add3A_282] : memref<322560xi32, #tpu.memory_space<hbm>> -> memref<96xi32, #tpu.memory_space<hbm>>
      %dma_start3A_288 = arith.constant 0 : i32
      %dma_start3A_289 = tpu.memref_slice %arg7[%dma_start3A_283, %dma_start3A_288] : memref<3x96xi32, #tpu.memory_space<vmem>> -> memref<1x96xi32, #tpu.memory_space<vmem>>
      %dma_start3A_290 = tpu.memref_squeeze %dma_start3A_289 : memref<1x96xi32, #tpu.memory_space<vmem>> -> memref<96xi32, #tpu.memory_space<vmem>>
      %dma_start3A_291 = tpu.memref_slice %arg4[%add3A_282] : memref<322560xi32, #tpu.memory_space<hbm>> -> memref<96xi32, #tpu.memory_space<hbm>>
      tpu.enqueue_dma source(%dma_start3A_291 : memref<96xi32, #tpu.memory_space<hbm>>) target(%dma_start3A_290 : memref<96xi32, #tpu.memory_space<vmem>>) target_semaphore(%arg12 : memref<!tpu.dma_semaphore, #tpu.memory_space<semaphore_mem>>)
      %mul3A_292 = arith.constant 96 : i32
      %mul3A_293 = arith.muli %add3A_279, %mul3A_292 : i32
      %dma_start3A_294 = arith.constant 192 : i32
      %dma_start3A_295 = arith.constant 0 : i32
      %dma_start3A_296 = tpu.memref_slice %arg8[%dma_start3A_294, %dma_start3A_295] : memref<288x128xf32, #tpu.memory_space<vmem>> -> memref<96x128xf32, #tpu.memory_space<vmem>>
      %dma_start3A_297 = tpu.memref_slice %arg6[%mul3A_293] : memref<10080xi32, #tpu.memory_space<vmem>> -> memref<96xi32, #tpu.memory_space<vmem>>
      %dma_start3A_298 = arith.constant 0 : i32
      %dma_start3A_299 = arith.constant 0 : i32
      %dma_start3A_300 = tpu.memref_slice %arg2[%dma_start3A_298, %dma_start3A_299] : memref<10240x128xf32, #tpu.memory_space<hbm>> -> memref<10240x128xf32, #tpu.memory_space<hbm>>
      tpu.enqueue_indirect_dma source(%dma_start3A_300 : memref<10240x128xf32, #tpu.memory_space<hbm>>) target(%dma_start3A_296 : memref<96x128xf32, #tpu.memory_space<vmem>>) offsets(%dma_start3A_297 : memref<96xi32, #tpu.memory_space<vmem>>) semaphore(%arg12 : memref<!tpu.dma_semaphore, #tpu.memory_space<semaphore_mem>>)
    }
    %scan3A_80 = arith.constant 34 : i32
    %dma_wait3A = arith.constant 0 : i32
    %dma_wait3A_81 = arith.constant 0 : i32
    %dma_wait3A_82 = tpu.memref_slice %arg7[%dma_wait3A, %dma_wait3A_81] : memref<3x96xi32, #tpu.memory_space<vmem>> -> memref<1x96xi32, #tpu.memory_space<vmem>>
    %dma_wait3A_83 = tpu.memref_squeeze %dma_wait3A_82 : memref<1x96xi32, #tpu.memory_space<vmem>> -> memref<96xi32, #tpu.memory_space<vmem>>
    %dma_wait3A_84 = tpu.memref_slice %arg4[%mul3A_2] : memref<322560xi32, #tpu.memory_space<hbm>> -> memref<96xi32, #tpu.memory_space<hbm>>
    %dma_wait3A_85 = arith.constant 0 : i32
    %dma_wait3A_86 = tpu.memref_slice %arg7[%dma_wait3A, %dma_wait3A_85] : memref<3x96xi32, #tpu.memory_space<vmem>> -> memref<1x96xi32, #tpu.memory_space<vmem>>
    %dma_wait3A_87 = tpu.memref_squeeze %dma_wait3A_86 : memref<1x96xi32, #tpu.memory_space<vmem>> -> memref<96xi32, #tpu.memory_space<vmem>>
    %dma_wait3A_88 = tpu.memref_slice %arg4[%mul3A_2] : memref<322560xi32, #tpu.memory_space<hbm>> -> memref<96xi32, #tpu.memory_space<hbm>>
    tpu.wait_dma2 semaphore(%arg10 : memref<!tpu.dma_semaphore, #tpu.memory_space<semaphore_mem>>) src(%dma_wait3A_88 : memref<96xi32, #tpu.memory_space<hbm>>) dst(%dma_wait3A_87 : memref<96xi32, #tpu.memory_space<vmem>>)
    %dma_wait3A_89 = arith.constant 0 : i32
    %dma_wait3A_90 = arith.constant 0 : i32
    %dma_wait3A_91 = tpu.memref_slice %arg8[%dma_wait3A_89, %dma_wait3A_90] : memref<288x128xf32, #tpu.memory_space<vmem>> -> memref<96x128xf32, #tpu.memory_space<vmem>>
    %dma_wait3A_92 = arith.constant 0 : i32
    %dma_wait3A_93 = arith.constant 0 : i32
    %dma_wait3A_94 = tpu.memref_slice %arg2[%dma_wait3A_92, %dma_wait3A_93] : memref<10240x128xf32, #tpu.memory_space<hbm>> -> memref<96x128xf32, #tpu.memory_space<hbm>>
    %dma_wait3A_95 = arith.constant 0 : i32
    %dma_wait3A_96 = arith.constant 0 : i32
    %dma_wait3A_97 = tpu.memref_slice %arg8[%dma_wait3A_95, %dma_wait3A_96] : memref<288x128xf32, #tpu.memory_space<vmem>> -> memref<96x128xf32, #tpu.memory_space<vmem>>
    %dma_wait3A_98 = arith.constant 0 : i32
    %dma_wait3A_99 = arith.constant 0 : i32
    %dma_wait3A_100 = tpu.memref_slice %arg2[%dma_wait3A_98, %dma_wait3A_99] : memref<10240x128xf32, #tpu.memory_space<hbm>> -> memref<96x128xf32, #tpu.memory_space<hbm>>
    tpu.wait_dma2 semaphore(%arg10 : memref<!tpu.dma_semaphore, #tpu.memory_space<semaphore_mem>>) src(%dma_wait3A_100 : memref<96x128xf32, #tpu.memory_space<hbm>>) dst(%dma_wait3A_97 : memref<96x128xf32, #tpu.memory_space<vmem>>)
    %run_scoped3A = arith.constant 0 : i32
    "tpu.region"() ({
      %run_scoped3A_153 = tpu.sem_alloc : memref<!tpu.dma_semaphore, #tpu.memory_space<semaphore_mem>>
      %dma_start3A_154 = arith.constant 0 : i32
      %dma_start3A_155 = arith.constant 0 : i32
      %dma_start3A_156 = tpu.memref_slice %arg8[%dma_start3A_154, %dma_start3A_155] : memref<288x128xf32, #tpu.memory_space<vmem>> -> memref<96x128xf32, #tpu.memory_space<vmem>>
      %dma_start3A_157 = arith.constant 0 : i32
      %dma_start3A_158 = tpu.memref_slice %arg7[%run_scoped3A, %dma_start3A_157] : memref<3x96xi32, #tpu.memory_space<vmem>> -> memref<1x96xi32, #tpu.memory_space<vmem>>
      %dma_start3A_159 = tpu.memref_squeeze %dma_start3A_158 : memref<1x96xi32, #tpu.memory_space<vmem>> -> memref<96xi32, #tpu.memory_space<vmem>>
      %dma_start3A_160 = arith.constant 0 : i32
      %dma_start3A_161 = arith.constant 0 : i32
      %dma_start3A_162 = tpu.memref_slice %arg9[%dma_start3A_160, %dma_start3A_161] : memref<10240x128xf32, #tpu.memory_space<vmem_shared>> -> memref<10240x128xf32, #tpu.memory_space<vmem_shared>>
      tpu.enqueue_indirect_dma source(%dma_start3A_156 : memref<96x128xf32, #tpu.memory_space<vmem>>) target(%dma_start3A_162 : memref<10240x128xf32, #tpu.memory_space<vmem_shared>>) offsets(%dma_start3A_159 : memref<96xi32, #tpu.memory_space<vmem>>) semaphore(%run_scoped3A_153 : memref<!tpu.dma_semaphore, #tpu.memory_space<semaphore_mem>>) {add = true}
      %dma_wait3A_163 = arith.constant 0 : i32
      %dma_wait3A_164 = arith.constant 0 : i32
      %dma_wait3A_165 = tpu.memref_slice %arg8[%dma_wait3A_163, %dma_wait3A_164] : memref<288x128xf32, #tpu.memory_space<vmem>> -> memref<96x128xf32, #tpu.memory_space<vmem>>
      %dma_wait3A_166 = arith.constant 0 : i32
      %dma_wait3A_167 = tpu.memref_slice %arg7[%run_scoped3A, %dma_wait3A_166] : memref<3x96xi32, #tpu.memory_space<vmem>> -> memref<1x96xi32, #tpu.memory_space<vmem>>
      %dma_wait3A_168 = tpu.memref_squeeze %dma_wait3A_167 : memref<1x96xi32, #tpu.memory_space<vmem>> -> memref<96xi32, #tpu.memory_space<vmem>>
      %dma_wait3A_169 = arith.constant 0 : i32
      %dma_wait3A_170 = arith.constant 0 : i32
      %dma_wait3A_171 = tpu.memref_slice %arg9[%dma_wait3A_169, %dma_wait3A_170] : memref<10240x128xf32, #tpu.memory_space<vmem_shared>> -> memref<10240x128xf32, #tpu.memory_space<vmem_shared>>
      tpu.wait_indirect_dma semaphore(%run_scoped3A_153 : memref<!tpu.dma_semaphore, #tpu.memory_space<semaphore_mem>>) src(%dma_wait3A_165 : memref<96x128xf32, #tpu.memory_space<vmem>>) dst(%dma_wait3A_171 : memref<10240x128xf32, #tpu.memory_space<vmem_shared>>)
      tpu.yield
    }) : () -> ()
    %dma_wait3A_101 = arith.constant 1 : i32
    %dma_wait3A_102 = arith.constant 0 : i32
    %dma_wait3A_103 = tpu.memref_slice %arg7[%dma_wait3A_101, %dma_wait3A_102] : memref<3x96xi32, #tpu.memory_space<vmem>> -> memref<1x96xi32, #tpu.memory_space<vmem>>
    %dma_wait3A_104 = tpu.memref_squeeze %dma_wait3A_103 : memref<1x96xi32, #tpu.memory_space<vmem>> -> memref<96xi32, #tpu.memory_space<vmem>>
    %dma_wait3A_105 = tpu.memref_slice %arg4[%mul3A_2] : memref<322560xi32, #tpu.memory_space<hbm>> -> memref<96xi32, #tpu.memory_space<hbm>>
    %dma_wait3A_106 = arith.constant 0 : i32
    %dma_wait3A_107 = tpu.memref_slice %arg7[%dma_wait3A_101, %dma_wait3A_106] : memref<3x96xi32, #tpu.memory_space<vmem>> -> memref<1x96xi32, #tpu.memory_space<vmem>>
    %dma_wait3A_108 = tpu.memref_squeeze %dma_wait3A_107 : memref<1x96xi32, #tpu.memory_space<vmem>> -> memref<96xi32, #tpu.memory_space<vmem>>
    %dma_wait3A_109 = tpu.memref_slice %arg4[%mul3A_2] : memref<322560xi32, #tpu.memory_space<hbm>> -> memref<96xi32, #tpu.memory_space<hbm>>
    tpu.wait_dma2 semaphore(%arg11 : memref<!tpu.dma_semaphore, #tpu.memory_space<semaphore_mem>>) src(%dma_wait3A_109 : memref<96xi32, #tpu.memory_space<hbm>>) dst(%dma_wait3A_108 : memref<96xi32, #tpu.memory_space<vmem>>)
    %dma_wait3A_110 = arith.constant 96 : i32
    %dma_wait3A_111 = arith.constant 0 : i32
    %dma_wait3A_112 = tpu.memref_slice %arg8[%dma_wait3A_110, %dma_wait3A_111] : memref<288x128xf32, #tpu.memory_space<vmem>> -> memref<96x128xf32, #tpu.memory_space<vmem>>
    %dma_wait3A_113 = arith.constant 0 : i32
    %dma_wait3A_114 = arith.constant 0 : i32
    %dma_wait3A_115 = tpu.memref_slice %arg2[%dma_wait3A_113, %dma_wait3A_114] : memref<10240x128xf32, #tpu.memory_space<hbm>> -> memref<96x128xf32, #tpu.memory_space<hbm>>
    %dma_wait3A_116 = arith.constant 96 : i32
    %dma_wait3A_117 = arith.constant 0 : i32
    %dma_wait3A_118 = tpu.memref_slice %arg8[%dma_wait3A_116, %dma_wait3A_117] : memref<288x128xf32, #tpu.memory_space<vmem>> -> memref<96x128xf32, #tpu.memory_space<vmem>>
    %dma_wait3A_119 = arith.constant 0 : i32
    %dma_wait3A_120 = arith.constant 0 : i32
    %dma_wait3A_121 = tpu.memref_slice %arg2[%dma_wait3A_119, %dma_wait3A_120] : memref<10240x128xf32, #tpu.memory_space<hbm>> -> memref<96x128xf32, #tpu.memory_space<hbm>>
    tpu.wait_dma2 semaphore(%arg11 : memref<!tpu.dma_semaphore, #tpu.memory_space<semaphore_mem>>) src(%dma_wait3A_121 : memref<96x128xf32, #tpu.memory_space<hbm>>) dst(%dma_wait3A_118 : memref<96x128xf32, #tpu.memory_space<vmem>>)
    %run_scoped3A_122 = arith.constant 1 : i32
    "tpu.region"() ({
      %run_scoped3A_153 = tpu.sem_alloc : memref<!tpu.dma_semaphore, #tpu.memory_space<semaphore_mem>>
      %dma_start3A_154 = arith.constant 96 : i32
      %dma_start3A_155 = arith.constant 0 : i32
      %dma_start3A_156 = tpu.memref_slice %arg8[%dma_start3A_154, %dma_start3A_155] : memref<288x128xf32, #tpu.memory_space<vmem>> -> memref<96x128xf32, #tpu.memory_space<vmem>>
      %dma_start3A_157 = arith.constant 0 : i32
      %dma_start3A_158 = tpu.memref_slice %arg7[%run_scoped3A_122, %dma_start3A_157] : memref<3x96xi32, #tpu.memory_space<vmem>> -> memref<1x96xi32, #tpu.memory_space<vmem>>
      %dma_start3A_159 = tpu.memref_squeeze %dma_start3A_158 : memref<1x96xi32, #tpu.memory_space<vmem>> -> memref<96xi32, #tpu.memory_space<vmem>>
      %dma_start3A_160 = arith.constant 0 : i32
      %dma_start3A_161 = arith.constant 0 : i32
      %dma_start3A_162 = tpu.memref_slice %arg9[%dma_start3A_160, %dma_start3A_161] : memref<10240x128xf32, #tpu.memory_space<vmem_shared>> -> memref<10240x128xf32, #tpu.memory_space<vmem_shared>>
      tpu.enqueue_indirect_dma source(%dma_start3A_156 : memref<96x128xf32, #tpu.memory_space<vmem>>) target(%dma_start3A_162 : memref<10240x128xf32, #tpu.memory_space<vmem_shared>>) offsets(%dma_start3A_159 : memref<96xi32, #tpu.memory_space<vmem>>) semaphore(%run_scoped3A_153 : memref<!tpu.dma_semaphore, #tpu.memory_space<semaphore_mem>>) {add = true}
      %dma_wait3A_163 = arith.constant 96 : i32
      %dma_wait3A_164 = arith.constant 0 : i32
      %dma_wait3A_165 = tpu.memref_slice %arg8[%dma_wait3A_163, %dma_wait3A_164] : memref<288x128xf32, #tpu.memory_space<vmem>> -> memref<96x128xf32, #tpu.memory_space<vmem>>
      %dma_wait3A_166 = arith.constant 0 : i32
      %dma_wait3A_167 = tpu.memref_slice %arg7[%run_scoped3A_122, %dma_wait3A_166] : memref<3x96xi32, #tpu.memory_space<vmem>> -> memref<1x96xi32, #tpu.memory_space<vmem>>
      %dma_wait3A_168 = tpu.memref_squeeze %dma_wait3A_167 : memref<1x96xi32, #tpu.memory_space<vmem>> -> memref<96xi32, #tpu.memory_space<vmem>>
      %dma_wait3A_169 = arith.constant 0 : i32
      %dma_wait3A_170 = arith.constant 0 : i32
      %dma_wait3A_171 = tpu.memref_slice %arg9[%dma_wait3A_169, %dma_wait3A_170] : memref<10240x128xf32, #tpu.memory_space<vmem_shared>> -> memref<10240x128xf32, #tpu.memory_space<vmem_shared>>
      tpu.wait_indirect_dma semaphore(%run_scoped3A_153 : memref<!tpu.dma_semaphore, #tpu.memory_space<semaphore_mem>>) src(%dma_wait3A_165 : memref<96x128xf32, #tpu.memory_space<vmem>>) dst(%dma_wait3A_171 : memref<10240x128xf32, #tpu.memory_space<vmem_shared>>)
      tpu.yield
    }) : () -> ()
    %dma_wait3A_123 = arith.constant 2 : i32
    %dma_wait3A_124 = arith.constant 0 : i32
    %dma_wait3A_125 = tpu.memref_slice %arg7[%dma_wait3A_123, %dma_wait3A_124] : memref<3x96xi32, #tpu.memory_space<vmem>> -> memref<1x96xi32, #tpu.memory_space<vmem>>
    %dma_wait3A_126 = tpu.memref_squeeze %dma_wait3A_125 : memref<1x96xi32, #tpu.memory_space<vmem>> -> memref<96xi32, #tpu.memory_space<vmem>>
    %dma_wait3A_127 = tpu.memref_slice %arg4[%mul3A_2] : memref<322560xi32, #tpu.memory_space<hbm>> -> memref<96xi32, #tpu.memory_space<hbm>>
    %dma_wait3A_128 = arith.constant 0 : i32
    %dma_wait3A_129 = tpu.memref_slice %arg7[%dma_wait3A_123, %dma_wait3A_128] : memref<3x96xi32, #tpu.memory_space<vmem>> -> memref<1x96xi32, #tpu.memory_space<vmem>>
    %dma_wait3A_130 = tpu.memref_squeeze %dma_wait3A_129 : memref<1x96xi32, #tpu.memory_space<vmem>> -> memref<96xi32, #tpu.memory_space<vmem>>
    %dma_wait3A_131 = tpu.memref_slice %arg4[%mul3A_2] : memref<322560xi32, #tpu.memory_space<hbm>> -> memref<96xi32, #tpu.memory_space<hbm>>
    tpu.wait_dma2 semaphore(%arg12 : memref<!tpu.dma_semaphore, #tpu.memory_space<semaphore_mem>>) src(%dma_wait3A_131 : memref<96xi32, #tpu.memory_space<hbm>>) dst(%dma_wait3A_130 : memref<96xi32, #tpu.memory_space<vmem>>)
    %dma_wait3A_132 = arith.constant 192 : i32
    %dma_wait3A_133 = arith.constant 0 : i32
    %dma_wait3A_134 = tpu.memref_slice %arg8[%dma_wait3A_132, %dma_wait3A_133] : memref<288x128xf32, #tpu.memory_space<vmem>> -> memref<96x128xf32, #tpu.memory_space<vmem>>
    %dma_wait3A_135 = arith.constant 0 : i32
    %dma_wait3A_136 = arith.constant 0 : i32
    %dma_wait3A_137 = tpu.memref_slice %arg2[%dma_wait3A_135, %dma_wait3A_136] : memref<10240x128xf32, #tpu.memory_space<hbm>> -> memref<96x128xf32, #tpu.memory_space<hbm>>
    %dma_wait3A_138 = arith.constant 192 : i32
    %dma_wait3A_139 = arith.constant 0 : i32
    %dma_wait3A_140 = tpu.memref_slice %arg8[%dma_wait3A_138, %dma_wait3A_139] : memref<288x128xf32, #tpu.memory_space<vmem>> -> memref<96x128xf32, #tpu.memory_space<vmem>>
    %dma_wait3A_141 = arith.constant 0 : i32
    %dma_wait3A_142 = arith.constant 0 : i32
    %dma_wait3A_143 = tpu.memref_slice %arg2[%dma_wait3A_141, %dma_wait3A_142] : memref<10240x128xf32, #tpu.memory_space<hbm>> -> memref<96x128xf32, #tpu.memory_space<hbm>>
    tpu.wait_dma2 semaphore(%arg12 : memref<!tpu.dma_semaphore, #tpu.memory_space<semaphore_mem>>) src(%dma_wait3A_143 : memref<96x128xf32, #tpu.memory_space<hbm>>) dst(%dma_wait3A_140 : memref<96x128xf32, #tpu.memory_space<vmem>>)
    %run_scoped3A_144 = arith.constant 2 : i32
    "tpu.region"() ({
      %run_scoped3A_153 = tpu.sem_alloc : memref<!tpu.dma_semaphore, #tpu.memory_space<semaphore_mem>>
      %dma_start3A_154 = arith.constant 192 : i32
      %dma_start3A_155 = arith.constant 0 : i32
      %dma_start3A_156 = tpu.memref_slice %arg8[%dma_start3A_154, %dma_start3A_155] : memref<288x128xf32, #tpu.memory_space<vmem>> -> memref<96x128xf32, #tpu.memory_space<vmem>>
      %dma_start3A_157 = arith.constant 0 : i32
      %dma_start3A_158 = tpu.memref_slice %arg7[%run_scoped3A_144, %dma_start3A_157] : memref<3x96xi32, #tpu.memory_space<vmem>> -> memref<1x96xi32, #tpu.memory_space<vmem>>
      %dma_start3A_159 = tpu.memref_squeeze %dma_start3A_158 : memref<1x96xi32, #tpu.memory_space<vmem>> -> memref<96xi32, #tpu.memory_space<vmem>>
      %dma_start3A_160 = arith.constant 0 : i32
      %dma_start3A_161 = arith.constant 0 : i32
      %dma_start3A_162 = tpu.memref_slice %arg9[%dma_start3A_160, %dma_start3A_161] : memref<10240x128xf32, #tpu.memory_space<vmem_shared>> -> memref<10240x128xf32, #tpu.memory_space<vmem_shared>>
      tpu.enqueue_indirect_dma source(%dma_start3A_156 : memref<96x128xf32, #tpu.memory_space<vmem>>) target(%dma_start3A_162 : memref<10240x128xf32, #tpu.memory_space<vmem_shared>>) offsets(%dma_start3A_159 : memref<96xi32, #tpu.memory_space<vmem>>) semaphore(%run_scoped3A_153 : memref<!tpu.dma_semaphore, #tpu.memory_space<semaphore_mem>>) {add = true}
      %dma_wait3A_163 = arith.constant 192 : i32
      %dma_wait3A_164 = arith.constant 0 : i32
      %dma_wait3A_165 = tpu.memref_slice %arg8[%dma_wait3A_163, %dma_wait3A_164] : memref<288x128xf32, #tpu.memory_space<vmem>> -> memref<96x128xf32, #tpu.memory_space<vmem>>
      %dma_wait3A_166 = arith.constant 0 : i32
      %dma_wait3A_167 = tpu.memref_slice %arg7[%run_scoped3A_144, %dma_wait3A_166] : memref<3x96xi32, #tpu.memory_space<vmem>> -> memref<1x96xi32, #tpu.memory_space<vmem>>
      %dma_wait3A_168 = tpu.memref_squeeze %dma_wait3A_167 : memref<1x96xi32, #tpu.memory_space<vmem>> -> memref<96xi32, #tpu.memory_space<vmem>>
      %dma_wait3A_169 = arith.constant 0 : i32
      %dma_wait3A_170 = arith.constant 0 : i32
      %dma_wait3A_171 = tpu.memref_slice %arg9[%dma_wait3A_169, %dma_wait3A_170] : memref<10240x128xf32, #tpu.memory_space<vmem_shared>> -> memref<10240x128xf32, #tpu.memory_space<vmem_shared>>
      tpu.wait_indirect_dma semaphore(%run_scoped3A_153 : memref<!tpu.dma_semaphore, #tpu.memory_space<semaphore_mem>>) src(%dma_wait3A_165 : memref<96x128xf32, #tpu.memory_space<vmem>>) dst(%dma_wait3A_171 : memref<10240x128xf32, #tpu.memory_space<vmem_shared>>)
      tpu.yield
    }) : () -> ()
    %barrier3A_145 = arith.constant 0 : index
    tpu.barrier barrier_id(%barrier3A_145)
    %mul3A_146 = arith.constant 640 : i32
    %mul3A_147 = arith.muli %arg1, %mul3A_146 : i32
    %mul3A_148 = arith.constant 10240 : i32
    %mul3A_149 = arith.muli %arg0, %mul3A_148 : i32
    %mul3A_150 = arith.constant 640 : i32
    %mul3A_151 = arith.muli %arg1, %mul3A_150 : i32
    %add3A_152 = arith.addi %mul3A_149, %mul3A_151 : i32
    "tpu.region"() ({
      %run_scoped3A_153 = tpu.sem_alloc : memref<!tpu.dma_semaphore, #tpu.memory_space<semaphore_mem>>
      %dma_start3A_154 = arith.constant 0 : i32
      %dma_start3A_155 = tpu.memref_slice %arg5[%add3A_152, %dma_start3A_154] : memref<20480x128xf32, #tpu.memory_space<hbm>> -> memref<640x128xf32, #tpu.memory_space<hbm>>
      %dma_start3A_156 = arith.constant 0 : i32
      %dma_start3A_157 = tpu.memref_slice %arg9[%mul3A_147, %dma_start3A_156] : memref<10240x128xf32, #tpu.memory_space<vmem_shared>> -> memref<640x128xf32, #tpu.memory_space<vmem_shared>>
      tpu.enqueue_dma source(%dma_start3A_157 : memref<640x128xf32, #tpu.memory_space<vmem_shared>>) target(%dma_start3A_155 : memref<640x128xf32, #tpu.memory_space<hbm>>) target_semaphore(%run_scoped3A_153 : memref<!tpu.dma_semaphore, #tpu.memory_space<semaphore_mem>>)
      %dma_wait3A_158 = arith.constant 0 : i32
      %dma_wait3A_159 = tpu.memref_slice %arg5[%add3A_152, %dma_wait3A_158] : memref<20480x128xf32, #tpu.memory_space<hbm>> -> memref<640x128xf32, #tpu.memory_space<hbm>>
      %dma_wait3A_160 = arith.constant 0 : i32
      %dma_wait3A_161 = tpu.memref_slice %arg9[%mul3A_147, %dma_wait3A_160] : memref<10240x128xf32, #tpu.memory_space<vmem_shared>> -> memref<640x128xf32, #tpu.memory_space<vmem_shared>>
      tpu.wait_dma2 semaphore(%run_scoped3A_153 : memref<!tpu.dma_semaphore, #tpu.memory_space<semaphore_mem>>) src(%dma_wait3A_161 : memref<640x128xf32, #tpu.memory_space<vmem_shared>>) dst(%dma_wait3A_159 : memref<640x128xf32, #tpu.memory_space<hbm>>)
      tpu.yield
    }) : () -> ()
    return
  }
}

#map = affine_map<(d0, d1) -> (0, 0)>
#map1 = affine_map<(d0, d1) -> (0)>
module attributes {stable_mosaic.version = 14 : i64} {
  func.func @agg(%arg0: i32, %arg1: i32, %arg2: memref<10240x128xf32, #tpu.memory_space<hbm>>, %arg3: memref<322560xi32, #tpu.memory_space<hbm>>, %arg4: memref<322560xi32, #tpu.memory_space<hbm>>, %arg5: memref<20480x128xf32, #tpu.memory_space<hbm>>, %arg6: memref<10080xi32, #tpu.memory_space<vmem>>, %arg7: memref<3x96xi32, #tpu.memory_space<vmem>>, %arg8: memref<288x128xf32, #tpu.memory_space<vmem>>, %arg9: memref<10240x128xf32, #tpu.memory_space<vmem_shared>>, %arg10: memref<!tpu.dma_semaphore, #tpu.memory_space<semaphore_mem>>, %arg11: memref<!tpu.dma_semaphore, #tpu.memory_space<semaphore_mem>>, %arg12: memref<!tpu.dma_semaphore, #tpu.memory_space<semaphore_mem>>) attributes {dimension_semantics = [#tpu.dimension_semantics<core_parallel>, #tpu.dimension_semantics<subcore_parallel>], iteration_bounds = array<i64: 2, 16>, scalar_prefetch = 0 : i64, scratch_operands = 7 : i64, tpu.core_type = #tpu.core_type<sc_vector_subcore>, window_params = [{transform_indices = #map}, {transform_indices = #map1}, {transform_indices = #map1}, {transform_indices = #map}]} {
    %mul3A = arith.constant 16 : i32
    %mul3A_0 = arith.muli %arg0, %mul3A : i32
    %add3A = arith.addi %mul3A_0, %arg1 : i32
    %mul3A_1 = arith.constant 10080 : i32
    %mul3A_2 = arith.muli %add3A, %mul3A_1 : i32
    %broadcast_in_dim3A = arith.constant 0.000000e+00 : f32
    %broadcast_in_dim3A_3 = vector.broadcast %broadcast_in_dim3A : f32 to vector<16xf32>
    %scan3A = arith.constant 0 : i32
    %scan3A_4 = arith.constant 0 : i32
    %scan3A_5 = arith.constant 768 : i32
    %scan3A_6 = arith.addi %scan3A_4, %scan3A_5 : i32
    %scan3A_7 = arith.constant 1 : i32
    scf.for %scan3A_153 = %scan3A_4 to %scan3A_6 step %scan3A_7  : i32 {
      %jit3A = arith.constant 8 : i32
      %div3A = arith.divsi %scan3A_153, %jit3A : i32
      %sign3A = arith.constant 0 : i32
      %sign3A_154 = arith.cmpi sgt, %scan3A_153, %sign3A : i32
      %sign3A_155 = arith.extui %sign3A_154 : i1 to i32
      %sign3A_156 = arith.constant 0 : i32
      %sign3A_157 = arith.cmpi slt, %scan3A_153, %sign3A_156 : i32
      %sign3A_158 = arith.extui %sign3A_157 : i1 to i32
      %sign3A_159 = arith.subi %sign3A_155, %sign3A_158 : i32
      %sign3A_160 = arith.constant 0 : i32
      %sign3A_161 = arith.cmpi sgt, %jit3A, %sign3A_160 : i32
      %sign3A_162 = arith.extui %sign3A_161 : i1 to i32
      %sign3A_163 = arith.constant 0 : i32
      %sign3A_164 = arith.cmpi slt, %jit3A, %sign3A_163 : i32
      %sign3A_165 = arith.extui %sign3A_164 : i1 to i32
      %sign3A_166 = arith.subi %sign3A_162, %sign3A_165 : i32
      %ne3A = arith.cmpi ne, %sign3A_159, %sign3A_166 : i32
      %rem3A = arith.remsi %scan3A_153, %jit3A : i32
      %ne3A_167 = arith.constant 0 : i32
      %ne3A_168 = arith.cmpi ne, %rem3A, %ne3A_167 : i32
      %and3A = arith.andi %ne3A, %ne3A_168 : i1
      %sub3A = arith.constant 1 : i32
      %sub3A_169 = arith.subi %div3A, %sub3A : i32
      %select_n3A = arith.select %and3A, %sub3A_169, %div3A : i32
      %jit3A_170 = arith.constant 8 : i32
      %eq3A = arith.constant 0 : i32
      %eq3A_171 = arith.cmpi eq, %jit3A_170, %eq3A : i32
      %jit3A_172 = arith.constant 1 : i32
      %select_n3A_173 = arith.select %eq3A_171, %jit3A_172, %jit3A_170 : i32
      %rem3A_174 = arith.remsi %scan3A_153, %select_n3A_173 : i32
      %ne3A_175 = arith.constant 0 : i32
      %ne3A_176 = arith.cmpi ne, %rem3A_174, %ne3A_175 : i32
      %lt3A = arith.constant 0 : i32
      %lt3A_177 = arith.cmpi slt, %rem3A_174, %lt3A : i32
      %lt3A_178 = arith.constant 0 : i32
      %lt3A_179 = arith.cmpi slt, %select_n3A_173, %lt3A_178 : i32
      %ne3A_180 = arith.xori %lt3A_177, %lt3A_179 : i1
      %and3A_181 = arith.andi %ne3A_180, %ne3A_176 : i1
      %add3A_182 = arith.addi %rem3A_174, %select_n3A_173 : i32
      %select_n3A_183 = arith.select %and3A_181, %add3A_182, %rem3A_174 : i32
      %mul3A_184 = arith.constant 16 : i32
      %mul3A_185 = arith.muli %select_n3A_183, %mul3A_184 : i32
      %swap3A = arith.index_cast %select_n3A : i32 to index
      %swap3A_186 = arith.index_cast %mul3A_185 : i32 to index
      %swap3A_187 = tpu.vector_load %arg8[%swap3A, %swap3A_186] {strides = array<i32>} : memref<288x128xf32, #tpu.memory_space<vmem>>, vector<1x16xf32>,
      %swap3A_188 = vector.shape_cast %swap3A_187 : vector<1x16xf32> to vector<16xf32>
      %swap3A_189 = vector.shape_cast %broadcast_in_dim3A_3 : vector<16xf32> to vector<1x16xf32>
      tpu.vector_store %arg8[%swap3A, %swap3A_186], %swap3A_189 {strides = array<i32>} : memref<288x128xf32, #tpu.memory_space<vmem>>, vector<1x16xf32>,
    }
    %scan3A_8 = arith.constant 768 : i32
    %scan3A_9 = arith.constant 0 : i32
    %scan3A_10 = arith.constant 0 : i32
    %scan3A_11 = arith.constant 6 : i32
    %scan3A_12 = arith.addi %scan3A_10, %scan3A_11 : i32
    %scan3A_13 = arith.constant 1 : i32
    scf.for %scan3A_153 = %scan3A_10 to %scan3A_12 step %scan3A_13  : i32 {
      %mul3A_154 = arith.constant 640 : i32
      %mul3A_155 = arith.muli %arg1, %mul3A_154 : i32
      %mul3A_156 = arith.constant 96 : i32
      %mul3A_157 = arith.muli %scan3A_153, %mul3A_156 : i32
      %add3A_158 = arith.addi %mul3A_155, %mul3A_157 : i32
      "tpu.region"() ({
        %run_scoped3A_159 = tpu.sem_alloc : memref<!tpu.dma_semaphore, #tpu.memory_space<semaphore_mem>>
        %dma_start3A_160 = arith.constant 0 : i32
        %dma_start3A_161 = arith.constant 0 : i32
        %dma_start3A_162 = tpu.memref_slice %arg8[%dma_start3A_160, %dma_start3A_161] : memref<288x128xf32, #tpu.memory_space<vmem>> -> memref<96x128xf32, #tpu.memory_space<vmem>>
        %dma_start3A_163 = arith.constant 0 : i32
        %dma_start3A_164 = tpu.memref_slice %arg9[%add3A_158, %dma_start3A_163] : memref<10240x128xf32, #tpu.memory_space<vmem_shared>> -> memref<96x128xf32, #tpu.memory_space<vmem_shared>>
        %dma_start3A_165 = arith.constant 0 : i32
        %dma_start3A_166 = tpu.memref_slice %arg9[%add3A_158, %dma_start3A_165] : memref<10240x128xf32, #tpu.memory_space<vmem_shared>> -> memref<96x128xf32, #tpu.memory_space<vmem_shared>>
        %dma_start3A_167 = arith.constant 0 : i32
        %dma_start3A_168 = arith.constant 0 : i32
        %dma_start3A_169 = tpu.memref_slice %arg8[%dma_start3A_167, %dma_start3A_168] : memref<288x128xf32, #tpu.memory_space<vmem>> -> memref<96x128xf32, #tpu.memory_space<vmem>>
        tpu.enqueue_dma source(%dma_start3A_169 : memref<96x128xf32, #tpu.memory_space<vmem>>) target(%dma_start3A_166 : memref<96x128xf32, #tpu.memory_space<vmem_shared>>) target_semaphore(%run_scoped3A_159 : memref<!tpu.dma_semaphore, #tpu.memory_space<semaphore_mem>>)
        %dma_wait3A_170 = arith.constant 0 : i32
        %dma_wait3A_171 = arith.constant 0 : i32
        %dma_wait3A_172 = tpu.memref_slice %arg8[%dma_wait3A_170, %dma_wait3A_171] : memref<288x128xf32, #tpu.memory_space<vmem>> -> memref<96x128xf32, #tpu.memory_space<vmem>>
        %dma_wait3A_173 = arith.constant 0 : i32
        %dma_wait3A_174 = tpu.memref_slice %arg9[%add3A_158, %dma_wait3A_173] : memref<10240x128xf32, #tpu.memory_space<vmem_shared>> -> memref<96x128xf32, #tpu.memory_space<vmem_shared>>
        %dma_wait3A_175 = arith.constant 0 : i32
        %dma_wait3A_176 = tpu.memref_slice %arg9[%add3A_158, %dma_wait3A_175] : memref<10240x128xf32, #tpu.memory_space<vmem_shared>> -> memref<96x128xf32, #tpu.memory_space<vmem_shared>>
        %dma_wait3A_177 = arith.constant 0 : i32
        %dma_wait3A_178 = arith.constant 0 : i32
        %dma_wait3A_179 = tpu.memref_slice %arg8[%dma_wait3A_177, %dma_wait3A_178] : memref<288x128xf32, #tpu.memory_space<vmem>> -> memref<96x128xf32, #tpu.memory_space<vmem>>
        tpu.wait_dma2 semaphore(%run_scoped3A_159 : memref<!tpu.dma_semaphore, #tpu.memory_space<semaphore_mem>>) src(%dma_wait3A_179 : memref<96x128xf32, #tpu.memory_space<vmem>>) dst(%dma_wait3A_176 : memref<96x128xf32, #tpu.memory_space<vmem_shared>>)
        tpu.yield
      }) : () -> ()
    }
    %scan3A_14 = arith.constant 6 : i32
    %mul3A_15 = arith.constant 640 : i32
    %mul3A_16 = arith.muli %arg1, %mul3A_15 : i32
    %add3A_17 = arith.constant 576 : i32
    %add3A_18 = arith.addi %mul3A_16, %add3A_17 : i32
    "tpu.region"() ({
      %run_scoped3A_153 = tpu.sem_alloc : memref<!tpu.dma_semaphore, #tpu.memory_space<semaphore_mem>>
      %dma_start3A_154 = arith.constant 0 : i32
      %dma_start3A_155 = arith.constant 0 : i32
      %dma_start3A_156 = tpu.memref_slice %arg8[%dma_start3A_154, %dma_start3A_155] : memref<288x128xf32, #tpu.memory_space<vmem>> -> memref<64x128xf32, #tpu.memory_space<vmem>>
      %dma_start3A_157 = arith.constant 0 : i32
      %dma_start3A_158 = tpu.memref_slice %arg9[%add3A_18, %dma_start3A_157] : memref<10240x128xf32, #tpu.memory_space<vmem_shared>> -> memref<64x128xf32, #tpu.memory_space<vmem_shared>>
      %dma_start3A_159 = arith.constant 0 : i32
      %dma_start3A_160 = tpu.memref_slice %arg9[%add3A_18, %dma_start3A_159] : memref<10240x128xf32, #tpu.memory_space<vmem_shared>> -> memref<64x128xf32, #tpu.memory_space<vmem_shared>>
      %dma_start3A_161 = arith.constant 0 : i32
      %dma_start3A_162 = arith.constant 0 : i32
      %dma_start3A_163 = tpu.memref_slice %arg8[%dma_start3A_161, %dma_start3A_162] : memref<288x128xf32, #tpu.memory_space<vmem>> -> memref<64x128xf32, #tpu.memory_space<vmem>>
      tpu.enqueue_dma source(%dma_start3A_163 : memref<64x128xf32, #tpu.memory_space<vmem>>) target(%dma_start3A_160 : memref<64x128xf32, #tpu.memory_space<vmem_shared>>) target_semaphore(%run_scoped3A_153 : memref<!tpu.dma_semaphore, #tpu.memory_space<semaphore_mem>>)
      %dma_wait3A_164 = arith.constant 0 : i32
      %dma_wait3A_165 = arith.constant 0 : i32
      %dma_wait3A_166 = tpu.memref_slice %arg8[%dma_wait3A_164, %dma_wait3A_165] : memref<288x128xf32, #tpu.memory_space<vmem>> -> memref<64x128xf32, #tpu.memory_space<vmem>>
      %dma_wait3A_167 = arith.constant 0 : i32
      %dma_wait3A_168 = tpu.memref_slice %arg9[%add3A_18, %dma_wait3A_167] : memref<10240x128xf32, #tpu.memory_space<vmem_shared>> -> memref<64x128xf32, #tpu.memory_space<vmem_shared>>
      %dma_wait3A_169 = arith.constant 0 : i32
      %dma_wait3A_170 = tpu.memref_slice %arg9[%add3A_18, %dma_wait3A_169] : memref<10240x128xf32, #tpu.memory_space<vmem_shared>> -> memref<64x128xf32, #tpu.memory_space<vmem_shared>>
      %dma_wait3A_171 = arith.constant 0 : i32
      %dma_wait3A_172 = arith.constant 0 : i32
      %dma_wait3A_173 = tpu.memref_slice %arg8[%dma_wait3A_171, %dma_wait3A_172] : memref<288x128xf32, #tpu.memory_space<vmem>> -> memref<64x128xf32, #tpu.memory_space<vmem>>
      tpu.wait_dma2 semaphore(%run_scoped3A_153 : memref<!tpu.dma_semaphore, #tpu.memory_space<semaphore_mem>>) src(%dma_wait3A_173 : memref<64x128xf32, #tpu.memory_space<vmem>>) dst(%dma_wait3A_170 : memref<64x128xf32, #tpu.memory_space<vmem_shared>>)
      tpu.yield
    }) : () -> ()
    "tpu.region"() ({
      %run_scoped3A_153 = tpu.sem_alloc : memref<!tpu.dma_semaphore, #tpu.memory_space<semaphore_mem>>
      %dma_start3A_154 = tpu.memref_slice %arg3[%mul3A_2] : memref<322560xi32, #tpu.memory_space<hbm>> -> memref<10080xi32, #tpu.memory_space<hbm>>
      %dma_start3A_155 = tpu.memref_slice %arg3[%mul3A_2] : memref<322560xi32, #tpu.memory_space<hbm>> -> memref<10080xi32, #tpu.memory_space<hbm>>
      tpu.enqueue_dma source(%dma_start3A_155 : memref<10080xi32, #tpu.memory_space<hbm>>) target(%arg6 : memref<10080xi32, #tpu.memory_space<vmem>>) target_semaphore(%run_scoped3A_153 : memref<!tpu.dma_semaphore, #tpu.memory_space<semaphore_mem>>)
      %dma_wait3A_156 = tpu.memref_slice %arg3[%mul3A_2] : memref<322560xi32, #tpu.memory_space<hbm>> -> memref<10080xi32, #tpu.memory_space<hbm>>
      %dma_wait3A_157 = tpu.memref_slice %arg3[%mul3A_2] : memref<322560xi32, #tpu.memory_space<hbm>> -> memref<10080xi32, #tpu.memory_space<hbm>>
      tpu.wait_dma2 semaphore(%run_scoped3A_153 : memref<!tpu.dma_semaphore, #tpu.memory_space<semaphore_mem>>) src(%dma_wait3A_157 : memref<10080xi32, #tpu.memory_space<hbm>>) dst(%arg6 : memref<10080xi32, #tpu.memory_space<vmem>>)
      tpu.yield
    }) : () -> ()
    %add3A_19 = arith.constant 0 : i32
    %add3A_20 = arith.addi %mul3A_2, %add3A_19 : i32
    %dma_start3A = arith.constant 0 : i32
    %dma_start3A_21 = arith.constant 0 : i32
    %dma_start3A_22 = tpu.memref_slice %arg7[%dma_start3A, %dma_start3A_21] : memref<3x96xi32, #tpu.memory_space<vmem>> -> memref<1x96xi32, #tpu.memory_space<vmem>>
    %dma_start3A_23 = tpu.memref_squeeze %dma_start3A_22 : memref<1x96xi32, #tpu.memory_space<vmem>> -> memref<96xi32, #tpu.memory_space<vmem>>
    %dma_start3A_24 = tpu.memref_slice %arg4[%add3A_20] : memref<322560xi32, #tpu.memory_space<hbm>> -> memref<96xi32, #tpu.memory_space<hbm>>
    %dma_start3A_25 = arith.constant 0 : i32
    %dma_start3A_26 = tpu.memref_slice %arg7[%dma_start3A, %dma_start3A_25] : memref<3x96xi32, #tpu.memory_space<vmem>> -> memref<1x96xi32, #tpu.memory_space<vmem>>
    %dma_start3A_27 = tpu.memref_squeeze %dma_start3A_26 : memref<1x96xi32, #tpu.memory_space<vmem>> -> memref<96xi32, #tpu.memory_space<vmem>>
    %dma_start3A_28 = tpu.memref_slice %arg4[%add3A_20] : memref<322560xi32, #tpu.memory_space<hbm>> -> memref<96xi32, #tpu.memory_space<hbm>>
    tpu.enqueue_dma source(%dma_start3A_28 : memref<96xi32, #tpu.memory_space<hbm>>) target(%dma_start3A_27 : memref<96xi32, #tpu.memory_space<vmem>>) target_semaphore(%arg10 : memref<!tpu.dma_semaphore, #tpu.memory_space<semaphore_mem>>)
    %dma_start3A_29 = arith.constant 0 : i32
    %dma_start3A_30 = arith.constant 0 : i32
    %dma_start3A_31 = tpu.memref_slice %arg8[%dma_start3A_29, %dma_start3A_30] : memref<288x128xf32, #tpu.memory_space<vmem>> -> memref<96x128xf32, #tpu.memory_space<vmem>>
    %dma_start3A_32 = arith.constant 0 : i32
    %dma_start3A_33 = tpu.memref_slice %arg6[%dma_start3A_32] : memref<10080xi32, #tpu.memory_space<vmem>> -> memref<96xi32, #tpu.memory_space<vmem>>
    %dma_start3A_34 = arith.constant 0 : i32
    %dma_start3A_35 = arith.constant 0 : i32
    %dma_start3A_36 = tpu.memref_slice %arg2[%dma_start3A_34, %dma_start3A_35] : memref<10240x128xf32, #tpu.memory_space<hbm>> -> memref<10240x128xf32, #tpu.memory_space<hbm>>
    tpu.enqueue_indirect_dma source(%dma_start3A_36 : memref<10240x128xf32, #tpu.memory_space<hbm>>) target(%dma_start3A_31 : memref<96x128xf32, #tpu.memory_space<vmem>>) offsets(%dma_start3A_33 : memref<96xi32, #tpu.memory_space<vmem>>) semaphore(%arg10 : memref<!tpu.dma_semaphore, #tpu.memory_space<semaphore_mem>>)
    %add3A_37 = arith.constant 96 : i32
    %add3A_38 = arith.addi %mul3A_2, %add3A_37 : i32
    %dma_start3A_39 = arith.constant 1 : i32
    %dma_start3A_40 = arith.constant 0 : i32
    %dma_start3A_41 = tpu.memref_slice %arg7[%dma_start3A_39, %dma_start3A_40] : memref<3x96xi32, #tpu.memory_space<vmem>> -> memref<1x96xi32, #tpu.memory_space<vmem>>
    %dma_start3A_42 = tpu.memref_squeeze %dma_start3A_41 : memref<1x96xi32, #tpu.memory_space<vmem>> -> memref<96xi32, #tpu.memory_space<vmem>>
    %dma_start3A_43 = tpu.memref_slice %arg4[%add3A_38] : memref<322560xi32, #tpu.memory_space<hbm>> -> memref<96xi32, #tpu.memory_space<hbm>>
    %dma_start3A_44 = arith.constant 0 : i32
    %dma_start3A_45 = tpu.memref_slice %arg7[%dma_start3A_39, %dma_start3A_44] : memref<3x96xi32, #tpu.memory_space<vmem>> -> memref<1x96xi32, #tpu.memory_space<vmem>>
    %dma_start3A_46 = tpu.memref_squeeze %dma_start3A_45 : memref<1x96xi32, #tpu.memory_space<vmem>> -> memref<96xi32, #tpu.memory_space<vmem>>
    %dma_start3A_47 = tpu.memref_slice %arg4[%add3A_38] : memref<322560xi32, #tpu.memory_space<hbm>> -> memref<96xi32, #tpu.memory_space<hbm>>
    tpu.enqueue_dma source(%dma_start3A_47 : memref<96xi32, #tpu.memory_space<hbm>>) target(%dma_start3A_46 : memref<96xi32, #tpu.memory_space<vmem>>) target_semaphore(%arg11 : memref<!tpu.dma_semaphore, #tpu.memory_space<semaphore_mem>>)
    %dma_start3A_48 = arith.constant 96 : i32
    %dma_start3A_49 = arith.constant 0 : i32
    %dma_start3A_50 = tpu.memref_slice %arg8[%dma_start3A_48, %dma_start3A_49] : memref<288x128xf32, #tpu.memory_space<vmem>> -> memref<96x128xf32, #tpu.memory_space<vmem>>
    %dma_start3A_51 = arith.constant 96 : i32
    %dma_start3A_52 = tpu.memref_slice %arg6[%dma_start3A_51] : memref<10080xi32, #tpu.memory_space<vmem>> -> memref<96xi32, #tpu.memory_space<vmem>>
    %dma_start3A_53 = arith.constant 0 : i32
    %dma_start3A_54 = arith.constant 0 : i32
    %dma_start3A_55 = tpu.memref_slice %arg2[%dma_start3A_53, %dma_start3A_54] : memref<10240x128xf32, #tpu.memory_space<hbm>> -> memref<10240x128xf32, #tpu.memory_space<hbm>>
    tpu.enqueue_indirect_dma source(%dma_start3A_55 : memref<10240x128xf32, #tpu.memory_space<hbm>>) target(%dma_start3A_50 : memref<96x128xf32, #tpu.memory_space<vmem>>) offsets(%dma_start3A_52 : memref<96xi32, #tpu.memory_space<vmem>>) semaphore(%arg11 : memref<!tpu.dma_semaphore, #tpu.memory_space<semaphore_mem>>)
    %add3A_56 = arith.constant 192 : i32
    %add3A_57 = arith.addi %mul3A_2, %add3A_56 : i32
    %dma_start3A_58 = arith.constant 2 : i32
    %dma_start3A_59 = arith.constant 0 : i32
    %dma_start3A_60 = tpu.memref_slice %arg7[%dma_start3A_58, %dma_start3A_59] : memref<3x96xi32, #tpu.memory_space<vmem>> -> memref<1x96xi32, #tpu.memory_space<vmem>>
    %dma_start3A_61 = tpu.memref_squeeze %dma_start3A_60 : memref<1x96xi32, #tpu.memory_space<vmem>> -> memref<96xi32, #tpu.memory_space<vmem>>
    %dma_start3A_62 = tpu.memref_slice %arg4[%add3A_57] : memref<322560xi32, #tpu.memory_space<hbm>> -> memref<96xi32, #tpu.memory_space<hbm>>
    %dma_start3A_63 = arith.constant 0 : i32
    %dma_start3A_64 = tpu.memref_slice %arg7[%dma_start3A_58, %dma_start3A_63] : memref<3x96xi32, #tpu.memory_space<vmem>> -> memref<1x96xi32, #tpu.memory_space<vmem>>
    %dma_start3A_65 = tpu.memref_squeeze %dma_start3A_64 : memref<1x96xi32, #tpu.memory_space<vmem>> -> memref<96xi32, #tpu.memory_space<vmem>>
    %dma_start3A_66 = tpu.memref_slice %arg4[%add3A_57] : memref<322560xi32, #tpu.memory_space<hbm>> -> memref<96xi32, #tpu.memory_space<hbm>>
    tpu.enqueue_dma source(%dma_start3A_66 : memref<96xi32, #tpu.memory_space<hbm>>) target(%dma_start3A_65 : memref<96xi32, #tpu.memory_space<vmem>>) target_semaphore(%arg12 : memref<!tpu.dma_semaphore, #tpu.memory_space<semaphore_mem>>)
    %dma_start3A_67 = arith.constant 192 : i32
    %dma_start3A_68 = arith.constant 0 : i32
    %dma_start3A_69 = tpu.memref_slice %arg8[%dma_start3A_67, %dma_start3A_68] : memref<288x128xf32, #tpu.memory_space<vmem>> -> memref<96x128xf32, #tpu.memory_space<vmem>>
    %dma_start3A_70 = arith.constant 192 : i32
    %dma_start3A_71 = tpu.memref_slice %arg6[%dma_start3A_70] : memref<10080xi32, #tpu.memory_space<vmem>> -> memref<96xi32, #tpu.memory_space<vmem>>
    %dma_start3A_72 = arith.constant 0 : i32
    %dma_start3A_73 = arith.constant 0 : i32
    %dma_start3A_74 = tpu.memref_slice %arg2[%dma_start3A_72, %dma_start3A_73] : memref<10240x128xf32, #tpu.memory_space<hbm>> -> memref<10240x128xf32, #tpu.memory_space<hbm>>
    tpu.enqueue_indirect_dma source(%dma_start3A_74 : memref<10240x128xf32, #tpu.memory_space<hbm>>) target(%dma_start3A_69 : memref<96x128xf32, #tpu.memory_space<vmem>>) offsets(%dma_start3A_71 : memref<96xi32, #tpu.memory_space<vmem>>) semaphore(%arg12 : memref<!tpu.dma_semaphore, #tpu.memory_space<semaphore_mem>>)
    %barrier3A = arith.constant 0 : index
    tpu.barrier barrier_id(%barrier3A)
    %scan3A_75 = arith.constant 0 : i32
    %scan3A_76 = arith.constant 0 : i32
    %scan3A_77 = arith.constant 34 : i32
    %scan3A_78 = arith.addi %scan3A_76, %scan3A_77 : i32
    %scan3A_79 = arith.constant 1 : i32
    scf.for %scan3A_153 = %scan3A_76 to %scan3A_78 step %scan3A_79  : i32 {
      %dma_wait3A_154 = arith.constant 0 : i32
      %dma_wait3A_155 = arith.constant 0 : i32
      %dma_wait3A_156 = tpu.memref_slice %arg7[%dma_wait3A_154, %dma_wait3A_155] : memref<3x96xi32, #tpu.memory_space<vmem>> -> memref<1x96xi32, #tpu.memory_space<vmem>>
      %dma_wait3A_157 = tpu.memref_squeeze %dma_wait3A_156 : memref<1x96xi32, #tpu.memory_space<vmem>> -> memref<96xi32, #tpu.memory_space<vmem>>
      %dma_wait3A_158 = tpu.memref_slice %arg4[%mul3A_2] : memref<322560xi32, #tpu.memory_space<hbm>> -> memref<96xi32, #tpu.memory_space<hbm>>
      %dma_wait3A_159 = arith.constant 0 : i32
      %dma_wait3A_160 = tpu.memref_slice %arg7[%dma_wait3A_154, %dma_wait3A_159] : memref<3x96xi32, #tpu.memory_space<vmem>> -> memref<1x96xi32, #tpu.memory_space<vmem>>
      %dma_wait3A_161 = tpu.memref_squeeze %dma_wait3A_160 : memref<1x96xi32, #tpu.memory_space<vmem>> -> memref<96xi32, #tpu.memory_space<vmem>>
      %dma_wait3A_162 = tpu.memref_slice %arg4[%mul3A_2] : memref<322560xi32, #tpu.memory_space<hbm>> -> memref<96xi32, #tpu.memory_space<hbm>>
      tpu.wait_dma2 semaphore(%arg10 : memref<!tpu.dma_semaphore, #tpu.memory_space<semaphore_mem>>) src(%dma_wait3A_162 : memref<96xi32, #tpu.memory_space<hbm>>) dst(%dma_wait3A_161 : memref<96xi32, #tpu.memory_space<vmem>>)
      %dma_wait3A_163 = arith.constant 0 : i32
      %dma_wait3A_164 = arith.constant 0 : i32
      %dma_wait3A_165 = tpu.memref_slice %arg8[%dma_wait3A_163, %dma_wait3A_164] : memref<288x128xf32, #tpu.memory_space<vmem>> -> memref<96x128xf32, #tpu.memory_space<vmem>>
      %dma_wait3A_166 = arith.constant 0 : i32
      %dma_wait3A_167 = arith.constant 0 : i32
      %dma_wait3A_168 = tpu.memref_slice %arg2[%dma_wait3A_166, %dma_wait3A_167] : memref<10240x128xf32, #tpu.memory_space<hbm>> -> memref<96x128xf32, #tpu.memory_space<hbm>>
      %dma_wait3A_169 = arith.constant 0 : i32
      %dma_wait3A_170 = arith.constant 0 : i32
      %dma_wait3A_171 = tpu.memref_slice %arg8[%dma_wait3A_169, %dma_wait3A_170] : memref<288x128xf32, #tpu.memory_space<vmem>> -> memref<96x128xf32, #tpu.memory_space<vmem>>
      %dma_wait3A_172 = arith.constant 0 : i32
      %dma_wait3A_173 = arith.constant 0 : i32
      %dma_wait3A_174 = tpu.memref_slice %arg2[%dma_wait3A_172, %dma_wait3A_173] : memref<10240x128xf32, #tpu.memory_space<hbm>> -> memref<96x128xf32, #tpu.memory_space<hbm>>
      tpu.wait_dma2 semaphore(%arg10 : memref<!tpu.dma_semaphore, #tpu.memory_space<semaphore_mem>>) src(%dma_wait3A_174 : memref<96x128xf32, #tpu.memory_space<hbm>>) dst(%dma_wait3A_171 : memref<96x128xf32, #tpu.memory_space<vmem>>)
      %run_scoped3A_175 = arith.constant 0 : i32
      "tpu.region"() ({
        %run_scoped3A_301 = tpu.sem_alloc : memref<!tpu.dma_semaphore, #tpu.memory_space<semaphore_mem>>
        %dma_start3A_302 = arith.constant 0 : i32
        %dma_start3A_303 = arith.constant 0 : i32
        %dma_start3A_304 = tpu.memref_slice %arg8[%dma_start3A_302, %dma_start3A_303] : memref<288x128xf32, #tpu.memory_space<vmem>> -> memref<96x128xf32, #tpu.memory_space<vmem>>
        %dma_start3A_305 = arith.constant 0 : i32
        %dma_start3A_306 = tpu.memref_slice %arg7[%run_scoped3A_175, %dma_start3A_305] : memref<3x96xi32, #tpu.memory_space<vmem>> -> memref<1x96xi32, #tpu.memory_space<vmem>>
        %dma_start3A_307 = tpu.memref_squeeze %dma_start3A_306 : memref<1x96xi32, #tpu.memory_space<vmem>> -> memref<96xi32, #tpu.memory_space<vmem>>
        %dma_start3A_308 = arith.constant 0 : i32
        %dma_start3A_309 = arith.constant 0 : i32
        %dma_start3A_310 = tpu.memref_slice %arg9[%dma_start3A_308, %dma_start3A_309] : memref<10240x128xf32, #tpu.memory_space<vmem_shared>> -> memref<10240x128xf32, #tpu.memory_space<vmem_shared>>
        tpu.enqueue_indirect_dma source(%dma_start3A_304 : memref<96x128xf32, #tpu.memory_space<vmem>>) target(%dma_start3A_310 : memref<10240x128xf32, #tpu.memory_space<vmem_shared>>) offsets(%dma_start3A_307 : memref<96xi32, #tpu.memory_space<vmem>>) semaphore(%run_scoped3A_301 : memref<!tpu.dma_semaphore, #tpu.memory_space<semaphore_mem>>) {add = true}
        %dma_wait3A_311 = arith.constant 0 : i32
        %dma_wait3A_312 = arith.constant 0 : i32
        %dma_wait3A_313 = tpu.memref_slice %arg8[%dma_wait3A_311, %dma_wait3A_312] : memref<288x128xf32, #tpu.memory_space<vmem>> -> memref<96x128xf32, #tpu.memory_space<vmem>>
        %dma_wait3A_314 = arith.constant 0 : i32
        %dma_wait3A_315 = tpu.memref_slice %arg7[%run_scoped3A_175, %dma_wait3A_314] : memref<3x96xi32, #tpu.memory_space<vmem>> -> memref<1x96xi32, #tpu.memory_space<vmem>>
        %dma_wait3A_316 = tpu.memref_squeeze %dma_wait3A_315 : memref<1x96xi32, #tpu.memory_space<vmem>> -> memref<96xi32, #tpu.memory_space<vmem>>
        %dma_wait3A_317 = arith.constant 0 : i32
        %dma_wait3A_318 = arith.constant 0 : i32
        %dma_wait3A_319 = tpu.memref_slice %arg9[%dma_wait3A_317, %dma_wait3A_318] : memref<10240x128xf32, #tpu.memory_space<vmem_shared>> -> memref<10240x128xf32, #tpu.memory_space<vmem_shared>>
        tpu.wait_indirect_dma semaphore(%run_scoped3A_301 : memref<!tpu.dma_semaphore, #tpu.memory_space<semaphore_mem>>) src(%dma_wait3A_313 : memref<96x128xf32, #tpu.memory_space<vmem>>) dst(%dma_wait3A_319 : memref<10240x128xf32, #tpu.memory_space<vmem_shared>>)
        tpu.yield
      }) : () -> ()
      %mul3A_176 = arith.constant 3 : i32
      %mul3A_177 = arith.muli %scan3A_153, %mul3A_176 : i32
      %add3A_178 = arith.constant 0 : i32
      %add3A_179 = arith.addi %mul3A_177, %add3A_178 : i32
      %add3A_180 = arith.constant 3 : i32
      %add3A_181 = arith.addi %add3A_179, %add3A_180 : i32
      %mul3A_182 = arith.constant 96 : i32
      %mul3A_183 = arith.muli %add3A_181, %mul3A_182 : i32
      %add3A_184 = arith.addi %mul3A_2, %mul3A_183 : i32
      %dma_start3A_185 = arith.constant 0 : i32
      %dma_start3A_186 = arith.constant 0 : i32
      %dma_start3A_187 = tpu.memref_slice %arg7[%dma_start3A_185, %dma_start3A_186] : memref<3x96xi32, #tpu.memory_space<vmem>> -> memref<1x96xi32, #tpu.memory_space<vmem>>
      %dma_start3A_188 = tpu.memref_squeeze %dma_start3A_187 : memref<1x96xi32, #tpu.memory_space<vmem>> -> memref<96xi32, #tpu.memory_space<vmem>>
      %dma_start3A_189 = tpu.memref_slice %arg4[%add3A_184] : memref<322560xi32, #tpu.memory_space<hbm>> -> memref<96xi32, #tpu.memory_space<hbm>>
      %dma_start3A_190 = arith.constant 0 : i32
      %dma_start3A_191 = tpu.memref_slice %arg7[%dma_start3A_185, %dma_start3A_190] : memref<3x96xi32, #tpu.memory_space<vmem>> -> memref<1x96xi32, #tpu.memory_space<vmem>>
      %dma_start3A_192 = tpu.memref_squeeze %dma_start3A_191 : memref<1x96xi32, #tpu.memory_space<vmem>> -> memref<96xi32, #tpu.memory_space<vmem>>
      %dma_start3A_193 = tpu.memref_slice %arg4[%add3A_184] : memref<322560xi32, #tpu.memory_space<hbm>> -> memref<96xi32, #tpu.memory_space<hbm>>
      tpu.enqueue_dma source(%dma_start3A_193 : memref<96xi32, #tpu.memory_space<hbm>>) target(%dma_start3A_192 : memref<96xi32, #tpu.memory_space<vmem>>) target_semaphore(%arg10 : memref<!tpu.dma_semaphore, #tpu.memory_space<semaphore_mem>>)
      %mul3A_194 = arith.constant 96 : i32
      %mul3A_195 = arith.muli %add3A_181, %mul3A_194 : i32
      %dma_start3A_196 = arith.constant 0 : i32
      %dma_start3A_197 = arith.constant 0 : i32
      %dma_start3A_198 = tpu.memref_slice %arg8[%dma_start3A_196, %dma_start3A_197] : memref<288x128xf32, #tpu.memory_space<vmem>> -> memref<96x128xf32, #tpu.memory_space<vmem>>
      %dma_start3A_199 = tpu.memref_slice %arg6[%mul3A_195] : memref<10080xi32, #tpu.memory_space<vmem>> -> memref<96xi32, #tpu.memory_space<vmem>>
      %dma_start3A_200 = arith.constant 0 : i32
      %dma_start3A_201 = arith.constant 0 : i32
      %dma_start3A_202 = tpu.memref_slice %arg2[%dma_start3A_200, %dma_start3A_201] : memref<10240x128xf32, #tpu.memory_space<hbm>> -> memref<10240x128xf32, #tpu.memory_space<hbm>>
      tpu.enqueue_indirect_dma source(%dma_start3A_202 : memref<10240x128xf32, #tpu.memory_space<hbm>>) target(%dma_start3A_198 : memref<96x128xf32, #tpu.memory_space<vmem>>) offsets(%dma_start3A_199 : memref<96xi32, #tpu.memory_space<vmem>>) semaphore(%arg10 : memref<!tpu.dma_semaphore, #tpu.memory_space<semaphore_mem>>)
      %dma_wait3A_203 = arith.constant 1 : i32
      %dma_wait3A_204 = arith.constant 0 : i32
      %dma_wait3A_205 = tpu.memref_slice %arg7[%dma_wait3A_203, %dma_wait3A_204] : memref<3x96xi32, #tpu.memory_space<vmem>> -> memref<1x96xi32, #tpu.memory_space<vmem>>
      %dma_wait3A_206 = tpu.memref_squeeze %dma_wait3A_205 : memref<1x96xi32, #tpu.memory_space<vmem>> -> memref<96xi32, #tpu.memory_space<vmem>>
      %dma_wait3A_207 = tpu.memref_slice %arg4[%mul3A_2] : memref<322560xi32, #tpu.memory_space<hbm>> -> memref<96xi32, #tpu.memory_space<hbm>>
      %dma_wait3A_208 = arith.constant 0 : i32
      %dma_wait3A_209 = tpu.memref_slice %arg7[%dma_wait3A_203, %dma_wait3A_208] : memref<3x96xi32, #tpu.memory_space<vmem>> -> memref<1x96xi32, #tpu.memory_space<vmem>>
      %dma_wait3A_210 = tpu.memref_squeeze %dma_wait3A_209 : memref<1x96xi32, #tpu.memory_space<vmem>> -> memref<96xi32, #tpu.memory_space<vmem>>
      %dma_wait3A_211 = tpu.memref_slice %arg4[%mul3A_2] : memref<322560xi32, #tpu.memory_space<hbm>> -> memref<96xi32, #tpu.memory_space<hbm>>
      tpu.wait_dma2 semaphore(%arg11 : memref<!tpu.dma_semaphore, #tpu.memory_space<semaphore_mem>>) src(%dma_wait3A_211 : memref<96xi32, #tpu.memory_space<hbm>>) dst(%dma_wait3A_210 : memref<96xi32, #tpu.memory_space<vmem>>)
      %dma_wait3A_212 = arith.constant 96 : i32
      %dma_wait3A_213 = arith.constant 0 : i32
      %dma_wait3A_214 = tpu.memref_slice %arg8[%dma_wait3A_212, %dma_wait3A_213] : memref<288x128xf32, #tpu.memory_space<vmem>> -> memref<96x128xf32, #tpu.memory_space<vmem>>
      %dma_wait3A_215 = arith.constant 0 : i32
      %dma_wait3A_216 = arith.constant 0 : i32
      %dma_wait3A_217 = tpu.memref_slice %arg2[%dma_wait3A_215, %dma_wait3A_216] : memref<10240x128xf32, #tpu.memory_space<hbm>> -> memref<96x128xf32, #tpu.memory_space<hbm>>
      %dma_wait3A_218 = arith.constant 96 : i32
      %dma_wait3A_219 = arith.constant 0 : i32
      %dma_wait3A_220 = tpu.memref_slice %arg8[%dma_wait3A_218, %dma_wait3A_219] : memref<288x128xf32, #tpu.memory_space<vmem>> -> memref<96x128xf32, #tpu.memory_space<vmem>>
      %dma_wait3A_221 = arith.constant 0 : i32
      %dma_wait3A_222 = arith.constant 0 : i32
      %dma_wait3A_223 = tpu.memref_slice %arg2[%dma_wait3A_221, %dma_wait3A_222] : memref<10240x128xf32, #tpu.memory_space<hbm>> -> memref<96x128xf32, #tpu.memory_space<hbm>>
      tpu.wait_dma2 semaphore(%arg11 : memref<!tpu.dma_semaphore, #tpu.memory_space<semaphore_mem>>) src(%dma_wait3A_223 : memref<96x128xf32, #tpu.memory_space<hbm>>) dst(%dma_wait3A_220 : memref<96x128xf32, #tpu.memory_space<vmem>>)
      %run_scoped3A_224 = arith.constant 1 : i32
      "tpu.region"() ({
        %run_scoped3A_301 = tpu.sem_alloc : memref<!tpu.dma_semaphore, #tpu.memory_space<semaphore_mem>>
        %dma_start3A_302 = arith.constant 96 : i32
        %dma_start3A_303 = arith.constant 0 : i32
        %dma_start3A_304 = tpu.memref_slice %arg8[%dma_start3A_302, %dma_start3A_303] : memref<288x128xf32, #tpu.memory_space<vmem>> -> memref<96x128xf32, #tpu.memory_space<vmem>>
        %dma_start3A_305 = arith.constant 0 : i32
        %dma_start3A_306 = tpu.memref_slice %arg7[%run_scoped3A_224, %dma_start3A_305] : memref<3x96xi32, #tpu.memory_space<vmem>> -> memref<1x96xi32, #tpu.memory_space<vmem>>
        %dma_start3A_307 = tpu.memref_squeeze %dma_start3A_306 : memref<1x96xi32, #tpu.memory_space<vmem>> -> memref<96xi32, #tpu.memory_space<vmem>>
        %dma_start3A_308 = arith.constant 0 : i32
        %dma_start3A_309 = arith.constant 0 : i32
        %dma_start3A_310 = tpu.memref_slice %arg9[%dma_start3A_308, %dma_start3A_309] : memref<10240x128xf32, #tpu.memory_space<vmem_shared>> -> memref<10240x128xf32, #tpu.memory_space<vmem_shared>>
        tpu.enqueue_indirect_dma source(%dma_start3A_304 : memref<96x128xf32, #tpu.memory_space<vmem>>) target(%dma_start3A_310 : memref<10240x128xf32, #tpu.memory_space<vmem_shared>>) offsets(%dma_start3A_307 : memref<96xi32, #tpu.memory_space<vmem>>) semaphore(%run_scoped3A_301 : memref<!tpu.dma_semaphore, #tpu.memory_space<semaphore_mem>>) {add = true}
        %dma_wait3A_311 = arith.constant 96 : i32
        %dma_wait3A_312 = arith.constant 0 : i32
        %dma_wait3A_313 = tpu.memref_slice %arg8[%dma_wait3A_311, %dma_wait3A_312] : memref<288x128xf32, #tpu.memory_space<vmem>> -> memref<96x128xf32, #tpu.memory_space<vmem>>
        %dma_wait3A_314 = arith.constant 0 : i32
        %dma_wait3A_315 = tpu.memref_slice %arg7[%run_scoped3A_224, %dma_wait3A_314] : memref<3x96xi32, #tpu.memory_space<vmem>> -> memref<1x96xi32, #tpu.memory_space<vmem>>
        %dma_wait3A_316 = tpu.memref_squeeze %dma_wait3A_315 : memref<1x96xi32, #tpu.memory_space<vmem>> -> memref<96xi32, #tpu.memory_space<vmem>>
        %dma_wait3A_317 = arith.constant 0 : i32
        %dma_wait3A_318 = arith.constant 0 : i32
        %dma_wait3A_319 = tpu.memref_slice %arg9[%dma_wait3A_317, %dma_wait3A_318] : memref<10240x128xf32, #tpu.memory_space<vmem_shared>> -> memref<10240x128xf32, #tpu.memory_space<vmem_shared>>
        tpu.wait_indirect_dma semaphore(%run_scoped3A_301 : memref<!tpu.dma_semaphore, #tpu.memory_space<semaphore_mem>>) src(%dma_wait3A_313 : memref<96x128xf32, #tpu.memory_space<vmem>>) dst(%dma_wait3A_319 : memref<10240x128xf32, #tpu.memory_space<vmem_shared>>)
        tpu.yield
      }) : () -> ()
      %mul3A_225 = arith.constant 3 : i32
      %mul3A_226 = arith.muli %scan3A_153, %mul3A_225 : i32
      %add3A_227 = arith.constant 1 : i32
      %add3A_228 = arith.addi %mul3A_226, %add3A_227 : i32
      %add3A_229 = arith.constant 3 : i32
      %add3A_230 = arith.addi %add3A_228, %add3A_229 : i32
      %mul3A_231 = arith.constant 96 : i32
      %mul3A_232 = arith.muli %add3A_230, %mul3A_231 : i32
      %add3A_233 = arith.addi %mul3A_2, %mul3A_232 : i32
      %dma_start3A_234 = arith.constant 1 : i32
      %dma_start3A_235 = arith.constant 0 : i32
      %dma_start3A_236 = tpu.memref_slice %arg7[%dma_start3A_234, %dma_start3A_235] : memref<3x96xi32, #tpu.memory_space<vmem>> -> memref<1x96xi32, #tpu.memory_space<vmem>>
      %dma_start3A_237 = tpu.memref_squeeze %dma_start3A_236 : memref<1x96xi32, #tpu.memory_space<vmem>> -> memref<96xi32, #tpu.memory_space<vmem>>
      %dma_start3A_238 = tpu.memref_slice %arg4[%add3A_233] : memref<322560xi32, #tpu.memory_space<hbm>> -> memref<96xi32, #tpu.memory_space<hbm>>
      %dma_start3A_239 = arith.constant 0 : i32
      %dma_start3A_240 = tpu.memref_slice %arg7[%dma_start3A_234, %dma_start3A_239] : memref<3x96xi32, #tpu.memory_space<vmem>> -> memref<1x96xi32, #tpu.memory_space<vmem>>
      %dma_start3A_241 = tpu.memref_squeeze %dma_start3A_240 : memref<1x96xi32, #tpu.memory_space<vmem>> -> memref<96xi32, #tpu.memory_space<vmem>>
      %dma_start3A_242 = tpu.memref_slice %arg4[%add3A_233] : memref<322560xi32, #tpu.memory_space<hbm>> -> memref<96xi32, #tpu.memory_space<hbm>>
      tpu.enqueue_dma source(%dma_start3A_242 : memref<96xi32, #tpu.memory_space<hbm>>) target(%dma_start3A_241 : memref<96xi32, #tpu.memory_space<vmem>>) target_semaphore(%arg11 : memref<!tpu.dma_semaphore, #tpu.memory_space<semaphore_mem>>)
      %mul3A_243 = arith.constant 96 : i32
      %mul3A_244 = arith.muli %add3A_230, %mul3A_243 : i32
      %dma_start3A_245 = arith.constant 96 : i32
      %dma_start3A_246 = arith.constant 0 : i32
      %dma_start3A_247 = tpu.memref_slice %arg8[%dma_start3A_245, %dma_start3A_246] : memref<288x128xf32, #tpu.memory_space<vmem>> -> memref<96x128xf32, #tpu.memory_space<vmem>>
      %dma_start3A_248 = tpu.memref_slice %arg6[%mul3A_244] : memref<10080xi32, #tpu.memory_space<vmem>> -> memref<96xi32, #tpu.memory_space<vmem>>
      %dma_start3A_249 = arith.constant 0 : i32
      %dma_start3A_250 = arith.constant 0 : i32
      %dma_start3A_251 = tpu.memref_slice %arg2[%dma_start3A_249, %dma_start3A_250] : memref<10240x128xf32, #tpu.memory_space<hbm>> -> memref<10240x128xf32, #tpu.memory_space<hbm>>
      tpu.enqueue_indirect_dma source(%dma_start3A_251 : memref<10240x128xf32, #tpu.memory_space<hbm>>) target(%dma_start3A_247 : memref<96x128xf32, #tpu.memory_space<vmem>>) offsets(%dma_start3A_248 : memref<96xi32, #tpu.memory_space<vmem>>) semaphore(%arg11 : memref<!tpu.dma_semaphore, #tpu.memory_space<semaphore_mem>>)
      %dma_wait3A_252 = arith.constant 2 : i32
      %dma_wait3A_253 = arith.constant 0 : i32
      %dma_wait3A_254 = tpu.memref_slice %arg7[%dma_wait3A_252, %dma_wait3A_253] : memref<3x96xi32, #tpu.memory_space<vmem>> -> memref<1x96xi32, #tpu.memory_space<vmem>>
      %dma_wait3A_255 = tpu.memref_squeeze %dma_wait3A_254 : memref<1x96xi32, #tpu.memory_space<vmem>> -> memref<96xi32, #tpu.memory_space<vmem>>
      %dma_wait3A_256 = tpu.memref_slice %arg4[%mul3A_2] : memref<322560xi32, #tpu.memory_space<hbm>> -> memref<96xi32, #tpu.memory_space<hbm>>
      %dma_wait3A_257 = arith.constant 0 : i32
      %dma_wait3A_258 = tpu.memref_slice %arg7[%dma_wait3A_252, %dma_wait3A_257] : memref<3x96xi32, #tpu.memory_space<vmem>> -> memref<1x96xi32, #tpu.memory_space<vmem>>
      %dma_wait3A_259 = tpu.memref_squeeze %dma_wait3A_258 : memref<1x96xi32, #tpu.memory_space<vmem>> -> memref<96xi32, #tpu.memory_space<vmem>>
      %dma_wait3A_260 = tpu.memref_slice %arg4[%mul3A_2] : memref<322560xi32, #tpu.memory_space<hbm>> -> memref<96xi32, #tpu.memory_space<hbm>>
      tpu.wait_dma2 semaphore(%arg12 : memref<!tpu.dma_semaphore, #tpu.memory_space<semaphore_mem>>) src(%dma_wait3A_260 : memref<96xi32, #tpu.memory_space<hbm>>) dst(%dma_wait3A_259 : memref<96xi32, #tpu.memory_space<vmem>>)
      %dma_wait3A_261 = arith.constant 192 : i32
      %dma_wait3A_262 = arith.constant 0 : i32
      %dma_wait3A_263 = tpu.memref_slice %arg8[%dma_wait3A_261, %dma_wait3A_262] : memref<288x128xf32, #tpu.memory_space<vmem>> -> memref<96x128xf32, #tpu.memory_space<vmem>>
      %dma_wait3A_264 = arith.constant 0 : i32
      %dma_wait3A_265 = arith.constant 0 : i32
      %dma_wait3A_266 = tpu.memref_slice %arg2[%dma_wait3A_264, %dma_wait3A_265] : memref<10240x128xf32, #tpu.memory_space<hbm>> -> memref<96x128xf32, #tpu.memory_space<hbm>>
      %dma_wait3A_267 = arith.constant 192 : i32
      %dma_wait3A_268 = arith.constant 0 : i32
      %dma_wait3A_269 = tpu.memref_slice %arg8[%dma_wait3A_267, %dma_wait3A_268] : memref<288x128xf32, #tpu.memory_space<vmem>> -> memref<96x128xf32, #tpu.memory_space<vmem>>
      %dma_wait3A_270 = arith.constant 0 : i32
      %dma_wait3A_271 = arith.constant 0 : i32
      %dma_wait3A_272 = tpu.memref_slice %arg2[%dma_wait3A_270, %dma_wait3A_271] : memref<10240x128xf32, #tpu.memory_space<hbm>> -> memref<96x128xf32, #tpu.memory_space<hbm>>
      tpu.wait_dma2 semaphore(%arg12 : memref<!tpu.dma_semaphore, #tpu.memory_space<semaphore_mem>>) src(%dma_wait3A_272 : memref<96x128xf32, #tpu.memory_space<hbm>>) dst(%dma_wait3A_269 : memref<96x128xf32, #tpu.memory_space<vmem>>)
      %run_scoped3A_273 = arith.constant 2 : i32
      "tpu.region"() ({
        %run_scoped3A_301 = tpu.sem_alloc : memref<!tpu.dma_semaphore, #tpu.memory_space<semaphore_mem>>
        %dma_start3A_302 = arith.constant 192 : i32
        %dma_start3A_303 = arith.constant 0 : i32
        %dma_start3A_304 = tpu.memref_slice %arg8[%dma_start3A_302, %dma_start3A_303] : memref<288x128xf32, #tpu.memory_space<vmem>> -> memref<96x128xf32, #tpu.memory_space<vmem>>
        %dma_start3A_305 = arith.constant 0 : i32
        %dma_start3A_306 = tpu.memref_slice %arg7[%run_scoped3A_273, %dma_start3A_305] : memref<3x96xi32, #tpu.memory_space<vmem>> -> memref<1x96xi32, #tpu.memory_space<vmem>>
        %dma_start3A_307 = tpu.memref_squeeze %dma_start3A_306 : memref<1x96xi32, #tpu.memory_space<vmem>> -> memref<96xi32, #tpu.memory_space<vmem>>
        %dma_start3A_308 = arith.constant 0 : i32
        %dma_start3A_309 = arith.constant 0 : i32
        %dma_start3A_310 = tpu.memref_slice %arg9[%dma_start3A_308, %dma_start3A_309] : memref<10240x128xf32, #tpu.memory_space<vmem_shared>> -> memref<10240x128xf32, #tpu.memory_space<vmem_shared>>
        tpu.enqueue_indirect_dma source(%dma_start3A_304 : memref<96x128xf32, #tpu.memory_space<vmem>>) target(%dma_start3A_310 : memref<10240x128xf32, #tpu.memory_space<vmem_shared>>) offsets(%dma_start3A_307 : memref<96xi32, #tpu.memory_space<vmem>>) semaphore(%run_scoped3A_301 : memref<!tpu.dma_semaphore, #tpu.memory_space<semaphore_mem>>) {add = true}
        %dma_wait3A_311 = arith.constant 192 : i32
        %dma_wait3A_312 = arith.constant 0 : i32
        %dma_wait3A_313 = tpu.memref_slice %arg8[%dma_wait3A_311, %dma_wait3A_312] : memref<288x128xf32, #tpu.memory_space<vmem>> -> memref<96x128xf32, #tpu.memory_space<vmem>>
        %dma_wait3A_314 = arith.constant 0 : i32
        %dma_wait3A_315 = tpu.memref_slice %arg7[%run_scoped3A_273, %dma_wait3A_314] : memref<3x96xi32, #tpu.memory_space<vmem>> -> memref<1x96xi32, #tpu.memory_space<vmem>>
        %dma_wait3A_316 = tpu.memref_squeeze %dma_wait3A_315 : memref<1x96xi32, #tpu.memory_space<vmem>> -> memref<96xi32, #tpu.memory_space<vmem>>
        %dma_wait3A_317 = arith.constant 0 : i32
        %dma_wait3A_318 = arith.constant 0 : i32
        %dma_wait3A_319 = tpu.memref_slice %arg9[%dma_wait3A_317, %dma_wait3A_318] : memref<10240x128xf32, #tpu.memory_space<vmem_shared>> -> memref<10240x128xf32, #tpu.memory_space<vmem_shared>>
        tpu.wait_indirect_dma semaphore(%run_scoped3A_301 : memref<!tpu.dma_semaphore, #tpu.memory_space<semaphore_mem>>) src(%dma_wait3A_313 : memref<96x128xf32, #tpu.memory_space<vmem>>) dst(%dma_wait3A_319 : memref<10240x128xf32, #tpu.memory_space<vmem_shared>>)
        tpu.yield
      }) : () -> ()
      %mul3A_274 = arith.constant 3 : i32
      %mul3A_275 = arith.muli %scan3A_153, %mul3A_274 : i32
      %add3A_276 = arith.constant 2 : i32
      %add3A_277 = arith.addi %mul3A_275, %add3A_276 : i32
      %add3A_278 = arith.constant 3 : i32
      %add3A_279 = arith.addi %add3A_277, %add3A_278 : i32
      %mul3A_280 = arith.constant 96 : i32
      %mul3A_281 = arith.muli %add3A_279, %mul3A_280 : i32
      %add3A_282 = arith.addi %mul3A_2, %mul3A_281 : i32
      %dma_start3A_283 = arith.constant 2 : i32
      %dma_start3A_284 = arith.constant 0 : i32
      %dma_start3A_285 = tpu.memref_slice %arg7[%dma_start3A_283, %dma_start3A_284] : memref<3x96xi32, #tpu.memory_space<vmem>> -> memref<1x96xi32, #tpu.memory_space<vmem>>
      %dma_start3A_286 = tpu.memref_squeeze %dma_start3A_285 : memref<1x96xi32, #tpu.memory_space<vmem>> -> memref<96xi32, #tpu.memory_space<vmem>>
      %dma_start3A_287 = tpu.memref_slice %arg4[%add3A_282] : memref<322560xi32, #tpu.memory_space<hbm>> -> memref<96xi32, #tpu.memory_space<hbm>>
      %dma_start3A_288 = arith.constant 0 : i32
      %dma_start3A_289 = tpu.memref_slice %arg7[%dma_start3A_283, %dma_start3A_288] : memref<3x96xi32, #tpu.memory_space<vmem>> -> memref<1x96xi32, #tpu.memory_space<vmem>>
      %dma_start3A_290 = tpu.memref_squeeze %dma_start3A_289 : memref<1x96xi32, #tpu.memory_space<vmem>> -> memref<96xi32, #tpu.memory_space<vmem>>
      %dma_start3A_291 = tpu.memref_slice %arg4[%add3A_282] : memref<322560xi32, #tpu.memory_space<hbm>> -> memref<96xi32, #tpu.memory_space<hbm>>
      tpu.enqueue_dma source(%dma_start3A_291 : memref<96xi32, #tpu.memory_space<hbm>>) target(%dma_start3A_290 : memref<96xi32, #tpu.memory_space<vmem>>) target_semaphore(%arg12 : memref<!tpu.dma_semaphore, #tpu.memory_space<semaphore_mem>>)
      %mul3A_292 = arith.constant 96 : i32
      %mul3A_293 = arith.muli %add3A_279, %mul3A_292 : i32
      %dma_start3A_294 = arith.constant 192 : i32
      %dma_start3A_295 = arith.constant 0 : i32
      %dma_start3A_296 = tpu.memref_slice %arg8[%dma_start3A_294, %dma_start3A_295] : memref<288x128xf32, #tpu.memory_space<vmem>> -> memref<96x128xf32, #tpu.memory_space<vmem>>
      %dma_start3A_297 = tpu.memref_slice %arg6[%mul3A_293] : memref<10080xi32, #tpu.memory_space<vmem>> -> memref<96xi32, #tpu.memory_space<vmem>>
      %dma_start3A_298 = arith.constant 0 : i32
      %dma_start3A_299 = arith.constant 0 : i32
      %dma_start3A_300 = tpu.memref_slice %arg2[%dma_start3A_298, %dma_start3A_299] : memref<10240x128xf32, #tpu.memory_space<hbm>> -> memref<10240x128xf32, #tpu.memory_space<hbm>>
      tpu.enqueue_indirect_dma source(%dma_start3A_300 : memref<10240x128xf32, #tpu.memory_space<hbm>>) target(%dma_start3A_296 : memref<96x128xf32, #tpu.memory_space<vmem>>) offsets(%dma_start3A_297 : memref<96xi32, #tpu.memory_space<vmem>>) semaphore(%arg12 : memref<!tpu.dma_semaphore, #tpu.memory_space<semaphore_mem>>)
    }
    %scan3A_80 = arith.constant 34 : i32
    %dma_wait3A = arith.constant 0 : i32
    %dma_wait3A_81 = arith.constant 0 : i32
    %dma_wait3A_82 = tpu.memref_slice %arg7[%dma_wait3A, %dma_wait3A_81] : memref<3x96xi32, #tpu.memory_space<vmem>> -> memref<1x96xi32, #tpu.memory_space<vmem>>
    %dma_wait3A_83 = tpu.memref_squeeze %dma_wait3A_82 : memref<1x96xi32, #tpu.memory_space<vmem>> -> memref<96xi32, #tpu.memory_space<vmem>>
    %dma_wait3A_84 = tpu.memref_slice %arg4[%mul3A_2] : memref<322560xi32, #tpu.memory_space<hbm>> -> memref<96xi32, #tpu.memory_space<hbm>>
    %dma_wait3A_85 = arith.constant 0 : i32
    %dma_wait3A_86 = tpu.memref_slice %arg7[%dma_wait3A, %dma_wait3A_85] : memref<3x96xi32, #tpu.memory_space<vmem>> -> memref<1x96xi32, #tpu.memory_space<vmem>>
    %dma_wait3A_87 = tpu.memref_squeeze %dma_wait3A_86 : memref<1x96xi32, #tpu.memory_space<vmem>> -> memref<96xi32, #tpu.memory_space<vmem>>
    %dma_wait3A_88 = tpu.memref_slice %arg4[%mul3A_2] : memref<322560xi32, #tpu.memory_space<hbm>> -> memref<96xi32, #tpu.memory_space<hbm>>
    tpu.wait_dma2 semaphore(%arg10 : memref<!tpu.dma_semaphore, #tpu.memory_space<semaphore_mem>>) src(%dma_wait3A_88 : memref<96xi32, #tpu.memory_space<hbm>>) dst(%dma_wait3A_87 : memref<96xi32, #tpu.memory_space<vmem>>)
    %dma_wait3A_89 = arith.constant 0 : i32
    %dma_wait3A_90 = arith.constant 0 : i32
    %dma_wait3A_91 = tpu.memref_slice %arg8[%dma_wait3A_89, %dma_wait3A_90] : memref<288x128xf32, #tpu.memory_space<vmem>> -> memref<96x128xf32, #tpu.memory_space<vmem>>
    %dma_wait3A_92 = arith.constant 0 : i32
    %dma_wait3A_93 = arith.constant 0 : i32
    %dma_wait3A_94 = tpu.memref_slice %arg2[%dma_wait3A_92, %dma_wait3A_93] : memref<10240x128xf32, #tpu.memory_space<hbm>> -> memref<96x128xf32, #tpu.memory_space<hbm>>
    %dma_wait3A_95 = arith.constant 0 : i32
    %dma_wait3A_96 = arith.constant 0 : i32
    %dma_wait3A_97 = tpu.memref_slice %arg8[%dma_wait3A_95, %dma_wait3A_96] : memref<288x128xf32, #tpu.memory_space<vmem>> -> memref<96x128xf32, #tpu.memory_space<vmem>>
    %dma_wait3A_98 = arith.constant 0 : i32
    %dma_wait3A_99 = arith.constant 0 : i32
    %dma_wait3A_100 = tpu.memref_slice %arg2[%dma_wait3A_98, %dma_wait3A_99] : memref<10240x128xf32, #tpu.memory_space<hbm>> -> memref<96x128xf32, #tpu.memory_space<hbm>>
    tpu.wait_dma2 semaphore(%arg10 : memref<!tpu.dma_semaphore, #tpu.memory_space<semaphore_mem>>) src(%dma_wait3A_100 : memref<96x128xf32, #tpu.memory_space<hbm>>) dst(%dma_wait3A_97 : memref<96x128xf32, #tpu.memory_space<vmem>>)
    %run_scoped3A = arith.constant 0 : i32
    "tpu.region"() ({
      %run_scoped3A_153 = tpu.sem_alloc : memref<!tpu.dma_semaphore, #tpu.memory_space<semaphore_mem>>
      %dma_start3A_154 = arith.constant 0 : i32
      %dma_start3A_155 = arith.constant 0 : i32
      %dma_start3A_156 = tpu.memref_slice %arg8[%dma_start3A_154, %dma_start3A_155] : memref<288x128xf32, #tpu.memory_space<vmem>> -> memref<96x128xf32, #tpu.memory_space<vmem>>
      %dma_start3A_157 = arith.constant 0 : i32
      %dma_start3A_158 = tpu.memref_slice %arg7[%run_scoped3A, %dma_start3A_157] : memref<3x96xi32, #tpu.memory_space<vmem>> -> memref<1x96xi32, #tpu.memory_space<vmem>>
      %dma_start3A_159 = tpu.memref_squeeze %dma_start3A_158 : memref<1x96xi32, #tpu.memory_space<vmem>> -> memref<96xi32, #tpu.memory_space<vmem>>
      %dma_start3A_160 = arith.constant 0 : i32
      %dma_start3A_161 = arith.constant 0 : i32
      %dma_start3A_162 = tpu.memref_slice %arg9[%dma_start3A_160, %dma_start3A_161] : memref<10240x128xf32, #tpu.memory_space<vmem_shared>> -> memref<10240x128xf32, #tpu.memory_space<vmem_shared>>
      tpu.enqueue_indirect_dma source(%dma_start3A_156 : memref<96x128xf32, #tpu.memory_space<vmem>>) target(%dma_start3A_162 : memref<10240x128xf32, #tpu.memory_space<vmem_shared>>) offsets(%dma_start3A_159 : memref<96xi32, #tpu.memory_space<vmem>>) semaphore(%run_scoped3A_153 : memref<!tpu.dma_semaphore, #tpu.memory_space<semaphore_mem>>) {add = true}
      %dma_wait3A_163 = arith.constant 0 : i32
      %dma_wait3A_164 = arith.constant 0 : i32
      %dma_wait3A_165 = tpu.memref_slice %arg8[%dma_wait3A_163, %dma_wait3A_164] : memref<288x128xf32, #tpu.memory_space<vmem>> -> memref<96x128xf32, #tpu.memory_space<vmem>>
      %dma_wait3A_166 = arith.constant 0 : i32
      %dma_wait3A_167 = tpu.memref_slice %arg7[%run_scoped3A, %dma_wait3A_166] : memref<3x96xi32, #tpu.memory_space<vmem>> -> memref<1x96xi32, #tpu.memory_space<vmem>>
      %dma_wait3A_168 = tpu.memref_squeeze %dma_wait3A_167 : memref<1x96xi32, #tpu.memory_space<vmem>> -> memref<96xi32, #tpu.memory_space<vmem>>
      %dma_wait3A_169 = arith.constant 0 : i32
      %dma_wait3A_170 = arith.constant 0 : i32
      %dma_wait3A_171 = tpu.memref_slice %arg9[%dma_wait3A_169, %dma_wait3A_170] : memref<10240x128xf32, #tpu.memory_space<vmem_shared>> -> memref<10240x128xf32, #tpu.memory_space<vmem_shared>>
      tpu.wait_indirect_dma semaphore(%run_scoped3A_153 : memref<!tpu.dma_semaphore, #tpu.memory_space<semaphore_mem>>) src(%dma_wait3A_165 : memref<96x128xf32, #tpu.memory_space<vmem>>) dst(%dma_wait3A_171 : memref<10240x128xf32, #tpu.memory_space<vmem_shared>>)
      tpu.yield
    }) : () -> ()
    %dma_wait3A_101 = arith.constant 1 : i32
    %dma_wait3A_102 = arith.constant 0 : i32
    %dma_wait3A_103 = tpu.memref_slice %arg7[%dma_wait3A_101, %dma_wait3A_102] : memref<3x96xi32, #tpu.memory_space<vmem>> -> memref<1x96xi32, #tpu.memory_space<vmem>>
    %dma_wait3A_104 = tpu.memref_squeeze %dma_wait3A_103 : memref<1x96xi32, #tpu.memory_space<vmem>> -> memref<96xi32, #tpu.memory_space<vmem>>
    %dma_wait3A_105 = tpu.memref_slice %arg4[%mul3A_2] : memref<322560xi32, #tpu.memory_space<hbm>> -> memref<96xi32, #tpu.memory_space<hbm>>
    %dma_wait3A_106 = arith.constant 0 : i32
    %dma_wait3A_107 = tpu.memref_slice %arg7[%dma_wait3A_101, %dma_wait3A_106] : memref<3x96xi32, #tpu.memory_space<vmem>> -> memref<1x96xi32, #tpu.memory_space<vmem>>
    %dma_wait3A_108 = tpu.memref_squeeze %dma_wait3A_107 : memref<1x96xi32, #tpu.memory_space<vmem>> -> memref<96xi32, #tpu.memory_space<vmem>>
    %dma_wait3A_109 = tpu.memref_slice %arg4[%mul3A_2] : memref<322560xi32, #tpu.memory_space<hbm>> -> memref<96xi32, #tpu.memory_space<hbm>>
    tpu.wait_dma2 semaphore(%arg11 : memref<!tpu.dma_semaphore, #tpu.memory_space<semaphore_mem>>) src(%dma_wait3A_109 : memref<96xi32, #tpu.memory_space<hbm>>) dst(%dma_wait3A_108 : memref<96xi32, #tpu.memory_space<vmem>>)
    %dma_wait3A_110 = arith.constant 96 : i32
    %dma_wait3A_111 = arith.constant 0 : i32
    %dma_wait3A_112 = tpu.memref_slice %arg8[%dma_wait3A_110, %dma_wait3A_111] : memref<288x128xf32, #tpu.memory_space<vmem>> -> memref<96x128xf32, #tpu.memory_space<vmem>>
    %dma_wait3A_113 = arith.constant 0 : i32
    %dma_wait3A_114 = arith.constant 0 : i32
    %dma_wait3A_115 = tpu.memref_slice %arg2[%dma_wait3A_113, %dma_wait3A_114] : memref<10240x128xf32, #tpu.memory_space<hbm>> -> memref<96x128xf32, #tpu.memory_space<hbm>>
    %dma_wait3A_116 = arith.constant 96 : i32
    %dma_wait3A_117 = arith.constant 0 : i32
    %dma_wait3A_118 = tpu.memref_slice %arg8[%dma_wait3A_116, %dma_wait3A_117] : memref<288x128xf32, #tpu.memory_space<vmem>> -> memref<96x128xf32, #tpu.memory_space<vmem>>
    %dma_wait3A_119 = arith.constant 0 : i32
    %dma_wait3A_120 = arith.constant 0 : i32
    %dma_wait3A_121 = tpu.memref_slice %arg2[%dma_wait3A_119, %dma_wait3A_120] : memref<10240x128xf32, #tpu.memory_space<hbm>> -> memref<96x128xf32, #tpu.memory_space<hbm>>
    tpu.wait_dma2 semaphore(%arg11 : memref<!tpu.dma_semaphore, #tpu.memory_space<semaphore_mem>>) src(%dma_wait3A_121 : memref<96x128xf32, #tpu.memory_space<hbm>>) dst(%dma_wait3A_118 : memref<96x128xf32, #tpu.memory_space<vmem>>)
    %run_scoped3A_122 = arith.constant 1 : i32
    "tpu.region"() ({
      %run_scoped3A_153 = tpu.sem_alloc : memref<!tpu.dma_semaphore, #tpu.memory_space<semaphore_mem>>
      %dma_start3A_154 = arith.constant 96 : i32
      %dma_start3A_155 = arith.constant 0 : i32
      %dma_start3A_156 = tpu.memref_slice %arg8[%dma_start3A_154, %dma_start3A_155] : memref<288x128xf32, #tpu.memory_space<vmem>> -> memref<96x128xf32, #tpu.memory_space<vmem>>
      %dma_start3A_157 = arith.constant 0 : i32
      %dma_start3A_158 = tpu.memref_slice %arg7[%run_scoped3A_122, %dma_start3A_157] : memref<3x96xi32, #tpu.memory_space<vmem>> -> memref<1x96xi32, #tpu.memory_space<vmem>>
      %dma_start3A_159 = tpu.memref_squeeze %dma_start3A_158 : memref<1x96xi32, #tpu.memory_space<vmem>> -> memref<96xi32, #tpu.memory_space<vmem>>
      %dma_start3A_160 = arith.constant 0 : i32
      %dma_start3A_161 = arith.constant 0 : i32
      %dma_start3A_162 = tpu.memref_slice %arg9[%dma_start3A_160, %dma_start3A_161] : memref<10240x128xf32, #tpu.memory_space<vmem_shared>> -> memref<10240x128xf32, #tpu.memory_space<vmem_shared>>
      tpu.enqueue_indirect_dma source(%dma_start3A_156 : memref<96x128xf32, #tpu.memory_space<vmem>>) target(%dma_start3A_162 : memref<10240x128xf32, #tpu.memory_space<vmem_shared>>) offsets(%dma_start3A_159 : memref<96xi32, #tpu.memory_space<vmem>>) semaphore(%run_scoped3A_153 : memref<!tpu.dma_semaphore, #tpu.memory_space<semaphore_mem>>) {add = true}
      %dma_wait3A_163 = arith.constant 96 : i32
      %dma_wait3A_164 = arith.constant 0 : i32
      %dma_wait3A_165 = tpu.memref_slice %arg8[%dma_wait3A_163, %dma_wait3A_164] : memref<288x128xf32, #tpu.memory_space<vmem>> -> memref<96x128xf32, #tpu.memory_space<vmem>>
      %dma_wait3A_166 = arith.constant 0 : i32
      %dma_wait3A_167 = tpu.memref_slice %arg7[%run_scoped3A_122, %dma_wait3A_166] : memref<3x96xi32, #tpu.memory_space<vmem>> -> memref<1x96xi32, #tpu.memory_space<vmem>>
      %dma_wait3A_168 = tpu.memref_squeeze %dma_wait3A_167 : memref<1x96xi32, #tpu.memory_space<vmem>> -> memref<96xi32, #tpu.memory_space<vmem>>
      %dma_wait3A_169 = arith.constant 0 : i32
      %dma_wait3A_170 = arith.constant 0 : i32
      %dma_wait3A_171 = tpu.memref_slice %arg9[%dma_wait3A_169, %dma_wait3A_170] : memref<10240x128xf32, #tpu.memory_space<vmem_shared>> -> memref<10240x128xf32, #tpu.memory_space<vmem_shared>>
      tpu.wait_indirect_dma semaphore(%run_scoped3A_153 : memref<!tpu.dma_semaphore, #tpu.memory_space<semaphore_mem>>) src(%dma_wait3A_165 : memref<96x128xf32, #tpu.memory_space<vmem>>) dst(%dma_wait3A_171 : memref<10240x128xf32, #tpu.memory_space<vmem_shared>>)
      tpu.yield
    }) : () -> ()
    %dma_wait3A_123 = arith.constant 2 : i32
    %dma_wait3A_124 = arith.constant 0 : i32
    %dma_wait3A_125 = tpu.memref_slice %arg7[%dma_wait3A_123, %dma_wait3A_124] : memref<3x96xi32, #tpu.memory_space<vmem>> -> memref<1x96xi32, #tpu.memory_space<vmem>>
    %dma_wait3A_126 = tpu.memref_squeeze %dma_wait3A_125 : memref<1x96xi32, #tpu.memory_space<vmem>> -> memref<96xi32, #tpu.memory_space<vmem>>
    %dma_wait3A_127 = tpu.memref_slice %arg4[%mul3A_2] : memref<322560xi32, #tpu.memory_space<hbm>> -> memref<96xi32, #tpu.memory_space<hbm>>
    %dma_wait3A_128 = arith.constant 0 : i32
    %dma_wait3A_129 = tpu.memref_slice %arg7[%dma_wait3A_123, %dma_wait3A_128] : memref<3x96xi32, #tpu.memory_space<vmem>> -> memref<1x96xi32, #tpu.memory_space<vmem>>
    %dma_wait3A_130 = tpu.memref_squeeze %dma_wait3A_129 : memref<1x96xi32, #tpu.memory_space<vmem>> -> memref<96xi32, #tpu.memory_space<vmem>>
    %dma_wait3A_131 = tpu.memref_slice %arg4[%mul3A_2] : memref<322560xi32, #tpu.memory_space<hbm>> -> memref<96xi32, #tpu.memory_space<hbm>>
    tpu.wait_dma2 semaphore(%arg12 : memref<!tpu.dma_semaphore, #tpu.memory_space<semaphore_mem>>) src(%dma_wait3A_131 : memref<96xi32, #tpu.memory_space<hbm>>) dst(%dma_wait3A_130 : memref<96xi32, #tpu.memory_space<vmem>>)
    %dma_wait3A_132 = arith.constant 192 : i32
    %dma_wait3A_133 = arith.constant 0 : i32
    %dma_wait3A_134 = tpu.memref_slice %arg8[%dma_wait3A_132, %dma_wait3A_133] : memref<288x128xf32, #tpu.memory_space<vmem>> -> memref<96x128xf32, #tpu.memory_space<vmem>>
    %dma_wait3A_135 = arith.constant 0 : i32
    %dma_wait3A_136 = arith.constant 0 : i32
    %dma_wait3A_137 = tpu.memref_slice %arg2[%dma_wait3A_135, %dma_wait3A_136] : memref<10240x128xf32, #tpu.memory_space<hbm>> -> memref<96x128xf32, #tpu.memory_space<hbm>>
    %dma_wait3A_138 = arith.constant 192 : i32
    %dma_wait3A_139 = arith.constant 0 : i32
    %dma_wait3A_140 = tpu.memref_slice %arg8[%dma_wait3A_138, %dma_wait3A_139] : memref<288x128xf32, #tpu.memory_space<vmem>> -> memref<96x128xf32, #tpu.memory_space<vmem>>
    %dma_wait3A_141 = arith.constant 0 : i32
    %dma_wait3A_142 = arith.constant 0 : i32
    %dma_wait3A_143 = tpu.memref_slice %arg2[%dma_wait3A_141, %dma_wait3A_142] : memref<10240x128xf32, #tpu.memory_space<hbm>> -> memref<96x128xf32, #tpu.memory_space<hbm>>
    tpu.wait_dma2 semaphore(%arg12 : memref<!tpu.dma_semaphore, #tpu.memory_space<semaphore_mem>>) src(%dma_wait3A_143 : memref<96x128xf32, #tpu.memory_space<hbm>>) dst(%dma_wait3A_140 : memref<96x128xf32, #tpu.memory_space<vmem>>)
    %run_scoped3A_144 = arith.constant 2 : i32
    "tpu.region"() ({
      %run_scoped3A_153 = tpu.sem_alloc : memref<!tpu.dma_semaphore, #tpu.memory_space<semaphore_mem>>
      %dma_start3A_154 = arith.constant 192 : i32
      %dma_start3A_155 = arith.constant 0 : i32
      %dma_start3A_156 = tpu.memref_slice %arg8[%dma_start3A_154, %dma_start3A_155] : memref<288x128xf32, #tpu.memory_space<vmem>> -> memref<96x128xf32, #tpu.memory_space<vmem>>
      %dma_start3A_157 = arith.constant 0 : i32
      %dma_start3A_158 = tpu.memref_slice %arg7[%run_scoped3A_144, %dma_start3A_157] : memref<3x96xi32, #tpu.memory_space<vmem>> -> memref<1x96xi32, #tpu.memory_space<vmem>>
      %dma_start3A_159 = tpu.memref_squeeze %dma_start3A_158 : memref<1x96xi32, #tpu.memory_space<vmem>> -> memref<96xi32, #tpu.memory_space<vmem>>
      %dma_start3A_160 = arith.constant 0 : i32
      %dma_start3A_161 = arith.constant 0 : i32
      %dma_start3A_162 = tpu.memref_slice %arg9[%dma_start3A_160, %dma_start3A_161] : memref<10240x128xf32, #tpu.memory_space<vmem_shared>> -> memref<10240x128xf32, #tpu.memory_space<vmem_shared>>
      tpu.enqueue_indirect_dma source(%dma_start3A_156 : memref<96x128xf32, #tpu.memory_space<vmem>>) target(%dma_start3A_162 : memref<10240x128xf32, #tpu.memory_space<vmem_shared>>) offsets(%dma_start3A_159 : memref<96xi32, #tpu.memory_space<vmem>>) semaphore(%run_scoped3A_153 : memref<!tpu.dma_semaphore, #tpu.memory_space<semaphore_mem>>) {add = true}
      %dma_wait3A_163 = arith.constant 192 : i32
      %dma_wait3A_164 = arith.constant 0 : i32
      %dma_wait3A_165 = tpu.memref_slice %arg8[%dma_wait3A_163, %dma_wait3A_164] : memref<288x128xf32, #tpu.memory_space<vmem>> -> memref<96x128xf32, #tpu.memory_space<vmem>>
      %dma_wait3A_166 = arith.constant 0 : i32
      %dma_wait3A_167 = tpu.memref_slice %arg7[%run_scoped3A_144, %dma_wait3A_166] : memref<3x96xi32, #tpu.memory_space<vmem>> -> memref<1x96xi32, #tpu.memory_space<vmem>>
      %dma_wait3A_168 = tpu.memref_squeeze %dma_wait3A_167 : memref<1x96xi32, #tpu.memory_space<vmem>> -> memref<96xi32, #tpu.memory_space<vmem>>
      %dma_wait3A_169 = arith.constant 0 : i32
      %dma_wait3A_170 = arith.constant 0 : i32
      %dma_wait3A_171 = tpu.memref_slice %arg9[%dma_wait3A_169, %dma_wait3A_170] : memref<10240x128xf32, #tpu.memory_space<vmem_shared>> -> memref<10240x128xf32, #tpu.memory_space<vmem_shared>>
      tpu.wait_indirect_dma semaphore(%run_scoped3A_153 : memref<!tpu.dma_semaphore, #tpu.memory_space<semaphore_mem>>) src(%dma_wait3A_165 : memref<96x128xf32, #tpu.memory_space<vmem>>) dst(%dma_wait3A_171 : memref<10240x128xf32, #tpu.memory_space<vmem_shared>>)
      tpu.yield
    }) : () -> ()
    %barrier3A_145 = arith.constant 0 : index
    tpu.barrier barrier_id(%barrier3A_145)
    %mul3A_146 = arith.constant 640 : i32
    %mul3A_147 = arith.muli %arg1, %mul3A_146 : i32
    %mul3A_148 = arith.constant 10240 : i32
    %mul3A_149 = arith.muli %arg0, %mul3A_148 : i32
    %mul3A_150 = arith.constant 640 : i32
    %mul3A_151 = arith.muli %arg1, %mul3A_150 : i32
    %add3A_152 = arith.addi %mul3A_149, %mul3A_151 : i32
    "tpu.region"() ({
      %run_scoped3A_153 = tpu.sem_alloc : memref<!tpu.dma_semaphore, #tpu.memory_space<semaphore_mem>>
      %dma_start3A_154 = arith.constant 0 : i32
      %dma_start3A_155 = tpu.memref_slice %arg5[%add3A_152, %dma_start3A_154] : memref<20480x128xf32, #tpu.memory_space<hbm>> -> memref<640x128xf32, #tpu.memory_space<hbm>>
      %dma_start3A_156 = arith.constant 0 : i32
      %dma_start3A_157 = tpu.memref_slice %arg9[%mul3A_147, %dma_start3A_156] : memref<10240x128xf32, #tpu.memory_space<vmem_shared>> -> memref<640x128xf32, #tpu.memory_space<vmem_shared>>
      tpu.enqueue_dma source(%dma_start3A_157 : memref<640x128xf32, #tpu.memory_space<vmem_shared>>) target(%dma_start3A_155 : memref<640x128xf32, #tpu.memory_space<hbm>>) target_semaphore(%run_scoped3A_153 : memref<!tpu.dma_semaphore, #tpu.memory_space<semaphore_mem>>)
      %dma_wait3A_158 = arith.constant 0 : i32
      %dma_wait3A_159 = tpu.memref_slice %arg5[%add3A_152, %dma_wait3A_158] : memref<20480x128xf32, #tpu.memory_space<hbm>> -> memref<640x128xf32, #tpu.memory_space<hbm>>
      %dma_wait3A_160 = arith.constant 0 : i32
      %dma_wait3A_161 = tpu.memref_slice %arg9[%mul3A_147, %dma_wait3A_160] : memref<10240x128xf32, #tpu.memory_space<vmem_shared>> -> memref<640x128xf32, #tpu.memory_space<vmem_shared>>
      tpu.wait_dma2 semaphore(%run_scoped3A_153 : memref<!tpu.dma_semaphore, #tpu.memory_space<semaphore_mem>>) src(%dma_wait3A_161 : memref<640x128xf32, #tpu.memory_space<vmem_shared>>) dst(%dma_wait3A_159 : memref<640x128xf32, #tpu.memory_space<hbm>>)
      tpu.yield
    }) : () -> ()
    return
  }
}

module attributes {stable_mosaic.version = 14 : i64} {
  func.func @_tch_body(%arg0: i32, %arg1: memref<1024x128xf32, #tpu.memory_space<vmem>>, %arg2: memref<128x128xf32, #tpu.memory_space<vmem>>, %arg3: memref<1024x128xf32, #tpu.memory_space<vmem>>) attributes {dimension_semantics = [#tpu.dimension_semantics<arbitrary>], iteration_bounds = array<i64: 10>, scalar_prefetch = 0 : i64, scratch_operands = 0 : i64, tpu.core_type = #tpu.core_type<tc>, window_params = [{transform_indices = @transform_0, window_bounds = array<i64: 1024, 128>}, {pipeline_mode = #tpu.pipeline_mode<synchronous>, transform_indices = @transform_1, window_bounds = array<i64: 128, 128>}, {transform_indices = @transform_2, window_bounds = array<i64: 1024, 128>}]} {
    %get3A = arith.constant 0 : index
    %get3A_0 = arith.constant 0 : index
    %get3A_1 = vector.load %arg1[%get3A, %get3A_0] : memref<1024x128xf32, #tpu.memory_space<vmem>>, vector<1024x128xf32>
    %get3A_2 = arith.constant 0 : index
    %get3A_3 = arith.constant 0 : index
    %get3A_4 = vector.load %arg2[%get3A_2, %get3A_3] : memref<128x128xf32, #tpu.memory_space<vmem>>, vector<128x128xf32>
    %dot_general3A = arith.constant dense<0.000000e+00> : vector<1024x128xf32>
    %dot_general3A_5 = tpu.matmul %get3A_1, %get3A_4, %dot_general3A {dimension_numbers = #tpu.dot_dimension_numbers<[1], [0], [0], [1], [0, 0, 1, 1], [], []>, precision = #tpu.contract_precision<fp32>, transpose_lhs_hint = false} : vector<1024x128xf32>, vector<128x128xf32>, vector<1024x128xf32> -> vector<1024x128xf32>
    %swap3A = arith.constant 0 : index
    %swap3A_6 = arith.constant 0 : index
    %swap3A_7 = vector.load %arg3[%swap3A, %swap3A_6] : memref<1024x128xf32, #tpu.memory_space<vmem>>, vector<1024x128xf32>
    tpu.vector_store %arg3[%swap3A, %swap3A_6], %dot_general3A_5 {strides = array<i32>} : memref<1024x128xf32, #tpu.memory_space<vmem>>, vector<1024x128xf32>,
    return
  }
  func.func @transform_0(%arg0: i32) -> (i32, i32) {
    %c0_i32 = arith.constant 0 : i32
    %c0_i32_0 = arith.constant 0 : i32
    return %arg0, %c0_i32 : i32, i32
  }
  func.func @transform_1(%arg0: i32) -> (i32, i32) {
    %c0_i32 = arith.constant 0 : i32
    %c0_i32_0 = arith.constant 0 : i32
    %c0_i32_1 = arith.constant 0 : i32
    return %c0_i32, %c0_i32_0 : i32, i32
  }
  func.func @transform_2(%arg0: i32) -> (i32, i32) {
    %c0_i32 = arith.constant 0 : i32
    %c0_i32_0 = arith.constant 0 : i32
    return %arg0, %c0_i32 : i32, i32
  }
}

module attributes {stable_mosaic.version = 14 : i64} {
  func.func @_tcs_body(%arg0: i32, %arg1: memref<1024x128xf32, #tpu.memory_space<vmem>>, %arg2: memref<1024x1xf32, #tpu.memory_space<vmem>>, %arg3: memref<1024x1xf32, #tpu.memory_space<vmem>>, %arg4: memref<1024x128xf32, #tpu.memory_space<vmem>>) attributes {dimension_semantics = [#tpu.dimension_semantics<arbitrary>], iteration_bounds = array<i64: 10>, scalar_prefetch = 0 : i64, scratch_operands = 0 : i64, tpu.core_type = #tpu.core_type<tc>, window_params = [{transform_indices = @transform_0, window_bounds = array<i64: 1024, 128>}, {transform_indices = @transform_1, window_bounds = array<i64: 1024, 1>}, {transform_indices = @transform_2, window_bounds = array<i64: 1024, 1>}, {transform_indices = @transform_3, window_bounds = array<i64: 1024, 128>}]} {
    %get3A = arith.constant 0 : index
    %get3A_0 = arith.constant 0 : index
    %get3A_1 = vector.load %arg2[%get3A, %get3A_0] : memref<1024x1xf32, #tpu.memory_space<vmem>>, vector<1024x1xf32>
    %get3A_2 = arith.constant 0 : index
    %get3A_3 = arith.constant 0 : index
    %get3A_4 = vector.load %arg3[%get3A_2, %get3A_3] : memref<1024x1xf32, #tpu.memory_space<vmem>>, vector<1024x1xf32>
    %add3A = arith.addf %get3A_1, %get3A_4 : vector<1024x1xf32>
    %add3A_5 = arith.constant 1.000000e+00 : f32
    %add3A_6 = vector.broadcast %add3A_5 : f32 to vector<1024x1xf32>
    %add3A_7 = arith.addf %add3A, %add3A_6 : vector<1024x1xf32>
    %rsqrt3A = math.rsqrt %add3A_7 : vector<1024x1xf32>
    %get3A_8 = arith.constant 0 : index
    %get3A_9 = arith.constant 0 : index
    %get3A_10 = vector.load %arg1[%get3A_8, %get3A_9] : memref<1024x128xf32, #tpu.memory_space<vmem>>, vector<1024x128xf32>
    %mul3A = vector.broadcast %rsqrt3A : vector<1024x1xf32> to vector<1024x128xf32>
    %mul3A_11 = arith.mulf %get3A_10, %mul3A : vector<1024x128xf32>
    %swap3A = arith.constant 0 : index
    %swap3A_12 = arith.constant 0 : index
    %swap3A_13 = vector.load %arg4[%swap3A, %swap3A_12] : memref<1024x128xf32, #tpu.memory_space<vmem>>, vector<1024x128xf32>
    tpu.vector_store %arg4[%swap3A, %swap3A_12], %mul3A_11 {strides = array<i32>} : memref<1024x128xf32, #tpu.memory_space<vmem>>, vector<1024x128xf32>,
    return
  }
  func.func @transform_0(%arg0: i32) -> (i32, i32) {
    %c0_i32 = arith.constant 0 : i32
    %c0_i32_0 = arith.constant 0 : i32
    return %arg0, %c0_i32 : i32, i32
  }
  func.func @transform_1(%arg0: i32) -> (i32, i32) {
    %c0_i32 = arith.constant 0 : i32
    %c0_i32_0 = arith.constant 0 : i32
    return %arg0, %c0_i32 : i32, i32
  }
  func.func @transform_2(%arg0: i32) -> (i32, i32) {
    %add3A = arith.constant 10 : i32
    %add3A_0 = arith.addi %arg0, %add3A : i32
    %c0_i32 = arith.constant 0 : i32
    %c0_i32_1 = arith.constant 0 : i32
    return %add3A_0, %c0_i32 : i32, i32
  }
  func.func @transform_3(%arg0: i32) -> (i32, i32) {
    %c0_i32 = arith.constant 0 : i32
    %c0_i32_0 = arith.constant 0 : i32
    return %arg0, %c0_i32 : i32, i32
  }
}

module attributes {stable_mosaic.version = 14 : i64} {
  func.func @_tcmid_body(%arg0: i32, %arg1: memref<1024x128xf32, #tpu.memory_space<vmem>>, %arg2: memref<1024x128xf32, #tpu.memory_space<vmem>>, %arg3: memref<1024x128xf32, #tpu.memory_space<vmem>>, %arg4: memref<1024x1xf32, #tpu.memory_space<vmem>>, %arg5: memref<1024x1xf32, #tpu.memory_space<vmem>>, %arg6: memref<1x128xf32, #tpu.memory_space<vmem>>, %arg7: memref<128x128xf32, #tpu.memory_space<vmem>>, %arg8: memref<1024x128xf32, #tpu.memory_space<vmem>>) attributes {dimension_semantics = [#tpu.dimension_semantics<arbitrary>], iteration_bounds = array<i64: 10>, scalar_prefetch = 0 : i64, scratch_operands = 0 : i64, tpu.core_type = #tpu.core_type<tc>, window_params = [{transform_indices = @transform_0, window_bounds = array<i64: 1024, 128>}, {transform_indices = @transform_1, window_bounds = array<i64: 1024, 128>}, {transform_indices = @transform_2, window_bounds = array<i64: 1024, 128>}, {transform_indices = @transform_3, window_bounds = array<i64: 1024, 1>}, {transform_indices = @transform_4, window_bounds = array<i64: 1024, 1>}, {pipeline_mode = #tpu.pipeline_mode<synchronous>, transform_indices = @transform_5, window_bounds = array<i64: 1, 128>}, {pipeline_mode = #tpu.pipeline_mode<synchronous>, transform_indices = @transform_6, window_bounds = array<i64: 128, 128>}, {transform_indices = @transform_7, window_bounds = array<i64: 1024, 128>}]} {
    %get3A = arith.constant 0 : index
    %get3A_0 = arith.constant 0 : index
    %get3A_1 = vector.load %arg4[%get3A, %get3A_0] : memref<1024x1xf32, #tpu.memory_space<vmem>>, vector<1024x1xf32>
    %get3A_2 = arith.constant 0 : index
    %get3A_3 = arith.constant 0 : index
    %get3A_4 = vector.load %arg5[%get3A_2, %get3A_3] : memref<1024x1xf32, #tpu.memory_space<vmem>>, vector<1024x1xf32>
    %add3A = arith.addf %get3A_1, %get3A_4 : vector<1024x1xf32>
    %add3A_5 = arith.constant 1.000000e+00 : f32
    %add3A_6 = vector.broadcast %add3A_5 : f32 to vector<1024x1xf32>
    %add3A_7 = arith.addf %add3A, %add3A_6 : vector<1024x1xf32>
    %rsqrt3A = math.rsqrt %add3A_7 : vector<1024x1xf32>
    %get3A_8 = arith.constant 0 : index
    %get3A_9 = arith.constant 0 : index
    %get3A_10 = vector.load %arg1[%get3A_8, %get3A_9] : memref<1024x128xf32, #tpu.memory_space<vmem>>, vector<1024x128xf32>
    %get3A_11 = arith.constant 0 : index
    %get3A_12 = arith.constant 0 : index
    %get3A_13 = vector.load %arg2[%get3A_11, %get3A_12] : memref<1024x128xf32, #tpu.memory_space<vmem>>, vector<1024x128xf32>
    %add3A_14 = arith.addf %get3A_10, %get3A_13 : vector<1024x128xf32>
    %get3A_15 = arith.constant 0 : index
    %get3A_16 = arith.constant 0 : index
    %get3A_17 = vector.load %arg3[%get3A_15, %get3A_16] : memref<1024x128xf32, #tpu.memory_space<vmem>>, vector<1024x128xf32>
    %add3A_18 = arith.addf %add3A_14, %get3A_17 : vector<1024x128xf32>
    %mul3A = vector.broadcast %rsqrt3A : vector<1024x1xf32> to vector<1024x128xf32>
    %mul3A_19 = arith.mulf %add3A_18, %mul3A : vector<1024x128xf32>
    %get3A_20 = arith.constant 0 : index
    %get3A_21 = arith.constant 0 : index
    %get3A_22 = vector.load %arg6[%get3A_20, %get3A_21] : memref<1x128xf32, #tpu.memory_space<vmem>>, vector<1x128xf32>
    %add3A_23 = vector.broadcast %get3A_22 : vector<1x128xf32> to vector<1024x128xf32>
    %add3A_24 = arith.addf %mul3A_19, %add3A_23 : vector<1024x128xf32>
    %max3A = arith.constant 0.000000e+00 : f32
    %max3A_25 = vector.broadcast %max3A : f32 to vector<1024x128xf32>
    %max3A_26 = arith.maximumf %add3A_24, %max3A_25 : vector<1024x128xf32>
    %get3A_27 = arith.constant 0 : index
    %get3A_28 = arith.constant 0 : index
    %get3A_29 = vector.load %arg7[%get3A_27, %get3A_28] : memref<128x128xf32, #tpu.memory_space<vmem>>, vector<128x128xf32>
    %dot_general3A = arith.constant dense<0.000000e+00> : vector<1024x128xf32>
    %dot_general3A_30 = tpu.matmul %max3A_26, %get3A_29, %dot_general3A {dimension_numbers = #tpu.dot_dimension_numbers<[1], [0], [0], [1], [0, 0, 1, 1], [], []>, precision = #tpu.contract_precision<fp32>, transpose_lhs_hint = false} : vector<1024x128xf32>, vector<128x128xf32>, vector<1024x128xf32> -> vector<1024x128xf32>
    %mul3A_31 = vector.broadcast %rsqrt3A : vector<1024x1xf32> to vector<1024x128xf32>
    %mul3A_32 = arith.mulf %dot_general3A_30, %mul3A_31 : vector<1024x128xf32>
    %swap3A = arith.constant 0 : index
    %swap3A_33 = arith.constant 0 : index
    %swap3A_34 = vector.load %arg8[%swap3A, %swap3A_33] : memref<1024x128xf32, #tpu.memory_space<vmem>>, vector<1024x128xf32>
    tpu.vector_store %arg8[%swap3A, %swap3A_33], %mul3A_32 {strides = array<i32>} : memref<1024x128xf32, #tpu.memory_space<vmem>>, vector<1024x128xf32>,
    return
  }
  func.func @transform_0(%arg0: i32) -> (i32, i32) {
    %c0_i32 = arith.constant 0 : i32
    %c0_i32_0 = arith.constant 0 : i32
    return %arg0, %c0_i32 : i32, i32
  }
  func.func @transform_1(%arg0: i32) -> (i32, i32) {
    %add3A = arith.constant 10 : i32
    %add3A_0 = arith.addi %arg0, %add3A : i32
    %c0_i32 = arith.constant 0 : i32
    %c0_i32_1 = arith.constant 0 : i32
    return %add3A_0, %c0_i32 : i32, i32
  }
  func.func @transform_2(%arg0: i32) -> (i32, i32) {
    %c0_i32 = arith.constant 0 : i32
    %c0_i32_0 = arith.constant 0 : i32
    return %arg0, %c0_i32 : i32, i32
  }
  func.func @transform_3(%arg0: i32) -> (i32, i32) {
    %c0_i32 = arith.constant 0 : i32
    %c0_i32_0 = arith.constant 0 : i32
    return %arg0, %c0_i32 : i32, i32
  }
  func.func @transform_4(%arg0: i32) -> (i32, i32) {
    %add3A = arith.constant 10 : i32
    %add3A_0 = arith.addi %arg0, %add3A : i32
    %c0_i32 = arith.constant 0 : i32
    %c0_i32_1 = arith.constant 0 : i32
    return %add3A_0, %c0_i32 : i32, i32
  }
  func.func @transform_5(%arg0: i32) -> (i32, i32) {
    %c0_i32 = arith.constant 0 : i32
    %c0_i32_0 = arith.constant 0 : i32
    %c0_i32_1 = arith.constant 0 : i32
    return %c0_i32, %c0_i32_0 : i32, i32
  }
  func.func @transform_6(%arg0: i32) -> (i32, i32) {
    %c0_i32 = arith.constant 0 : i32
    %c0_i32_0 = arith.constant 0 : i32
    %c0_i32_1 = arith.constant 0 : i32
    return %c0_i32, %c0_i32_0 : i32, i32
  }
  func.func @transform_7(%arg0: i32) -> (i32, i32) {
    %c0_i32 = arith.constant 0 : i32
    %c0_i32_0 = arith.constant 0 : i32
    return %arg0, %c0_i32 : i32, i32
  }
}

module attributes {stable_mosaic.version = 14 : i64} {
  func.func @_tcf_body(%arg0: i32, %arg1: memref<1024x128xf32, #tpu.memory_space<vmem>>, %arg2: memref<1024x128xf32, #tpu.memory_space<vmem>>, %arg3: memref<1024x128xf32, #tpu.memory_space<vmem>>, %arg4: memref<1024x1xf32, #tpu.memory_space<vmem>>, %arg5: memref<1024x1xf32, #tpu.memory_space<vmem>>, %arg6: memref<1x128xf32, #tpu.memory_space<vmem>>, %arg7: memref<1024x1xi32, #tpu.memory_space<vmem>>, %arg8: memref<128x10xf32, #tpu.memory_space<vmem>>, %arg9: memref<1x10xf32, #tpu.memory_space<vmem>>, %arg10: memref<128x10xf32, #tpu.memory_space<vmem>>, %arg11: memref<128x128xf32, #tpu.memory_space<vmem>>, %arg12: memref<128x1xf32, #tpu.memory_space<vmem>>) attributes {dimension_semantics = [#tpu.dimension_semantics<arbitrary>], iteration_bounds = array<i64: 10>, scalar_prefetch = 0 : i64, scratch_operands = 2 : i64, tpu.core_type = #tpu.core_type<tc>, window_params = [{transform_indices = @transform_0, window_bounds = array<i64: 1024, 128>}, {transform_indices = @transform_1, window_bounds = array<i64: 1024, 128>}, {transform_indices = @transform_2, window_bounds = array<i64: 1024, 128>}, {transform_indices = @transform_3, window_bounds = array<i64: 1024, 1>}, {transform_indices = @transform_4, window_bounds = array<i64: 1024, 1>}, {pipeline_mode = #tpu.pipeline_mode<synchronous>, transform_indices = @transform_5, window_bounds = array<i64: 1, 128>}, {transform_indices = @transform_6, window_bounds = array<i64: 1024, 1>}, {pipeline_mode = #tpu.pipeline_mode<synchronous>, transform_indices = @transform_7, window_bounds = array<i64: 128, 10>}, {pipeline_mode = #tpu.pipeline_mode<synchronous>, transform_indices = @transform_8, window_bounds = array<i64: 1, 10>}, {pipeline_mode = #tpu.pipeline_mode<synchronous>, transform_indices = @transform_9, window_bounds = array<i64: 128, 10>}]} {
    %eq3A = arith.constant 0 : i32
    %eq3A_0 = arith.cmpi eq, %arg0, %eq3A : i32
    %convert_element_type3A = arith.extui %eq3A_0 : i1 to i32
    %cond3A = arith.constant 0 : i32
    %cond3A_1 = arith.cmpi ne, %convert_element_type3A, %cond3A : i32
    scf.if %cond3A_1 {
      %broadcast_in_dim3A_56 = arith.constant 0.000000e+00 : f32
      %broadcast_in_dim3A_57 = vector.broadcast %broadcast_in_dim3A_56 : f32 to vector<128x128xf32>
      %swap3A_58 = arith.constant 0 : index
      %swap3A_59 = arith.constant 0 : index
      %swap3A_60 = vector.load %arg11[%swap3A_58, %swap3A_59] : memref<128x128xf32, #tpu.memory_space<vmem>>, vector<128x128xf32>
      tpu.vector_store %arg11[%swap3A_58, %swap3A_59], %broadcast_in_dim3A_57 {strides = array<i32>} : memref<128x128xf32, #tpu.memory_space<vmem>>, vector<128x128xf32>,
      %broadcast_in_dim3A_61 = arith.constant 0.000000e+00 : f32
      %broadcast_in_dim3A_62 = vector.broadcast %broadcast_in_dim3A_61 : f32 to vector<128x1xf32>
      %swap3A_63 = arith.constant 0 : index
      %swap3A_64 = arith.constant 0 : index
      %swap3A_65 = vector.load %arg12[%swap3A_63, %swap3A_64] : memref<128x1xf32, #tpu.memory_space<vmem>>, vector<128x1xf32>
      tpu.vector_store %arg12[%swap3A_63, %swap3A_64], %broadcast_in_dim3A_62 {strides = array<i32>} : memref<128x1xf32, #tpu.memory_space<vmem>>, vector<128x1xf32>,
    } else {
    }
    %get3A = arith.constant 0 : index
    %get3A_2 = arith.constant 0 : index
    %get3A_3 = vector.load %arg4[%get3A, %get3A_2] : memref<1024x1xf32, #tpu.memory_space<vmem>>, vector<1024x1xf32>
    %get3A_4 = arith.constant 0 : index
    %get3A_5 = arith.constant 0 : index
    %get3A_6 = vector.load %arg5[%get3A_4, %get3A_5] : memref<1024x1xf32, #tpu.memory_space<vmem>>, vector<1024x1xf32>
    %add3A = arith.addf %get3A_3, %get3A_6 : vector<1024x1xf32>
    %add3A_7 = arith.constant 1.000000e+00 : f32
    %add3A_8 = vector.broadcast %add3A_7 : f32 to vector<1024x1xf32>
    %add3A_9 = arith.addf %add3A, %add3A_8 : vector<1024x1xf32>
    %rsqrt3A = math.rsqrt %add3A_9 : vector<1024x1xf32>
    %get3A_10 = arith.constant 0 : index
    %get3A_11 = arith.constant 0 : index
    %get3A_12 = vector.load %arg1[%get3A_10, %get3A_11] : memref<1024x128xf32, #tpu.memory_space<vmem>>, vector<1024x128xf32>
    %get3A_13 = arith.constant 0 : index
    %get3A_14 = arith.constant 0 : index
    %get3A_15 = vector.load %arg2[%get3A_13, %get3A_14] : memref<1024x128xf32, #tpu.memory_space<vmem>>, vector<1024x128xf32>
    %add3A_16 = arith.addf %get3A_12, %get3A_15 : vector<1024x128xf32>
    %get3A_17 = arith.constant 0 : index
    %get3A_18 = arith.constant 0 : index
    %get3A_19 = vector.load %arg3[%get3A_17, %get3A_18] : memref<1024x128xf32, #tpu.memory_space<vmem>>, vector<1024x128xf32>
    %add3A_20 = arith.addf %add3A_16, %get3A_19 : vector<1024x128xf32>
    %mul3A = vector.broadcast %rsqrt3A : vector<1024x1xf32> to vector<1024x128xf32>
    %mul3A_21 = arith.mulf %add3A_20, %mul3A : vector<1024x128xf32>
    %get3A_22 = arith.constant 0 : index
    %get3A_23 = arith.constant 0 : index
    %get3A_24 = vector.load %arg6[%get3A_22, %get3A_23] : memref<1x128xf32, #tpu.memory_space<vmem>>, vector<1x128xf32>
    %add3A_25 = vector.broadcast %get3A_24 : vector<1x128xf32> to vector<1024x128xf32>
    %add3A_26 = arith.addf %mul3A_21, %add3A_25 : vector<1024x128xf32>
    %get3A_27 = arith.constant 0 : index
    %get3A_28 = arith.constant 0 : index
    %get3A_29 = vector.load %arg7[%get3A_27, %get3A_28] : memref<1024x1xi32, #tpu.memory_space<vmem>>, vector<1024x1xi32>
    %iota3A = tpu.iota {dimensions = array<i32: 1>} : vector<1024x128xi32>
    %eq3A_30 = vector.broadcast %get3A_29 : vector<1024x1xi32> to vector<1024x128xi32>
    %eq3A_31 = arith.cmpi eq, %eq3A_30, %iota3A : vector<1024x128xi32>
    %convert_element_type3A_32 = arith.extui %eq3A_31 : vector<1024x128xi1> to vector<1024x128xi32>
    %convert_element_type3A_33 = arith.sitofp %convert_element_type3A_32 : vector<1024x128xi32> to vector<1024x128xf32>
    %get3A_34 = arith.constant 0 : index
    %get3A_35 = arith.constant 0 : index
    %get3A_36 = vector.load %arg11[%get3A_34, %get3A_35] : memref<128x128xf32, #tpu.memory_space<vmem>>, vector<128x128xf32>
    %dot_general3A = arith.constant dense<0.000000e+00> : vector<128x128xf32>
    %dot_general3A_37 = tpu.matmul %convert_element_type3A_33, %add3A_26, %dot_general3A {dimension_numbers = #tpu.dot_dimension_numbers<[0], [0], [1], [1], [0, 1, 1, 1], [], []>, precision = #tpu.contract_precision<fp32>, transpose_lhs_hint = false} : vector<1024x128xf32>, vector<1024x128xf32>, vector<128x128xf32> -> vector<128x128xf32>
    %add3A_38 = arith.addf %get3A_36, %dot_general3A_37 : vector<128x128xf32>
    %swap3A = arith.constant 0 : index
    %swap3A_39 = arith.constant 0 : index
    %swap3A_40 = vector.load %arg11[%swap3A, %swap3A_39] : memref<128x128xf32, #tpu.memory_space<vmem>>, vector<128x128xf32>
    tpu.vector_store %arg11[%swap3A, %swap3A_39], %add3A_38 {strides = array<i32>} : memref<128x128xf32, #tpu.memory_space<vmem>>, vector<128x128xf32>,
    %get3A_41 = arith.constant 0 : index
    %get3A_42 = arith.constant 0 : index
    %get3A_43 = vector.load %arg12[%get3A_41, %get3A_42] : memref<128x1xf32, #tpu.memory_space<vmem>>, vector<128x1xf32>
    %broadcast_in_dim3A = arith.constant 1.000000e+00 : f32
    %broadcast_in_dim3A_44 = vector.broadcast %broadcast_in_dim3A : f32 to vector<1024x1xf32>
    %dot_general3A_45 = arith.constant dense<0.000000e+00> : vector<128x1xf32>
    %dot_general3A_46 = tpu.matmul %convert_element_type3A_33, %broadcast_in_dim3A_44, %dot_general3A_45 {dimension_numbers = #tpu.dot_dimension_numbers<[0], [0], [1], [1], [0, 1, 1, 1], [], []>, precision = #tpu.contract_precision<fp32>, transpose_lhs_hint = false} : vector<1024x128xf32>, vector<1024x1xf32>, vector<128x1xf32> -> vector<128x1xf32>
    %add3A_47 = arith.addf %get3A_43, %dot_general3A_46 : vector<128x1xf32>
    %swap3A_48 = arith.constant 0 : index
    %swap3A_49 = arith.constant 0 : index
    %swap3A_50 = vector.load %arg12[%swap3A_48, %swap3A_49] : memref<128x1xf32, #tpu.memory_space<vmem>>, vector<128x1xf32>
    tpu.vector_store %arg12[%swap3A_48, %swap3A_49], %add3A_47 {strides = array<i32>} : memref<128x1xf32, #tpu.memory_space<vmem>>, vector<128x1xf32>,
    %eq3A_51 = arith.constant 9 : i32
    %eq3A_52 = arith.cmpi eq, %arg0, %eq3A_51 : i32
    %convert_element_type3A_53 = arith.extui %eq3A_52 : i1 to i32
    %cond3A_54 = arith.constant 0 : i32
    %cond3A_55 = arith.cmpi ne, %convert_element_type3A_53, %cond3A_54 : i32
    scf.if %cond3A_55 {
      %get3A_56 = arith.constant 0 : index
      %get3A_57 = arith.constant 0 : index
      %get3A_58 = vector.load %arg11[%get3A_56, %get3A_57] : memref<128x128xf32, #tpu.memory_space<vmem>>, vector<128x128xf32>
      %get3A_59 = arith.constant 0 : index
      %get3A_60 = arith.constant 0 : index
      %get3A_61 = vector.load %arg12[%get3A_59, %get3A_60] : memref<128x1xf32, #tpu.memory_space<vmem>>, vector<128x1xf32>
      %max3A = arith.constant 1.000000e+00 : f32
      %max3A_62 = vector.broadcast %max3A : f32 to vector<128x1xf32>
      %max3A_63 = arith.maximumf %get3A_61, %max3A_62 : vector<128x1xf32>
      %div3A = vector.broadcast %max3A_63 : vector<128x1xf32> to vector<128x128xf32>
      %div3A_64 = arith.divf %get3A_58, %div3A : vector<128x128xf32>
      %get3A_65 = arith.constant 0 : index
      %get3A_66 = arith.constant 0 : index
      %get3A_67 = vector.load %arg8[%get3A_65, %get3A_66] : memref<128x10xf32, #tpu.memory_space<vmem>>, vector<128x10xf32>
      %dot_general3A_68 = arith.constant dense<0.000000e+00> : vector<128x10xf32>
      %dot_general3A_69 = tpu.matmul %div3A_64, %get3A_67, %dot_general3A_68 {dimension_numbers = #tpu.dot_dimension_numbers<[1], [0], [0], [1], [0, 0, 1, 1], [], []>, precision = #tpu.contract_precision<fp32>, transpose_lhs_hint = false} : vector<128x128xf32>, vector<128x10xf32>, vector<128x10xf32> -> vector<128x10xf32>
      %get3A_70 = arith.constant 0 : index
      %get3A_71 = arith.constant 0 : index
      %get3A_72 = vector.load %arg9[%get3A_70, %get3A_71] : memref<1x10xf32, #tpu.memory_space<vmem>>, vector<1x10xf32>
      %add3A_73 = vector.broadcast %get3A_72 : vector<1x10xf32> to vector<128x10xf32>
      %add3A_74 = arith.addf %dot_general3A_69, %add3A_73 : vector<128x10xf32>
      %swap3A_75 = arith.constant 0 : index
      %swap3A_76 = arith.constant 0 : index
      %swap3A_77 = vector.load %arg10[%swap3A_75, %swap3A_76] : memref<128x10xf32, #tpu.memory_space<vmem>>, vector<128x10xf32>
      tpu.vector_store %arg10[%swap3A_75, %swap3A_76], %add3A_74 {strides = array<i32>} : memref<128x10xf32, #tpu.memory_space<vmem>>, vector<128x10xf32>,
    } else {
    }
    return
  }
  func.func @transform_0(%arg0: i32) -> (i32, i32) {
    %c0_i32 = arith.constant 0 : i32
    %c0_i32_0 = arith.constant 0 : i32
    return %arg0, %c0_i32 : i32, i32
  }
  func.func @transform_1(%arg0: i32) -> (i32, i32) {
    %add3A = arith.constant 10 : i32
    %add3A_0 = arith.addi %arg0, %add3A : i32
    %c0_i32 = arith.constant 0 : i32
    %c0_i32_1 = arith.constant 0 : i32
    return %add3A_0, %c0_i32 : i32, i32
  }
  func.func @transform_2(%arg0: i32) -> (i32, i32) {
    %c0_i32 = arith.constant 0 : i32
    %c0_i32_0 = arith.constant 0 : i32
    return %arg0, %c0_i32 : i32, i32
  }
  func.func @transform_3(%arg0: i32) -> (i32, i32) {
    %c0_i32 = arith.constant 0 : i32
    %c0_i32_0 = arith.constant 0 : i32
    return %arg0, %c0_i32 : i32, i32
  }
  func.func @transform_4(%arg0: i32) -> (i32, i32) {
    %add3A = arith.constant 10 : i32
    %add3A_0 = arith.addi %arg0, %add3A : i32
    %c0_i32 = arith.constant 0 : i32
    %c0_i32_1 = arith.constant 0 : i32
    return %add3A_0, %c0_i32 : i32, i32
  }
  func.func @transform_5(%arg0: i32) -> (i32, i32) {
    %c0_i32 = arith.constant 0 : i32
    %c0_i32_0 = arith.constant 0 : i32
    %c0_i32_1 = arith.constant 0 : i32
    return %c0_i32, %c0_i32_0 : i32, i32
  }
  func.func @transform_6(%arg0: i32) -> (i32, i32) {
    %c0_i32 = arith.constant 0 : i32
    %c0_i32_0 = arith.constant 0 : i32
    return %arg0, %c0_i32 : i32, i32
  }
  func.func @transform_7(%arg0: i32) -> (i32, i32) {
    %c0_i32 = arith.constant 0 : i32
    %c0_i32_0 = arith.constant 0 : i32
    %c0_i32_1 = arith.constant 0 : i32
    return %c0_i32, %c0_i32_0 : i32, i32
  }
  func.func @transform_8(%arg0: i32) -> (i32, i32) {
    %c0_i32 = arith.constant 0 : i32
    %c0_i32_0 = arith.constant 0 : i32
    %c0_i32_1 = arith.constant 0 : i32
    return %c0_i32, %c0_i32_0 : i32, i32
  }
  func.func @transform_9(%arg0: i32) -> (i32, i32) {
    %c0_i32 = arith.constant 0 : i32
    %c0_i32_0 = arith.constant 0 : i32
    %c0_i32_1 = arith.constant 0 : i32
    return %c0_i32, %c0_i32_0 : i32, i32
  }
}

</mosaic_0001>

<sc_bundles>
// kernel: kernel.11.cloned.1.call-start
scs
__scs_entry_jumppad:
0x0: {  	(pc) =	sbr.rel $0x88, $3  }
0x1: {  	(tag) =	ssettag $0x0;
	lr =	simm.s32 $0x1  }
0x2: {  	[smem:$0x3F96] =	sst lr;
	_ =	strace $0xD0000000  }
0x3: {  	_ = 	snop  }
0x4: {  	_ = 	snop  }
0x5: {  	_ = 	snop  }
0x6: {  	_ = 	snop  }
0x7: {  	_ = 	snop  }
__scs_overlays_trampoline_lowered:
0x8: {  	[smem:$0x3FA5] =	sst s0  }
0x9: {  	[smem:$0x3FA6] =	sst s1  }
0xa: {  	[smem:$0x3FA7] =	sst s2  }
0xb: {  	[smem:$0x3FA8] =	sst s3  }
0xc: {  	[smem:$0x3FA9] =	sst s4  }
0xd: {  	[smem:$0x3FAA] =	sst s5  }
0xe: {  	[smem:$0x3FAB] =	sst s6  }
0xf: {  	[smem:$0x3FAC] =	sst s7  }
0x10: {  	[smem:$0x3FAD] =	sst s8  }
0x11: {  	[smem:$0x3FAE] =	sst s9;
	s0 =	simm.s32 @!p0 $0x0  }
0x12: {  	s1 =	sld [smem:$0x3F94];
	s0 =	simm.s32 @p0 $0x1  }
0x13: {  	[smem:$0x3FAF] =	sst s0;
	s0 =	simm.s32 @!p1 $0x0  }
0x14: {  	s2 =	sld [smem:$0x3F93];
	s0 =	simm.s32 @p1 $0x1  }
0x15: {  	[smem:$0x3FB0] =	sst s0;
	s0 =	simm.s32 @!p2 $0x0  }
0x16: {  	s3 =	sld [smem:$0x3FDB];
	s0 =	simm.s32 @p2 $0x1  }
0x17: {  	s4 =	simm.s32 $0x1BF5;
	[smem:$0x3FB2] =	sst s0  }
0x18: {  	s0 =	sld [smem:$0x3F95];
	_ =	swait.ge [sflag:s4], $0x0  }
0x19: {  	s7 =	sld [smem:$0x3F96]  }
0x1a: {  	s8 =	sadd.s32 $0xFFFFE003, lr  }
0x1b: {  	s9 =	sadd.s32 $0xFFFFFEF7, lr;
	s5 =	simm.s32 $0xFFFFFFFF;
	p2 =	slt.u32 s8, $0xFFFFF086  }
0x1c: {  	p1 =	slt.u32 s9, $0xF7A;
	s5 =	simm.s32 @!p2 $0x0  }
0x1d: {  	s5 =	simm.s32 @p1 $0x1;
	p0 =	seq.s32 s7, s2  }
0x1e: {  	s7 =	smul.u32 @!p0 $0xF7A, s2;
	p2 =	seq.s32 @!p0 s5, $0x0  }
0x1f: {  	s9 =	smul.u32 $0xF7A, s1;
	s8 =	simm.s32 @!p0 $0x1BF5;
	p2 =	por !p2, p0  }
0x20: {  	[sflag:s8] =	ssyncset.s32 @!p0 $0xFFFFF086;
	s6 =	sadd.s32 @!p0 s3, s7;
	s7 =	simm.s32 @!p0 $0x108  }
0x21: {  	s3 =	sadd.s32 s3, s9;
	s6 =	sadd.s32 @!p0 $0x88, s6;
	s7 =	simm.s32 @p2 $0x1082  }
0x22: {  	[simem:s7], [sflag:s8] =	dma.local @!p0 [hbm:s6], $0xF7A  }
0x23: {  	s9 =	sor.u32 $0xD0000000, s2;
	s6 =	simm.s32 $0x108;
	_ =	swait.ge @!p0 [sflag:s8], $0x0  }
0x24: {  	s3 =	sadd.s32 $0x88, s3;
	s6 =	simm.s32 @!p1 $0x1082;
	[sflag:s4] =	ssyncset.s32 $0xFFFFF086  }
0x25: {  	[simem:s6], [sflag:s4] =	dma.local [hbm:s3], $0xF7A  }
0x26: {  	[smem:$0x3F96] =	sst s1;
	(tag) =	ssettag s2;
	_ =	strace s9  }
0x27: {  	s1 =	sld [smem:$0x3FA6]  }
0x28: {  	s2 =	sld [smem:$0x3FA7]  }
0x29: {  	s4 =	sld [smem:$0x3FA9]  }
0x2a: {  	p0 =	seq.s32 s5, $0x0;
	s5 =	sld [smem:$0x3FAA]  }
0x2b: {  	s6 =	sld [smem:$0x3FAB]  }
0x2c: {  	s7 =	sld [smem:$0x3FAC]  }
0x2d: {  	s3 =	simm.s32 $0x108;
	s8 =	sld [smem:$0x3FAD]  }
0x2e: {  	s3 =	simm.s32 @!p0 $0x1082;
	s9 =	sld [smem:$0x3FAE]  }
0x2f: {  	lr =	sadd.s32 s0, s3;
	s0 =	sld [smem:$0x3FA5]  }
0x30: {  	s3 =	sld [smem:$0x3FA8]  }
0x31: {  	[smem:$0x3FB1] =	sst s10  }
0x32: {  	s10 =	sld [smem:$0x3FAF];
	_ =	sdelay $0x3  }
0x33: {  	p0 =	seq.s32 s10, $0x1;
	s10 =	sld [smem:$0x3FB1];
	_ =	sdelay $0x3  }
0x34: {  	[smem:$0x3FB1] =	sst s10  }
0x35: {  	s10 =	sld [smem:$0x3FB0];
	_ =	sdelay $0x3  }
0x36: {  	p1 =	seq.s32 s10, $0x1;
	s10 =	sld [smem:$0x3FB1];
	_ =	sdelay $0x3  }
0x37: {  	[smem:$0x3FB1] =	sst s10  }
0x38: {  	s10 =	sld [smem:$0x3FB2]  }
0x39: {  	_ = 	snop;
	(pc) =	sbr.ind lr, $3  }
0x3a: {  	_ = 	snop  }
0x3b: {  	_ = 	snop  }
0x3c: {  	p2 =	seq.s32 s10, $0x1;
	s10 =	sld [smem:$0x3FB1]  }
0x3d: {  	_ =	shalt  }
0x3e: {  	_ =	shalt  }
0x3f: {  	_ =	shalt  }
0x40: {  	_ =	shalt  }
0x41: {  	_ =	shalt  }
0x42: {  	_ =	shalt  }
0x43: {  	_ =	shalt  }
0x44: {  	_ =	shalt  }
0x45: {  	_ =	shalt  }
0x46: {  	_ =	shalt  }
0x47: {  	_ =	shalt  }
0x48: {  	_ =	shalt  }
0x49: {  	_ =	shalt  }
0x4a: {  	_ =	shalt  }
0x4b: {  	_ =	shalt  }
0x4c: {  	_ =	shalt  }
0x4d: {  	_ =	shalt  }
0x4e: {  	_ =	shalt  }
0x4f: {  	_ =	shalt  }
0x50: {  	_ =	shalt  }
0x51: {  	_ =	shalt  }
0x52: {  	_ =	shalt  }
0x53: {  	_ =	shalt  }
0x54: {  	_ =	shalt  }
0x55: {  	_ =	shalt  }
0x56: {  	_ =	shalt  }
0x57: {  	_ =	shalt  }
0x58: {  	_ =	shalt  }
0x59: {  	_ =	shalt  }
0x5a: {  	_ =	shalt  }
0x5b: {  	_ =	shalt  }
0x5c: {  	_ =	shalt  }
0x5d: {  	_ =	shalt  }
0x5e: {  	_ =	shalt  }
0x5f: {  	_ =	shalt  }
0x60: {  	_ =	shalt  }
0x61: {  	_ =	shalt  }
0x62: {  	_ =	shalt  }
0x63: {  	_ =	shalt  }
0x64: {  	_ =	shalt  }
0x65: {  	_ =	shalt  }
0x66: {  	_ =	shalt  }
0x67: {  	_ =	shalt  }
0x68: {  	_ =	shalt  }
0x69: {  	_ =	shalt  }
0x6a: {  	_ =	shalt  }
0x6b: {  	_ =	shalt  }
0x6c: {  	_ =	shalt  }
0x6d: {  	_ =	shalt  }
0x6e: {  	_ =	shalt  }
0x6f: {  	_ =	shalt  }
0x70: {  	_ =	shalt  }
0x71: {  	_ =	shalt  }
0x72: {  	_ =	shalt  }
0x73: {  	_ =	shalt  }
0x74: {  	_ =	shalt  }
0x75: {  	_ =	shalt  }
0x76: {  	_ =	shalt  }
0x77: {  	_ =	shalt  }
0x78: {  	_ =	shalt  }
0x79: {  	_ =	shalt  }
0x7a: {  	_ =	shalt  }
0x7b: {  	_ =	shalt  }
0x7c: {  	_ =	shalt  }
0x7d: {  	_ =	shalt  }
0x7e: {  	_ =	shalt  }
0x7f: {  	_ =	shalt  }
0x80: {  	_ =	shalt  }
0x81: {  	_ =	shalt  }
0x82: {  	_ =	shalt  }
0x83: {  	_ =	shalt  }
0x84: {  	_ =	shalt  }
0x85: {  	_ =	shalt  }
0x86: {  	_ =	shalt  }
0x87: {  	_ =	shalt  }
.Lfunc_end0:
.L_simem_size_0:
called_computation_lowered:
.L_overlay_start_0:
0x88: {  	s2 =	sld [smem:$0x3FD9]  }
0x89: {  	s3 =	sld [smem:$0x3FFE];
	_ =	sdelay $0x1  }
0x8a: {  	s1 =	srdreg.scid  }
0x8b: {  	s0 =	sand.u32 $0x1, s1  }
0x8c: {  	s16 =	sshll.u32 s0, $0xA;
	s2 =	sadd.s32 s3, s2  }
0x8d: {  	s2 =	sadd.s32 s2, s16  }
0x8e: {  	[smem:$0x3FBD] =	sst s2  }
0x8f: {  	_ = 	snop  }
0x90: {  	(tm) =	ssettm $0x1  }
0x91: {  	s17 =	sld [smem:$0x3FFB];
	_ =	sdelay $0x3  }
0x92: {  	_ =	strace s17  }
0x93: {  	s2 =	sld [smem:$0x3FFC];
	_ =	sdelay $0x3  }
0x94: {  	_ =	strace s2  }
0x95: {  	s2 =	sld [smem:$0x3FFD];
	_ =	sdelay $0x3  }
0x96: {  	_ =	strace s2  }
0x97: {  	_ =	strace $0x8FFFFFFF  }
0x98: {  	s18 =	sld [smem:$0x3FDB];
	_ =	sdelay $0x1  }
0x99: {  	s19 =	simm.s32 $_scs_section_size  }
0x9a: {  	s4 =	simm.s32 $_size__tile_overlayer_lowered;
	s5 =	simm.s32 $_tile_overlayer_lowered  }
0x9b: {  	s22 =	simm.s32 $0x1BFF;
	s21 =	sshll.u32 s5, $0x1;
	s2 =	sadd.s32 s19, s18  }
0x9c: {  	s6 =	simm.s32 $0x0;
	s20 =	sshll.u32 s4, $0x1;
	s4 =	sadd.s32 s21, s2  }
0x9d: {  	[timem:s6], [sflag:s22] =	dma.local [hbm:s4], s20  }
0x9e: {  	_ =	swait.ge [sflag:s22], s20  }
0x9f: {  	s3 =	ssub.s32 $0x0, s20;
	[sflag:s22] =	ssyncset.done $0x0  }
0xa0: {  	[sflag:s22] =	ssyncadd.s32 s3;
	_ =	sdelay $0x1  }
0xa1: {  	s23 =	simm.s32 $0x1B8B  }
0xa2: {  	_ =	swait.ge [sflag:s23], $0x1  }
0xa3: {  	[sflag:s23] =	ssyncset.done $0x0  }
0xa4: {  	s25 =	simm.s32 $0x1B8E;
	s24 =	sld [smem:$0x3FFE];
	[sflag:s23] =	ssyncadd.s32 $0xFFFFFFFF  }
0xa5: {  	s26 =	simm.s32 $execute0_lowered;
	[smem:$0x3FD2] =	sst s25  }
0xa6: {  	s4 =	sshll.u32 s26, $0x1;
	_ =	strace $0x80000046;
	[dreg:$0x1] =	wrdreg $0xFFFFFFFF  }
0xa7: {  	s28 =	simm.s32 $_size_execute0_lowered;
	s2 =	sadd.s32 s2, s4;
	[dreg:$0x0] =	wrdreg $0x0  }
0xa8: {  	s4 =	sshll.u32 s28, $0x1;
	[dreg:$0x2] =	wrdreg s2  }
0xa9: {  	[dreg:$0x3] =	wrdreg s4  }
0xaa: {  	[dreg:$0x4] =	wrdreg $0xC0  }
0xab: {  	_ =	task [dreg:s6], $0x5FFFF  }
0xac: {  	[dreg:$0x1] =	wrdreg $0xFFFFFFFF  }
0xad: {  	[dreg:$0x0] =	wrdreg $0x60  }
0xae: {  	[dreg:$0x2] =	wrdreg s24  }
0xaf: {  	[dreg:$0x3] =	wrdreg $0x68000  }
0xb0: {  	[dreg:$0x4] =	wrdreg $0x9  }
0xb1: {  	_ =	task.clear_ibuf [dreg:s6], $0x5FFFF;
	_ =	strace $0x90000046  }
0xb2: {  	s29 =	simm.s32 $0x9;
	_ =	strace $0x80000048  }
0xb3: {  	_ =	swait.ge [sflag:s29], $0x1  }
0xb4: {  	[sflag:s29] =	ssyncadd.s32 $0xFFFFFFFF  }
0xb5: {  	_ =	strace $0x90000048  }
0xb6: {  	_ =	sfence  }
0xb7: {  	s30 =	sld [smem:$0x0];
	_ =	sdelay $0x2  }
0xb8: {  	s31 =	sshll.u32 s1, $0xD;
	s1 =	sshrl.u32 s1, $0x2  }
0xb9: {  	s3 =	sand.u32 $0x4000, s31;
	s1 =	sadd.s32 s1, s30  }
0xba: {  	s0 =	sor.u32 s3, s0;
	s1 =	sshll.u32 s1, $0x11  }
0xbb: {  	s0 =	sor.u32 s1, s0  }
0xbc: {  	s0 =	sadd.s32 $0x8F2B, s0  }
0xbd: {  	[sflag:s0] =	ssyncadd.remote.s32 $0x1  }
0xbe: {  	_ =	sfence.sel $0xFFFF  }
0xbf: {  	[dreg:$0x0] =	wrdreg $0xFFFFFFFF;
	(pc) =	sbr.abs _section_cstart, $3  }
0xc0: {  	[dreg:$0x1] =	wrdreg $0xFFFFFFFF  }
0xc1: {  	_ =	task.clear_ibuf [dreg:s6], $0x2FFFF;
	_ =	strace $0x9FFFFFFF  }
0xc2: {  	(tm) =	ssettm $0x7FFFFFFF  }
0xc3: {  	_ =	shalt  }
tec
execute0_lowered:
.L_overlay_start_1:
0x0: {  	(tag) =	ssettag $0x1  }
0x1: {  	s5 =	rddreg [dreg:$0x0]  }
0x2: {  	s0 =	srdreg.scid;
	s2 =	rddreg [dreg:$0x1]  }
0x3: {  	s3 =	simm.s32 $0x0;
	s14 =	simm.s32 $0x3800;
	s15 =	simm.s32 $0x2  }
0x4: {  	s16 =	simm.s32 $0x60;
	s4 =	sand.u32 $0x1, s0;
	s0 =	stileid.u32  }
0x5: {  	s17 =	simm.s32 $0x1;
	s19 =	simm.s32 $0x0;
	s7 =	smul.u32 $0x2800, s0  }
0x6: {  	[smem:$0x7FF] =	sst s3;
	s1 =	sshll.u32 s4, $0x4;
	s8 =	smul.u32 $0x50000, s0  }
0x7: {  	s9 =	smul.u32 $0x28000, s4;
	s10 =	ssub.s32 $0x2, s4;
	s18 =	sshll.u32 s0, $0x6  }
0x8: {  	s1 =	sor.u32 s0, s1;
	s31 =	sshrl.u32 s10, $0x1;
	s18 =	sor.u32 $0x1C02, s18  }
0x9: {  	s6 =	smul.u32 $0x700, s1;
	s1 =	rddreg [dreg:$0x2];
	_ =	strace $0x80000047  }
0xa: {  	s30 =	sshrl.u32 s8, $0x2;
	s7 =	sadd.s32 s7, s9;
	s8 =	ssub.s32 s10, s31  }
0xb: {  	s4 =	sadd.s32 s30, s2;
	s7 =	sadd.s32 s7, s5;
	s8 =	smax.u32 s8, $0x1  }
0xc: {  	s6 =	sadd.s32 s6, s5;
	s5 =	sadd.s32 $0x12000, s4;
	s7 =	sadd.s32 $0x11800, s7  }
0xd: {  	s9 =	sadd.s32 $0x3000, s4;
	s10 =	sadd.s32 $0x6000, s4;
	s11 =	sadd.s32 $0x9000, s4  }
0xe: {  	v0 =	vimm.f32 $0.0e+00;
	v1 =	vimm.f32 $1.000000000e+00;
	s12 =	sadd.s32 $0xC000, s4;
	s13 =	sadd.s32 $0xF000, s4;
	s6 =	sadd.s32 $0x3800, s6  }
.LBB2_1:
0xf: {  	s20 =	sand.u32 $0xFE00, s3  }
0x10: {  	s21 =	sand.u32 $0x70, s3;
	s22 =	sshrl.u32 s20, $0x2  }
0x11: {  	s20 =	simm.s32 $0x40;
	s22 =	sor.u32 s21, s22;
	s21 =	simm.s32 $0x0  }
.LBB2_2:
0x12: {  	p0 =	sne.s32 s20, $0xBFC0  }
0x13: {  	[tilespmem:s22+$0x3800] =	vst v0;
	s21 =	sadd.s32 $0x10, s21;
	s22 =	smov.u32 s20;
	s20 =	sadd.s32 $0x40, s20  }
.Ltmp0:
0x14: {  	(pc) =	sbr.rel @p0 .LBB2_2-.Ltmp0, $4  }
0x15: {  	_ = 	snop  }
0x16: {  	s22 =	sand.u32 $0xFE00, s22  }
0x17: {  	s23 =	sand.u32 $0x70, s21;
	s22 =	sshrl.u32 s22, $0x2  }
0x18: {  	s22 =	sor.u32 s23, s22  }
0x19: {  	[tilespmem:s22+$0x3800] =	vst v0  }
0x1a: {  	[spmem:s4] =	stream.linear.scatter [tilespmem:s14], [sflag:$0x2], $0x3000, $0x38;
	[tilespmem:$0x1A800] =	vst v63  }
0x1b: {  	_ =	swait.ge [sflag:s15], $0x3000  }
0x1c: {  	[sflag:s15] =	ssyncset.done $0x0  }
0x1d: {  	[sflag:s15] =	ssyncadd.s32 $0xFFFFD000  }
0x1e: {  	[spmem:s9] =	stream.linear.scatter [tilespmem:s14], [sflag:$0x2], $0x3000, $0x38;
	[tilespmem:$0x1A800] =	vst v63  }
0x1f: {  	_ =	swait.ge [sflag:s15], $0x3000  }
0x20: {  	[sflag:s15] =	ssyncset.done $0x0  }
0x21: {  	[sflag:s15] =	ssyncadd.s32 $0xFFFFD000  }
0x22: {  	[spmem:s10] =	stream.linear.scatter [tilespmem:s14], [sflag:$0x2], $0x3000, $0x38;
	[tilespmem:$0x1A800] =	vst v63  }
0x23: {  	_ =	swait.ge [sflag:s15], $0x3000  }
0x24: {  	[sflag:s15] =	ssyncset.done $0x0  }
0x25: {  	[sflag:s15] =	ssyncadd.s32 $0xFFFFD000  }
0x26: {  	[spmem:s11] =	stream.linear.scatter [tilespmem:s14], [sflag:$0x2], $0x3000, $0x38;
	[tilespmem:$0x1A800] =	vst v63  }
0x27: {  	_ =	swait.ge [sflag:s15], $0x3000  }
0x28: {  	[sflag:s15] =	ssyncset.done $0x0  }
0x29: {  	[sflag:s15] =	ssyncadd.s32 $0xFFFFD000  }
0x2a: {  	[spmem:s12] =	stream.linear.scatter [tilespmem:s14], [sflag:$0x2], $0x3000, $0x38;
	[tilespmem:$0x1A800] =	vst v63  }
0x2b: {  	_ =	swait.ge [sflag:s15], $0x3000  }
0x2c: {  	[sflag:s15] =	ssyncset.done $0x0  }
0x2d: {  	[sflag:s15] =	ssyncadd.s32 $0xFFFFD000  }
0x2e: {  	[spmem:s13] =	stream.linear.scatter [tilespmem:s14], [sflag:$0x2], $0x3000, $0x38;
	[tilespmem:$0x1A800] =	vst v63  }
0x2f: {  	_ =	swait.ge [sflag:s15], $0x3000  }
0x30: {  	[sflag:s15] =	ssyncset.done $0x0  }
0x31: {  	s20 =	simm.s32 $0x0;
	[sflag:s15] =	ssyncadd.s32 $0xFFFFD000  }
0x32: {  	[spmem:s5] =	stream.linear.scatter [tilespmem:s14], [sflag:$0x2], $0x2000, $0x38;
	[tilespmem:$0x1A800] =	vst v63  }
0x33: {  	s21 =	sand.u32 $0xFE00, s20;
	_ =	swait.ge [sflag:s15], $0x2000  }
0x34: {  	s31 =	sand.u32 $0x70, s20;
	s23 =	sshrl.u32 s21, $0x2;
	[sflag:s15] =	ssyncset.done $0x0  }
0x35: {  	s21 =	simm.s32 $0x40;
	s22 =	sor.u32 s31, s23;
	[sflag:s15] =	ssyncadd.s32 $0xFFFFE000  }
.LBB2_4:
0x36: {  	p0 =	sne.s32 s21, $0xBFC0  }
0x37: {  	[tilespmem:s22+$0x3800] =	vst v1;
	s20 =	sadd.s32 $0x10, s20;
	s22 =	smov.u32 s21;
	s21 =	sadd.s32 $0x40, s21  }
.Ltmp1:
0x38: {  	(pc) =	sbr.rel @p0 .LBB2_4-.Ltmp1, $4  }
0x39: {  	_ = 	snop  }
0x3a: {  	s22 =	sand.u32 $0xFE00, s22  }
0x3b: {  	s23 =	sand.u32 $0x70, s20;
	s22 =	sshrl.u32 s22, $0x2  }
0x3c: {  	s22 =	sor.u32 s23, s22  }
0x3d: {  	[tilespmem:s22+$0x3800] =	vst v1;
	s20 =	simm.s32 $0x0  }
0x3e: {  	[tilespmem:s20], [sflag:$0x2] =	stream.linear.gather [hbm4b:s6+s20], $0x3480, $0x38;
	[tilespmem:$0x1A800] =	vst v63  }
0x3f: {  	_ =	swait.ge [sflag:s15], $0x3480  }
0x40: {  	[sflag:s15] =	ssyncset.done $0x0  }
0x41: {  	[sflag:s15] =	ssyncadd.s32 $0xFFFFCB80  }
0x42: {  	[bflag:$0x0] =	sbarrier.arrive $0xFFFF  }
.LBB2_6:
0x43: {  	p0 =	sne.s32 s20, $0xD000  }
.Ltmp2:
0x44: {  	_ = 	snop;
	(pc) =	sbr.rel @p0 .LBB2_6-.Ltmp2, $3  }
0x45: {  	_ =	sdelay $0x1  }
0x46: {  	s21 =	sshra.s32 s20, $0x2;
	s20 =	sadd.s32 $0x200, s20  }
0x47: {  	[spmem:s2] =	stream.indirect.scatter.add.f32 [tilespmem:s14], [sflag:$0x1], $0x80, s21, s16, $0xb8;
	[tilespmem:$0x1A800] =	vst v63  }
0x48: {  	_ =	swait.ge [sflag:s17], $0x3000  }
0x49: {  	s20 =	simm.s32 $0x68;
	[sflag:s17] =	ssyncset.done $0x0  }
.LBB2_8:
0x4a: {  	p0 =	sne.s32 s20, $0x1;
	s20 =	sadd.s32 $0xFFFFFFFF, s20;
	[sflag:s17] =	ssyncadd.s32 $0xFFFFD000  }
.Ltmp3:
0x4b: {  	(pc) =	sbr.rel @p0 .LBB2_8-.Ltmp3, $3  }
0x4c: {  	_ =	sdelay $0x1  }
0x4d: {  	_ =	swait.ge [sflag:s17], $0x3000  }
0x4e: {  	[sflag:s17] =	ssyncset.done $0x0  }
0x4f: {  	s19 =	sadd.s32 $0x1, s19  }
0x50: {  	[sflag:s17] =	ssyncadd.s32 $0xFFFFD000;
	p0 =	sne.s32 s19, s8  }
.Ltmp4:
0x51: {  	s20 =	sshrl.u32 s4, $0x3;
	[bflag:$0x0] =	sbarrier.arrive $0xFFFF;
	(pc) =	sbr.rel @p0 .LBB2_1-.Ltmp4, $4  }
0x52: {  	[hbm:s7], [sflag:s18] =	dma.local [spmem:s20], $0x2800  }
0x53: {  	_ =	swait.ge [sflag:s15], $0x2800  }
0x54: {  	[sflag:s15] =	ssyncset.done $0x0  }
0x55: {  	[sflag:s15] =	ssyncadd.s32 $0xFFFFD800  }
0x56: {  	_ =	sfence.sel $0x180000  }
0x57: {  	[bflag:$0x0] =	sbarrier.arrive $0xFFFF  }
0x58: {  	p0 =	sne.s32 s0, $0x0;
	_ =	strace $0x90000047  }
0x59: {  	s0 =	sadd.s32 @!p0 $0x100000, s1;
	[bflag:$0x2] =	sbarrier.arrive $0xFFFF  }
0x5a: {  	[sflag:s0] =	ssyncadd.tile.s32 @!p0 $0x1;
	_ =	shalt  }
.Lfunc_end2:
_tile_overlayer_lowered:
.L_overlay_start_2:
0x5b: {  	(tag) =	ssettag $0x2  }
0x5c: {  	s0 =	rddreg [dreg:$0x0];
	s2 =	stileid.u32  }
0x5d: {  	s1 =	rddreg [dreg:$0x1];
	p0 =	sne.s32 s2, $0x0  }
0x5e: {  	s3 =	rddreg [dreg:$0x2];
	[bflag:$0x3] =	sbarrier.arrive $0xFFFF;
	s2 =	simm.s32 @!p0 $0x1C02  }
0x5f: {  	[timem:s3], [sflag:s2] =	dma.local @!p0 [hbm:s0], s1  }
0x60: {  	s0 =	simm.s32 @!p0 $0x2  }
0x61: {  	_ =	swait.ge @!p0 [sflag:s0], s1  }
0x62: {  	s1 =	ssub.s32 @!p0 $0x0, s1;
	[sflag:s0] =	ssyncset.done @!p0 $0x0  }
0x63: {  	[sflag:s0] =	ssyncadd.s32 @!p0 s1  }
0x64: {  	[bflag:$0x3] =	sbarrier.arrive $0xFFFF  }
0x65: {  	_ =	shalt  }

// kernel: kernel.14.cloned.1.call-start
scs
__scs_entry_jumppad:
0x0: {  	(pc) =	sbr.rel $0x88, $3  }
0x1: {  	(tag) =	ssettag $0x0;
	lr =	simm.s32 $0x1  }
0x2: {  	[smem:$0x3F96] =	sst lr;
	_ =	strace $0xD0000000  }
0x3: {  	_ = 	snop  }
0x4: {  	_ = 	snop  }
0x5: {  	_ = 	snop  }
0x6: {  	_ = 	snop  }
0x7: {  	_ = 	snop  }
__scs_overlays_trampoline_lowered:
0x8: {  	[smem:$0x3FA5] =	sst s0  }
0x9: {  	[smem:$0x3FA6] =	sst s1  }
0xa: {  	[smem:$0x3FA7] =	sst s2  }
0xb: {  	[smem:$0x3FA8] =	sst s3  }
0xc: {  	[smem:$0x3FA9] =	sst s4  }
0xd: {  	[smem:$0x3FAA] =	sst s5  }
0xe: {  	[smem:$0x3FAB] =	sst s6  }
0xf: {  	[smem:$0x3FAC] =	sst s7  }
0x10: {  	[smem:$0x3FAD] =	sst s8  }
0x11: {  	[smem:$0x3FAE] =	sst s9;
	s0 =	simm.s32 @!p0 $0x0  }
0x12: {  	s1 =	sld [smem:$0x3F94];
	s0 =	simm.s32 @p0 $0x1  }
0x13: {  	[smem:$0x3FAF] =	sst s0;
	s0 =	simm.s32 @!p1 $0x0  }
0x14: {  	s2 =	sld [smem:$0x3F93];
	s0 =	simm.s32 @p1 $0x1  }
0x15: {  	[smem:$0x3FB0] =	sst s0;
	s0 =	simm.s32 @!p2 $0x0  }
0x16: {  	s3 =	sld [smem:$0x3FDB];
	s0 =	simm.s32 @p2 $0x1  }
0x17: {  	s4 =	simm.s32 $0x1BF5;
	[smem:$0x3FB2] =	sst s0  }
0x18: {  	s0 =	sld [smem:$0x3F95];
	_ =	swait.ge [sflag:s4], $0x0  }
0x19: {  	s7 =	sld [smem:$0x3F96]  }
0x1a: {  	s8 =	sadd.s32 $0xFFFFE003, lr  }
0x1b: {  	s9 =	sadd.s32 $0xFFFFFEF7, lr;
	s5 =	simm.s32 $0xFFFFFFFF;
	p2 =	slt.u32 s8, $0xFFFFF086  }
0x1c: {  	p1 =	slt.u32 s9, $0xF7A;
	s5 =	simm.s32 @!p2 $0x0  }
0x1d: {  	s5 =	simm.s32 @p1 $0x1;
	p0 =	seq.s32 s7, s2  }
0x1e: {  	s7 =	smul.u32 @!p0 $0xF7A, s2;
	p2 =	seq.s32 @!p0 s5, $0x0  }
0x1f: {  	s9 =	smul.u32 $0xF7A, s1;
	s8 =	simm.s32 @!p0 $0x1BF5;
	p2 =	por !p2, p0  }
0x20: {  	[sflag:s8] =	ssyncset.s32 @!p0 $0xFFFFF086;
	s6 =	sadd.s32 @!p0 s3, s7;
	s7 =	simm.s32 @!p0 $0x108  }
0x21: {  	s3 =	sadd.s32 s3, s9;
	s6 =	sadd.s32 @!p0 $0x88, s6;
	s7 =	simm.s32 @p2 $0x1082  }
0x22: {  	[simem:s7], [sflag:s8] =	dma.local @!p0 [hbm:s6], $0xF7A  }
0x23: {  	s9 =	sor.u32 $0xD0000000, s2;
	s6 =	simm.s32 $0x108;
	_ =	swait.ge @!p0 [sflag:s8], $0x0  }
0x24: {  	s3 =	sadd.s32 $0x88, s3;
	s6 =	simm.s32 @!p1 $0x1082;
	[sflag:s4] =	ssyncset.s32 $0xFFFFF086  }
0x25: {  	[simem:s6], [sflag:s4] =	dma.local [hbm:s3], $0xF7A  }
0x26: {  	[smem:$0x3F96] =	sst s1;
	(tag) =	ssettag s2;
	_ =	strace s9  }
0x27: {  	s1 =	sld [smem:$0x3FA6]  }
0x28: {  	s2 =	sld [smem:$0x3FA7]  }
0x29: {  	s4 =	sld [smem:$0x3FA9]  }
0x2a: {  	p0 =	seq.s32 s5, $0x0;
	s5 =	sld [smem:$0x3FAA]  }
0x2b: {  	s6 =	sld [smem:$0x3FAB]  }
0x2c: {  	s7 =	sld [smem:$0x3FAC]  }
0x2d: {  	s3 =	simm.s32 $0x108;
	s8 =	sld [smem:$0x3FAD]  }
0x2e: {  	s3 =	simm.s32 @!p0 $0x1082;
	s9 =	sld [smem:$0x3FAE]  }
0x2f: {  	lr =	sadd.s32 s0, s3;
	s0 =	sld [smem:$0x3FA5]  }
0x30: {  	s3 =	sld [smem:$0x3FA8]  }
0x31: {  	[smem:$0x3FB1] =	sst s10  }
0x32: {  	s10 =	sld [smem:$0x3FAF];
	_ =	sdelay $0x3  }
0x33: {  	p0 =	seq.s32 s10, $0x1;
	s10 =	sld [smem:$0x3FB1];
	_ =	sdelay $0x3  }
0x34: {  	[smem:$0x3FB1] =	sst s10  }
0x35: {  	s10 =	sld [smem:$0x3FB0];
	_ =	sdelay $0x3  }
0x36: {  	p1 =	seq.s32 s10, $0x1;
	s10 =	sld [smem:$0x3FB1];
	_ =	sdelay $0x3  }
0x37: {  	[smem:$0x3FB1] =	sst s10  }
0x38: {  	s10 =	sld [smem:$0x3FB2]  }
0x39: {  	_ = 	snop;
	(pc) =	sbr.ind lr, $3  }
0x3a: {  	_ = 	snop  }
0x3b: {  	_ = 	snop  }
0x3c: {  	p2 =	seq.s32 s10, $0x1;
	s10 =	sld [smem:$0x3FB1]  }
0x3d: {  	_ =	shalt  }
0x3e: {  	_ =	shalt  }
0x3f: {  	_ =	shalt  }
0x40: {  	_ =	shalt  }
0x41: {  	_ =	shalt  }
0x42: {  	_ =	shalt  }
0x43: {  	_ =	shalt  }
0x44: {  	_ =	shalt  }
0x45: {  	_ =	shalt  }
0x46: {  	_ =	shalt  }
0x47: {  	_ =	shalt  }
0x48: {  	_ =	shalt  }
0x49: {  	_ =	shalt  }
0x4a: {  	_ =	shalt  }
0x4b: {  	_ =	shalt  }
0x4c: {  	_ =	shalt  }
0x4d: {  	_ =	shalt  }
0x4e: {  	_ =	shalt  }
0x4f: {  	_ =	shalt  }
0x50: {  	_ =	shalt  }
0x51: {  	_ =	shalt  }
0x52: {  	_ =	shalt  }
0x53: {  	_ =	shalt  }
0x54: {  	_ =	shalt  }
0x55: {  	_ =	shalt  }
0x56: {  	_ =	shalt  }
0x57: {  	_ =	shalt  }
0x58: {  	_ =	shalt  }
0x59: {  	_ =	shalt  }
0x5a: {  	_ =	shalt  }
0x5b: {  	_ =	shalt  }
0x5c: {  	_ =	shalt  }
0x5d: {  	_ =	shalt  }
0x5e: {  	_ =	shalt  }
0x5f: {  	_ =	shalt  }
0x60: {  	_ =	shalt  }
0x61: {  	_ =	shalt  }
0x62: {  	_ =	shalt  }
0x63: {  	_ =	shalt  }
0x64: {  	_ =	shalt  }
0x65: {  	_ =	shalt  }
0x66: {  	_ =	shalt  }
0x67: {  	_ =	shalt  }
0x68: {  	_ =	shalt  }
0x69: {  	_ =	shalt  }
0x6a: {  	_ =	shalt  }
0x6b: {  	_ =	shalt  }
0x6c: {  	_ =	shalt  }
0x6d: {  	_ =	shalt  }
0x6e: {  	_ =	shalt  }
0x6f: {  	_ =	shalt  }
0x70: {  	_ =	shalt  }
0x71: {  	_ =	shalt  }
0x72: {  	_ =	shalt  }
0x73: {  	_ =	shalt  }
0x74: {  	_ =	shalt  }
0x75: {  	_ =	shalt  }
0x76: {  	_ =	shalt  }
0x77: {  	_ =	shalt  }
0x78: {  	_ =	shalt  }
0x79: {  	_ =	shalt  }
0x7a: {  	_ =	shalt  }
0x7b: {  	_ =	shalt  }
0x7c: {  	_ =	shalt  }
0x7d: {  	_ =	shalt  }
0x7e: {  	_ =	shalt  }
0x7f: {  	_ =	shalt  }
0x80: {  	_ =	shalt  }
0x81: {  	_ =	shalt  }
0x82: {  	_ =	shalt  }
0x83: {  	_ =	shalt  }
0x84: {  	_ =	shalt  }
0x85: {  	_ =	shalt  }
0x86: {  	_ =	shalt  }
0x87: {  	_ =	shalt  }
.Lfunc_end0:
.L_simem_size_0:
called_computation.1_lowered:
.L_overlay_start_0:
0x88: {  	s2 =	sld [smem:$0x3FD9]  }
0x89: {  	s3 =	sld [smem:$0x3FFE];
	_ =	sdelay $0x1  }
0x8a: {  	s1 =	srdreg.scid  }
0x8b: {  	s0 =	sand.u32 $0x1, s1  }
0x8c: {  	s16 =	sshll.u32 s0, $0xA;
	s2 =	sadd.s32 s3, s2  }
0x8d: {  	s2 =	sadd.s32 s2, s16  }
0x8e: {  	[smem:$0x3FBD] =	sst s2  }
0x8f: {  	_ = 	snop  }
0x90: {  	(tm) =	ssettm $0x1  }
0x91: {  	s17 =	sld [smem:$0x3FFB];
	_ =	sdelay $0x3  }
0x92: {  	_ =	strace s17  }
0x93: {  	s2 =	sld [smem:$0x3FFC];
	_ =	sdelay $0x3  }
0x94: {  	_ =	strace s2  }
0x95: {  	s2 =	sld [smem:$0x3FFD];
	_ =	sdelay $0x3  }
0x96: {  	_ =	strace s2  }
0x97: {  	_ =	strace $0x8FFFFFFF  }
0x98: {  	s18 =	sld [smem:$0x3FDB];
	_ =	sdelay $0x1  }
0x99: {  	s19 =	simm.s32 $_scs_section_size  }
0x9a: {  	s4 =	simm.s32 $_size__tile_overlayer_lowered;
	s5 =	simm.s32 $_tile_overlayer_lowered  }
0x9b: {  	s22 =	simm.s32 $0x1BFF;
	s21 =	sshll.u32 s5, $0x1;
	s2 =	sadd.s32 s19, s18  }
0x9c: {  	s6 =	simm.s32 $0x0;
	s20 =	sshll.u32 s4, $0x1;
	s4 =	sadd.s32 s21, s2  }
0x9d: {  	[timem:s6], [sflag:s22] =	dma.local [hbm:s4], s20  }
0x9e: {  	_ =	swait.ge [sflag:s22], s20  }
0x9f: {  	s3 =	ssub.s32 $0x0, s20;
	[sflag:s22] =	ssyncset.done $0x0  }
0xa0: {  	[sflag:s22] =	ssyncadd.s32 s3;
	_ =	sdelay $0x1  }
0xa1: {  	s23 =	simm.s32 $0x1B8B  }
0xa2: {  	_ =	swait.ge [sflag:s23], $0x1  }
0xa3: {  	[sflag:s23] =	ssyncset.done $0x0  }
0xa4: {  	s25 =	simm.s32 $0x1B8E;
	s24 =	sld [smem:$0x3FFE];
	[sflag:s23] =	ssyncadd.s32 $0xFFFFFFFF  }
0xa5: {  	s26 =	simm.s32 $execute0_lowered;
	[smem:$0x3FD2] =	sst s25  }
0xa6: {  	s4 =	sshll.u32 s26, $0x1;
	_ =	strace $0x80000049;
	[dreg:$0x1] =	wrdreg $0xFFFFFFFF  }
0xa7: {  	s28 =	simm.s32 $_size_execute0_lowered;
	s2 =	sadd.s32 s2, s4;
	[dreg:$0x0] =	wrdreg $0x0  }
0xa8: {  	s4 =	sshll.u32 s28, $0x1;
	[dreg:$0x2] =	wrdreg s2  }
0xa9: {  	[dreg:$0x3] =	wrdreg s4  }
0xaa: {  	[dreg:$0x4] =	wrdreg $0xC0  }
0xab: {  	_ =	task [dreg:s6], $0x5FFFF  }
0xac: {  	[dreg:$0x1] =	wrdreg $0xFFFFFFFF  }
0xad: {  	[dreg:$0x0] =	wrdreg $0x60  }
0xae: {  	[dreg:$0x2] =	wrdreg s24  }
0xaf: {  	[dreg:$0x3] =	wrdreg $0xB9800  }
0xb0: {  	[dreg:$0x4] =	wrdreg $0x9  }
0xb1: {  	_ =	task.clear_ibuf [dreg:s6], $0x5FFFF;
	_ =	strace $0x90000049  }
0xb2: {  	s29 =	simm.s32 $0x9;
	_ =	strace $0x8000004B  }
0xb3: {  	_ =	swait.ge [sflag:s29], $0x1  }
0xb4: {  	[sflag:s29] =	ssyncadd.s32 $0xFFFFFFFF  }
0xb5: {  	_ =	strace $0x9000004B  }
0xb6: {  	_ =	sfence  }
0xb7: {  	s30 =	sld [smem:$0x0];
	_ =	sdelay $0x2  }
0xb8: {  	s31 =	sshll.u32 s1, $0xD;
	s1 =	sshrl.u32 s1, $0x2  }
0xb9: {  	s3 =	sand.u32 $0x4000, s31;
	s1 =	sadd.s32 s1, s30  }
0xba: {  	s0 =	sor.u32 s3, s0;
	s1 =	sshll.u32 s1, $0x11  }
0xbb: {  	s0 =	sor.u32 s1, s0  }
0xbc: {  	s0 =	sadd.s32 $0x8F2B, s0  }
0xbd: {  	[sflag:s0] =	ssyncadd.remote.s32 $0x1  }
0xbe: {  	_ =	sfence.sel $0xFFFF  }
0xbf: {  	[dreg:$0x0] =	wrdreg $0xFFFFFFFF;
	(pc) =	sbr.abs _section_cstart, $3  }
0xc0: {  	[dreg:$0x1] =	wrdreg $0xFFFFFFFF  }
0xc1: {  	_ =	task.clear_ibuf [dreg:s6], $0x2FFFF;
	_ =	strace $0x9FFFFFFF  }
0xc2: {  	(tm) =	ssettm $0x7FFFFFFF  }
0xc3: {  	_ =	shalt  }
tec
execute0_lowered:
.L_overlay_start_1:
0x0: {  	(tag) =	ssettag $0x1  }
0x1: {  	s0 =	srdreg.scid  }
0x2: {  	s12 =	stileid.u32;
	s6 =	rddreg [dreg:$0x0]  }
0x3: {  	s2 =	rddreg [dreg:$0x1];
	s3 =	simm.s32 $0x0;
	s28 =	simm.s32 $0x5980  }
0x4: {  	s29 =	simm.s32 $0x2880;
	s31 =	simm.s32 $0x8980;
	s7 =	smul.u32 $0x2800, s12  }
0x5: {  	s30 =	simm.s32 $0x3;
	s0 =	sand.u32 $0x1, s0;
	s9 =	smul.u32 $0x50000, s12  }
0x6: {  	[smem:$0x7FF] =	sst s3;
	s4 =	sadd.s32 $0x75400, s6;
	s20 =	smul.u32 $0x2760, s12  }
0x7: {  	s5 =	sadd.s32 $0x61800, s6;
	s1 =	sshll.u32 s0, $0x4;
	s8 =	smul.u32 $0x28000, s0  }
0x8: {  	_ =	strace $0x8000004A;
	s18 =	ssub.s32 $0x2, s0;
	s0 =	smul.u32 $0x27600, s0  }
0x9: {  	s1 =	sor.u32 s12, s1;
	s9 =	sshrl.u32 s9, $0x2;
	s11 =	sshrl.u32 s18, $0x1  }
0xa: {  	s1 =	smul.u32 $0x2760, s1;
	s7 =	sadd.s32 s7, s8;
	s8 =	ssub.s32 s18, s11  }
0xb: {  	s0 =	sadd.s32 s20, s0;
	s7 =	sadd.s32 s7, s6;
	s23 =	smax.u32 s8, $0x1  }
0xc: {  	s25 =	sadd.s32 $0x180, s0;
	s1 =	sshrl.u32 s1, $0x3;
	s7 =	sadd.s32 $0x9D400, s7  }
0xd: {  	[dreg:$0x8] =	wrdreg s23;
	s26 =	sshrl.u32 s25, $0x3;
	s23 =	simm.s32 $0x4  }
0xe: {  	s25 =	simm.s32 $0x60;
	s10 =	sadd.s32 s1, s6;
	s6 =	sadd.s32 s9, s2  }
0xf: {  	[dreg:$0x7] =	wrdreg s7;
	s20 =	sadd.s32 s26, s5;
	s26 =	simm.s32 $0x2800  }
0x10: {  	s7 =	simm.s32 $0x0;
	s9 =	sadd.s32 $0x12000, s6;
	s19 =	sadd.s32 $0x6B600, s10  }
0x11: {  	s24 =	sadd.s32 $0x3000, s6;
	s15 =	sadd.s32 $0x6000, s6;
	[dreg:$0x3] =	wrdreg s9  }
0x12: {  	s16 =	sadd.s32 $0x9000, s6;
	s17 =	sadd.s32 $0xC000, s6;
	[dreg:$0x4] =	wrdreg s19  }
0x13: {  	s18 =	sadd.s32 $0xF000, s6;
	s9 =	sadd.s32 s5, s1;
	[dreg:$0x9] =	wrdreg s24  }
0x14: {  	s1 =	sadd.s32 $0x1E0, s0;
	s24 =	simm.s32 $0x2780;
	s21 =	sadd.s32 $0xC, s9  }
0x15: {  	s22 =	sadd.s32 $0x18, s9;
	s1 =	sshrl.u32 s1, $0x3;
	[dreg:$0x5] =	wrdreg s21  }
0x16: {  	[dreg:$0x6] =	wrdreg s22;
	s19 =	sadd.s32 s1, s5;
	s21 =	sadd.s32 $0x120, s0  }
0x17: {  	v0 =	vimm.f32 $0.0e+00;
	s22 =	simm.s32 $0x2980;
	s1 =	simm.s32 $0x1;
	s0 =	simm.s32 $0x2  }
.LBB2_1:
0x18: {  	s8 =	sand.u32 $0xFE00, s3  }
0x19: {  	s10 =	sand.u32 $0x70, s3;
	s11 =	sshrl.u32 s8, $0x2  }
0x1a: {  	s8 =	simm.s32 $0x40;
	s11 =	sor.u32 s10, s11;
	s10 =	simm.s32 $0x0  }
.LBB2_2:
0x1b: {  	p0 =	sne.s32 s8, $0xBFC0  }
0x1c: {  	[tilespmem:s11+$0x2980] =	vst v0;
	s10 =	sadd.s32 $0x10, s10;
	s11 =	smov.u32 s8;
	s8 =	sadd.s32 $0x40, s8  }
.Ltmp0:
0x1d: {  	(pc) =	sbr.rel @p0 .LBB2_2-.Ltmp0, $4  }
0x1e: {  	_ = 	snop  }
0x1f: {  	s11 =	sand.u32 $0xFE00, s11  }
0x20: {  	s12 =	sand.u32 $0x70, s10;
	s11 =	sshrl.u32 s11, $0x2  }
0x21: {  	s11 =	sor.u32 s12, s11  }
0x22: {  	[tilespmem:s11+$0x2980] =	vst v0  }
0x23: {  	[spmem:s6] =	stream.linear.scatter [tilespmem:s22], [sflag:$0x4], $0x3000, $0x38;
	[tilespmem:$0x1F980] =	vst v63  }
0x24: {  	_ =	swait.ge [sflag:s23], $0x3000  }
0x25: {  	[sflag:s23] =	ssyncset.done $0x0  }
0x26: {  	s8 =	rddreg [dreg:$0x9];
	[sflag:s23] =	ssyncadd.s32 $0xFFFFD000  }
0x27: {  	[spmem:s8] =	stream.linear.scatter [tilespmem:s22], [sflag:$0x4], $0x3000, $0x38;
	[tilespmem:$0x1F980] =	vst v63  }
0x28: {  	_ =	swait.ge [sflag:s23], $0x3000  }
0x29: {  	[sflag:s23] =	ssyncset.done $0x0  }
0x2a: {  	[sflag:s23] =	ssyncadd.s32 $0xFFFFD000  }
0x2b: {  	[spmem:s15] =	stream.linear.scatter [tilespmem:s22], [sflag:$0x4], $0x3000, $0x38;
	[tilespmem:$0x1F980] =	vst v63  }
0x2c: {  	_ =	swait.ge [sflag:s23], $0x3000  }
0x2d: {  	[sflag:s23] =	ssyncset.done $0x0  }
0x2e: {  	[sflag:s23] =	ssyncadd.s32 $0xFFFFD000  }
0x2f: {  	[spmem:s16] =	stream.linear.scatter [tilespmem:s22], [sflag:$0x4], $0x3000, $0x38;
	[tilespmem:$0x1F980] =	vst v63  }
0x30: {  	_ =	swait.ge [sflag:s23], $0x3000  }
0x31: {  	[sflag:s23] =	ssyncset.done $0x0  }
0x32: {  	[sflag:s23] =	ssyncadd.s32 $0xFFFFD000  }
0x33: {  	[spmem:s17] =	stream.linear.scatter [tilespmem:s22], [sflag:$0x4], $0x3000, $0x38;
	[tilespmem:$0x1F980] =	vst v63  }
0x34: {  	_ =	swait.ge [sflag:s23], $0x3000  }
0x35: {  	[sflag:s23] =	ssyncset.done $0x0  }
0x36: {  	[sflag:s23] =	ssyncadd.s32 $0xFFFFD000  }
0x37: {  	[spmem:s18] =	stream.linear.scatter [tilespmem:s22], [sflag:$0x4], $0x3000, $0x38;
	[tilespmem:$0x1F980] =	vst v63  }
0x38: {  	_ =	swait.ge [sflag:s23], $0x3000  }
0x39: {  	[sflag:s23] =	ssyncset.done $0x0  }
0x3a: {  	s11 =	rddreg [dreg:$0x3];
	[sflag:s23] =	ssyncadd.s32 $0xFFFFD000  }
0x3b: {  	[spmem:s11] =	stream.linear.scatter [tilespmem:s22], [sflag:$0x4], $0x2000, $0x38;
	[tilespmem:$0x1F980] =	vst v63  }
0x3c: {  	_ =	swait.ge [sflag:s23], $0x2000  }
0x3d: {  	[sflag:s23] =	ssyncset.done $0x0  }
0x3e: {  	s12 =	simm.s32 $0x0;
	s10 =	rddreg [dreg:$0x4];
	[sflag:s23] =	ssyncadd.s32 $0xFFFFE000  }
0x3f: {  	[tilespmem:s12], [sflag:$0x4] =	stream.linear.gather [hbm4b:s10+s12], $0x2760, $0x38;
	[tilespmem:$0x1F980] =	vst v63  }
0x40: {  	_ =	swait.ge [sflag:s23], $0x2760  }
0x41: {  	[sflag:s23] =	ssyncset.done $0x0  }
0x42: {  	[sflag:s23] =	ssyncadd.s32 $0xFFFFD8A0  }
0x43: {  	[tilespmem:s24], [sflag:$0x1] =	stream.linear.gather [hbm4b:s9+s12], $0x60, $0x38;
	[tilespmem:$0x1F980] =	vst v63  }
0x44: {  	_ = 	snop  }
0x45: {  	[tilespmem:s22], [sflag:$0x1] =	stream.indirect.gather [hbm4b:s4+s25], $0x80, s12, s25, $0xb8;
	[tilespmem:$0x1F980] =	vst v63  }
0x46: {  	s13 =	rddreg [dreg:$0x5]  }
0x47: {  	[tilespmem:s26], [sflag:$0x2] =	stream.linear.gather [hbm4b:s13+s12], $0x60, $0x38;
	[tilespmem:$0x1F980] =	vst v63  }
0x48: {  	_ = 	snop  }
0x49: {  	[tilespmem:s28], [sflag:$0x2] =	stream.indirect.gather [hbm4b:s4+s25], $0x80, s25, s25, $0xb8;
	[tilespmem:$0x1F980] =	vst v63  }
0x4a: {  	s14 =	rddreg [dreg:$0x6]  }
0x4b: {  	[tilespmem:s29], [sflag:$0x3] =	stream.linear.gather [hbm4b:s14+s12], $0x60, $0x38;
	[tilespmem:$0x1F980] =	vst v63  }
0x4c: {  	s11 =	simm.s32 $0xC0  }
0x4d: {  	[tilespmem:s31], [sflag:$0x3] =	stream.indirect.gather [hbm4b:s4+s25], $0x80, s11, s25, $0xb8;
	[tilespmem:$0x1F980] =	vst v63  }
0x4e: {  	[bflag:$0x0] =	sbarrier.arrive $0xFFFF  }
0x4f: {  	_ =	swait.ge [sflag:s1], $0x60  }
0x50: {  	[sflag:s1] =	ssyncset.done $0x0  }
0x51: {  	[sflag:s1] =	ssyncadd.s32 $0xFFFFFFA0  }
0x52: {  	_ =	swait.ge [sflag:s1], $0x3000  }
0x53: {  	[sflag:s1] =	ssyncset.done $0x0  }
0x54: {  	[sflag:s1] =	ssyncadd.s32 $0xFFFFD000  }
0x55: {  	[spmem:s2] =	stream.indirect.scatter.add.f32 [tilespmem:s22], [sflag:$0x4], $0x80, s24, s25, $0xb8;
	[tilespmem:$0x1F980] =	vst v63  }
0x56: {  	_ =	swait.ge [sflag:s23], $0x3000  }
0x57: {  	s12 =	sshrl.u32 s21, $0x3;
	[sflag:s23] =	ssyncset.done $0x0  }
0x58: {  	s8 =	sadd.s32 s5, s12;
	[sflag:s23] =	ssyncadd.s32 $0xFFFFD000  }
0x59: {  	[tilespmem:s24], [sflag:$0x1] =	stream.linear.gather [hbm4b:s8+s3], $0x60, $0x38;
	[tilespmem:$0x1F980] =	vst v63  }
0x5a: {  	s13 =	simm.s32 $0x120  }
0x5b: {  	[tilespmem:s22], [sflag:$0x1] =	stream.indirect.gather [hbm4b:s4+s25], $0x80, s13, s25, $0xb8;
	[tilespmem:$0x1F980] =	vst v63  }
0x5c: {  	_ =	swait.ge [sflag:s0], $0x60  }
0x5d: {  	[sflag:s0] =	ssyncset.done $0x0  }
0x5e: {  	[sflag:s0] =	ssyncadd.s32 $0xFFFFFFA0  }
0x5f: {  	_ =	swait.ge [sflag:s0], $0x3000  }
0x60: {  	[sflag:s0] =	ssyncset.done $0x0  }
0x61: {  	[sflag:s0] =	ssyncadd.s32 $0xFFFFD000  }
0x62: {  	[spmem:s2] =	stream.indirect.scatter.add.f32 [tilespmem:s28], [sflag:$0x4], $0x80, s26, s25, $0xb8;
	[tilespmem:$0x1F980] =	vst v63  }
0x63: {  	_ =	swait.ge [sflag:s23], $0x3000  }
0x64: {  	[sflag:s23] =	ssyncset.done $0x0  }
0x65: {  	[sflag:s23] =	ssyncadd.s32 $0xFFFFD000  }
0x66: {  	[tilespmem:s26], [sflag:$0x2] =	stream.linear.gather [hbm4b:s20+s3], $0x60, $0x38;
	[tilespmem:$0x1F980] =	vst v63  }
0x67: {  	s14 =	simm.s32 $0x180  }
0x68: {  	[tilespmem:s28], [sflag:$0x2] =	stream.indirect.gather [hbm4b:s4+s25], $0x80, s14, s25, $0xb8;
	[tilespmem:$0x1F980] =	vst v63  }
0x69: {  	_ =	swait.ge [sflag:s30], $0x60  }
0x6a: {  	[sflag:s30] =	ssyncset.done $0x0  }
0x6b: {  	[sflag:s30] =	ssyncadd.s32 $0xFFFFFFA0  }
0x6c: {  	_ =	swait.ge [sflag:s30], $0x3000  }
0x6d: {  	[sflag:s30] =	ssyncset.done $0x0  }
0x6e: {  	[sflag:s30] =	ssyncadd.s32 $0xFFFFD000  }
0x6f: {  	[spmem:s2] =	stream.indirect.scatter.add.f32 [tilespmem:s31], [sflag:$0x4], $0x80, s29, s25, $0xb8;
	[tilespmem:$0x1F980] =	vst v63  }
0x70: {  	s10 =	sadd.s32 $0x120, s21;
	_ =	swait.ge [sflag:s23], $0x3000  }
0x71: {  	s12 =	sadd.s32 $0x24, s20;
	s11 =	sadd.s32 $0x24, s19;
	[sflag:s23] =	ssyncset.done $0x0  }
0x72: {  	s8 =	simm.s32 $0x480;
	s13 =	simm.s32 $0x1E0;
	[sflag:s23] =	ssyncadd.s32 $0xFFFFD000  }
0x73: {  	[tilespmem:s29], [sflag:$0x3] =	stream.linear.gather [hbm4b:s19+s3], $0x60, $0x38;
	[tilespmem:$0x1F980] =	vst v63  }
.LBB2_4:
0x74: {  	[tilespmem:s31], [sflag:$0x3] =	stream.indirect.gather [hbm4b:s4+s25], $0x80, s13, s25, $0xb8;
	[tilespmem:$0x1F980] =	vst v63  }
0x75: {  	s13 =	smov.u32 s8  }
0x76: {  	p0 =	sne.s32 s8, $0x9480;
	s8 =	sadd.s32 $0x480, s8;
	_ =	swait.ge [sflag:s1], $0x60  }
0x77: {  	[sflag:s1] =	ssyncset.done $0x0  }
0x78: {  	[sflag:s1] =	ssyncadd.s32 $0xFFFFFFA0  }
0x79: {  	_ =	swait.ge [sflag:s1], $0x3000  }
0x7a: {  	[sflag:s1] =	ssyncset.done $0x0  }
0x7b: {  	[sflag:s1] =	ssyncadd.s32 $0xFFFFD000  }
0x7c: {  	[spmem:s2] =	stream.indirect.scatter.add.f32 [tilespmem:s22], [sflag:$0x4], $0x80, s24, s25, $0xb8;
	[tilespmem:$0x1F980] =	vst v63  }
0x7d: {  	_ =	swait.ge [sflag:s23], $0x3000  }
0x7e: {  	s14 =	sshrl.u32 s10, $0x3;
	[sflag:s23] =	ssyncset.done $0x0  }
0x7f: {  	s14 =	sadd.s32 s5, s14;
	s13 =	sshra.s32 s13, $0x2;
	[sflag:s23] =	ssyncadd.s32 $0xFFFFD000  }
0x80: {  	[tilespmem:s24], [sflag:$0x1] =	stream.linear.gather [hbm4b:s14+s3], $0x60, $0x38;
	[tilespmem:$0x1F980] =	vst v63  }
0x81: {  	s14 =	sadd.s32 $0x120, s13  }
0x82: {  	[tilespmem:s22], [sflag:$0x1] =	stream.indirect.gather [hbm4b:s4+s25], $0x80, s14, s25, $0xb8;
	[tilespmem:$0x1F980] =	vst v63  }
0x83: {  	_ =	swait.ge [sflag:s0], $0x60  }
0x84: {  	[sflag:s0] =	ssyncset.done $0x0  }
0x85: {  	[sflag:s0] =	ssyncadd.s32 $0xFFFFFFA0  }
0x86: {  	_ =	swait.ge [sflag:s0], $0x3000  }
0x87: {  	[sflag:s0] =	ssyncset.done $0x0  }
0x88: {  	[sflag:s0] =	ssyncadd.s32 $0xFFFFD000  }
0x89: {  	[spmem:s2] =	stream.indirect.scatter.add.f32 [tilespmem:s28], [sflag:$0x4], $0x80, s26, s25, $0xb8;
	[tilespmem:$0x1F980] =	vst v63  }
0x8a: {  	_ =	swait.ge [sflag:s23], $0x3000  }
0x8b: {  	[sflag:s23] =	ssyncset.done $0x0  }
0x8c: {  	[sflag:s23] =	ssyncadd.s32 $0xFFFFD000  }
0x8d: {  	[tilespmem:s26], [sflag:$0x2] =	stream.linear.gather [hbm4b:s12+s3], $0x60, $0x38;
	[tilespmem:$0x1F980] =	vst v63  }
0x8e: {  	s14 =	sadd.s32 $0x180, s13  }
0x8f: {  	[tilespmem:s28], [sflag:$0x2] =	stream.indirect.gather [hbm4b:s4+s25], $0x80, s14, s25, $0xb8;
	[tilespmem:$0x1F980] =	vst v63  }
0x90: {  	_ =	swait.ge [sflag:s30], $0x60  }
0x91: {  	[sflag:s30] =	ssyncset.done $0x0  }
0x92: {  	[sflag:s30] =	ssyncadd.s32 $0xFFFFFFA0  }
0x93: {  	_ =	swait.ge [sflag:s30], $0x3000  }
0x94: {  	[sflag:s30] =	ssyncset.done $0x0  }
0x95: {  	[sflag:s30] =	ssyncadd.s32 $0xFFFFD000  }
0x96: {  	[spmem:s2] =	stream.indirect.scatter.add.f32 [tilespmem:s31], [sflag:$0x4], $0x80, s29, s25, $0xb8;
	[tilespmem:$0x1F980] =	vst v63  }
.Ltmp1:
0x97: {  	_ =	swait.ge [sflag:s23], $0x3000;
	(pc) =	sbr.rel @p0 .LBB2_4-.Ltmp1, $4  }
0x98: {  	[sflag:s23] =	ssyncset.done $0x0  }
0x99: {  	s10 =	sadd.s32 $0x120, s10;
	[sflag:s23] =	ssyncadd.s32 $0xFFFFD000  }
0x9a: {  	[tilespmem:s29], [sflag:$0x3] =	stream.linear.gather [hbm4b:s11+s3], $0x60, $0x38;
	[tilespmem:$0x1F980] =	vst v63  }
0x9b: {  	s13 =	sadd.s32 $0x1E0, s13;
	s12 =	sadd.s32 $0x24, s12;
	s11 =	sadd.s32 $0x24, s11  }
0x9c: {  	[tilespmem:s31], [sflag:$0x3] =	stream.indirect.gather [hbm4b:s4+s25], $0x80, s13, s25, $0xb8;
	[tilespmem:$0x1F980] =	vst v63  }
0x9d: {  	_ =	swait.ge [sflag:s1], $0x60  }
0x9e: {  	[sflag:s1] =	ssyncset.done $0x0  }
0x9f: {  	[sflag:s1] =	ssyncadd.s32 $0xFFFFFFA0  }
0xa0: {  	_ =	swait.ge [sflag:s1], $0x3000  }
0xa1: {  	[sflag:s1] =	ssyncset.done $0x0  }
0xa2: {  	[sflag:s1] =	ssyncadd.s32 $0xFFFFD000  }
0xa3: {  	[spmem:s2] =	stream.indirect.scatter.add.f32 [tilespmem:s22], [sflag:$0x4], $0x80, s24, s25, $0xb8;
	[tilespmem:$0x1F980] =	vst v63  }
0xa4: {  	_ =	swait.ge [sflag:s23], $0x3000  }
0xa5: {  	[sflag:s23] =	ssyncset.done $0x0  }
0xa6: {  	[sflag:s23] =	ssyncadd.s32 $0xFFFFD000  }
0xa7: {  	_ =	swait.ge [sflag:s0], $0x60  }
0xa8: {  	[sflag:s0] =	ssyncset.done $0x0  }
0xa9: {  	[sflag:s0] =	ssyncadd.s32 $0xFFFFFFA0  }
0xaa: {  	_ =	swait.ge [sflag:s0], $0x3000  }
0xab: {  	[sflag:s0] =	ssyncset.done $0x0  }
0xac: {  	[sflag:s0] =	ssyncadd.s32 $0xFFFFD000  }
0xad: {  	[spmem:s2] =	stream.indirect.scatter.add.f32 [tilespmem:s28], [sflag:$0x4], $0x80, s26, s25, $0xb8;
	[tilespmem:$0x1F980] =	vst v63  }
0xae: {  	_ =	swait.ge [sflag:s23], $0x3000  }
0xaf: {  	[sflag:s23] =	ssyncset.done $0x0  }
0xb0: {  	[sflag:s23] =	ssyncadd.s32 $0xFFFFD000  }
0xb1: {  	_ =	swait.ge [sflag:s30], $0x60  }
0xb2: {  	[sflag:s30] =	ssyncset.done $0x0  }
0xb3: {  	[sflag:s30] =	ssyncadd.s32 $0xFFFFFFA0  }
0xb4: {  	_ =	swait.ge [sflag:s30], $0x3000  }
0xb5: {  	[sflag:s30] =	ssyncset.done $0x0  }
0xb6: {  	[sflag:s30] =	ssyncadd.s32 $0xFFFFD000  }
0xb7: {  	[spmem:s2] =	stream.indirect.scatter.add.f32 [tilespmem:s31], [sflag:$0x4], $0x80, s29, s25, $0xb8;
	[tilespmem:$0x1F980] =	vst v63  }
0xb8: {  	_ =	swait.ge [sflag:s23], $0x3000  }
0xb9: {  	[sflag:s23] =	ssyncset.done $0x0  }
0xba: {  	s8 =	stileid.u32;
	[sflag:s23] =	ssyncadd.s32 $0xFFFFD000  }
0xbb: {  	s8 =	sshll.u32 s8, $0x6;
	[bflag:$0x0] =	sbarrier.arrive $0xFFFF  }
0xbc: {  	s10 =	sshrl.u32 s6, $0x3;
	s8 =	sor.u32 $0x1C04, s8;
	s11 =	rddreg [dreg:$0x7]  }
0xbd: {  	[hbm:s11], [sflag:s8] =	dma.local [spmem:s10], $0x2800  }
0xbe: {  	_ =	swait.ge [sflag:s23], $0x2800  }
0xbf: {  	s7 =	sadd.s32 $0x1, s7;
	s14 =	rddreg [dreg:$0x8]  }
0xc0: {  	p0 =	sne.s32 s7, s14  }
.Ltmp2:
0xc1: {  	_ = 	snop;
	(pc) =	sbr.rel @p0 .LBB2_1-.Ltmp2, $3  }
0xc2: {  	_ =	sdelay $0x1  }
0xc3: {  	[sflag:s23] =	ssyncset.done $0x0  }
0xc4: {  	[sflag:s23] =	ssyncadd.s32 $0xFFFFD800  }
0xc5: {  	_ =	sfence.sel $0x180000  }
0xc6: {  	[bflag:$0x0] =	sbarrier.arrive $0xFFFF  }
0xc7: {  	_ =	strace $0x9000004A  }
0xc8: {  	s0 =	stileid.u32;
	[bflag:$0x2] =	sbarrier.arrive $0xFFFF  }
0xc9: {  	p0 =	sne.s32 s0, $0x0;
	s0 =	rddreg [dreg:$0x2]  }
0xca: {  	s0 =	sadd.s32 @!p0 $0x100000, s0  }
0xcb: {  	[sflag:s0] =	ssyncadd.tile.s32 @!p0 $0x1;
	_ =	shalt  }
.Lfunc_end2:
_tile_overlayer_lowered:
.L_overlay_start_2:
0xcc: {  	(tag) =	ssettag $0x2  }
0xcd: {  	s0 =	rddreg [dreg:$0x0];
	s2 =	stileid.u32  }
0xce: {  	s1 =	rddreg [dreg:$0x1];
	p0 =	sne.s32 s2, $0x0  }
0xcf: {  	s3 =	rddreg [dreg:$0x2];
	[bflag:$0x3] =	sbarrier.arrive $0xFFFF;
	s2 =	simm.s32 @!p0 $0x1C04  }
0xd0: {  	[timem:s3], [sflag:s2] =	dma.local @!p0 [hbm:s0], s1  }
0xd1: {  	s0 =	simm.s32 @!p0 $0x4  }
0xd2: {  	_ =	swait.ge @!p0 [sflag:s0], s1  }
0xd3: {  	s1 =	ssub.s32 @!p0 $0x0, s1;
	[sflag:s0] =	ssyncset.done @!p0 $0x0  }
0xd4: {  	[sflag:s0] =	ssyncadd.s32 @!p0 s1  }
0xd5: {  	[bflag:$0x3] =	sbarrier.arrive $0xFFFF  }
0xd6: {  	_ =	shalt  }

// kernel: kernel.17.cloned.1.call-start
scs
__scs_entry_jumppad:
0x0: {  	(pc) =	sbr.rel $0x88, $3  }
0x1: {  	(tag) =	ssettag $0x0;
	lr =	simm.s32 $0x1  }
0x2: {  	[smem:$0x3F96] =	sst lr;
	_ =	strace $0xD0000000  }
0x3: {  	_ = 	snop  }
0x4: {  	_ = 	snop  }
0x5: {  	_ = 	snop  }
0x6: {  	_ = 	snop  }
0x7: {  	_ = 	snop  }
__scs_overlays_trampoline_lowered:
0x8: {  	[smem:$0x3FA5] =	sst s0  }
0x9: {  	[smem:$0x3FA6] =	sst s1  }
0xa: {  	[smem:$0x3FA7] =	sst s2  }
0xb: {  	[smem:$0x3FA8] =	sst s3  }
0xc: {  	[smem:$0x3FA9] =	sst s4  }
0xd: {  	[smem:$0x3FAA] =	sst s5  }
0xe: {  	[smem:$0x3FAB] =	sst s6  }
0xf: {  	[smem:$0x3FAC] =	sst s7  }
0x10: {  	[smem:$0x3FAD] =	sst s8  }
0x11: {  	[smem:$0x3FAE] =	sst s9;
	s0 =	simm.s32 @!p0 $0x0  }
0x12: {  	s1 =	sld [smem:$0x3F94];
	s0 =	simm.s32 @p0 $0x1  }
0x13: {  	[smem:$0x3FAF] =	sst s0;
	s0 =	simm.s32 @!p1 $0x0  }
0x14: {  	s2 =	sld [smem:$0x3F93];
	s0 =	simm.s32 @p1 $0x1  }
0x15: {  	[smem:$0x3FB0] =	sst s0;
	s0 =	simm.s32 @!p2 $0x0  }
0x16: {  	s3 =	sld [smem:$0x3FDB];
	s0 =	simm.s32 @p2 $0x1  }
0x17: {  	s4 =	simm.s32 $0x1BF5;
	[smem:$0x3FB2] =	sst s0  }
0x18: {  	s0 =	sld [smem:$0x3F95];
	_ =	swait.ge [sflag:s4], $0x0  }
0x19: {  	s7 =	sld [smem:$0x3F96]  }
0x1a: {  	s8 =	sadd.s32 $0xFFFFE003, lr  }
0x1b: {  	s9 =	sadd.s32 $0xFFFFFEF7, lr;
	s5 =	simm.s32 $0xFFFFFFFF;
	p2 =	slt.u32 s8, $0xFFFFF086  }
0x1c: {  	p1 =	slt.u32 s9, $0xF7A;
	s5 =	simm.s32 @!p2 $0x0  }
0x1d: {  	s5 =	simm.s32 @p1 $0x1;
	p0 =	seq.s32 s7, s2  }
0x1e: {  	s7 =	smul.u32 @!p0 $0xF7A, s2;
	p2 =	seq.s32 @!p0 s5, $0x0  }
0x1f: {  	s9 =	smul.u32 $0xF7A, s1;
	s8 =	simm.s32 @!p0 $0x1BF5;
	p2 =	por !p2, p0  }
0x20: {  	[sflag:s8] =	ssyncset.s32 @!p0 $0xFFFFF086;
	s6 =	sadd.s32 @!p0 s3, s7;
	s7 =	simm.s32 @!p0 $0x108  }
0x21: {  	s3 =	sadd.s32 s3, s9;
	s6 =	sadd.s32 @!p0 $0x88, s6;
	s7 =	simm.s32 @p2 $0x1082  }
0x22: {  	[simem:s7], [sflag:s8] =	dma.local @!p0 [hbm:s6], $0xF7A  }
0x23: {  	s9 =	sor.u32 $0xD0000000, s2;
	s6 =	simm.s32 $0x108;
	_ =	swait.ge @!p0 [sflag:s8], $0x0  }
0x24: {  	s3 =	sadd.s32 $0x88, s3;
	s6 =	simm.s32 @!p1 $0x1082;
	[sflag:s4] =	ssyncset.s32 $0xFFFFF086  }
0x25: {  	[simem:s6], [sflag:s4] =	dma.local [hbm:s3], $0xF7A  }
0x26: {  	[smem:$0x3F96] =	sst s1;
	(tag) =	ssettag s2;
	_ =	strace s9  }
0x27: {  	s1 =	sld [smem:$0x3FA6]  }
0x28: {  	s2 =	sld [smem:$0x3FA7]  }
0x29: {  	s4 =	sld [smem:$0x3FA9]  }
0x2a: {  	p0 =	seq.s32 s5, $0x0;
	s5 =	sld [smem:$0x3FAA]  }
0x2b: {  	s6 =	sld [smem:$0x3FAB]  }
0x2c: {  	s7 =	sld [smem:$0x3FAC]  }
0x2d: {  	s3 =	simm.s32 $0x108;
	s8 =	sld [smem:$0x3FAD]  }
0x2e: {  	s3 =	simm.s32 @!p0 $0x1082;
	s9 =	sld [smem:$0x3FAE]  }
0x2f: {  	lr =	sadd.s32 s0, s3;
	s0 =	sld [smem:$0x3FA5]  }
0x30: {  	s3 =	sld [smem:$0x3FA8]  }
0x31: {  	[smem:$0x3FB1] =	sst s10  }
0x32: {  	s10 =	sld [smem:$0x3FAF];
	_ =	sdelay $0x3  }
0x33: {  	p0 =	seq.s32 s10, $0x1;
	s10 =	sld [smem:$0x3FB1];
	_ =	sdelay $0x3  }
0x34: {  	[smem:$0x3FB1] =	sst s10  }
0x35: {  	s10 =	sld [smem:$0x3FB0];
	_ =	sdelay $0x3  }
0x36: {  	p1 =	seq.s32 s10, $0x1;
	s10 =	sld [smem:$0x3FB1];
	_ =	sdelay $0x3  }
0x37: {  	[smem:$0x3FB1] =	sst s10  }
0x38: {  	s10 =	sld [smem:$0x3FB2]  }
0x39: {  	_ = 	snop;
	(pc) =	sbr.ind lr, $3  }
0x3a: {  	_ = 	snop  }
0x3b: {  	_ = 	snop  }
0x3c: {  	p2 =	seq.s32 s10, $0x1;
	s10 =	sld [smem:$0x3FB1]  }
0x3d: {  	_ =	shalt  }
0x3e: {  	_ =	shalt  }
0x3f: {  	_ =	shalt  }
0x40: {  	_ =	shalt  }
0x41: {  	_ =	shalt  }
0x42: {  	_ =	shalt  }
0x43: {  	_ =	shalt  }
0x44: {  	_ =	shalt  }
0x45: {  	_ =	shalt  }
0x46: {  	_ =	shalt  }
0x47: {  	_ =	shalt  }
0x48: {  	_ =	shalt  }
0x49: {  	_ =	shalt  }
0x4a: {  	_ =	shalt  }
0x4b: {  	_ =	shalt  }
0x4c: {  	_ =	shalt  }
0x4d: {  	_ =	shalt  }
0x4e: {  	_ =	shalt  }
0x4f: {  	_ =	shalt  }
0x50: {  	_ =	shalt  }
0x51: {  	_ =	shalt  }
0x52: {  	_ =	shalt  }
0x53: {  	_ =	shalt  }
0x54: {  	_ =	shalt  }
0x55: {  	_ =	shalt  }
0x56: {  	_ =	shalt  }
0x57: {  	_ =	shalt  }
0x58: {  	_ =	shalt  }
0x59: {  	_ =	shalt  }
0x5a: {  	_ =	shalt  }
0x5b: {  	_ =	shalt  }
0x5c: {  	_ =	shalt  }
0x5d: {  	_ =	shalt  }
0x5e: {  	_ =	shalt  }
0x5f: {  	_ =	shalt  }
0x60: {  	_ =	shalt  }
0x61: {  	_ =	shalt  }
0x62: {  	_ =	shalt  }
0x63: {  	_ =	shalt  }
0x64: {  	_ =	shalt  }
0x65: {  	_ =	shalt  }
0x66: {  	_ =	shalt  }
0x67: {  	_ =	shalt  }
0x68: {  	_ =	shalt  }
0x69: {  	_ =	shalt  }
0x6a: {  	_ =	shalt  }
0x6b: {  	_ =	shalt  }
0x6c: {  	_ =	shalt  }
0x6d: {  	_ =	shalt  }
0x6e: {  	_ =	shalt  }
0x6f: {  	_ =	shalt  }
0x70: {  	_ =	shalt  }
0x71: {  	_ =	shalt  }
0x72: {  	_ =	shalt  }
0x73: {  	_ =	shalt  }
0x74: {  	_ =	shalt  }
0x75: {  	_ =	shalt  }
0x76: {  	_ =	shalt  }
0x77: {  	_ =	shalt  }
0x78: {  	_ =	shalt  }
0x79: {  	_ =	shalt  }
0x7a: {  	_ =	shalt  }
0x7b: {  	_ =	shalt  }
0x7c: {  	_ =	shalt  }
0x7d: {  	_ =	shalt  }
0x7e: {  	_ =	shalt  }
0x7f: {  	_ =	shalt  }
0x80: {  	_ =	shalt  }
0x81: {  	_ =	shalt  }
0x82: {  	_ =	shalt  }
0x83: {  	_ =	shalt  }
0x84: {  	_ =	shalt  }
0x85: {  	_ =	shalt  }
0x86: {  	_ =	shalt  }
0x87: {  	_ =	shalt  }
.Lfunc_end0:
.L_simem_size_0:
called_computation.2_lowered:
.L_overlay_start_0:
0x88: {  	s2 =	sld [smem:$0x3FD9]  }
0x89: {  	s3 =	sld [smem:$0x3FFE];
	_ =	sdelay $0x1  }
0x8a: {  	s1 =	srdreg.scid  }
0x8b: {  	s0 =	sand.u32 $0x1, s1  }
0x8c: {  	s16 =	sshll.u32 s0, $0xA;
	s2 =	sadd.s32 s3, s2  }
0x8d: {  	s2 =	sadd.s32 s2, s16  }
0x8e: {  	[smem:$0x3FBD] =	sst s2  }
0x8f: {  	_ = 	snop  }
0x90: {  	(tm) =	ssettm $0x1  }
0x91: {  	s17 =	sld [smem:$0x3FFB];
	_ =	sdelay $0x3  }
0x92: {  	_ =	strace s17  }
0x93: {  	s2 =	sld [smem:$0x3FFC];
	_ =	sdelay $0x3  }
0x94: {  	_ =	strace s2  }
0x95: {  	s2 =	sld [smem:$0x3FFD];
	_ =	sdelay $0x3  }
0x96: {  	_ =	strace s2  }
0x97: {  	_ =	strace $0x8FFFFFFF  }
0x98: {  	s18 =	sld [smem:$0x3FDB];
	_ =	sdelay $0x1  }
0x99: {  	s19 =	simm.s32 $_scs_section_size  }
0x9a: {  	s4 =	simm.s32 $_size__tile_overlayer_lowered;
	s5 =	simm.s32 $_tile_overlayer_lowered  }
0x9b: {  	s22 =	simm.s32 $0x1BFF;
	s21 =	sshll.u32 s5, $0x1;
	s2 =	sadd.s32 s19, s18  }
0x9c: {  	s6 =	simm.s32 $0x0;
	s20 =	sshll.u32 s4, $0x1;
	s4 =	sadd.s32 s21, s2  }
0x9d: {  	[timem:s6], [sflag:s22] =	dma.local [hbm:s4], s20  }
0x9e: {  	_ =	swait.ge [sflag:s22], s20  }
0x9f: {  	s3 =	ssub.s32 $0x0, s20;
	[sflag:s22] =	ssyncset.done $0x0  }
0xa0: {  	[sflag:s22] =	ssyncadd.s32 s3;
	_ =	sdelay $0x1  }
0xa1: {  	s23 =	simm.s32 $0x1B8B  }
0xa2: {  	_ =	swait.ge [sflag:s23], $0x1  }
0xa3: {  	[sflag:s23] =	ssyncset.done $0x0  }
0xa4: {  	s25 =	simm.s32 $0x1B8E;
	s24 =	sld [smem:$0x3FFE];
	[sflag:s23] =	ssyncadd.s32 $0xFFFFFFFF  }
0xa5: {  	s26 =	simm.s32 $execute0_lowered;
	[smem:$0x3FD2] =	sst s25  }
0xa6: {  	s4 =	sshll.u32 s26, $0x1;
	_ =	strace $0x8000004C;
	[dreg:$0x1] =	wrdreg $0xFFFFFFFF  }
0xa7: {  	s28 =	simm.s32 $_size_execute0_lowered;
	s2 =	sadd.s32 s2, s4;
	[dreg:$0x0] =	wrdreg $0x0  }
0xa8: {  	s4 =	sshll.u32 s28, $0x1;
	[dreg:$0x2] =	wrdreg s2  }
0xa9: {  	[dreg:$0x3] =	wrdreg s4  }
0xaa: {  	[dreg:$0x4] =	wrdreg $0xC0  }
0xab: {  	_ =	task [dreg:s6], $0x5FFFF  }
0xac: {  	[dreg:$0x1] =	wrdreg $0xFFFFFFFF  }
0xad: {  	[dreg:$0x0] =	wrdreg $0x60  }
0xae: {  	[dreg:$0x2] =	wrdreg s24  }
0xaf: {  	[dreg:$0x3] =	wrdreg $0xB9800  }
0xb0: {  	[dreg:$0x4] =	wrdreg $0x9  }
0xb1: {  	_ =	task.clear_ibuf [dreg:s6], $0x5FFFF;
	_ =	strace $0x9000004C  }
0xb2: {  	s29 =	simm.s32 $0x9;
	_ =	strace $0x8000004E  }
0xb3: {  	_ =	swait.ge [sflag:s29], $0x1  }
0xb4: {  	[sflag:s29] =	ssyncadd.s32 $0xFFFFFFFF  }
0xb5: {  	_ =	strace $0x9000004E  }
0xb6: {  	_ =	sfence  }
0xb7: {  	s30 =	sld [smem:$0x0];
	_ =	sdelay $0x2  }
0xb8: {  	s31 =	sshll.u32 s1, $0xD;
	s1 =	sshrl.u32 s1, $0x2  }
0xb9: {  	s3 =	sand.u32 $0x4000, s31;
	s1 =	sadd.s32 s1, s30  }
0xba: {  	s0 =	sor.u32 s3, s0;
	s1 =	sshll.u32 s1, $0x11  }
0xbb: {  	s0 =	sor.u32 s1, s0  }
0xbc: {  	s0 =	sadd.s32 $0x8F2B, s0  }
0xbd: {  	[sflag:s0] =	ssyncadd.remote.s32 $0x1  }
0xbe: {  	_ =	sfence.sel $0xFFFF  }
0xbf: {  	[dreg:$0x0] =	wrdreg $0xFFFFFFFF;
	(pc) =	sbr.abs _section_cstart, $3  }
0xc0: {  	[dreg:$0x1] =	wrdreg $0xFFFFFFFF  }
0xc1: {  	_ =	task.clear_ibuf [dreg:s6], $0x2FFFF;
	_ =	strace $0x9FFFFFFF  }
0xc2: {  	(tm) =	ssettm $0x7FFFFFFF  }
0xc3: {  	_ =	shalt  }
tec
execute0_lowered:
.L_overlay_start_1:
0x0: {  	(tag) =	ssettag $0x1  }
0x1: {  	s0 =	srdreg.scid  }
0x2: {  	s12 =	stileid.u32;
	s6 =	rddreg [dreg:$0x0]  }
0x3: {  	s2 =	rddreg [dreg:$0x1];
	s3 =	simm.s32 $0x0;
	s28 =	simm.s32 $0x5980  }
0x4: {  	s29 =	simm.s32 $0x2880;
	s31 =	simm.s32 $0x8980;
	s7 =	smul.u32 $0x2800, s12  }
0x5: {  	s30 =	simm.s32 $0x3;
	s0 =	sand.u32 $0x1, s0;
	s9 =	smul.u32 $0x50000, s12  }
0x6: {  	[smem:$0x7FF] =	sst s3;
	s4 =	sadd.s32 $0x75400, s6;
	s20 =	smul.u32 $0x2760, s12  }
0x7: {  	s5 =	sadd.s32 $0x61800, s6;
	s1 =	sshll.u32 s0, $0x4;
	s8 =	smul.u32 $0x28000, s0  }
0x8: {  	_ =	strace $0x8000004D;
	s18 =	ssub.s32 $0x2, s0;
	s0 =	smul.u32 $0x27600, s0  }
0x9: {  	s1 =	sor.u32 s12, s1;
	s9 =	sshrl.u32 s9, $0x2;
	s11 =	sshrl.u32 s18, $0x1  }
0xa: {  	s1 =	smul.u32 $0x2760, s1;
	s7 =	sadd.s32 s7, s8;
	s8 =	ssub.s32 s18, s11  }
0xb: {  	s0 =	sadd.s32 s20, s0;
	s7 =	sadd.s32 s7, s6;
	s23 =	smax.u32 s8, $0x1  }
0xc: {  	s25 =	sadd.s32 $0x180, s0;
	s1 =	sshrl.u32 s1, $0x3;
	s7 =	sadd.s32 $0x9D400, s7  }
0xd: {  	[dreg:$0x8] =	wrdreg s23;
	s26 =	sshrl.u32 s25, $0x3;
	s23 =	simm.s32 $0x4  }
0xe: {  	s25 =	simm.s32 $0x60;
	s10 =	sadd.s32 s1, s6;
	s6 =	sadd.s32 s9, s2  }
0xf: {  	[dreg:$0x7] =	wrdreg s7;
	s20 =	sadd.s32 s26, s5;
	s26 =	simm.s32 $0x2800  }
0x10: {  	s7 =	simm.s32 $0x0;
	s9 =	sadd.s32 $0x12000, s6;
	s19 =	sadd.s32 $0x6B600, s10  }
0x11: {  	s24 =	sadd.s32 $0x3000, s6;
	s15 =	sadd.s32 $0x6000, s6;
	[dreg:$0x3] =	wrdreg s9  }
0x12: {  	s16 =	sadd.s32 $0x9000, s6;
	s17 =	sadd.s32 $0xC000, s6;
	[dreg:$0x4] =	wrdreg s19  }
0x13: {  	s18 =	sadd.s32 $0xF000, s6;
	s9 =	sadd.s32 s5, s1;
	[dreg:$0x9] =	wrdreg s24  }
0x14: {  	s1 =	sadd.s32 $0x1E0, s0;
	s24 =	simm.s32 $0x2780;
	s21 =	sadd.s32 $0xC, s9  }
0x15: {  	s22 =	sadd.s32 $0x18, s9;
	s1 =	sshrl.u32 s1, $0x3;
	[dreg:$0x5] =	wrdreg s21  }
0x16: {  	[dreg:$0x6] =	wrdreg s22;
	s19 =	sadd.s32 s1, s5;
	s21 =	sadd.s32 $0x120, s0  }
0x17: {  	v0 =	vimm.f32 $0.0e+00;
	s22 =	simm.s32 $0x2980;
	s1 =	simm.s32 $0x1;
	s0 =	simm.s32 $0x2  }
.LBB2_1:
0x18: {  	s8 =	sand.u32 $0xFE00, s3  }
0x19: {  	s10 =	sand.u32 $0x70, s3;
	s11 =	sshrl.u32 s8, $0x2  }
0x1a: {  	s8 =	simm.s32 $0x40;
	s11 =	sor.u32 s10, s11;
	s10 =	simm.s32 $0x0  }
.LBB2_2:
0x1b: {  	p0 =	sne.s32 s8, $0xBFC0  }
0x1c: {  	[tilespmem:s11+$0x2980] =	vst v0;
	s10 =	sadd.s32 $0x10, s10;
	s11 =	smov.u32 s8;
	s8 =	sadd.s32 $0x40, s8  }
.Ltmp0:
0x1d: {  	(pc) =	sbr.rel @p0 .LBB2_2-.Ltmp0, $4  }
0x1e: {  	_ = 	snop  }
0x1f: {  	s11 =	sand.u32 $0xFE00, s11  }
0x20: {  	s12 =	sand.u32 $0x70, s10;
	s11 =	sshrl.u32 s11, $0x2  }
0x21: {  	s11 =	sor.u32 s12, s11  }
0x22: {  	[tilespmem:s11+$0x2980] =	vst v0  }
0x23: {  	[spmem:s6] =	stream.linear.scatter [tilespmem:s22], [sflag:$0x4], $0x3000, $0x38;
	[tilespmem:$0x1F980] =	vst v63  }
0x24: {  	_ =	swait.ge [sflag:s23], $0x3000  }
0x25: {  	[sflag:s23] =	ssyncset.done $0x0  }
0x26: {  	s8 =	rddreg [dreg:$0x9];
	[sflag:s23] =	ssyncadd.s32 $0xFFFFD000  }
0x27: {  	[spmem:s8] =	stream.linear.scatter [tilespmem:s22], [sflag:$0x4], $0x3000, $0x38;
	[tilespmem:$0x1F980] =	vst v63  }
0x28: {  	_ =	swait.ge [sflag:s23], $0x3000  }
0x29: {  	[sflag:s23] =	ssyncset.done $0x0  }
0x2a: {  	[sflag:s23] =	ssyncadd.s32 $0xFFFFD000  }
0x2b: {  	[spmem:s15] =	stream.linear.scatter [tilespmem:s22], [sflag:$0x4], $0x3000, $0x38;
	[tilespmem:$0x1F980] =	vst v63  }
0x2c: {  	_ =	swait.ge [sflag:s23], $0x3000  }
0x2d: {  	[sflag:s23] =	ssyncset.done $0x0  }
0x2e: {  	[sflag:s23] =	ssyncadd.s32 $0xFFFFD000  }
0x2f: {  	[spmem:s16] =	stream.linear.scatter [tilespmem:s22], [sflag:$0x4], $0x3000, $0x38;
	[tilespmem:$0x1F980] =	vst v63  }
0x30: {  	_ =	swait.ge [sflag:s23], $0x3000  }
0x31: {  	[sflag:s23] =	ssyncset.done $0x0  }
0x32: {  	[sflag:s23] =	ssyncadd.s32 $0xFFFFD000  }
0x33: {  	[spmem:s17] =	stream.linear.scatter [tilespmem:s22], [sflag:$0x4], $0x3000, $0x38;
	[tilespmem:$0x1F980] =	vst v63  }
0x34: {  	_ =	swait.ge [sflag:s23], $0x3000  }
0x35: {  	[sflag:s23] =	ssyncset.done $0x0  }
0x36: {  	[sflag:s23] =	ssyncadd.s32 $0xFFFFD000  }
0x37: {  	[spmem:s18] =	stream.linear.scatter [tilespmem:s22], [sflag:$0x4], $0x3000, $0x38;
	[tilespmem:$0x1F980] =	vst v63  }
0x38: {  	_ =	swait.ge [sflag:s23], $0x3000  }
0x39: {  	[sflag:s23] =	ssyncset.done $0x0  }
0x3a: {  	s11 =	rddreg [dreg:$0x3];
	[sflag:s23] =	ssyncadd.s32 $0xFFFFD000  }
0x3b: {  	[spmem:s11] =	stream.linear.scatter [tilespmem:s22], [sflag:$0x4], $0x2000, $0x38;
	[tilespmem:$0x1F980] =	vst v63  }
0x3c: {  	_ =	swait.ge [sflag:s23], $0x2000  }
0x3d: {  	[sflag:s23] =	ssyncset.done $0x0  }
0x3e: {  	s12 =	simm.s32 $0x0;
	s10 =	rddreg [dreg:$0x4];
	[sflag:s23] =	ssyncadd.s32 $0xFFFFE000  }
0x3f: {  	[tilespmem:s12], [sflag:$0x4] =	stream.linear.gather [hbm4b:s10+s12], $0x2760, $0x38;
	[tilespmem:$0x1F980] =	vst v63  }
0x40: {  	_ =	swait.ge [sflag:s23], $0x2760  }
0x41: {  	[sflag:s23] =	ssyncset.done $0x0  }
0x42: {  	[sflag:s23] =	ssyncadd.s32 $0xFFFFD8A0  }
0x43: {  	[tilespmem:s24], [sflag:$0x1] =	stream.linear.gather [hbm4b:s9+s12], $0x60, $0x38;
	[tilespmem:$0x1F980] =	vst v63  }
0x44: {  	_ = 	snop  }
0x45: {  	[tilespmem:s22], [sflag:$0x1] =	stream.indirect.gather [hbm4b:s4+s25], $0x80, s12, s25, $0xb8;
	[tilespmem:$0x1F980] =	vst v63  }
0x46: {  	s13 =	rddreg [dreg:$0x5]  }
0x47: {  	[tilespmem:s26], [sflag:$0x2] =	stream.linear.gather [hbm4b:s13+s12], $0x60, $0x38;
	[tilespmem:$0x1F980] =	vst v63  }
0x48: {  	_ = 	snop  }
0x49: {  	[tilespmem:s28], [sflag:$0x2] =	stream.indirect.gather [hbm4b:s4+s25], $0x80, s25, s25, $0xb8;
	[tilespmem:$0x1F980] =	vst v63  }
0x4a: {  	s14 =	rddreg [dreg:$0x6]  }
0x4b: {  	[tilespmem:s29], [sflag:$0x3] =	stream.linear.gather [hbm4b:s14+s12], $0x60, $0x38;
	[tilespmem:$0x1F980] =	vst v63  }
0x4c: {  	s11 =	simm.s32 $0xC0  }
0x4d: {  	[tilespmem:s31], [sflag:$0x3] =	stream.indirect.gather [hbm4b:s4+s25], $0x80, s11, s25, $0xb8;
	[tilespmem:$0x1F980] =	vst v63  }
0x4e: {  	[bflag:$0x0] =	sbarrier.arrive $0xFFFF  }
0x4f: {  	_ =	swait.ge [sflag:s1], $0x60  }
0x50: {  	[sflag:s1] =	ssyncset.done $0x0  }
0x51: {  	[sflag:s1] =	ssyncadd.s32 $0xFFFFFFA0  }
0x52: {  	_ =	swait.ge [sflag:s1], $0x3000  }
0x53: {  	[sflag:s1] =	ssyncset.done $0x0  }
0x54: {  	[sflag:s1] =	ssyncadd.s32 $0xFFFFD000  }
0x55: {  	[spmem:s2] =	stream.indirect.scatter.add.f32 [tilespmem:s22], [sflag:$0x4], $0x80, s24, s25, $0xb8;
	[tilespmem:$0x1F980] =	vst v63  }
0x56: {  	_ =	swait.ge [sflag:s23], $0x3000  }
0x57: {  	s12 =	sshrl.u32 s21, $0x3;
	[sflag:s23] =	ssyncset.done $0x0  }
0x58: {  	s8 =	sadd.s32 s5, s12;
	[sflag:s23] =	ssyncadd.s32 $0xFFFFD000  }
0x59: {  	[tilespmem:s24], [sflag:$0x1] =	stream.linear.gather [hbm4b:s8+s3], $0x60, $0x38;
	[tilespmem:$0x1F980] =	vst v63  }
0x5a: {  	s13 =	simm.s32 $0x120  }
0x5b: {  	[tilespmem:s22], [sflag:$0x1] =	stream.indirect.gather [hbm4b:s4+s25], $0x80, s13, s25, $0xb8;
	[tilespmem:$0x1F980] =	vst v63  }
0x5c: {  	_ =	swait.ge [sflag:s0], $0x60  }
0x5d: {  	[sflag:s0] =	ssyncset.done $0x0  }
0x5e: {  	[sflag:s0] =	ssyncadd.s32 $0xFFFFFFA0  }
0x5f: {  	_ =	swait.ge [sflag:s0], $0x3000  }
0x60: {  	[sflag:s0] =	ssyncset.done $0x0  }
0x61: {  	[sflag:s0] =	ssyncadd.s32 $0xFFFFD000  }
0x62: {  	[spmem:s2] =	stream.indirect.scatter.add.f32 [tilespmem:s28], [sflag:$0x4], $0x80, s26, s25, $0xb8;
	[tilespmem:$0x1F980] =	vst v63  }
0x63: {  	_ =	swait.ge [sflag:s23], $0x3000  }
0x64: {  	[sflag:s23] =	ssyncset.done $0x0  }
0x65: {  	[sflag:s23] =	ssyncadd.s32 $0xFFFFD000  }
0x66: {  	[tilespmem:s26], [sflag:$0x2] =	stream.linear.gather [hbm4b:s20+s3], $0x60, $0x38;
	[tilespmem:$0x1F980] =	vst v63  }
0x67: {  	s14 =	simm.s32 $0x180  }
0x68: {  	[tilespmem:s28], [sflag:$0x2] =	stream.indirect.gather [hbm4b:s4+s25], $0x80, s14, s25, $0xb8;
	[tilespmem:$0x1F980] =	vst v63  }
0x69: {  	_ =	swait.ge [sflag:s30], $0x60  }
0x6a: {  	[sflag:s30] =	ssyncset.done $0x0  }
0x6b: {  	[sflag:s30] =	ssyncadd.s32 $0xFFFFFFA0  }
0x6c: {  	_ =	swait.ge [sflag:s30], $0x3000  }
0x6d: {  	[sflag:s30] =	ssyncset.done $0x0  }
0x6e: {  	[sflag:s30] =	ssyncadd.s32 $0xFFFFD000  }
0x6f: {  	[spmem:s2] =	stream.indirect.scatter.add.f32 [tilespmem:s31], [sflag:$0x4], $0x80, s29, s25, $0xb8;
	[tilespmem:$0x1F980] =	vst v63  }
0x70: {  	s10 =	sadd.s32 $0x120, s21;
	_ =	swait.ge [sflag:s23], $0x3000  }
0x71: {  	s12 =	sadd.s32 $0x24, s20;
	s11 =	sadd.s32 $0x24, s19;
	[sflag:s23] =	ssyncset.done $0x0  }
0x72: {  	s8 =	simm.s32 $0x480;
	s13 =	simm.s32 $0x1E0;
	[sflag:s23] =	ssyncadd.s32 $0xFFFFD000  }
0x73: {  	[tilespmem:s29], [sflag:$0x3] =	stream.linear.gather [hbm4b:s19+s3], $0x60, $0x38;
	[tilespmem:$0x1F980] =	vst v63  }
.LBB2_4:
0x74: {  	[tilespmem:s31], [sflag:$0x3] =	stream.indirect.gather [hbm4b:s4+s25], $0x80, s13, s25, $0xb8;
	[tilespmem:$0x1F980] =	vst v63  }
0x75: {  	s13 =	smov.u32 s8  }
0x76: {  	p0 =	sne.s32 s8, $0x9480;
	s8 =	sadd.s32 $0x480, s8;
	_ =	swait.ge [sflag:s1], $0x60  }
0x77: {  	[sflag:s1] =	ssyncset.done $0x0  }
0x78: {  	[sflag:s1] =	ssyncadd.s32 $0xFFFFFFA0  }
0x79: {  	_ =	swait.ge [sflag:s1], $0x3000  }
0x7a: {  	[sflag:s1] =	ssyncset.done $0x0  }
0x7b: {  	[sflag:s1] =	ssyncadd.s32 $0xFFFFD000  }
0x7c: {  	[spmem:s2] =	stream.indirect.scatter.add.f32 [tilespmem:s22], [sflag:$0x4], $0x80, s24, s25, $0xb8;
	[tilespmem:$0x1F980] =	vst v63  }
0x7d: {  	_ =	swait.ge [sflag:s23], $0x3000  }
0x7e: {  	s14 =	sshrl.u32 s10, $0x3;
	[sflag:s23] =	ssyncset.done $0x0  }
0x7f: {  	s14 =	sadd.s32 s5, s14;
	s13 =	sshra.s32 s13, $0x2;
	[sflag:s23] =	ssyncadd.s32 $0xFFFFD000  }
0x80: {  	[tilespmem:s24], [sflag:$0x1] =	stream.linear.gather [hbm4b:s14+s3], $0x60, $0x38;
	[tilespmem:$0x1F980] =	vst v63  }
0x81: {  	s14 =	sadd.s32 $0x120, s13  }
0x82: {  	[tilespmem:s22], [sflag:$0x1] =	stream.indirect.gather [hbm4b:s4+s25], $0x80, s14, s25, $0xb8;
	[tilespmem:$0x1F980] =	vst v63  }
0x83: {  	_ =	swait.ge [sflag:s0], $0x60  }
0x84: {  	[sflag:s0] =	ssyncset.done $0x0  }
0x85: {  	[sflag:s0] =	ssyncadd.s32 $0xFFFFFFA0  }
0x86: {  	_ =	swait.ge [sflag:s0], $0x3000  }
0x87: {  	[sflag:s0] =	ssyncset.done $0x0  }
0x88: {  	[sflag:s0] =	ssyncadd.s32 $0xFFFFD000  }
0x89: {  	[spmem:s2] =	stream.indirect.scatter.add.f32 [tilespmem:s28], [sflag:$0x4], $0x80, s26, s25, $0xb8;
	[tilespmem:$0x1F980] =	vst v63  }
0x8a: {  	_ =	swait.ge [sflag:s23], $0x3000  }
0x8b: {  	[sflag:s23] =	ssyncset.done $0x0  }
0x8c: {  	[sflag:s23] =	ssyncadd.s32 $0xFFFFD000  }
0x8d: {  	[tilespmem:s26], [sflag:$0x2] =	stream.linear.gather [hbm4b:s12+s3], $0x60, $0x38;
	[tilespmem:$0x1F980] =	vst v63  }
0x8e: {  	s14 =	sadd.s32 $0x180, s13  }
0x8f: {  	[tilespmem:s28], [sflag:$0x2] =	stream.indirect.gather [hbm4b:s4+s25], $0x80, s14, s25, $0xb8;
	[tilespmem:$0x1F980] =	vst v63  }
0x90: {  	_ =	swait.ge [sflag:s30], $0x60  }
0x91: {  	[sflag:s30] =	ssyncset.done $0x0  }
0x92: {  	[sflag:s30] =	ssyncadd.s32 $0xFFFFFFA0  }
0x93: {  	_ =	swait.ge [sflag:s30], $0x3000  }
0x94: {  	[sflag:s30] =	ssyncset.done $0x0  }
0x95: {  	[sflag:s30] =	ssyncadd.s32 $0xFFFFD000  }
0x96: {  	[spmem:s2] =	stream.indirect.scatter.add.f32 [tilespmem:s31], [sflag:$0x4], $0x80, s29, s25, $0xb8;
	[tilespmem:$0x1F980] =	vst v63  }
.Ltmp1:
0x97: {  	_ =	swait.ge [sflag:s23], $0x3000;
	(pc) =	sbr.rel @p0 .LBB2_4-.Ltmp1, $4  }
0x98: {  	[sflag:s23] =	ssyncset.done $0x0  }
0x99: {  	s10 =	sadd.s32 $0x120, s10;
	[sflag:s23] =	ssyncadd.s32 $0xFFFFD000  }
0x9a: {  	[tilespmem:s29], [sflag:$0x3] =	stream.linear.gather [hbm4b:s11+s3], $0x60, $0x38;
	[tilespmem:$0x1F980] =	vst v63  }
0x9b: {  	s13 =	sadd.s32 $0x1E0, s13;
	s12 =	sadd.s32 $0x24, s12;
	s11 =	sadd.s32 $0x24, s11  }
0x9c: {  	[tilespmem:s31], [sflag:$0x3] =	stream.indirect.gather [hbm4b:s4+s25], $0x80, s13, s25, $0xb8;
	[tilespmem:$0x1F980] =	vst v63  }
0x9d: {  	_ =	swait.ge [sflag:s1], $0x60  }
0x9e: {  	[sflag:s1] =	ssyncset.done $0x0  }
0x9f: {  	[sflag:s1] =	ssyncadd.s32 $0xFFFFFFA0  }
0xa0: {  	_ =	swait.ge [sflag:s1], $0x3000  }
0xa1: {  	[sflag:s1] =	ssyncset.done $0x0  }
0xa2: {  	[sflag:s1] =	ssyncadd.s32 $0xFFFFD000  }
0xa3: {  	[spmem:s2] =	stream.indirect.scatter.add.f32 [tilespmem:s22], [sflag:$0x4], $0x80, s24, s25, $0xb8;
	[tilespmem:$0x1F980] =	vst v63  }
0xa4: {  	_ =	swait.ge [sflag:s23], $0x3000  }
0xa5: {  	[sflag:s23] =	ssyncset.done $0x0  }
0xa6: {  	[sflag:s23] =	ssyncadd.s32 $0xFFFFD000  }
0xa7: {  	_ =	swait.ge [sflag:s0], $0x60  }
0xa8: {  	[sflag:s0] =	ssyncset.done $0x0  }
0xa9: {  	[sflag:s0] =	ssyncadd.s32 $0xFFFFFFA0  }
0xaa: {  	_ =	swait.ge [sflag:s0], $0x3000  }
0xab: {  	[sflag:s0] =	ssyncset.done $0x0  }
0xac: {  	[sflag:s0] =	ssyncadd.s32 $0xFFFFD000  }
0xad: {  	[spmem:s2] =	stream.indirect.scatter.add.f32 [tilespmem:s28], [sflag:$0x4], $0x80, s26, s25, $0xb8;
	[tilespmem:$0x1F980] =	vst v63  }
0xae: {  	_ =	swait.ge [sflag:s23], $0x3000  }
0xaf: {  	[sflag:s23] =	ssyncset.done $0x0  }
0xb0: {  	[sflag:s23] =	ssyncadd.s32 $0xFFFFD000  }
0xb1: {  	_ =	swait.ge [sflag:s30], $0x60  }
0xb2: {  	[sflag:s30] =	ssyncset.done $0x0  }
0xb3: {  	[sflag:s30] =	ssyncadd.s32 $0xFFFFFFA0  }
0xb4: {  	_ =	swait.ge [sflag:s30], $0x3000  }
0xb5: {  	[sflag:s30] =	ssyncset.done $0x0  }
0xb6: {  	[sflag:s30] =	ssyncadd.s32 $0xFFFFD000  }
0xb7: {  	[spmem:s2] =	stream.indirect.scatter.add.f32 [tilespmem:s31], [sflag:$0x4], $0x80, s29, s25, $0xb8;
	[tilespmem:$0x1F980] =	vst v63  }
0xb8: {  	_ =	swait.ge [sflag:s23], $0x3000  }
0xb9: {  	[sflag:s23] =	ssyncset.done $0x0  }
0xba: {  	s8 =	stileid.u32;
	[sflag:s23] =	ssyncadd.s32 $0xFFFFD000  }
0xbb: {  	s8 =	sshll.u32 s8, $0x6;
	[bflag:$0x0] =	sbarrier.arrive $0xFFFF  }
0xbc: {  	s10 =	sshrl.u32 s6, $0x3;
	s8 =	sor.u32 $0x1C04, s8;
	s11 =	rddreg [dreg:$0x7]  }
0xbd: {  	[hbm:s11], [sflag:s8] =	dma.local [spmem:s10], $0x2800  }
0xbe: {  	_ =	swait.ge [sflag:s23], $0x2800  }
0xbf: {  	s7 =	sadd.s32 $0x1, s7;
	s14 =	rddreg [dreg:$0x8]  }
0xc0: {  	p0 =	sne.s32 s7, s14  }
.Ltmp2:
0xc1: {  	_ = 	snop;
	(pc) =	sbr.rel @p0 .LBB2_1-.Ltmp2, $3  }
0xc2: {  	_ =	sdelay $0x1  }
0xc3: {  	[sflag:s23] =	ssyncset.done $0x0  }
0xc4: {  	[sflag:s23] =	ssyncadd.s32 $0xFFFFD800  }
0xc5: {  	_ =	sfence.sel $0x180000  }
0xc6: {  	[bflag:$0x0] =	sbarrier.arrive $0xFFFF  }
0xc7: {  	_ =	strace $0x9000004D  }
0xc8: {  	s0 =	stileid.u32;
	[bflag:$0x2] =	sbarrier.arrive $0xFFFF  }
0xc9: {  	p0 =	sne.s32 s0, $0x0;
	s0 =	rddreg [dreg:$0x2]  }
0xca: {  	s0 =	sadd.s32 @!p0 $0x100000, s0  }
0xcb: {  	[sflag:s0] =	ssyncadd.tile.s32 @!p0 $0x1;
	_ =	shalt  }
.Lfunc_end2:
_tile_overlayer_lowered:
.L_overlay_start_2:
0xcc: {  	(tag) =	ssettag $0x2  }
0xcd: {  	s0 =	rddreg [dreg:$0x0];
	s2 =	stileid.u32  }
0xce: {  	s1 =	rddreg [dreg:$0x1];
	p0 =	sne.s32 s2, $0x0  }
0xcf: {  	s3 =	rddreg [dreg:$0x2];
	[bflag:$0x3] =	sbarrier.arrive $0xFFFF;
	s2 =	simm.s32 @!p0 $0x1C04  }
0xd0: {  	[timem:s3], [sflag:s2] =	dma.local @!p0 [hbm:s0], s1  }
0xd1: {  	s0 =	simm.s32 @!p0 $0x4  }
0xd2: {  	_ =	swait.ge @!p0 [sflag:s0], s1  }
0xd3: {  	s1 =	ssub.s32 @!p0 $0x0, s1;
	[sflag:s0] =	ssyncset.done @!p0 $0x0  }
0xd4: {  	[sflag:s0] =	ssyncadd.s32 @!p0 s1  }
0xd5: {  	[bflag:$0x3] =	sbarrier.arrive $0xFFFF  }
0xd6: {  	_ =	shalt  }

// kernel: kernel.20.cloned.1.call-start
scs
__scs_entry_jumppad:
0x0: {  	(pc) =	sbr.rel $0x88, $3  }
0x1: {  	(tag) =	ssettag $0x0;
	lr =	simm.s32 $0x1  }
0x2: {  	[smem:$0x3F96] =	sst lr;
	_ =	strace $0xD0000000  }
0x3: {  	_ = 	snop  }
0x4: {  	_ = 	snop  }
0x5: {  	_ = 	snop  }
0x6: {  	_ = 	snop  }
0x7: {  	_ = 	snop  }
__scs_overlays_trampoline_lowered:
0x8: {  	[smem:$0x3FA5] =	sst s0  }
0x9: {  	[smem:$0x3FA6] =	sst s1  }
0xa: {  	[smem:$0x3FA7] =	sst s2  }
0xb: {  	[smem:$0x3FA8] =	sst s3  }
0xc: {  	[smem:$0x3FA9] =	sst s4  }
0xd: {  	[smem:$0x3FAA] =	sst s5  }
0xe: {  	[smem:$0x3FAB] =	sst s6  }
0xf: {  	[smem:$0x3FAC] =	sst s7  }
0x10: {  	[smem:$0x3FAD] =	sst s8  }
0x11: {  	[smem:$0x3FAE] =	sst s9;
	s0 =	simm.s32 @!p0 $0x0  }
0x12: {  	s1 =	sld [smem:$0x3F94];
	s0 =	simm.s32 @p0 $0x1  }
0x13: {  	[smem:$0x3FAF] =	sst s0;
	s0 =	simm.s32 @!p1 $0x0  }
0x14: {  	s2 =	sld [smem:$0x3F93];
	s0 =	simm.s32 @p1 $0x1  }
0x15: {  	[smem:$0x3FB0] =	sst s0;
	s0 =	simm.s32 @!p2 $0x0  }
0x16: {  	s3 =	sld [smem:$0x3FDB];
	s0 =	simm.s32 @p2 $0x1  }
0x17: {  	s4 =	simm.s32 $0x1BF5;
	[smem:$0x3FB2] =	sst s0  }
0x18: {  	s0 =	sld [smem:$0x3F95];
	_ =	swait.ge [sflag:s4], $0x0  }
0x19: {  	s7 =	sld [smem:$0x3F96]  }
0x1a: {  	s8 =	sadd.s32 $0xFFFFE003, lr  }
0x1b: {  	s9 =	sadd.s32 $0xFFFFFEF7, lr;
	s5 =	simm.s32 $0xFFFFFFFF;
	p2 =	slt.u32 s8, $0xFFFFF086  }
0x1c: {  	p1 =	slt.u32 s9, $0xF7A;
	s5 =	simm.s32 @!p2 $0x0  }
0x1d: {  	s5 =	simm.s32 @p1 $0x1;
	p0 =	seq.s32 s7, s2  }
0x1e: {  	s7 =	smul.u32 @!p0 $0xF7A, s2;
	p2 =	seq.s32 @!p0 s5, $0x0  }
0x1f: {  	s9 =	smul.u32 $0xF7A, s1;
	s8 =	simm.s32 @!p0 $0x1BF5;
	p2 =	por !p2, p0  }
0x20: {  	[sflag:s8] =	ssyncset.s32 @!p0 $0xFFFFF086;
	s6 =	sadd.s32 @!p0 s3, s7;
	s7 =	simm.s32 @!p0 $0x108  }
0x21: {  	s3 =	sadd.s32 s3, s9;
	s6 =	sadd.s32 @!p0 $0x88, s6;
	s7 =	simm.s32 @p2 $0x1082  }
0x22: {  	[simem:s7], [sflag:s8] =	dma.local @!p0 [hbm:s6], $0xF7A  }
0x23: {  	s9 =	sor.u32 $0xD0000000, s2;
	s6 =	simm.s32 $0x108;
	_ =	swait.ge @!p0 [sflag:s8], $0x0  }
0x24: {  	s3 =	sadd.s32 $0x88, s3;
	s6 =	simm.s32 @!p1 $0x1082;
	[sflag:s4] =	ssyncset.s32 $0xFFFFF086  }
0x25: {  	[simem:s6], [sflag:s4] =	dma.local [hbm:s3], $0xF7A  }
0x26: {  	[smem:$0x3F96] =	sst s1;
	(tag) =	ssettag s2;
	_ =	strace s9  }
0x27: {  	s1 =	sld [smem:$0x3FA6]  }
0x28: {  	s2 =	sld [smem:$0x3FA7]  }
0x29: {  	s4 =	sld [smem:$0x3FA9]  }
0x2a: {  	p0 =	seq.s32 s5, $0x0;
	s5 =	sld [smem:$0x3FAA]  }
0x2b: {  	s6 =	sld [smem:$0x3FAB]  }
0x2c: {  	s7 =	sld [smem:$0x3FAC]  }
0x2d: {  	s3 =	simm.s32 $0x108;
	s8 =	sld [smem:$0x3FAD]  }
0x2e: {  	s3 =	simm.s32 @!p0 $0x1082;
	s9 =	sld [smem:$0x3FAE]  }
0x2f: {  	lr =	sadd.s32 s0, s3;
	s0 =	sld [smem:$0x3FA5]  }
0x30: {  	s3 =	sld [smem:$0x3FA8]  }
0x31: {  	[smem:$0x3FB1] =	sst s10  }
0x32: {  	s10 =	sld [smem:$0x3FAF];
	_ =	sdelay $0x3  }
0x33: {  	p0 =	seq.s32 s10, $0x1;
	s10 =	sld [smem:$0x3FB1];
	_ =	sdelay $0x3  }
0x34: {  	[smem:$0x3FB1] =	sst s10  }
0x35: {  	s10 =	sld [smem:$0x3FB0];
	_ =	sdelay $0x3  }
0x36: {  	p1 =	seq.s32 s10, $0x1;
	s10 =	sld [smem:$0x3FB1];
	_ =	sdelay $0x3  }
0x37: {  	[smem:$0x3FB1] =	sst s10  }
0x38: {  	s10 =	sld [smem:$0x3FB2]  }
0x39: {  	_ = 	snop;
	(pc) =	sbr.ind lr, $3  }
0x3a: {  	_ = 	snop  }
0x3b: {  	_ = 	snop  }
0x3c: {  	p2 =	seq.s32 s10, $0x1;
	s10 =	sld [smem:$0x3FB1]  }
0x3d: {  	_ =	shalt  }
0x3e: {  	_ =	shalt  }
0x3f: {  	_ =	shalt  }
0x40: {  	_ =	shalt  }
0x41: {  	_ =	shalt  }
0x42: {  	_ =	shalt  }
0x43: {  	_ =	shalt  }
0x44: {  	_ =	shalt  }
0x45: {  	_ =	shalt  }
0x46: {  	_ =	shalt  }
0x47: {  	_ =	shalt  }
0x48: {  	_ =	shalt  }
0x49: {  	_ =	shalt  }
0x4a: {  	_ =	shalt  }
0x4b: {  	_ =	shalt  }
0x4c: {  	_ =	shalt  }
0x4d: {  	_ =	shalt  }
0x4e: {  	_ =	shalt  }
0x4f: {  	_ =	shalt  }
0x50: {  	_ =	shalt  }
0x51: {  	_ =	shalt  }
0x52: {  	_ =	shalt  }
0x53: {  	_ =	shalt  }
0x54: {  	_ =	shalt  }
0x55: {  	_ =	shalt  }
0x56: {  	_ =	shalt  }
0x57: {  	_ =	shalt  }
0x58: {  	_ =	shalt  }
0x59: {  	_ =	shalt  }
0x5a: {  	_ =	shalt  }
0x5b: {  	_ =	shalt  }
0x5c: {  	_ =	shalt  }
0x5d: {  	_ =	shalt  }
0x5e: {  	_ =	shalt  }
0x5f: {  	_ =	shalt  }
0x60: {  	_ =	shalt  }
0x61: {  	_ =	shalt  }
0x62: {  	_ =	shalt  }
0x63: {  	_ =	shalt  }
0x64: {  	_ =	shalt  }
0x65: {  	_ =	shalt  }
0x66: {  	_ =	shalt  }
0x67: {  	_ =	shalt  }
0x68: {  	_ =	shalt  }
0x69: {  	_ =	shalt  }
0x6a: {  	_ =	shalt  }
0x6b: {  	_ =	shalt  }
0x6c: {  	_ =	shalt  }
0x6d: {  	_ =	shalt  }
0x6e: {  	_ =	shalt  }
0x6f: {  	_ =	shalt  }
0x70: {  	_ =	shalt  }
0x71: {  	_ =	shalt  }
0x72: {  	_ =	shalt  }
0x73: {  	_ =	shalt  }
0x74: {  	_ =	shalt  }
0x75: {  	_ =	shalt  }
0x76: {  	_ =	shalt  }
0x77: {  	_ =	shalt  }
0x78: {  	_ =	shalt  }
0x79: {  	_ =	shalt  }
0x7a: {  	_ =	shalt  }
0x7b: {  	_ =	shalt  }
0x7c: {  	_ =	shalt  }
0x7d: {  	_ =	shalt  }
0x7e: {  	_ =	shalt  }
0x7f: {  	_ =	shalt  }
0x80: {  	_ =	shalt  }
0x81: {  	_ =	shalt  }
0x82: {  	_ =	shalt  }
0x83: {  	_ =	shalt  }
0x84: {  	_ =	shalt  }
0x85: {  	_ =	shalt  }
0x86: {  	_ =	shalt  }
0x87: {  	_ =	shalt  }
.Lfunc_end0:
.L_simem_size_0:
called_computation.3_lowered:
.L_overlay_start_0:
0x88: {  	s2 =	sld [smem:$0x3FD9]  }
0x89: {  	s3 =	sld [smem:$0x3FFE];
	_ =	sdelay $0x1  }
0x8a: {  	s1 =	srdreg.scid  }
0x8b: {  	s0 =	sand.u32 $0x1, s1  }
0x8c: {  	s16 =	sshll.u32 s0, $0xA;
	s2 =	sadd.s32 s3, s2  }
0x8d: {  	s2 =	sadd.s32 s2, s16  }
0x8e: {  	[smem:$0x3FBD] =	sst s2  }
0x8f: {  	_ = 	snop  }
0x90: {  	(tm) =	ssettm $0x1  }
0x91: {  	s17 =	sld [smem:$0x3FFB];
	_ =	sdelay $0x3  }
0x92: {  	_ =	strace s17  }
0x93: {  	s2 =	sld [smem:$0x3FFC];
	_ =	sdelay $0x3  }
0x94: {  	_ =	strace s2  }
0x95: {  	s2 =	sld [smem:$0x3FFD];
	_ =	sdelay $0x3  }
0x96: {  	_ =	strace s2  }
0x97: {  	_ =	strace $0x8FFFFFFF  }
0x98: {  	s18 =	sld [smem:$0x3FDB];
	_ =	sdelay $0x1  }
0x99: {  	s19 =	simm.s32 $_scs_section_size  }
0x9a: {  	s4 =	simm.s32 $_size__tile_overlayer_lowered;
	s5 =	simm.s32 $_tile_overlayer_lowered  }
0x9b: {  	s22 =	simm.s32 $0x1BFF;
	s21 =	sshll.u32 s5, $0x1;
	s2 =	sadd.s32 s19, s18  }
0x9c: {  	s6 =	simm.s32 $0x0;
	s20 =	sshll.u32 s4, $0x1;
	s4 =	sadd.s32 s21, s2  }
0x9d: {  	[timem:s6], [sflag:s22] =	dma.local [hbm:s4], s20  }
0x9e: {  	_ =	swait.ge [sflag:s22], s20  }
0x9f: {  	s3 =	ssub.s32 $0x0, s20;
	[sflag:s22] =	ssyncset.done $0x0  }
0xa0: {  	[sflag:s22] =	ssyncadd.s32 s3;
	_ =	sdelay $0x1  }
0xa1: {  	s23 =	simm.s32 $0x1B8B  }
0xa2: {  	_ =	swait.ge [sflag:s23], $0x1  }
0xa3: {  	[sflag:s23] =	ssyncset.done $0x0  }
0xa4: {  	s25 =	simm.s32 $0x1B8E;
	s24 =	sld [smem:$0x3FFE];
	[sflag:s23] =	ssyncadd.s32 $0xFFFFFFFF  }
0xa5: {  	s26 =	simm.s32 $execute0_lowered;
	[smem:$0x3FD2] =	sst s25  }
0xa6: {  	s4 =	sshll.u32 s26, $0x1;
	_ =	strace $0x8000004F;
	[dreg:$0x1] =	wrdreg $0xFFFFFFFF  }
0xa7: {  	s28 =	simm.s32 $_size_execute0_lowered;
	s2 =	sadd.s32 s2, s4;
	[dreg:$0x0] =	wrdreg $0x0  }
0xa8: {  	s4 =	sshll.u32 s28, $0x1;
	[dreg:$0x2] =	wrdreg s2  }
0xa9: {  	[dreg:$0x3] =	wrdreg s4  }
0xaa: {  	[dreg:$0x4] =	wrdreg $0xC0  }
0xab: {  	_ =	task [dreg:s6], $0x5FFFF  }
0xac: {  	[dreg:$0x1] =	wrdreg $0xFFFFFFFF  }
0xad: {  	[dreg:$0x0] =	wrdreg $0x60  }
0xae: {  	[dreg:$0x2] =	wrdreg s24  }
0xaf: {  	[dreg:$0x3] =	wrdreg $0xB9800  }
0xb0: {  	[dreg:$0x4] =	wrdreg $0x9  }
0xb1: {  	_ =	task.clear_ibuf [dreg:s6], $0x5FFFF;
	_ =	strace $0x9000004F  }
0xb2: {  	s29 =	simm.s32 $0x9;
	_ =	strace $0x80000051  }
0xb3: {  	_ =	swait.ge [sflag:s29], $0x1  }
0xb4: {  	[sflag:s29] =	ssyncadd.s32 $0xFFFFFFFF  }
0xb5: {  	_ =	strace $0x90000051  }
0xb6: {  	_ =	sfence  }
0xb7: {  	s30 =	sld [smem:$0x0];
	_ =	sdelay $0x2  }
0xb8: {  	s31 =	sshll.u32 s1, $0xD;
	s1 =	sshrl.u32 s1, $0x2  }
0xb9: {  	s3 =	sand.u32 $0x4000, s31;
	s1 =	sadd.s32 s1, s30  }
0xba: {  	s0 =	sor.u32 s3, s0;
	s1 =	sshll.u32 s1, $0x11  }
0xbb: {  	s0 =	sor.u32 s1, s0  }
0xbc: {  	s0 =	sadd.s32 $0x8F2B, s0  }
0xbd: {  	[sflag:s0] =	ssyncadd.remote.s32 $0x1  }
0xbe: {  	_ =	sfence.sel $0xFFFF  }
0xbf: {  	[dreg:$0x0] =	wrdreg $0xFFFFFFFF;
	(pc) =	sbr.abs _section_cstart, $3  }
0xc0: {  	[dreg:$0x1] =	wrdreg $0xFFFFFFFF  }
0xc1: {  	_ =	task.clear_ibuf [dreg:s6], $0x2FFFF;
	_ =	strace $0x9FFFFFFF  }
0xc2: {  	(tm) =	ssettm $0x7FFFFFFF  }
0xc3: {  	_ =	shalt  }
tec
execute0_lowered:
.L_overlay_start_1:
0x0: {  	(tag) =	ssettag $0x1  }
0x1: {  	s0 =	srdreg.scid  }
0x2: {  	s12 =	stileid.u32;
	s6 =	rddreg [dreg:$0x0]  }
0x3: {  	s2 =	rddreg [dreg:$0x1];
	s3 =	simm.s32 $0x0;
	s28 =	simm.s32 $0x5980  }
0x4: {  	s29 =	simm.s32 $0x2880;
	s31 =	simm.s32 $0x8980;
	s7 =	smul.u32 $0x2800, s12  }
0x5: {  	s30 =	simm.s32 $0x3;
	s0 =	sand.u32 $0x1, s0;
	s9 =	smul.u32 $0x50000, s12  }
0x6: {  	[smem:$0x7FF] =	sst s3;
	s4 =	sadd.s32 $0x75400, s6;
	s20 =	smul.u32 $0x2760, s12  }
0x7: {  	s5 =	sadd.s32 $0x61800, s6;
	s1 =	sshll.u32 s0, $0x4;
	s8 =	smul.u32 $0x28000, s0  }
0x8: {  	_ =	strace $0x80000050;
	s18 =	ssub.s32 $0x2, s0;
	s0 =	smul.u32 $0x27600, s0  }
0x9: {  	s1 =	sor.u32 s12, s1;
	s9 =	sshrl.u32 s9, $0x2;
	s11 =	sshrl.u32 s18, $0x1  }
0xa: {  	s1 =	smul.u32 $0x2760, s1;
	s7 =	sadd.s32 s7, s8;
	s8 =	ssub.s32 s18, s11  }
0xb: {  	s0 =	sadd.s32 s20, s0;
	s7 =	sadd.s32 s7, s6;
	s23 =	smax.u32 s8, $0x1  }
0xc: {  	s25 =	sadd.s32 $0x180, s0;
	s1 =	sshrl.u32 s1, $0x3;
	s7 =	sadd.s32 $0x9D400, s7  }
0xd: {  	[dreg:$0x8] =	wrdreg s23;
	s26 =	sshrl.u32 s25, $0x3;
	s23 =	simm.s32 $0x4  }
0xe: {  	s25 =	simm.s32 $0x60;
	s10 =	sadd.s32 s1, s6;
	s6 =	sadd.s32 s9, s2  }
0xf: {  	[dreg:$0x7] =	wrdreg s7;
	s20 =	sadd.s32 s26, s5;
	s26 =	simm.s32 $0x2800  }
0x10: {  	s7 =	simm.s32 $0x0;
	s9 =	sadd.s32 $0x12000, s6;
	s19 =	sadd.s32 $0x6B600, s10  }
0x11: {  	s24 =	sadd.s32 $0x3000, s6;
	s15 =	sadd.s32 $0x6000, s6;
	[dreg:$0x3] =	wrdreg s9  }
0x12: {  	s16 =	sadd.s32 $0x9000, s6;
	s17 =	sadd.s32 $0xC000, s6;
	[dreg:$0x4] =	wrdreg s19  }
0x13: {  	s18 =	sadd.s32 $0xF000, s6;
	s9 =	sadd.s32 s5, s1;
	[dreg:$0x9] =	wrdreg s24  }
0x14: {  	s1 =	sadd.s32 $0x1E0, s0;
	s24 =	simm.s32 $0x2780;
	s21 =	sadd.s32 $0xC, s9  }
0x15: {  	s22 =	sadd.s32 $0x18, s9;
	s1 =	sshrl.u32 s1, $0x3;
	[dreg:$0x5] =	wrdreg s21  }
0x16: {  	[dreg:$0x6] =	wrdreg s22;
	s19 =	sadd.s32 s1, s5;
	s21 =	sadd.s32 $0x120, s0  }
0x17: {  	v0 =	vimm.f32 $0.0e+00;
	s22 =	simm.s32 $0x2980;
	s1 =	simm.s32 $0x1;
	s0 =	simm.s32 $0x2  }
.LBB2_1:
0x18: {  	s8 =	sand.u32 $0xFE00, s3  }
0x19: {  	s10 =	sand.u32 $0x70, s3;
	s11 =	sshrl.u32 s8, $0x2  }
0x1a: {  	s8 =	simm.s32 $0x40;
	s11 =	sor.u32 s10, s11;
	s10 =	simm.s32 $0x0  }
.LBB2_2:
0x1b: {  	p0 =	sne.s32 s8, $0xBFC0  }
0x1c: {  	[tilespmem:s11+$0x2980] =	vst v0;
	s10 =	sadd.s32 $0x10, s10;
	s11 =	smov.u32 s8;
	s8 =	sadd.s32 $0x40, s8  }
.Ltmp0:
0x1d: {  	(pc) =	sbr.rel @p0 .LBB2_2-.Ltmp0, $4  }
0x1e: {  	_ = 	snop  }
0x1f: {  	s11 =	sand.u32 $0xFE00, s11  }
0x20: {  	s12 =	sand.u32 $0x70, s10;
	s11 =	sshrl.u32 s11, $0x2  }
0x21: {  	s11 =	sor.u32 s12, s11  }
0x22: {  	[tilespmem:s11+$0x2980] =	vst v0  }
0x23: {  	[spmem:s6] =	stream.linear.scatter [tilespmem:s22], [sflag:$0x4], $0x3000, $0x38;
	[tilespmem:$0x1F980] =	vst v63  }
0x24: {  	_ =	swait.ge [sflag:s23], $0x3000  }
0x25: {  	[sflag:s23] =	ssyncset.done $0x0  }
0x26: {  	s8 =	rddreg [dreg:$0x9];
	[sflag:s23] =	ssyncadd.s32 $0xFFFFD000  }
0x27: {  	[spmem:s8] =	stream.linear.scatter [tilespmem:s22], [sflag:$0x4], $0x3000, $0x38;
	[tilespmem:$0x1F980] =	vst v63  }
0x28: {  	_ =	swait.ge [sflag:s23], $0x3000  }
0x29: {  	[sflag:s23] =	ssyncset.done $0x0  }
0x2a: {  	[sflag:s23] =	ssyncadd.s32 $0xFFFFD000  }
0x2b: {  	[spmem:s15] =	stream.linear.scatter [tilespmem:s22], [sflag:$0x4], $0x3000, $0x38;
	[tilespmem:$0x1F980] =	vst v63  }
0x2c: {  	_ =	swait.ge [sflag:s23], $0x3000  }
0x2d: {  	[sflag:s23] =	ssyncset.done $0x0  }
0x2e: {  	[sflag:s23] =	ssyncadd.s32 $0xFFFFD000  }
0x2f: {  	[spmem:s16] =	stream.linear.scatter [tilespmem:s22], [sflag:$0x4], $0x3000, $0x38;
	[tilespmem:$0x1F980] =	vst v63  }
0x30: {  	_ =	swait.ge [sflag:s23], $0x3000  }
0x31: {  	[sflag:s23] =	ssyncset.done $0x0  }
0x32: {  	[sflag:s23] =	ssyncadd.s32 $0xFFFFD000  }
0x33: {  	[spmem:s17] =	stream.linear.scatter [tilespmem:s22], [sflag:$0x4], $0x3000, $0x38;
	[tilespmem:$0x1F980] =	vst v63  }
0x34: {  	_ =	swait.ge [sflag:s23], $0x3000  }
0x35: {  	[sflag:s23] =	ssyncset.done $0x0  }
0x36: {  	[sflag:s23] =	ssyncadd.s32 $0xFFFFD000  }
0x37: {  	[spmem:s18] =	stream.linear.scatter [tilespmem:s22], [sflag:$0x4], $0x3000, $0x38;
	[tilespmem:$0x1F980] =	vst v63  }
0x38: {  	_ =	swait.ge [sflag:s23], $0x3000  }
0x39: {  	[sflag:s23] =	ssyncset.done $0x0  }
0x3a: {  	s11 =	rddreg [dreg:$0x3];
	[sflag:s23] =	ssyncadd.s32 $0xFFFFD000  }
0x3b: {  	[spmem:s11] =	stream.linear.scatter [tilespmem:s22], [sflag:$0x4], $0x2000, $0x38;
	[tilespmem:$0x1F980] =	vst v63  }
0x3c: {  	_ =	swait.ge [sflag:s23], $0x2000  }
0x3d: {  	[sflag:s23] =	ssyncset.done $0x0  }
0x3e: {  	s12 =	simm.s32 $0x0;
	s10 =	rddreg [dreg:$0x4];
	[sflag:s23] =	ssyncadd.s32 $0xFFFFE000  }
0x3f: {  	[tilespmem:s12], [sflag:$0x4] =	stream.linear.gather [hbm4b:s10+s12], $0x2760, $0x38;
	[tilespmem:$0x1F980] =	vst v63  }
0x40: {  	_ =	swait.ge [sflag:s23], $0x2760  }
0x41: {  	[sflag:s23] =	ssyncset.done $0x0  }
0x42: {  	[sflag:s23] =	ssyncadd.s32 $0xFFFFD8A0  }
0x43: {  	[tilespmem:s24], [sflag:$0x1] =	stream.linear.gather [hbm4b:s9+s12], $0x60, $0x38;
	[tilespmem:$0x1F980] =	vst v63  }
0x44: {  	_ = 	snop  }
0x45: {  	[tilespmem:s22], [sflag:$0x1] =	stream.indirect.gather [hbm4b:s4+s25], $0x80, s12, s25, $0xb8;
	[tilespmem:$0x1F980] =	vst v63  }
0x46: {  	s13 =	rddreg [dreg:$0x5]  }
0x47: {  	[tilespmem:s26], [sflag:$0x2] =	stream.linear.gather [hbm4b:s13+s12], $0x60, $0x38;
	[tilespmem:$0x1F980] =	vst v63  }
0x48: {  	_ = 	snop  }
0x49: {  	[tilespmem:s28], [sflag:$0x2] =	stream.indirect.gather [hbm4b:s4+s25], $0x80, s25, s25, $0xb8;
	[tilespmem:$0x1F980] =	vst v63  }
0x4a: {  	s14 =	rddreg [dreg:$0x6]  }
0x4b: {  	[tilespmem:s29], [sflag:$0x3] =	stream.linear.gather [hbm4b:s14+s12], $0x60, $0x38;
	[tilespmem:$0x1F980] =	vst v63  }
0x4c: {  	s11 =	simm.s32 $0xC0  }
0x4d: {  	[tilespmem:s31], [sflag:$0x3] =	stream.indirect.gather [hbm4b:s4+s25], $0x80, s11, s25, $0xb8;
	[tilespmem:$0x1F980] =	vst v63  }
0x4e: {  	[bflag:$0x0] =	sbarrier.arrive $0xFFFF  }
0x4f: {  	_ =	swait.ge [sflag:s1], $0x60  }
0x50: {  	[sflag:s1] =	ssyncset.done $0x0  }
0x51: {  	[sflag:s1] =	ssyncadd.s32 $0xFFFFFFA0  }
0x52: {  	_ =	swait.ge [sflag:s1], $0x3000  }
0x53: {  	[sflag:s1] =	ssyncset.done $0x0  }
0x54: {  	[sflag:s1] =	ssyncadd.s32 $0xFFFFD000  }
0x55: {  	[spmem:s2] =	stream.indirect.scatter.add.f32 [tilespmem:s22], [sflag:$0x4], $0x80, s24, s25, $0xb8;
	[tilespmem:$0x1F980] =	vst v63  }
0x56: {  	_ =	swait.ge [sflag:s23], $0x3000  }
0x57: {  	s12 =	sshrl.u32 s21, $0x3;
	[sflag:s23] =	ssyncset.done $0x0  }
0x58: {  	s8 =	sadd.s32 s5, s12;
	[sflag:s23] =	ssyncadd.s32 $0xFFFFD000  }
0x59: {  	[tilespmem:s24], [sflag:$0x1] =	stream.linear.gather [hbm4b:s8+s3], $0x60, $0x38;
	[tilespmem:$0x1F980] =	vst v63  }
0x5a: {  	s13 =	simm.s32 $0x120  }
0x5b: {  	[tilespmem:s22], [sflag:$0x1] =	stream.indirect.gather [hbm4b:s4+s25], $0x80, s13, s25, $0xb8;
	[tilespmem:$0x1F980] =	vst v63  }
0x5c: {  	_ =	swait.ge [sflag:s0], $0x60  }
0x5d: {  	[sflag:s0] =	ssyncset.done $0x0  }
0x5e: {  	[sflag:s0] =	ssyncadd.s32 $0xFFFFFFA0  }
0x5f: {  	_ =	swait.ge [sflag:s0], $0x3000  }
0x60: {  	[sflag:s0] =	ssyncset.done $0x0  }
0x61: {  	[sflag:s0] =	ssyncadd.s32 $0xFFFFD000  }
0x62: {  	[spmem:s2] =	stream.indirect.scatter.add.f32 [tilespmem:s28], [sflag:$0x4], $0x80, s26, s25, $0xb8;
	[tilespmem:$0x1F980] =	vst v63  }
0x63: {  	_ =	swait.ge [sflag:s23], $0x3000  }
0x64: {  	[sflag:s23] =	ssyncset.done $0x0  }
0x65: {  	[sflag:s23] =	ssyncadd.s32 $0xFFFFD000  }
0x66: {  	[tilespmem:s26], [sflag:$0x2] =	stream.linear.gather [hbm4b:s20+s3], $0x60, $0x38;
	[tilespmem:$0x1F980] =	vst v63  }
0x67: {  	s14 =	simm.s32 $0x180  }
0x68: {  	[tilespmem:s28], [sflag:$0x2] =	stream.indirect.gather [hbm4b:s4+s25], $0x80, s14, s25, $0xb8;
	[tilespmem:$0x1F980] =	vst v63  }
0x69: {  	_ =	swait.ge [sflag:s30], $0x60  }
0x6a: {  	[sflag:s30] =	ssyncset.done $0x0  }
0x6b: {  	[sflag:s30] =	ssyncadd.s32 $0xFFFFFFA0  }
0x6c: {  	_ =	swait.ge [sflag:s30], $0x3000  }
0x6d: {  	[sflag:s30] =	ssyncset.done $0x0  }
0x6e: {  	[sflag:s30] =	ssyncadd.s32 $0xFFFFD000  }
0x6f: {  	[spmem:s2] =	stream.indirect.scatter.add.f32 [tilespmem:s31], [sflag:$0x4], $0x80, s29, s25, $0xb8;
	[tilespmem:$0x1F980] =	vst v63  }
0x70: {  	s10 =	sadd.s32 $0x120, s21;
	_ =	swait.ge [sflag:s23], $0x3000  }
0x71: {  	s12 =	sadd.s32 $0x24, s20;
	s11 =	sadd.s32 $0x24, s19;
	[sflag:s23] =	ssyncset.done $0x0  }
0x72: {  	s8 =	simm.s32 $0x480;
	s13 =	simm.s32 $0x1E0;
	[sflag:s23] =	ssyncadd.s32 $0xFFFFD000  }
0x73: {  	[tilespmem:s29], [sflag:$0x3] =	stream.linear.gather [hbm4b:s19+s3], $0x60, $0x38;
	[tilespmem:$0x1F980] =	vst v63  }
.LBB2_4:
0x74: {  	[tilespmem:s31], [sflag:$0x3] =	stream.indirect.gather [hbm4b:s4+s25], $0x80, s13, s25, $0xb8;
	[tilespmem:$0x1F980] =	vst v63  }
0x75: {  	s13 =	smov.u32 s8  }
0x76: {  	p0 =	sne.s32 s8, $0x9480;
	s8 =	sadd.s32 $0x480, s8;
	_ =	swait.ge [sflag:s1], $0x60  }
0x77: {  	[sflag:s1] =	ssyncset.done $0x0  }
0x78: {  	[sflag:s1] =	ssyncadd.s32 $0xFFFFFFA0  }
0x79: {  	_ =	swait.ge [sflag:s1], $0x3000  }
0x7a: {  	[sflag:s1] =	ssyncset.done $0x0  }
0x7b: {  	[sflag:s1] =	ssyncadd.s32 $0xFFFFD000  }
0x7c: {  	[spmem:s2] =	stream.indirect.scatter.add.f32 [tilespmem:s22], [sflag:$0x4], $0x80, s24, s25, $0xb8;
	[tilespmem:$0x1F980] =	vst v63  }
0x7d: {  	_ =	swait.ge [sflag:s23], $0x3000  }
0x7e: {  	s14 =	sshrl.u32 s10, $0x3;
	[sflag:s23] =	ssyncset.done $0x0  }
0x7f: {  	s14 =	sadd.s32 s5, s14;
	s13 =	sshra.s32 s13, $0x2;
	[sflag:s23] =	ssyncadd.s32 $0xFFFFD000  }
0x80: {  	[tilespmem:s24], [sflag:$0x1] =	stream.linear.gather [hbm4b:s14+s3], $0x60, $0x38;
	[tilespmem:$0x1F980] =	vst v63  }
0x81: {  	s14 =	sadd.s32 $0x120, s13  }
0x82: {  	[tilespmem:s22], [sflag:$0x1] =	stream.indirect.gather [hbm4b:s4+s25], $0x80, s14, s25, $0xb8;
	[tilespmem:$0x1F980] =	vst v63  }
0x83: {  	_ =	swait.ge [sflag:s0], $0x60  }
0x84: {  	[sflag:s0] =	ssyncset.done $0x0  }
0x85: {  	[sflag:s0] =	ssyncadd.s32 $0xFFFFFFA0  }
0x86: {  	_ =	swait.ge [sflag:s0], $0x3000  }
0x87: {  	[sflag:s0] =	ssyncset.done $0x0  }
0x88: {  	[sflag:s0] =	ssyncadd.s32 $0xFFFFD000  }
0x89: {  	[spmem:s2] =	stream.indirect.scatter.add.f32 [tilespmem:s28], [sflag:$0x4], $0x80, s26, s25, $0xb8;
	[tilespmem:$0x1F980] =	vst v63  }
0x8a: {  	_ =	swait.ge [sflag:s23], $0x3000  }
0x8b: {  	[sflag:s23] =	ssyncset.done $0x0  }
0x8c: {  	[sflag:s23] =	ssyncadd.s32 $0xFFFFD000  }
0x8d: {  	[tilespmem:s26], [sflag:$0x2] =	stream.linear.gather [hbm4b:s12+s3], $0x60, $0x38;
	[tilespmem:$0x1F980] =	vst v63  }
0x8e: {  	s14 =	sadd.s32 $0x180, s13  }
0x8f: {  	[tilespmem:s28], [sflag:$0x2] =	stream.indirect.gather [hbm4b:s4+s25], $0x80, s14, s25, $0xb8;
	[tilespmem:$0x1F980] =	vst v63  }
0x90: {  	_ =	swait.ge [sflag:s30], $0x60  }
0x91: {  	[sflag:s30] =	ssyncset.done $0x0  }
0x92: {  	[sflag:s30] =	ssyncadd.s32 $0xFFFFFFA0  }
0x93: {  	_ =	swait.ge [sflag:s30], $0x3000  }
0x94: {  	[sflag:s30] =	ssyncset.done $0x0  }
0x95: {  	[sflag:s30] =	ssyncadd.s32 $0xFFFFD000  }
0x96: {  	[spmem:s2] =	stream.indirect.scatter.add.f32 [tilespmem:s31], [sflag:$0x4], $0x80, s29, s25, $0xb8;
	[tilespmem:$0x1F980] =	vst v63  }
.Ltmp1:
0x97: {  	_ =	swait.ge [sflag:s23], $0x3000;
	(pc) =	sbr.rel @p0 .LBB2_4-.Ltmp1, $4  }
0x98: {  	[sflag:s23] =	ssyncset.done $0x0  }
0x99: {  	s10 =	sadd.s32 $0x120, s10;
	[sflag:s23] =	ssyncadd.s32 $0xFFFFD000  }
0x9a: {  	[tilespmem:s29], [sflag:$0x3] =	stream.linear.gather [hbm4b:s11+s3], $0x60, $0x38;
	[tilespmem:$0x1F980] =	vst v63  }
0x9b: {  	s13 =	sadd.s32 $0x1E0, s13;
	s12 =	sadd.s32 $0x24, s12;
	s11 =	sadd.s32 $0x24, s11  }
0x9c: {  	[tilespmem:s31], [sflag:$0x3] =	stream.indirect.gather [hbm4b:s4+s25], $0x80, s13, s25, $0xb8;
	[tilespmem:$0x1F980] =	vst v63  }
0x9d: {  	_ =	swait.ge [sflag:s1], $0x60  }
0x9e: {  	[sflag:s1] =	ssyncset.done $0x0  }
0x9f: {  	[sflag:s1] =	ssyncadd.s32 $0xFFFFFFA0  }
0xa0: {  	_ =	swait.ge [sflag:s1], $0x3000  }
0xa1: {  	[sflag:s1] =	ssyncset.done $0x0  }
0xa2: {  	[sflag:s1] =	ssyncadd.s32 $0xFFFFD000  }
0xa3: {  	[spmem:s2] =	stream.indirect.scatter.add.f32 [tilespmem:s22], [sflag:$0x4], $0x80, s24, s25, $0xb8;
	[tilespmem:$0x1F980] =	vst v63  }
0xa4: {  	_ =	swait.ge [sflag:s23], $0x3000  }
0xa5: {  	[sflag:s23] =	ssyncset.done $0x0  }
0xa6: {  	[sflag:s23] =	ssyncadd.s32 $0xFFFFD000  }
0xa7: {  	_ =	swait.ge [sflag:s0], $0x60  }
0xa8: {  	[sflag:s0] =	ssyncset.done $0x0  }
0xa9: {  	[sflag:s0] =	ssyncadd.s32 $0xFFFFFFA0  }
0xaa: {  	_ =	swait.ge [sflag:s0], $0x3000  }
0xab: {  	[sflag:s0] =	ssyncset.done $0x0  }
0xac: {  	[sflag:s0] =	ssyncadd.s32 $0xFFFFD000  }
0xad: {  	[spmem:s2] =	stream.indirect.scatter.add.f32 [tilespmem:s28], [sflag:$0x4], $0x80, s26, s25, $0xb8;
	[tilespmem:$0x1F980] =	vst v63  }
0xae: {  	_ =	swait.ge [sflag:s23], $0x3000  }
0xaf: {  	[sflag:s23] =	ssyncset.done $0x0  }
0xb0: {  	[sflag:s23] =	ssyncadd.s32 $0xFFFFD000  }
0xb1: {  	_ =	swait.ge [sflag:s30], $0x60  }
0xb2: {  	[sflag:s30] =	ssyncset.done $0x0  }
0xb3: {  	[sflag:s30] =	ssyncadd.s32 $0xFFFFFFA0  }
0xb4: {  	_ =	swait.ge [sflag:s30], $0x3000  }
0xb5: {  	[sflag:s30] =	ssyncset.done $0x0  }
0xb6: {  	[sflag:s30] =	ssyncadd.s32 $0xFFFFD000  }
0xb7: {  	[spmem:s2] =	stream.indirect.scatter.add.f32 [tilespmem:s31], [sflag:$0x4], $0x80, s29, s25, $0xb8;
	[tilespmem:$0x1F980] =	vst v63  }
0xb8: {  	_ =	swait.ge [sflag:s23], $0x3000  }
0xb9: {  	[sflag:s23] =	ssyncset.done $0x0  }
0xba: {  	s8 =	stileid.u32;
	[sflag:s23] =	ssyncadd.s32 $0xFFFFD000  }
0xbb: {  	s8 =	sshll.u32 s8, $0x6;
	[bflag:$0x0] =	sbarrier.arrive $0xFFFF  }
0xbc: {  	s10 =	sshrl.u32 s6, $0x3;
	s8 =	sor.u32 $0x1C04, s8;
	s11 =	rddreg [dreg:$0x7]  }
0xbd: {  	[hbm:s11], [sflag:s8] =	dma.local [spmem:s10], $0x2800  }
0xbe: {  	_ =	swait.ge [sflag:s23], $0x2800  }
0xbf: {  	s7 =	sadd.s32 $0x1, s7;
	s14 =	rddreg [dreg:$0x8]  }
0xc0: {  	p0 =	sne.s32 s7, s14  }
.Ltmp2:
0xc1: {  	_ = 	snop;
	(pc) =	sbr.rel @p0 .LBB2_1-.Ltmp2, $3  }
0xc2: {  	_ =	sdelay $0x1  }
0xc3: {  	[sflag:s23] =	ssyncset.done $0x0  }
0xc4: {  	[sflag:s23] =	ssyncadd.s32 $0xFFFFD800  }
0xc5: {  	_ =	sfence.sel $0x180000  }
0xc6: {  	[bflag:$0x0] =	sbarrier.arrive $0xFFFF  }
0xc7: {  	_ =	strace $0x90000050  }
0xc8: {  	s0 =	stileid.u32;
	[bflag:$0x2] =	sbarrier.arrive $0xFFFF  }
0xc9: {  	p0 =	sne.s32 s0, $0x0;
	s0 =	rddreg [dreg:$0x2]  }
0xca: {  	s0 =	sadd.s32 @!p0 $0x100000, s0  }
0xcb: {  	[sflag:s0] =	ssyncadd.tile.s32 @!p0 $0x1;
	_ =	shalt  }
.Lfunc_end2:
_tile_overlayer_lowered:
.L_overlay_start_2:
0xcc: {  	(tag) =	ssettag $0x2  }
0xcd: {  	s0 =	rddreg [dreg:$0x0];
	s2 =	stileid.u32  }
0xce: {  	s1 =	rddreg [dreg:$0x1];
	p0 =	sne.s32 s2, $0x0  }
0xcf: {  	s3 =	rddreg [dreg:$0x2];
	[bflag:$0x3] =	sbarrier.arrive $0xFFFF;
	s2 =	simm.s32 @!p0 $0x1C04  }
0xd0: {  	[timem:s3], [sflag:s2] =	dma.local @!p0 [hbm:s0], s1  }
0xd1: {  	s0 =	simm.s32 @!p0 $0x4  }
0xd2: {  	_ =	swait.ge @!p0 [sflag:s0], s1  }
0xd3: {  	s1 =	ssub.s32 @!p0 $0x0, s1;
	[sflag:s0] =	ssyncset.done @!p0 $0x0  }
0xd4: {  	[sflag:s0] =	ssyncadd.s32 @!p0 s1  }
0xd5: {  	[bflag:$0x3] =	sbarrier.arrive $0xFFFF  }
0xd6: {  	_ =	shalt  }

</sc_bundles>
